<compile_context>
chip_gen: v7x
topology: tpu7x:2x2x1
jax: 0.10.2.dev20260603
libtpu: 0.0.44.dev20260713+nightly
codegen_flags: <defaults>
</compile_context>

<pallas_src>
import functools

import jax
import jax.numpy as jnp
from jax import lax
from jax.experimental import pallas as pl
from jax.experimental.pallas import tpu as pltpu
from jax.experimental.pallas import tpu_sc as plsc

B, H, S = 2, 12, 2048
L = 16
NCHUNK = S // L
NBIN = 256
NBVREG = NBIN // L
NEG_THRESH = -10000000000.0
MIN32 = -(2**31)
LOW31 = 0x7FFFFFFF


def _monotone_key(x):
    b = lax.bitcast_convert_type(x, jnp.int32)
    return b ^ ((b >> 31) & LOW31)


def _worker_body(b, att_hbm, out_hbm, rows_v, keys_v, hist_v, cand1_v, cand2_v,
                 eqc_v, sfx_v, out_v, psum_v, sem, sem2):
    ones = jnp.ones((L,), jnp.int32)
    zeros = jnp.zeros((L,), jnp.int32)
    big = jnp.full((L,), LOW31, jnp.int32)
    iota = lax.broadcasted_iota(jnp.int32, (L,), 0)

    with jax.named_scope("ph_dma"):
        cp1 = pltpu.async_copy(att_hbm.at[b, pl.ds(0, 8), 0, :],
                               rows_v.at[pl.ds(0, 8), :], sem)
        cp2 = pltpu.async_copy(att_hbm.at[b, pl.ds(8, 4), 0, :],
                               rows_v.at[pl.ds(8, 4), :], sem2)
        for i in range(NBVREG):
            hist_v[pl.ds(i * L, L)] = zeros
        cp1.wait()

    def psum_body(c, cnt):
        base = c * L
        r = [rows_v[h, pl.ds(base, L)] for h in range(8)]
        psum_v[pl.ds(base, L)] = (((r[0] + r[1]) + (r[2] + r[3]))
                                  + ((r[4] + r[5]) + (r[6] + r[7])))
        return cnt + jnp.where(r[0] > NEG_THRESH, ones, zeros)

    with jax.named_scope("ph_psum"):
        @plsc.parallel_loop(0, NCHUNK, unroll=8,
                            carry=jnp.zeros((L,), jnp.int32))
        def cntv0(c, cnt):
            return psum_body(c, cnt)

    with jax.named_scope("ph_dma2"):
        cp2.wait()

    def score_body(c, carry):
        base = c * L
        r = [rows_v[h, pl.ds(base, L)] for h in range(8, H)]
        hi = (r[0] + r[1]) + (r[2] + r[3])
        acc = psum_v[pl.ds(base, L)] + hi
        key = _monotone_key(acc)
        keys_v[pl.ds(base, L)] = key
        ub = key ^ MIN32
        byte3 = lax.shift_right_logical(ub, 24)
        plsc.addupdate_scatter(hist_v, [byte3], ones)
        return carry

    with jax.named_scope("ph_score"):
        @plsc.parallel_loop(0, NCHUNK, unroll=8)
        def _scorel(c):
            score_body(c, 0)
    num_tokens = jnp.sum(cntv0)
    num_topk = (num_tokens + 9) // 10

    def pick_digit(remaining):
        def scan_body(i, carry):
            acc, found, digit, greater, bincnt = carry
            h = hist_v[pl.ds(240 - 16 * i, L)]
            rh = lax.rev(h, (0,))
            rcs = plsc.cumsum(rh)
            g_cs = acc + rcs
            ge = g_cs >= remaining
            pc = plsc.all_reduce_population_count(ge)
            hit_cnt = pc[0]
            m_local = 16 - hit_cnt
            loc_digit = 255 - 16 * i - m_local
            loc_cs = jnp.min(jnp.where(ge, g_cs, big))
            loc_greater = jnp.min(jnp.where(ge, g_cs - rh, big))
            loc_binc = loc_cs - loc_greater
            upd = (hit_cnt > 0) & (found == 0)
            digit = jnp.where(upd, loc_digit, digit)
            greater = jnp.where(upd, loc_greater, greater)
            bincnt = jnp.where(upd, loc_binc, bincnt)
            found = found | jnp.where(hit_cnt > 0, 1, 0)
            acc = g_cs[15]
            return acc, found, digit, greater, bincnt

        z = jnp.int32(0)
        _, _, digit, greater, bincnt = lax.fori_loop(
            0, NBVREG, scan_body, (z, z, z, z, z), unroll=4)
        return digit, greater, bincnt

    with jax.named_scope("ph_pick0"):
        digit, greater, bincnt = pick_digit(num_topk)
    prefix = digit
    remaining = num_topk - greater

    for i in range(NBVREG):
        hist_v[pl.ds(i * L, L)] = zeros

    def hist2_body(c, off, prefix=prefix):
        k = keys_v[pl.ds(c * L, L)]
        ub = k ^ MIN32
        byte = lax.shift_right_logical(ub, 16) & 0xFF
        elig = lax.shift_right_logical(ub, 24) == prefix
        plsc.addupdate_scatter(hist_v, [byte], ones, mask=elig)
        plsc.store_compressed(cand1_v.at[pl.ds(off, L)], k, mask=elig)
        pc = plsc.all_reduce_population_count(elig)
        return off + pc[0]

    with jax.named_scope("ph_hist2"):
        @plsc.parallel_loop(0, NCHUNK, unroll=8, carry=jnp.int32(0))
        def n1(c, off):
            return hist2_body(c, off)
    with jax.named_scope("ph_pick"):
        digit, greater, bincnt = pick_digit(remaining)
    prefix = (prefix << 8) | digit
    remaining = remaining - greater

    for i in range(NBVREG):
        hist_v[pl.ds(i * L, L)] = zeros

    def hist1_body(c, off, prefix=prefix):
        base = c * L
        k = cand1_v[pl.ds(base, L)]
        ub = k ^ MIN32
        byte = lax.shift_right_logical(ub, 8) & 0xFF
        valid = (base + iota) < n1
        elig = (lax.shift_right_logical(ub, 16) == prefix) & valid
        plsc.addupdate_scatter(hist_v, [byte], ones, mask=elig)
        plsc.store_compressed(cand2_v.at[pl.ds(off, L)], k, mask=elig)
        pc = plsc.all_reduce_population_count(elig)
        return off + pc[0]

    nv1 = (n1 + L - 1) // L
    with jax.named_scope("ph_hist1"):
        @plsc.parallel_loop(0, nv1, unroll=4, carry=jnp.int32(0))
        def n2(c, off):
            return hist1_body(c, off)
    with jax.named_scope("ph_pick"):
        digit, greater, bincnt = pick_digit(remaining)
    prefix = (prefix << 8) | digit
    remaining = remaining - greater

    for i in range(NBVREG):
        hist_v[pl.ds(i * L, L)] = zeros

    def hist0_body(c, carry, prefix=prefix):
        base = c * L
        k = cand2_v[pl.ds(base, L)]
        ub = k ^ MIN32
        byte = ub & 0xFF
        valid = (base + iota) < n2
        elig = (lax.shift_right_logical(ub, 8) == prefix) & valid
        plsc.addupdate_scatter(hist_v, [byte], ones, mask=elig)
        return carry

    nv2 = (n2 + L - 1) // L
    with jax.named_scope("ph_hist0"):
        lax.fori_loop(0, nv2, hist0_body, 0)
    with jax.named_scope("ph_pick"):
        digit, greater, bincnt = pick_digit(remaining)
    prefix = (prefix << 8) | digit
    remaining = remaining - greater

    t_key = prefix ^ MIN32
    m_eq = remaining
    total_eq = bincnt

    kvec = jnp.broadcast_to(num_topk, (L,)).astype(jnp.float32)
    invv = jnp.full((L,), 1.0, jnp.float32) / kvec
    zerofv = jnp.zeros((L,), jnp.float32)

    @pl.when(m_eq == total_eq)
    def _no_tie():
        def out_body(c, carry):
            k = keys_v[pl.ds(c * L, L)]
            out_v[pl.ds(c * L, L)] = jnp.where(k >= t_key, invv, zerofv)
            return carry

        with jax.named_scope("ph_out"):
            @plsc.parallel_loop(0, NCHUNK, unroll=8)
            def _outl(c):
                out_body(c, 0)

    @pl.when(m_eq != total_eq)
    def _tie():
        def eqcnt_body(c, tot):
            k = keys_v[pl.ds(c * L, L)]
            eq = k == t_key
            pc = plsc.all_reduce_population_count(eq)
            e = pc[0]
            eqc_v[c] = e
            return tot + e

        tot = lax.fori_loop(0, NCHUNK, eqcnt_body, jnp.int32(0), unroll=4)

        def sfx_body(c, run):
            e = eqc_v[c]
            sfx_v[c] = tot - run - e
            return run + e

        lax.fori_loop(0, NCHUNK, sfx_body, jnp.int32(0), unroll=4)

        def out_body(c, carry):
            k = keys_v[pl.ds(c * L, L)]
            eq = k == t_key
            eqi = jnp.where(eq, ones, zeros)
            at_or_after = lax.rev(plsc.cumsum(lax.rev(eqi, (0,))), (0,))
            eq_after = at_or_after - eqi + sfx_v[c]
            sel = (k > t_key) | (eq & (eq_after < m_eq))
            out_v[pl.ds(c * L, L)] = jnp.where(sel, invv, zerofv)
            return carry

        lax.fori_loop(0, NCHUNK, out_body, 0, unroll=4)

    with jax.named_scope("ph_wb"):
        pltpu.sync_copy(out_v, out_hbm.at[b])


def _make_sc_kernel(interpret=False):
    mesh = plsc.VectorSubcoreMesh(core_axis_name="c", subcore_axis_name="s",
                                  num_cores=2, num_subcores=16)

    @functools.partial(
        pl.kernel,
        out_type=jax.ShapeDtypeStruct((B, S), jnp.float32),
        mesh=mesh,
        scratch_types=[
            pltpu.VMEM((H, S), jnp.float32),
            pltpu.VMEM((S,), jnp.int32),
            pltpu.VMEM((NBIN,), jnp.int32),
            pltpu.VMEM((S + L,), jnp.int32),
            pltpu.VMEM((S + L,), jnp.int32),
            pltpu.SMEM((NCHUNK,), jnp.int32),
            pltpu.SMEM((NCHUNK,), jnp.int32),
            pltpu.VMEM((S,), jnp.float32),
            pltpu.VMEM((S,), jnp.float32),
            pltpu.SemaphoreType.DMA,
            pltpu.SemaphoreType.DMA,
        ],
        compiler_params=pltpu.CompilerParams(needs_layout_passes=False),
        interpret=interpret,
    )
    def sc_topk(att_hbm, out_hbm, rows_v, keys_v, hist_v, cand1_v, cand2_v,
                eqc_v, sfx_v, out_v, psum_v, sem, sem2):
        wid = lax.axis_index("s") * 2 + lax.axis_index("c")

        @pl.when(wid < B)
        def _():
            _worker_body(wid, att_hbm, out_hbm, rows_v, keys_v, hist_v,
                         cand1_v, cand2_v, eqc_v, sfx_v, out_v, psum_v,
                         sem, sem2)

    return sc_topk


_sc_topk = _make_sc_kernel()


def kernel(attention):
    return (_sc_topk(attention), None)

# --- scband reference (transcript-rebuilt; emitter-appended) ---
"""Pipeline reference for scband-topk-explainer-25374666784792 (READ-ONLY COPY).

The authoritative reference and input builder live on the scoring server;
editing this copy changes nothing except your own understanding.
"""

import jax, jax.numpy as jnp
import numpy as np

LOGIT_SPACE = True
K = 0.1


def average_attention(attention, logit_space, norm_function):
    if logit_space:
        attention_logits = jnp.mean(attention[:, :, 0, :], axis=1)
        return norm_function(attention_logits, axis=-1)
    else:
        attention = norm_function(attention[:, :, 0, :], axis=-1)
        return jnp.mean(attention, axis=1)


def setup_inputs(seed: int = 0) -> dict:
    key = jax.random.key(seed)
    attention = jax.random.normal(key, (2, 12, 2048, 2048), dtype=jnp.float32)
    return {"attention": attention}


def reference(attention):
    # attention: [B, H, S, S] last-layer attention logits.
    # (Original code receives a tuple of per-layer attentions and uses
    #  attention[-1]; here the single tensor IS the last layer.)
    num_tokens = jnp.sum(attention[:, 0, 0, :] > -10000000000.0, axis=-1)
    num_topk = jnp.ceil(K * num_tokens).astype(jnp.int32)
    att = average_attention(attention, LOGIT_SPACE, jax.nn.softmax)  # [B, S]
    indices = jnp.flip(jnp.argsort(att, axis=1), axis=1)  # descending order
    arange_idxs = jnp.tile(jnp.arange(att.shape[1]), (att.shape[0], 1))
    topk_idxs = jnp.where(arange_idxs < num_topk[:, jnp.newaxis], indices + 1, 0)
    ph = jnp.zeros((topk_idxs.shape[1] + 1,), dtype=jnp.float32)
    values = jnp.where(topk_idxs > 0, 1, 0).astype(jnp.float32)

    def pick_topk_attn(topk_idx, value):
        # jax.ops.index_add(ph, idx, val) == ph.at[idx].add(val) in modern jax
        return ph.at[topk_idx].add(value)[1:]

    topk_attention = jax.vmap(pick_topk_attn, in_axes=(0, 0), out_axes=0)(topk_idxs, values)
    return (topk_attention / jnp.sum(topk_attention, axis=-1)[:, jnp.newaxis], None)

if __name__ == "__main__":
    import jax
    _d = setup_inputs()
    print(jax.jit(kernel)(*tuple(_d.values())))

</pallas_src>

<mosaic_0001>
#map = affine_map<(d0, d1) -> (0, 0, 0, 0)>
#map1 = affine_map<(d0, d1) -> (0, 0)>
module attributes {stable_mosaic.version = 14 : i64} {
  func.func @sc_topk(%arg0: i32, %arg1: i32, %arg2: memref<2x12x2048x2048xf32, #tpu.memory_space<hbm>>, %arg3: memref<2x2048xf32, #tpu.memory_space<hbm>>, %arg4: memref<12x2048xf32, #tpu.memory_space<vmem>>, %arg5: memref<2048xi32, #tpu.memory_space<vmem>>, %arg6: memref<256xi32, #tpu.memory_space<vmem>>, %arg7: memref<2064xi32, #tpu.memory_space<vmem>>, %arg8: memref<2064xi32, #tpu.memory_space<vmem>>, %arg9: memref<128xi32, #tpu.memory_space<smem>>, %arg10: memref<128xi32, #tpu.memory_space<smem>>, %arg11: memref<2048xf32, #tpu.memory_space<vmem>>, %arg12: memref<2048xf32, #tpu.memory_space<vmem>>, %arg13: memref<!tpu.dma_semaphore, #tpu.memory_space<semaphore_mem>>, %arg14: memref<!tpu.dma_semaphore, #tpu.memory_space<semaphore_mem>>) attributes {dimension_semantics = [#tpu.dimension_semantics<core_parallel>, #tpu.dimension_semantics<subcore_parallel>], iteration_bounds = array<i64: 2, 16>, scalar_prefetch = 0 : i64, scratch_operands = 11 : i64, tpu.core_type = #tpu.core_type<sc_vector_subcore>, window_params = [{transform_indices = #map}, {transform_indices = #map1}]} {
    %mul3A = arith.constant 2 : i32
    %mul3A_0 = arith.muli %arg1, %mul3A : i32
    %add3A = arith.addi %mul3A_0, %arg0 : i32
    %lt3A = arith.constant 2 : i32
    %lt3A_1 = arith.cmpi slt, %add3A, %lt3A : i32
    %convert_element_type3A = arith.extui %lt3A_1 : i1 to i32
    %cond3A = arith.constant 0 : i32
    %cond3A_2 = arith.cmpi ne, %convert_element_type3A, %cond3A : i32
    scf.if %cond3A_2 {
      %broadcast_in_dim3A = arith.constant 1 : i32
      %broadcast_in_dim3A_3 = vector.broadcast %broadcast_in_dim3A : i32 to vector<16xi32>
      %broadcast_in_dim3A_4 = arith.constant 0 : i32
      %broadcast_in_dim3A_5 = vector.broadcast %broadcast_in_dim3A_4 : i32 to vector<16xi32>
      %broadcast_in_dim3A_6 = arith.constant 2147483647 : i32
      %broadcast_in_dim3A_7 = vector.broadcast %broadcast_in_dim3A_6 : i32 to vector<16xi32>
      %iota3A = tpu.iota {dimensions = array<i32: 0>} : vector<16xi32>
      %dma_start3A = arith.constant 0 : i32
      "tpu.trace_start"() <{level = 10 : i32, message = "ph_dma"}> : () -> ()
      %dma_start3A_8 = arith.constant 0 : i32
      %dma_start3A_9 = arith.constant 0 : i32
      %dma_start3A_10 = tpu.memref_slice %arg4[%dma_start3A_8, %dma_start3A_9] : memref<12x2048xf32, #tpu.memory_space<vmem>> -> memref<8x2048xf32, #tpu.memory_space<vmem>>
      %dma_start3A_11 = arith.constant 0 : i32
      %dma_start3A_12 = arith.constant 0 : i32
      %dma_start3A_13 = tpu.memref_slice %arg2[%add3A, %dma_start3A_11, %dma_start3A, %dma_start3A_12] : memref<2x12x2048x2048xf32, #tpu.memory_space<hbm>> -> memref<1x8x1x2048xf32, #tpu.memory_space<hbm>>
      %dma_start3A_14 = tpu.memref_squeeze %dma_start3A_13 : memref<1x8x1x2048xf32, #tpu.memory_space<hbm>> -> memref<8x2048xf32, #tpu.memory_space<hbm>>
      %dma_start3A_15 = arith.constant 0 : i32
      %dma_start3A_16 = arith.constant 0 : i32
      %dma_start3A_17 = tpu.memref_slice %arg4[%dma_start3A_15, %dma_start3A_16] : memref<12x2048xf32, #tpu.memory_space<vmem>> -> memref<8x2048xf32, #tpu.memory_space<vmem>>
      %dma_start3A_18 = arith.constant 0 : i32
      %dma_start3A_19 = arith.constant 0 : i32
      %dma_start3A_20 = tpu.memref_slice %arg2[%add3A, %dma_start3A_18, %dma_start3A, %dma_start3A_19] : memref<2x12x2048x2048xf32, #tpu.memory_space<hbm>> -> memref<1x8x1x2048xf32, #tpu.memory_space<hbm>>
      %dma_start3A_21 = tpu.memref_squeeze %dma_start3A_20 : memref<1x8x1x2048xf32, #tpu.memory_space<hbm>> -> memref<8x2048xf32, #tpu.memory_space<hbm>>
      tpu.enqueue_dma source(%dma_start3A_21 : memref<8x2048xf32, #tpu.memory_space<hbm>>) target(%dma_start3A_17 : memref<8x2048xf32, #tpu.memory_space<vmem>>) target_semaphore(%arg13 : memref<!tpu.dma_semaphore, #tpu.memory_space<semaphore_mem>>)
      %dma_start3A_22 = arith.constant 0 : i32
      %dma_start3A_23 = arith.constant 8 : i32
      %dma_start3A_24 = arith.constant 0 : i32
      %dma_start3A_25 = tpu.memref_slice %arg4[%dma_start3A_23, %dma_start3A_24] : memref<12x2048xf32, #tpu.memory_space<vmem>> -> memref<4x2048xf32, #tpu.memory_space<vmem>>
      %dma_start3A_26 = arith.constant 8 : i32
      %dma_start3A_27 = arith.constant 0 : i32
      %dma_start3A_28 = tpu.memref_slice %arg2[%add3A, %dma_start3A_26, %dma_start3A_22, %dma_start3A_27] : memref<2x12x2048x2048xf32, #tpu.memory_space<hbm>> -> memref<1x4x1x2048xf32, #tpu.memory_space<hbm>>
      %dma_start3A_29 = tpu.memref_squeeze %dma_start3A_28 : memref<1x4x1x2048xf32, #tpu.memory_space<hbm>> -> memref<4x2048xf32, #tpu.memory_space<hbm>>
      %dma_start3A_30 = arith.constant 8 : i32
      %dma_start3A_31 = arith.constant 0 : i32
      %dma_start3A_32 = tpu.memref_slice %arg4[%dma_start3A_30, %dma_start3A_31] : memref<12x2048xf32, #tpu.memory_space<vmem>> -> memref<4x2048xf32, #tpu.memory_space<vmem>>
      %dma_start3A_33 = arith.constant 8 : i32
      %dma_start3A_34 = arith.constant 0 : i32
      %dma_start3A_35 = tpu.memref_slice %arg2[%add3A, %dma_start3A_33, %dma_start3A_22, %dma_start3A_34] : memref<2x12x2048x2048xf32, #tpu.memory_space<hbm>> -> memref<1x4x1x2048xf32, #tpu.memory_space<hbm>>
      %dma_start3A_36 = tpu.memref_squeeze %dma_start3A_35 : memref<1x4x1x2048xf32, #tpu.memory_space<hbm>> -> memref<4x2048xf32, #tpu.memory_space<hbm>>
      tpu.enqueue_dma source(%dma_start3A_36 : memref<4x2048xf32, #tpu.memory_space<hbm>>) target(%dma_start3A_32 : memref<4x2048xf32, #tpu.memory_space<vmem>>) target_semaphore(%arg14 : memref<!tpu.dma_semaphore, #tpu.memory_space<semaphore_mem>>)
      %swap3A = arith.constant 0 : index
      %swap3A_37 = tpu.vector_load %arg6[%swap3A] {strides = array<i32>} : memref<256xi32, #tpu.memory_space<vmem>>, vector<16xi32>,
      tpu.vector_store %arg6[%swap3A], %broadcast_in_dim3A_5 {strides = array<i32>} : memref<256xi32, #tpu.memory_space<vmem>>, vector<16xi32>,
      %swap3A_38 = arith.constant 16 : index
      %swap3A_39 = tpu.vector_load %arg6[%swap3A_38] {strides = array<i32>} : memref<256xi32, #tpu.memory_space<vmem>>, vector<16xi32>,
      tpu.vector_store %arg6[%swap3A_38], %broadcast_in_dim3A_5 {strides = array<i32>} : memref<256xi32, #tpu.memory_space<vmem>>, vector<16xi32>,
      %swap3A_40 = arith.constant 32 : index
      %swap3A_41 = tpu.vector_load %arg6[%swap3A_40] {strides = array<i32>} : memref<256xi32, #tpu.memory_space<vmem>>, vector<16xi32>,
      tpu.vector_store %arg6[%swap3A_40], %broadcast_in_dim3A_5 {strides = array<i32>} : memref<256xi32, #tpu.memory_space<vmem>>, vector<16xi32>,
      %swap3A_42 = arith.constant 48 : index
      %swap3A_43 = tpu.vector_load %arg6[%swap3A_42] {strides = array<i32>} : memref<256xi32, #tpu.memory_space<vmem>>, vector<16xi32>,
      tpu.vector_store %arg6[%swap3A_42], %broadcast_in_dim3A_5 {strides = array<i32>} : memref<256xi32, #tpu.memory_space<vmem>>, vector<16xi32>,
      %swap3A_44 = arith.constant 64 : index
      %swap3A_45 = tpu.vector_load %arg6[%swap3A_44] {strides = array<i32>} : memref<256xi32, #tpu.memory_space<vmem>>, vector<16xi32>,
      tpu.vector_store %arg6[%swap3A_44], %broadcast_in_dim3A_5 {strides = array<i32>} : memref<256xi32, #tpu.memory_space<vmem>>, vector<16xi32>,
      %swap3A_46 = arith.constant 80 : index
      %swap3A_47 = tpu.vector_load %arg6[%swap3A_46] {strides = array<i32>} : memref<256xi32, #tpu.memory_space<vmem>>, vector<16xi32>,
      tpu.vector_store %arg6[%swap3A_46], %broadcast_in_dim3A_5 {strides = array<i32>} : memref<256xi32, #tpu.memory_space<vmem>>, vector<16xi32>,
      %swap3A_48 = arith.constant 96 : index
      %swap3A_49 = tpu.vector_load %arg6[%swap3A_48] {strides = array<i32>} : memref<256xi32, #tpu.memory_space<vmem>>, vector<16xi32>,
      tpu.vector_store %arg6[%swap3A_48], %broadcast_in_dim3A_5 {strides = array<i32>} : memref<256xi32, #tpu.memory_space<vmem>>, vector<16xi32>,
      %swap3A_50 = arith.constant 112 : index
      %swap3A_51 = tpu.vector_load %arg6[%swap3A_50] {strides = array<i32>} : memref<256xi32, #tpu.memory_space<vmem>>, vector<16xi32>,
      tpu.vector_store %arg6[%swap3A_50], %broadcast_in_dim3A_5 {strides = array<i32>} : memref<256xi32, #tpu.memory_space<vmem>>, vector<16xi32>,
      %swap3A_52 = arith.constant 128 : index
      %swap3A_53 = tpu.vector_load %arg6[%swap3A_52] {strides = array<i32>} : memref<256xi32, #tpu.memory_space<vmem>>, vector<16xi32>,
      tpu.vector_store %arg6[%swap3A_52], %broadcast_in_dim3A_5 {strides = array<i32>} : memref<256xi32, #tpu.memory_space<vmem>>, vector<16xi32>,
      %swap3A_54 = arith.constant 144 : index
      %swap3A_55 = tpu.vector_load %arg6[%swap3A_54] {strides = array<i32>} : memref<256xi32, #tpu.memory_space<vmem>>, vector<16xi32>,
      tpu.vector_store %arg6[%swap3A_54], %broadcast_in_dim3A_5 {strides = array<i32>} : memref<256xi32, #tpu.memory_space<vmem>>, vector<16xi32>,
      %swap3A_56 = arith.constant 160 : index
      %swap3A_57 = tpu.vector_load %arg6[%swap3A_56] {strides = array<i32>} : memref<256xi32, #tpu.memory_space<vmem>>, vector<16xi32>,
      tpu.vector_store %arg6[%swap3A_56], %broadcast_in_dim3A_5 {strides = array<i32>} : memref<256xi32, #tpu.memory_space<vmem>>, vector<16xi32>,
      %swap3A_58 = arith.constant 176 : index
      %swap3A_59 = tpu.vector_load %arg6[%swap3A_58] {strides = array<i32>} : memref<256xi32, #tpu.memory_space<vmem>>, vector<16xi32>,
      tpu.vector_store %arg6[%swap3A_58], %broadcast_in_dim3A_5 {strides = array<i32>} : memref<256xi32, #tpu.memory_space<vmem>>, vector<16xi32>,
      %swap3A_60 = arith.constant 192 : index
      %swap3A_61 = tpu.vector_load %arg6[%swap3A_60] {strides = array<i32>} : memref<256xi32, #tpu.memory_space<vmem>>, vector<16xi32>,
      tpu.vector_store %arg6[%swap3A_60], %broadcast_in_dim3A_5 {strides = array<i32>} : memref<256xi32, #tpu.memory_space<vmem>>, vector<16xi32>,
      %swap3A_62 = arith.constant 208 : index
      %swap3A_63 = tpu.vector_load %arg6[%swap3A_62] {strides = array<i32>} : memref<256xi32, #tpu.memory_space<vmem>>, vector<16xi32>,
      tpu.vector_store %arg6[%swap3A_62], %broadcast_in_dim3A_5 {strides = array<i32>} : memref<256xi32, #tpu.memory_space<vmem>>, vector<16xi32>,
      %swap3A_64 = arith.constant 224 : index
      %swap3A_65 = tpu.vector_load %arg6[%swap3A_64] {strides = array<i32>} : memref<256xi32, #tpu.memory_space<vmem>>, vector<16xi32>,
      tpu.vector_store %arg6[%swap3A_64], %broadcast_in_dim3A_5 {strides = array<i32>} : memref<256xi32, #tpu.memory_space<vmem>>, vector<16xi32>,
      %swap3A_66 = arith.constant 240 : index
      %swap3A_67 = tpu.vector_load %arg6[%swap3A_66] {strides = array<i32>} : memref<256xi32, #tpu.memory_space<vmem>>, vector<16xi32>,
      tpu.vector_store %arg6[%swap3A_66], %broadcast_in_dim3A_5 {strides = array<i32>} : memref<256xi32, #tpu.memory_space<vmem>>, vector<16xi32>,
      %dma_wait3A = arith.constant 0 : i32
      %dma_wait3A_68 = arith.constant 0 : i32
      %dma_wait3A_69 = arith.constant 0 : i32
      %dma_wait3A_70 = tpu.memref_slice %arg4[%dma_wait3A_68, %dma_wait3A_69] : memref<12x2048xf32, #tpu.memory_space<vmem>> -> memref<8x2048xf32, #tpu.memory_space<vmem>>
      %dma_wait3A_71 = arith.constant 0 : i32
      %dma_wait3A_72 = arith.constant 0 : i32
      %dma_wait3A_73 = tpu.memref_slice %arg2[%add3A, %dma_wait3A_71, %dma_wait3A, %dma_wait3A_72] : memref<2x12x2048x2048xf32, #tpu.memory_space<hbm>> -> memref<1x8x1x2048xf32, #tpu.memory_space<hbm>>
      %dma_wait3A_74 = tpu.memref_squeeze %dma_wait3A_73 : memref<1x8x1x2048xf32, #tpu.memory_space<hbm>> -> memref<8x2048xf32, #tpu.memory_space<hbm>>
      %dma_wait3A_75 = arith.constant 0 : i32
      %dma_wait3A_76 = arith.constant 0 : i32
      %dma_wait3A_77 = tpu.memref_slice %arg4[%dma_wait3A_75, %dma_wait3A_76] : memref<12x2048xf32, #tpu.memory_space<vmem>> -> memref<8x2048xf32, #tpu.memory_space<vmem>>
      %dma_wait3A_78 = arith.constant 0 : i32
      %dma_wait3A_79 = arith.constant 0 : i32
      %dma_wait3A_80 = tpu.memref_slice %arg2[%add3A, %dma_wait3A_78, %dma_wait3A, %dma_wait3A_79] : memref<2x12x2048x2048xf32, #tpu.memory_space<hbm>> -> memref<1x8x1x2048xf32, #tpu.memory_space<hbm>>
      %dma_wait3A_81 = tpu.memref_squeeze %dma_wait3A_80 : memref<1x8x1x2048xf32, #tpu.memory_space<hbm>> -> memref<8x2048xf32, #tpu.memory_space<hbm>>
      tpu.wait_dma2 semaphore(%arg13 : memref<!tpu.dma_semaphore, #tpu.memory_space<semaphore_mem>>) src(%dma_wait3A_81 : memref<8x2048xf32, #tpu.memory_space<hbm>>) dst(%dma_wait3A_77 : memref<8x2048xf32, #tpu.memory_space<vmem>>)
      %broadcast_in_dim3A_82 = arith.constant 0 : i32
      "tpu.trace_stop"() : () -> ()
      "tpu.trace_start"() <{level = 10 : i32, message = "ph_psum"}> : () -> ()
      %broadcast_in_dim3A_83 = vector.broadcast %broadcast_in_dim3A_82 : i32 to vector<16xi32>
      %parallel_loop3A = arith.constant 0 : i32
      %parallel_loop3A_84 = arith.constant 128 : i32
      %parallel_loop3A_85 = arith.constant 1 : i32
      %parallel_loop3A_86 = scf.for %parallel_loop3A_365 = %parallel_loop3A to %parallel_loop3A_84 step %parallel_loop3A_85 iter_args(%parallel_loop3A_366 = %broadcast_in_dim3A_83) -> (vector<16xi32>)  : i32 {
        %parallel_loop3A_367 = arith.constant 16 : i32
        %parallel_loop3A_368 = arith.muli %parallel_loop3A_365, %parallel_loop3A_367 : i32
        %parallel_loop3A_369 = arith.constant 0 : i32
        %parallel_loop3A_370 = arith.index_cast %parallel_loop3A_369 : i32 to index
        %parallel_loop3A_371 = arith.index_cast %parallel_loop3A_368 : i32 to index
        %parallel_loop3A_372 = tpu.vector_load %arg4[%parallel_loop3A_370, %parallel_loop3A_371] {strides = array<i32>} : memref<12x2048xf32, #tpu.memory_space<vmem>>, vector<16xf32>,
        %parallel_loop3A_373 = arith.constant 1 : i32
        %parallel_loop3A_374 = arith.index_cast %parallel_loop3A_373 : i32 to index
        %parallel_loop3A_375 = arith.index_cast %parallel_loop3A_368 : i32 to index
        %parallel_loop3A_376 = tpu.vector_load %arg4[%parallel_loop3A_374, %parallel_loop3A_375] {strides = array<i32>} : memref<12x2048xf32, #tpu.memory_space<vmem>>, vector<16xf32>,
        %parallel_loop3A_377 = arith.constant 2 : i32
        %parallel_loop3A_378 = arith.index_cast %parallel_loop3A_377 : i32 to index
        %parallel_loop3A_379 = arith.index_cast %parallel_loop3A_368 : i32 to index
        %parallel_loop3A_380 = tpu.vector_load %arg4[%parallel_loop3A_378, %parallel_loop3A_379] {strides = array<i32>} : memref<12x2048xf32, #tpu.memory_space<vmem>>, vector<16xf32>,
        %parallel_loop3A_381 = arith.constant 3 : i32
        %parallel_loop3A_382 = arith.index_cast %parallel_loop3A_381 : i32 to index
        %parallel_loop3A_383 = arith.index_cast %parallel_loop3A_368 : i32 to index
        %parallel_loop3A_384 = tpu.vector_load %arg4[%parallel_loop3A_382, %parallel_loop3A_383] {strides = array<i32>} : memref<12x2048xf32, #tpu.memory_space<vmem>>, vector<16xf32>,
        %parallel_loop3A_385 = arith.constant 4 : i32
        %parallel_loop3A_386 = arith.index_cast %parallel_loop3A_385 : i32 to index
        %parallel_loop3A_387 = arith.index_cast %parallel_loop3A_368 : i32 to index
        %parallel_loop3A_388 = tpu.vector_load %arg4[%parallel_loop3A_386, %parallel_loop3A_387] {strides = array<i32>} : memref<12x2048xf32, #tpu.memory_space<vmem>>, vector<16xf32>,
        %parallel_loop3A_389 = arith.constant 5 : i32
        %parallel_loop3A_390 = arith.index_cast %parallel_loop3A_389 : i32 to index
        %parallel_loop3A_391 = arith.index_cast %parallel_loop3A_368 : i32 to index
        %parallel_loop3A_392 = tpu.vector_load %arg4[%parallel_loop3A_390, %parallel_loop3A_391] {strides = array<i32>} : memref<12x2048xf32, #tpu.memory_space<vmem>>, vector<16xf32>,
        %parallel_loop3A_393 = arith.constant 6 : i32
        %parallel_loop3A_394 = arith.index_cast %parallel_loop3A_393 : i32 to index
        %parallel_loop3A_395 = arith.index_cast %parallel_loop3A_368 : i32 to index
        %parallel_loop3A_396 = tpu.vector_load %arg4[%parallel_loop3A_394, %parallel_loop3A_395] {strides = array<i32>} : memref<12x2048xf32, #tpu.memory_space<vmem>>, vector<16xf32>,
        %parallel_loop3A_397 = arith.constant 7 : i32
        %parallel_loop3A_398 = arith.index_cast %parallel_loop3A_397 : i32 to index
        %parallel_loop3A_399 = arith.index_cast %parallel_loop3A_368 : i32 to index
        %parallel_loop3A_400 = tpu.vector_load %arg4[%parallel_loop3A_398, %parallel_loop3A_399] {strides = array<i32>} : memref<12x2048xf32, #tpu.memory_space<vmem>>, vector<16xf32>,
        %parallel_loop3A_401 = arith.addf %parallel_loop3A_372, %parallel_loop3A_376 : vector<16xf32>
        %parallel_loop3A_402 = arith.addf %parallel_loop3A_380, %parallel_loop3A_384 : vector<16xf32>
        %parallel_loop3A_403 = arith.addf %parallel_loop3A_401, %parallel_loop3A_402 : vector<16xf32>
        %parallel_loop3A_404 = arith.addf %parallel_loop3A_388, %parallel_loop3A_392 : vector<16xf32>
        %parallel_loop3A_405 = arith.addf %parallel_loop3A_396, %parallel_loop3A_400 : vector<16xf32>
        %parallel_loop3A_406 = arith.addf %parallel_loop3A_404, %parallel_loop3A_405 : vector<16xf32>
        %parallel_loop3A_407 = arith.addf %parallel_loop3A_403, %parallel_loop3A_406 : vector<16xf32>
        %parallel_loop3A_408 = arith.index_cast %parallel_loop3A_368 : i32 to index
        %parallel_loop3A_409 = tpu.vector_load %arg12[%parallel_loop3A_408] {strides = array<i32>} : memref<2048xf32, #tpu.memory_space<vmem>>, vector<16xf32>,
        tpu.vector_store %arg12[%parallel_loop3A_408], %parallel_loop3A_407 {strides = array<i32>} : memref<2048xf32, #tpu.memory_space<vmem>>, vector<16xf32>,
        %parallel_loop3A_410 = arith.constant -1.000000e+10 : f32
        %parallel_loop3A_411 = vector.broadcast %parallel_loop3A_410 : f32 to vector<16xf32>
        %parallel_loop3A_412 = arith.cmpf ogt, %parallel_loop3A_372, %parallel_loop3A_411 : vector<16xf32>
        %parallel_loop3A_413 = arith.select %parallel_loop3A_412, %broadcast_in_dim3A_3, %broadcast_in_dim3A_5 : vector<16xi1>, vector<16xi32>
        %parallel_loop3A_414 = arith.addi %parallel_loop3A_366, %parallel_loop3A_413 : vector<16xi32>
        scf.yield %parallel_loop3A_414 : vector<16xi32>
      } {sc.loop_unroll_factor = 8 : i64, sc.parallel_access}
      %dma_wait3A_87 = arith.constant 0 : i32
      "tpu.trace_stop"() : () -> ()
      "tpu.trace_start"() <{level = 10 : i32, message = "ph_dma2"}> : () -> ()
      %dma_wait3A_88 = arith.constant 8 : i32
      %dma_wait3A_89 = arith.constant 0 : i32
      %dma_wait3A_90 = tpu.memref_slice %arg4[%dma_wait3A_88, %dma_wait3A_89] : memref<12x2048xf32, #tpu.memory_space<vmem>> -> memref<4x2048xf32, #tpu.memory_space<vmem>>
      %dma_wait3A_91 = arith.constant 8 : i32
      %dma_wait3A_92 = arith.constant 0 : i32
      %dma_wait3A_93 = tpu.memref_slice %arg2[%add3A, %dma_wait3A_91, %dma_wait3A_87, %dma_wait3A_92] : memref<2x12x2048x2048xf32, #tpu.memory_space<hbm>> -> memref<1x4x1x2048xf32, #tpu.memory_space<hbm>>
      %dma_wait3A_94 = tpu.memref_squeeze %dma_wait3A_93 : memref<1x4x1x2048xf32, #tpu.memory_space<hbm>> -> memref<4x2048xf32, #tpu.memory_space<hbm>>
      %dma_wait3A_95 = arith.constant 8 : i32
      %dma_wait3A_96 = arith.constant 0 : i32
      %dma_wait3A_97 = tpu.memref_slice %arg4[%dma_wait3A_95, %dma_wait3A_96] : memref<12x2048xf32, #tpu.memory_space<vmem>> -> memref<4x2048xf32, #tpu.memory_space<vmem>>
      %dma_wait3A_98 = arith.constant 8 : i32
      %dma_wait3A_99 = arith.constant 0 : i32
      %dma_wait3A_100 = tpu.memref_slice %arg2[%add3A, %dma_wait3A_98, %dma_wait3A_87, %dma_wait3A_99] : memref<2x12x2048x2048xf32, #tpu.memory_space<hbm>> -> memref<1x4x1x2048xf32, #tpu.memory_space<hbm>>
      %dma_wait3A_101 = tpu.memref_squeeze %dma_wait3A_100 : memref<1x4x1x2048xf32, #tpu.memory_space<hbm>> -> memref<4x2048xf32, #tpu.memory_space<hbm>>
      tpu.wait_dma2 semaphore(%arg14 : memref<!tpu.dma_semaphore, #tpu.memory_space<semaphore_mem>>) src(%dma_wait3A_101 : memref<4x2048xf32, #tpu.memory_space<hbm>>) dst(%dma_wait3A_97 : memref<4x2048xf32, #tpu.memory_space<vmem>>)
      %parallel_loop3A_102 = arith.constant 0 : i32
      %parallel_loop3A_103 = arith.constant 128 : i32
      %parallel_loop3A_104 = arith.constant 1 : i32
      "tpu.trace_stop"() : () -> ()
      "tpu.trace_start"() <{level = 10 : i32, message = "ph_score"}> : () -> ()
      scf.for %parallel_loop3A_365 = %parallel_loop3A_102 to %parallel_loop3A_103 step %parallel_loop3A_104  : i32 {
        %parallel_loop3A_366 = arith.constant 16 : i32
        %parallel_loop3A_367 = arith.muli %parallel_loop3A_365, %parallel_loop3A_366 : i32
        %parallel_loop3A_368 = arith.constant 8 : i32
        %parallel_loop3A_369 = arith.index_cast %parallel_loop3A_368 : i32 to index
        %parallel_loop3A_370 = arith.index_cast %parallel_loop3A_367 : i32 to index
        %parallel_loop3A_371 = tpu.vector_load %arg4[%parallel_loop3A_369, %parallel_loop3A_370] {strides = array<i32>} : memref<12x2048xf32, #tpu.memory_space<vmem>>, vector<16xf32>,
        %parallel_loop3A_372 = arith.constant 9 : i32
        %parallel_loop3A_373 = arith.index_cast %parallel_loop3A_372 : i32 to index
        %parallel_loop3A_374 = arith.index_cast %parallel_loop3A_367 : i32 to index
        %parallel_loop3A_375 = tpu.vector_load %arg4[%parallel_loop3A_373, %parallel_loop3A_374] {strides = array<i32>} : memref<12x2048xf32, #tpu.memory_space<vmem>>, vector<16xf32>,
        %parallel_loop3A_376 = arith.constant 10 : i32
        %parallel_loop3A_377 = arith.index_cast %parallel_loop3A_376 : i32 to index
        %parallel_loop3A_378 = arith.index_cast %parallel_loop3A_367 : i32 to index
        %parallel_loop3A_379 = tpu.vector_load %arg4[%parallel_loop3A_377, %parallel_loop3A_378] {strides = array<i32>} : memref<12x2048xf32, #tpu.memory_space<vmem>>, vector<16xf32>,
        %parallel_loop3A_380 = arith.constant 11 : i32
        %parallel_loop3A_381 = arith.index_cast %parallel_loop3A_380 : i32 to index
        %parallel_loop3A_382 = arith.index_cast %parallel_loop3A_367 : i32 to index
        %parallel_loop3A_383 = tpu.vector_load %arg4[%parallel_loop3A_381, %parallel_loop3A_382] {strides = array<i32>} : memref<12x2048xf32, #tpu.memory_space<vmem>>, vector<16xf32>,
        %parallel_loop3A_384 = arith.addf %parallel_loop3A_371, %parallel_loop3A_375 : vector<16xf32>
        %parallel_loop3A_385 = arith.addf %parallel_loop3A_379, %parallel_loop3A_383 : vector<16xf32>
        %parallel_loop3A_386 = arith.addf %parallel_loop3A_384, %parallel_loop3A_385 : vector<16xf32>
        %parallel_loop3A_387 = arith.index_cast %parallel_loop3A_367 : i32 to index
        %parallel_loop3A_388 = tpu.vector_load %arg12[%parallel_loop3A_387] {strides = array<i32>} : memref<2048xf32, #tpu.memory_space<vmem>>, vector<16xf32>,
        %parallel_loop3A_389 = arith.addf %parallel_loop3A_388, %parallel_loop3A_386 : vector<16xf32>
        %parallel_loop3A_390 = tpu.bitcast %parallel_loop3A_389 : vector<16xf32> -> vector<16xi32>
        %parallel_loop3A_391 = arith.constant 31 : i32
        %parallel_loop3A_392 = vector.broadcast %parallel_loop3A_391 : i32 to vector<16xi32>
        %parallel_loop3A_393 = arith.shrsi %parallel_loop3A_390, %parallel_loop3A_392 : vector<16xi32>
        %parallel_loop3A_394 = arith.constant 2147483647 : i32
        %parallel_loop3A_395 = vector.broadcast %parallel_loop3A_394 : i32 to vector<16xi32>
        %parallel_loop3A_396 = arith.andi %parallel_loop3A_393, %parallel_loop3A_395 : vector<16xi32>
        %parallel_loop3A_397 = arith.xori %parallel_loop3A_390, %parallel_loop3A_396 : vector<16xi32>
        %parallel_loop3A_398 = arith.index_cast %parallel_loop3A_367 : i32 to index
        %parallel_loop3A_399 = tpu.vector_load %arg5[%parallel_loop3A_398] {strides = array<i32>} : memref<2048xi32, #tpu.memory_space<vmem>>, vector<16xi32>,
        tpu.vector_store %arg5[%parallel_loop3A_398], %parallel_loop3A_397 {strides = array<i32>} : memref<2048xi32, #tpu.memory_space<vmem>>, vector<16xi32>,
        %parallel_loop3A_400 = arith.constant -2147483648 : i32
        %parallel_loop3A_401 = vector.broadcast %parallel_loop3A_400 : i32 to vector<16xi32>
        %parallel_loop3A_402 = arith.xori %parallel_loop3A_397, %parallel_loop3A_401 : vector<16xi32>
        %parallel_loop3A_403 = arith.constant 24 : i32
        %parallel_loop3A_404 = vector.broadcast %parallel_loop3A_403 : i32 to vector<16xi32>
        %parallel_loop3A_405 = arith.shrui %parallel_loop3A_402, %parallel_loop3A_404 : vector<16xi32>
        tpu.vector_store_idx %arg6[%parallel_loop3A_405], %broadcast_in_dim3A_3 {add = true} : memref<256xi32, #tpu.memory_space<vmem>>[vector<16xi32>], vector<16xi32>,
      } {sc.loop_unroll_factor = 8 : i64, sc.parallel_access}
      "tpu.trace_stop"() : () -> ()
      %reduce_sum3A = arith.constant true
      %reduce_sum3A_105 = vector.broadcast %reduce_sum3A : i1 to vector<16xi1>
      %reduce_sum3A_106 = tpu.scan <sum>, %parallel_loop3A_86 masked %reduce_sum3A_105 : vector<16xi32>, vector<16xi1> -> vector<16xi32>
      %reduce_sum3A_107 = vector.extract %reduce_sum3A_106[15] : i32 from vector<16xi32>
      %add3A_108 = arith.constant 9 : i32
      %add3A_109 = arith.addi %reduce_sum3A_107, %add3A_108 : i32
      %jit3A = arith.constant 10 : i32
      %div3A = arith.divsi %add3A_109, %jit3A : i32
      %sign3A = arith.constant 0 : i32
      %sign3A_110 = arith.cmpi sgt, %add3A_109, %sign3A : i32
      %sign3A_111 = arith.extui %sign3A_110 : i1 to i32
      %sign3A_112 = arith.constant 0 : i32
      %sign3A_113 = arith.cmpi slt, %add3A_109, %sign3A_112 : i32
      %sign3A_114 = arith.extui %sign3A_113 : i1 to i32
      %sign3A_115 = arith.subi %sign3A_111, %sign3A_114 : i32
      %sign3A_116 = arith.constant 0 : i32
      %sign3A_117 = arith.cmpi sgt, %jit3A, %sign3A_116 : i32
      %sign3A_118 = arith.extui %sign3A_117 : i1 to i32
      %sign3A_119 = arith.constant 0 : i32
      %sign3A_120 = arith.cmpi slt, %jit3A, %sign3A_119 : i32
      %sign3A_121 = arith.extui %sign3A_120 : i1 to i32
      %sign3A_122 = arith.subi %sign3A_118, %sign3A_121 : i32
      %ne3A = arith.cmpi ne, %sign3A_115, %sign3A_122 : i32
      %rem3A = arith.remsi %add3A_109, %jit3A : i32
      %ne3A_123 = arith.constant 0 : i32
      %ne3A_124 = arith.cmpi ne, %rem3A, %ne3A_123 : i32
      %and3A = arith.andi %ne3A, %ne3A_124 : i1
      %sub3A = arith.constant 1 : i32
      %sub3A_125 = arith.subi %div3A, %sub3A : i32
      %select_n3A = arith.select %and3A, %sub3A_125, %div3A : i32
      "tpu.trace_start"() <{level = 10 : i32, message = "ph_pick0"}> : () -> ()
      %scan3A = arith.constant 0 : i32
      %scan3A_126 = arith.constant 0 : i32
      %scan3A_127 = arith.constant 0 : i32
      %scan3A_128 = arith.constant 0 : i32
      %scan3A_129 = arith.constant 0 : i32
      %scan3A_130 = arith.constant 0 : i32
      %scan3A_131 = arith.constant 16 : i32
      %scan3A_132 = arith.addi %scan3A_130, %scan3A_131 : i32
      %scan3A_133 = arith.constant 4 : i32
      %scan3A_134:5 = scf.for %scan3A_365 = %scan3A_130 to %scan3A_132 step %scan3A_133 iter_args(%scan3A_366 = %scan3A, %scan3A_367 = %scan3A_126, %scan3A_368 = %scan3A_127, %scan3A_369 = %scan3A_128, %scan3A_370 = %scan3A_129) -> (i32, i32, i32, i32, i32)  : i32 {
        %mul3A_371 = arith.constant 16 : i32
        %mul3A_372 = arith.muli %mul3A_371, %scan3A_365 : i32
        %sub3A_373 = arith.constant 240 : i32
        %sub3A_374 = arith.subi %sub3A_373, %mul3A_372 : i32
        %get3A = arith.index_cast %sub3A_374 : i32 to index
        %get3A_375 = tpu.vector_load %arg6[%get3A] {strides = array<i32>} : memref<256xi32, #tpu.memory_space<vmem>>, vector<16xi32>,
        %rev3A = arith.constant 15 : i32
        %rev3A_376 = vector.broadcast %rev3A : i32 to vector<16xi32>
        %rev3A_377 = tpu.iota {dimensions = array<i32: 0>} : vector<16xi32>
        %rev3A_378 = arith.subi %rev3A_376, %rev3A_377 : vector<16xi32>
        %rev3A_379 = tpu.dynamic_gather %get3A_375[%rev3A_378] in [0] : vector<16xi32>, vector<16xi32> -> vector<16xi32>
        %broadcast_in_dim3A_380 = arith.constant true
        %broadcast_in_dim3A_381 = vector.broadcast %broadcast_in_dim3A_380 : i1 to vector<16xi1>
        %masked_cumsum3A = tpu.scan <sum>, %rev3A_379 masked %broadcast_in_dim3A_381 : vector<16xi32>, vector<16xi1> -> vector<16xi32>
        %add3A_382 = vector.broadcast %scan3A_366 : i32 to vector<16xi32>
        %add3A_383 = arith.addi %add3A_382, %masked_cumsum3A : vector<16xi32>
        %ge3A = vector.broadcast %select_n3A : i32 to vector<16xi32>
        %ge3A_384 = arith.cmpi sge, %add3A_383, %ge3A : vector<16xi32>
        %all_reduce_population_count3A = tpu.all_reduce %ge3A_384 {dim = 0 : i64, kind = #tpu.reduction_kind<sum>} : vector<16xi1> -> vector<16xi32>
        %slice3A = vector.extract_strided_slice %all_reduce_population_count3A {offsets = [0], sizes = [1], strides = [1]} : vector<16xi32> to vector<1xi32>
        %squeeze3A = vector.extract %slice3A[0] : i32 from vector<1xi32>
        %sub3A_385 = arith.constant 16 : i32
        %sub3A_386 = arith.subi %sub3A_385, %squeeze3A : i32
        %mul3A_387 = arith.constant 16 : i32
        %mul3A_388 = arith.muli %mul3A_387, %scan3A_365 : i32
        %sub3A_389 = arith.constant 255 : i32
        %sub3A_390 = arith.subi %sub3A_389, %mul3A_388 : i32
        %sub3A_391 = arith.subi %sub3A_390, %sub3A_386 : i32
        %select_n3A_392 = arith.select %ge3A_384, %add3A_383, %broadcast_in_dim3A_7 : vector<16xi1>, vector<16xi32>
        %reduce_min3A = arith.constant true
        %reduce_min3A_393 = vector.broadcast %reduce_min3A : i1 to vector<16xi1>
        %reduce_min3A_394 = arith.constant -2147483648 : i32
        %reduce_min3A_395 = vector.broadcast %reduce_min3A_394 : i32 to vector<16xi32>
        %reduce_min3A_396 = arith.xori %select_n3A_392, %reduce_min3A_395 : vector<16xi32>
        %reduce_min3A_397 = tpu.scan <min>, %reduce_min3A_396 masked %reduce_min3A_393 : vector<16xi32>, vector<16xi1> -> vector<16xi32>
        %reduce_min3A_398 = arith.xori %reduce_min3A_397, %reduce_min3A_395 : vector<16xi32>
        %reduce_min3A_399 = vector.extract %reduce_min3A_398[15] : i32 from vector<16xi32>
        %sub3A_400 = arith.subi %add3A_383, %rev3A_379 : vector<16xi32>
        %select_n3A_401 = arith.select %ge3A_384, %sub3A_400, %broadcast_in_dim3A_7 : vector<16xi1>, vector<16xi32>
        %reduce_min3A_402 = arith.constant true
        %reduce_min3A_403 = vector.broadcast %reduce_min3A_402 : i1 to vector<16xi1>
        %reduce_min3A_404 = arith.constant -2147483648 : i32
        %reduce_min3A_405 = vector.broadcast %reduce_min3A_404 : i32 to vector<16xi32>
        %reduce_min3A_406 = arith.xori %select_n3A_401, %reduce_min3A_405 : vector<16xi32>
        %reduce_min3A_407 = tpu.scan <min>, %reduce_min3A_406 masked %reduce_min3A_403 : vector<16xi32>, vector<16xi1> -> vector<16xi32>
        %reduce_min3A_408 = arith.xori %reduce_min3A_407, %reduce_min3A_405 : vector<16xi32>
        %reduce_min3A_409 = vector.extract %reduce_min3A_408[15] : i32 from vector<16xi32>
        %sub3A_410 = arith.subi %reduce_min3A_399, %reduce_min3A_409 : i32
        %gt3A = arith.constant 0 : i32
        %gt3A_411 = arith.cmpi sgt, %squeeze3A, %gt3A : i32
        %eq3A_412 = arith.constant 0 : i32
        %eq3A_413 = arith.cmpi eq, %scan3A_367, %eq3A_412 : i32
        %and3A_414 = arith.andi %gt3A_411, %eq3A_413 : i1
        %select_n3A_415 = arith.select %and3A_414, %sub3A_391, %scan3A_368 : i32
        %select_n3A_416 = arith.select %and3A_414, %reduce_min3A_409, %scan3A_369 : i32
        %select_n3A_417 = arith.select %and3A_414, %sub3A_410, %scan3A_370 : i32
        %gt3A_418 = arith.constant 0 : i32
        %gt3A_419 = arith.cmpi sgt, %squeeze3A, %gt3A_418 : i32
        %jit3A_420 = arith.constant 1 : i32
        %jit3A_421 = arith.constant 0 : i32
        %select_n3A_422 = arith.select %gt3A_419, %jit3A_420, %jit3A_421 : i32
        %or3A_423 = arith.ori %scan3A_367, %select_n3A_422 : i32
        %slice3A_424 = vector.extract_strided_slice %add3A_383 {offsets = [15], sizes = [1], strides = [1]} : vector<16xi32> to vector<1xi32>
        %squeeze3A_425 = vector.extract %slice3A_424[0] : i32 from vector<1xi32>
        %scan3A_426 = arith.constant 1 : i32
        %scan3A_427 = arith.addi %scan3A_365, %scan3A_426 : i32
        %mul3A_428 = arith.constant 16 : i32
        %mul3A_429 = arith.muli %mul3A_428, %scan3A_427 : i32
        %sub3A_430 = arith.constant 240 : i32
        %sub3A_431 = arith.subi %sub3A_430, %mul3A_429 : i32
        %get3A_432 = arith.index_cast %sub3A_431 : i32 to index
        %get3A_433 = tpu.vector_load %arg6[%get3A_432] {strides = array<i32>} : memref<256xi32, #tpu.memory_space<vmem>>, vector<16xi32>,
        %rev3A_434 = arith.constant 15 : i32
        %rev3A_435 = vector.broadcast %rev3A_434 : i32 to vector<16xi32>
        %rev3A_436 = tpu.iota {dimensions = array<i32: 0>} : vector<16xi32>
        %rev3A_437 = arith.subi %rev3A_435, %rev3A_436 : vector<16xi32>
        %rev3A_438 = tpu.dynamic_gather %get3A_433[%rev3A_437] in [0] : vector<16xi32>, vector<16xi32> -> vector<16xi32>
        %broadcast_in_dim3A_439 = arith.constant true
        %broadcast_in_dim3A_440 = vector.broadcast %broadcast_in_dim3A_439 : i1 to vector<16xi1>
        %masked_cumsum3A_441 = tpu.scan <sum>, %rev3A_438 masked %broadcast_in_dim3A_440 : vector<16xi32>, vector<16xi1> -> vector<16xi32>
        %add3A_442 = vector.broadcast %squeeze3A_425 : i32 to vector<16xi32>
        %add3A_443 = arith.addi %add3A_442, %masked_cumsum3A_441 : vector<16xi32>
        %ge3A_444 = vector.broadcast %select_n3A : i32 to vector<16xi32>
        %ge3A_445 = arith.cmpi sge, %add3A_443, %ge3A_444 : vector<16xi32>
        %all_reduce_population_count3A_446 = tpu.all_reduce %ge3A_445 {dim = 0 : i64, kind = #tpu.reduction_kind<sum>} : vector<16xi1> -> vector<16xi32>
        %slice3A_447 = vector.extract_strided_slice %all_reduce_population_count3A_446 {offsets = [0], sizes = [1], strides = [1]} : vector<16xi32> to vector<1xi32>
        %squeeze3A_448 = vector.extract %slice3A_447[0] : i32 from vector<1xi32>
        %sub3A_449 = arith.constant 16 : i32
        %sub3A_450 = arith.subi %sub3A_449, %squeeze3A_448 : i32
        %mul3A_451 = arith.constant 16 : i32
        %mul3A_452 = arith.muli %mul3A_451, %scan3A_427 : i32
        %sub3A_453 = arith.constant 255 : i32
        %sub3A_454 = arith.subi %sub3A_453, %mul3A_452 : i32
        %sub3A_455 = arith.subi %sub3A_454, %sub3A_450 : i32
        %select_n3A_456 = arith.select %ge3A_445, %add3A_443, %broadcast_in_dim3A_7 : vector<16xi1>, vector<16xi32>
        %reduce_min3A_457 = arith.constant true
        %reduce_min3A_458 = vector.broadcast %reduce_min3A_457 : i1 to vector<16xi1>
        %reduce_min3A_459 = arith.constant -2147483648 : i32
        %reduce_min3A_460 = vector.broadcast %reduce_min3A_459 : i32 to vector<16xi32>
        %reduce_min3A_461 = arith.xori %select_n3A_456, %reduce_min3A_460 : vector<16xi32>
        %reduce_min3A_462 = tpu.scan <min>, %reduce_min3A_461 masked %reduce_min3A_458 : vector<16xi32>, vector<16xi1> -> vector<16xi32>
        %reduce_min3A_463 = arith.xori %reduce_min3A_462, %reduce_min3A_460 : vector<16xi32>
        %reduce_min3A_464 = vector.extract %reduce_min3A_463[15] : i32 from vector<16xi32>
        %sub3A_465 = arith.subi %add3A_443, %rev3A_438 : vector<16xi32>
        %select_n3A_466 = arith.select %ge3A_445, %sub3A_465, %broadcast_in_dim3A_7 : vector<16xi1>, vector<16xi32>
        %reduce_min3A_467 = arith.constant true
        %reduce_min3A_468 = vector.broadcast %reduce_min3A_467 : i1 to vector<16xi1>
        %reduce_min3A_469 = arith.constant -2147483648 : i32
        %reduce_min3A_470 = vector.broadcast %reduce_min3A_469 : i32 to vector<16xi32>
        %reduce_min3A_471 = arith.xori %select_n3A_466, %reduce_min3A_470 : vector<16xi32>
        %reduce_min3A_472 = tpu.scan <min>, %reduce_min3A_471 masked %reduce_min3A_468 : vector<16xi32>, vector<16xi1> -> vector<16xi32>
        %reduce_min3A_473 = arith.xori %reduce_min3A_472, %reduce_min3A_470 : vector<16xi32>
        %reduce_min3A_474 = vector.extract %reduce_min3A_473[15] : i32 from vector<16xi32>
        %sub3A_475 = arith.subi %reduce_min3A_464, %reduce_min3A_474 : i32
        %gt3A_476 = arith.constant 0 : i32
        %gt3A_477 = arith.cmpi sgt, %squeeze3A_448, %gt3A_476 : i32
        %eq3A_478 = arith.constant 0 : i32
        %eq3A_479 = arith.cmpi eq, %or3A_423, %eq3A_478 : i32
        %and3A_480 = arith.andi %gt3A_477, %eq3A_479 : i1
        %select_n3A_481 = arith.select %and3A_480, %sub3A_455, %select_n3A_415 : i32
        %select_n3A_482 = arith.select %and3A_480, %reduce_min3A_474, %select_n3A_416 : i32
        %select_n3A_483 = arith.select %and3A_480, %sub3A_475, %select_n3A_417 : i32
        %gt3A_484 = arith.constant 0 : i32
        %gt3A_485 = arith.cmpi sgt, %squeeze3A_448, %gt3A_484 : i32
        %jit3A_486 = arith.constant 1 : i32
        %jit3A_487 = arith.constant 0 : i32
        %select_n3A_488 = arith.select %gt3A_485, %jit3A_486, %jit3A_487 : i32
        %or3A_489 = arith.ori %or3A_423, %select_n3A_488 : i32
        %slice3A_490 = vector.extract_strided_slice %add3A_443 {offsets = [15], sizes = [1], strides = [1]} : vector<16xi32> to vector<1xi32>
        %squeeze3A_491 = vector.extract %slice3A_490[0] : i32 from vector<1xi32>
        %scan3A_492 = arith.constant 2 : i32
        %scan3A_493 = arith.addi %scan3A_365, %scan3A_492 : i32
        %mul3A_494 = arith.constant 16 : i32
        %mul3A_495 = arith.muli %mul3A_494, %scan3A_493 : i32
        %sub3A_496 = arith.constant 240 : i32
        %sub3A_497 = arith.subi %sub3A_496, %mul3A_495 : i32
        %get3A_498 = arith.index_cast %sub3A_497 : i32 to index
        %get3A_499 = tpu.vector_load %arg6[%get3A_498] {strides = array<i32>} : memref<256xi32, #tpu.memory_space<vmem>>, vector<16xi32>,
        %rev3A_500 = arith.constant 15 : i32
        %rev3A_501 = vector.broadcast %rev3A_500 : i32 to vector<16xi32>
        %rev3A_502 = tpu.iota {dimensions = array<i32: 0>} : vector<16xi32>
        %rev3A_503 = arith.subi %rev3A_501, %rev3A_502 : vector<16xi32>
        %rev3A_504 = tpu.dynamic_gather %get3A_499[%rev3A_503] in [0] : vector<16xi32>, vector<16xi32> -> vector<16xi32>
        %broadcast_in_dim3A_505 = arith.constant true
        %broadcast_in_dim3A_506 = vector.broadcast %broadcast_in_dim3A_505 : i1 to vector<16xi1>
        %masked_cumsum3A_507 = tpu.scan <sum>, %rev3A_504 masked %broadcast_in_dim3A_506 : vector<16xi32>, vector<16xi1> -> vector<16xi32>
        %add3A_508 = vector.broadcast %squeeze3A_491 : i32 to vector<16xi32>
        %add3A_509 = arith.addi %add3A_508, %masked_cumsum3A_507 : vector<16xi32>
        %ge3A_510 = vector.broadcast %select_n3A : i32 to vector<16xi32>
        %ge3A_511 = arith.cmpi sge, %add3A_509, %ge3A_510 : vector<16xi32>
        %all_reduce_population_count3A_512 = tpu.all_reduce %ge3A_511 {dim = 0 : i64, kind = #tpu.reduction_kind<sum>} : vector<16xi1> -> vector<16xi32>
        %slice3A_513 = vector.extract_strided_slice %all_reduce_population_count3A_512 {offsets = [0], sizes = [1], strides = [1]} : vector<16xi32> to vector<1xi32>
        %squeeze3A_514 = vector.extract %slice3A_513[0] : i32 from vector<1xi32>
        %sub3A_515 = arith.constant 16 : i32
        %sub3A_516 = arith.subi %sub3A_515, %squeeze3A_514 : i32
        %mul3A_517 = arith.constant 16 : i32
        %mul3A_518 = arith.muli %mul3A_517, %scan3A_493 : i32
        %sub3A_519 = arith.constant 255 : i32
        %sub3A_520 = arith.subi %sub3A_519, %mul3A_518 : i32
        %sub3A_521 = arith.subi %sub3A_520, %sub3A_516 : i32
        %select_n3A_522 = arith.select %ge3A_511, %add3A_509, %broadcast_in_dim3A_7 : vector<16xi1>, vector<16xi32>
        %reduce_min3A_523 = arith.constant true
        %reduce_min3A_524 = vector.broadcast %reduce_min3A_523 : i1 to vector<16xi1>
        %reduce_min3A_525 = arith.constant -2147483648 : i32
        %reduce_min3A_526 = vector.broadcast %reduce_min3A_525 : i32 to vector<16xi32>
        %reduce_min3A_527 = arith.xori %select_n3A_522, %reduce_min3A_526 : vector<16xi32>
        %reduce_min3A_528 = tpu.scan <min>, %reduce_min3A_527 masked %reduce_min3A_524 : vector<16xi32>, vector<16xi1> -> vector<16xi32>
        %reduce_min3A_529 = arith.xori %reduce_min3A_528, %reduce_min3A_526 : vector<16xi32>
        %reduce_min3A_530 = vector.extract %reduce_min3A_529[15] : i32 from vector<16xi32>
        %sub3A_531 = arith.subi %add3A_509, %rev3A_504 : vector<16xi32>
        %select_n3A_532 = arith.select %ge3A_511, %sub3A_531, %broadcast_in_dim3A_7 : vector<16xi1>, vector<16xi32>
        %reduce_min3A_533 = arith.constant true
        %reduce_min3A_534 = vector.broadcast %reduce_min3A_533 : i1 to vector<16xi1>
        %reduce_min3A_535 = arith.constant -2147483648 : i32
        %reduce_min3A_536 = vector.broadcast %reduce_min3A_535 : i32 to vector<16xi32>
        %reduce_min3A_537 = arith.xori %select_n3A_532, %reduce_min3A_536 : vector<16xi32>
        %reduce_min3A_538 = tpu.scan <min>, %reduce_min3A_537 masked %reduce_min3A_534 : vector<16xi32>, vector<16xi1> -> vector<16xi32>
        %reduce_min3A_539 = arith.xori %reduce_min3A_538, %reduce_min3A_536 : vector<16xi32>
        %reduce_min3A_540 = vector.extract %reduce_min3A_539[15] : i32 from vector<16xi32>
        %sub3A_541 = arith.subi %reduce_min3A_530, %reduce_min3A_540 : i32
        %gt3A_542 = arith.constant 0 : i32
        %gt3A_543 = arith.cmpi sgt, %squeeze3A_514, %gt3A_542 : i32
        %eq3A_544 = arith.constant 0 : i32
        %eq3A_545 = arith.cmpi eq, %or3A_489, %eq3A_544 : i32
        %and3A_546 = arith.andi %gt3A_543, %eq3A_545 : i1
        %select_n3A_547 = arith.select %and3A_546, %sub3A_521, %select_n3A_481 : i32
        %select_n3A_548 = arith.select %and3A_546, %reduce_min3A_540, %select_n3A_482 : i32
        %select_n3A_549 = arith.select %and3A_546, %sub3A_541, %select_n3A_483 : i32
        %gt3A_550 = arith.constant 0 : i32
        %gt3A_551 = arith.cmpi sgt, %squeeze3A_514, %gt3A_550 : i32
        %jit3A_552 = arith.constant 1 : i32
        %jit3A_553 = arith.constant 0 : i32
        %select_n3A_554 = arith.select %gt3A_551, %jit3A_552, %jit3A_553 : i32
        %or3A_555 = arith.ori %or3A_489, %select_n3A_554 : i32
        %slice3A_556 = vector.extract_strided_slice %add3A_509 {offsets = [15], sizes = [1], strides = [1]} : vector<16xi32> to vector<1xi32>
        %squeeze3A_557 = vector.extract %slice3A_556[0] : i32 from vector<1xi32>
        %scan3A_558 = arith.constant 3 : i32
        %scan3A_559 = arith.addi %scan3A_365, %scan3A_558 : i32
        %mul3A_560 = arith.constant 16 : i32
        %mul3A_561 = arith.muli %mul3A_560, %scan3A_559 : i32
        %sub3A_562 = arith.constant 240 : i32
        %sub3A_563 = arith.subi %sub3A_562, %mul3A_561 : i32
        %get3A_564 = arith.index_cast %sub3A_563 : i32 to index
        %get3A_565 = tpu.vector_load %arg6[%get3A_564] {strides = array<i32>} : memref<256xi32, #tpu.memory_space<vmem>>, vector<16xi32>,
        %rev3A_566 = arith.constant 15 : i32
        %rev3A_567 = vector.broadcast %rev3A_566 : i32 to vector<16xi32>
        %rev3A_568 = tpu.iota {dimensions = array<i32: 0>} : vector<16xi32>
        %rev3A_569 = arith.subi %rev3A_567, %rev3A_568 : vector<16xi32>
        %rev3A_570 = tpu.dynamic_gather %get3A_565[%rev3A_569] in [0] : vector<16xi32>, vector<16xi32> -> vector<16xi32>
        %broadcast_in_dim3A_571 = arith.constant true
        %broadcast_in_dim3A_572 = vector.broadcast %broadcast_in_dim3A_571 : i1 to vector<16xi1>
        %masked_cumsum3A_573 = tpu.scan <sum>, %rev3A_570 masked %broadcast_in_dim3A_572 : vector<16xi32>, vector<16xi1> -> vector<16xi32>
        %add3A_574 = vector.broadcast %squeeze3A_557 : i32 to vector<16xi32>
        %add3A_575 = arith.addi %add3A_574, %masked_cumsum3A_573 : vector<16xi32>
        %ge3A_576 = vector.broadcast %select_n3A : i32 to vector<16xi32>
        %ge3A_577 = arith.cmpi sge, %add3A_575, %ge3A_576 : vector<16xi32>
        %all_reduce_population_count3A_578 = tpu.all_reduce %ge3A_577 {dim = 0 : i64, kind = #tpu.reduction_kind<sum>} : vector<16xi1> -> vector<16xi32>
        %slice3A_579 = vector.extract_strided_slice %all_reduce_population_count3A_578 {offsets = [0], sizes = [1], strides = [1]} : vector<16xi32> to vector<1xi32>
        %squeeze3A_580 = vector.extract %slice3A_579[0] : i32 from vector<1xi32>
        %sub3A_581 = arith.constant 16 : i32
        %sub3A_582 = arith.subi %sub3A_581, %squeeze3A_580 : i32
        %mul3A_583 = arith.constant 16 : i32
        %mul3A_584 = arith.muli %mul3A_583, %scan3A_559 : i32
        %sub3A_585 = arith.constant 255 : i32
        %sub3A_586 = arith.subi %sub3A_585, %mul3A_584 : i32
        %sub3A_587 = arith.subi %sub3A_586, %sub3A_582 : i32
        %select_n3A_588 = arith.select %ge3A_577, %add3A_575, %broadcast_in_dim3A_7 : vector<16xi1>, vector<16xi32>
        %reduce_min3A_589 = arith.constant true
        %reduce_min3A_590 = vector.broadcast %reduce_min3A_589 : i1 to vector<16xi1>
        %reduce_min3A_591 = arith.constant -2147483648 : i32
        %reduce_min3A_592 = vector.broadcast %reduce_min3A_591 : i32 to vector<16xi32>
        %reduce_min3A_593 = arith.xori %select_n3A_588, %reduce_min3A_592 : vector<16xi32>
        %reduce_min3A_594 = tpu.scan <min>, %reduce_min3A_593 masked %reduce_min3A_590 : vector<16xi32>, vector<16xi1> -> vector<16xi32>
        %reduce_min3A_595 = arith.xori %reduce_min3A_594, %reduce_min3A_592 : vector<16xi32>
        %reduce_min3A_596 = vector.extract %reduce_min3A_595[15] : i32 from vector<16xi32>
        %sub3A_597 = arith.subi %add3A_575, %rev3A_570 : vector<16xi32>
        %select_n3A_598 = arith.select %ge3A_577, %sub3A_597, %broadcast_in_dim3A_7 : vector<16xi1>, vector<16xi32>
        %reduce_min3A_599 = arith.constant true
        %reduce_min3A_600 = vector.broadcast %reduce_min3A_599 : i1 to vector<16xi1>
        %reduce_min3A_601 = arith.constant -2147483648 : i32
        %reduce_min3A_602 = vector.broadcast %reduce_min3A_601 : i32 to vector<16xi32>
        %reduce_min3A_603 = arith.xori %select_n3A_598, %reduce_min3A_602 : vector<16xi32>
        %reduce_min3A_604 = tpu.scan <min>, %reduce_min3A_603 masked %reduce_min3A_600 : vector<16xi32>, vector<16xi1> -> vector<16xi32>
        %reduce_min3A_605 = arith.xori %reduce_min3A_604, %reduce_min3A_602 : vector<16xi32>
        %reduce_min3A_606 = vector.extract %reduce_min3A_605[15] : i32 from vector<16xi32>
        %sub3A_607 = arith.subi %reduce_min3A_596, %reduce_min3A_606 : i32
        %gt3A_608 = arith.constant 0 : i32
        %gt3A_609 = arith.cmpi sgt, %squeeze3A_580, %gt3A_608 : i32
        %eq3A_610 = arith.constant 0 : i32
        %eq3A_611 = arith.cmpi eq, %or3A_555, %eq3A_610 : i32
        %and3A_612 = arith.andi %gt3A_609, %eq3A_611 : i1
        %select_n3A_613 = arith.select %and3A_612, %sub3A_587, %select_n3A_547 : i32
        %select_n3A_614 = arith.select %and3A_612, %reduce_min3A_606, %select_n3A_548 : i32
        %select_n3A_615 = arith.select %and3A_612, %sub3A_607, %select_n3A_549 : i32
        %gt3A_616 = arith.constant 0 : i32
        %gt3A_617 = arith.cmpi sgt, %squeeze3A_580, %gt3A_616 : i32
        %jit3A_618 = arith.constant 1 : i32
        %jit3A_619 = arith.constant 0 : i32
        %select_n3A_620 = arith.select %gt3A_617, %jit3A_618, %jit3A_619 : i32
        %or3A_621 = arith.ori %or3A_555, %select_n3A_620 : i32
        %slice3A_622 = vector.extract_strided_slice %add3A_575 {offsets = [15], sizes = [1], strides = [1]} : vector<16xi32> to vector<1xi32>
        %squeeze3A_623 = vector.extract %slice3A_622[0] : i32 from vector<1xi32>
        scf.yield %squeeze3A_623, %or3A_621, %select_n3A_613, %select_n3A_614, %select_n3A_615 : i32, i32, i32, i32, i32
      }
      %scan3A_135 = arith.constant 16 : i32
      "tpu.trace_stop"() : () -> ()
      %sub3A_136 = arith.subi %select_n3A, %scan3A_134#3 : i32
      %swap3A_137 = arith.constant 0 : index
      %swap3A_138 = tpu.vector_load %arg6[%swap3A_137] {strides = array<i32>} : memref<256xi32, #tpu.memory_space<vmem>>, vector<16xi32>,
      tpu.vector_store %arg6[%swap3A_137], %broadcast_in_dim3A_5 {strides = array<i32>} : memref<256xi32, #tpu.memory_space<vmem>>, vector<16xi32>,
      %swap3A_139 = arith.constant 16 : index
      %swap3A_140 = tpu.vector_load %arg6[%swap3A_139] {strides = array<i32>} : memref<256xi32, #tpu.memory_space<vmem>>, vector<16xi32>,
      tpu.vector_store %arg6[%swap3A_139], %broadcast_in_dim3A_5 {strides = array<i32>} : memref<256xi32, #tpu.memory_space<vmem>>, vector<16xi32>,
      %swap3A_141 = arith.constant 32 : index
      %swap3A_142 = tpu.vector_load %arg6[%swap3A_141] {strides = array<i32>} : memref<256xi32, #tpu.memory_space<vmem>>, vector<16xi32>,
      tpu.vector_store %arg6[%swap3A_141], %broadcast_in_dim3A_5 {strides = array<i32>} : memref<256xi32, #tpu.memory_space<vmem>>, vector<16xi32>,
      %swap3A_143 = arith.constant 48 : index
      %swap3A_144 = tpu.vector_load %arg6[%swap3A_143] {strides = array<i32>} : memref<256xi32, #tpu.memory_space<vmem>>, vector<16xi32>,
      tpu.vector_store %arg6[%swap3A_143], %broadcast_in_dim3A_5 {strides = array<i32>} : memref<256xi32, #tpu.memory_space<vmem>>, vector<16xi32>,
      %swap3A_145 = arith.constant 64 : index
      %swap3A_146 = tpu.vector_load %arg6[%swap3A_145] {strides = array<i32>} : memref<256xi32, #tpu.memory_space<vmem>>, vector<16xi32>,
      tpu.vector_store %arg6[%swap3A_145], %broadcast_in_dim3A_5 {strides = array<i32>} : memref<256xi32, #tpu.memory_space<vmem>>, vector<16xi32>,
      %swap3A_147 = arith.constant 80 : index
      %swap3A_148 = tpu.vector_load %arg6[%swap3A_147] {strides = array<i32>} : memref<256xi32, #tpu.memory_space<vmem>>, vector<16xi32>,
      tpu.vector_store %arg6[%swap3A_147], %broadcast_in_dim3A_5 {strides = array<i32>} : memref<256xi32, #tpu.memory_space<vmem>>, vector<16xi32>,
      %swap3A_149 = arith.constant 96 : index
      %swap3A_150 = tpu.vector_load %arg6[%swap3A_149] {strides = array<i32>} : memref<256xi32, #tpu.memory_space<vmem>>, vector<16xi32>,
      tpu.vector_store %arg6[%swap3A_149], %broadcast_in_dim3A_5 {strides = array<i32>} : memref<256xi32, #tpu.memory_space<vmem>>, vector<16xi32>,
      %swap3A_151 = arith.constant 112 : index
      %swap3A_152 = tpu.vector_load %arg6[%swap3A_151] {strides = array<i32>} : memref<256xi32, #tpu.memory_space<vmem>>, vector<16xi32>,
      tpu.vector_store %arg6[%swap3A_151], %broadcast_in_dim3A_5 {strides = array<i32>} : memref<256xi32, #tpu.memory_space<vmem>>, vector<16xi32>,
      %swap3A_153 = arith.constant 128 : index
      %swap3A_154 = tpu.vector_load %arg6[%swap3A_153] {strides = array<i32>} : memref<256xi32, #tpu.memory_space<vmem>>, vector<16xi32>,
      tpu.vector_store %arg6[%swap3A_153], %broadcast_in_dim3A_5 {strides = array<i32>} : memref<256xi32, #tpu.memory_space<vmem>>, vector<16xi32>,
      %swap3A_155 = arith.constant 144 : index
      %swap3A_156 = tpu.vector_load %arg6[%swap3A_155] {strides = array<i32>} : memref<256xi32, #tpu.memory_space<vmem>>, vector<16xi32>,
      tpu.vector_store %arg6[%swap3A_155], %broadcast_in_dim3A_5 {strides = array<i32>} : memref<256xi32, #tpu.memory_space<vmem>>, vector<16xi32>,
      %swap3A_157 = arith.constant 160 : index
      %swap3A_158 = tpu.vector_load %arg6[%swap3A_157] {strides = array<i32>} : memref<256xi32, #tpu.memory_space<vmem>>, vector<16xi32>,
      tpu.vector_store %arg6[%swap3A_157], %broadcast_in_dim3A_5 {strides = array<i32>} : memref<256xi32, #tpu.memory_space<vmem>>, vector<16xi32>,
      %swap3A_159 = arith.constant 176 : index
      %swap3A_160 = tpu.vector_load %arg6[%swap3A_159] {strides = array<i32>} : memref<256xi32, #tpu.memory_space<vmem>>, vector<16xi32>,
      tpu.vector_store %arg6[%swap3A_159], %broadcast_in_dim3A_5 {strides = array<i32>} : memref<256xi32, #tpu.memory_space<vmem>>, vector<16xi32>,
      %swap3A_161 = arith.constant 192 : index
      %swap3A_162 = tpu.vector_load %arg6[%swap3A_161] {strides = array<i32>} : memref<256xi32, #tpu.memory_space<vmem>>, vector<16xi32>,
      tpu.vector_store %arg6[%swap3A_161], %broadcast_in_dim3A_5 {strides = array<i32>} : memref<256xi32, #tpu.memory_space<vmem>>, vector<16xi32>,
      %swap3A_163 = arith.constant 208 : index
      %swap3A_164 = tpu.vector_load %arg6[%swap3A_163] {strides = array<i32>} : memref<256xi32, #tpu.memory_space<vmem>>, vector<16xi32>,
      tpu.vector_store %arg6[%swap3A_163], %broadcast_in_dim3A_5 {strides = array<i32>} : memref<256xi32, #tpu.memory_space<vmem>>, vector<16xi32>,
      %swap3A_165 = arith.constant 224 : index
      %swap3A_166 = tpu.vector_load %arg6[%swap3A_165] {strides = array<i32>} : memref<256xi32, #tpu.memory_space<vmem>>, vector<16xi32>,
      tpu.vector_store %arg6[%swap3A_165], %broadcast_in_dim3A_5 {strides = array<i32>} : memref<256xi32, #tpu.memory_space<vmem>>, vector<16xi32>,
      %swap3A_167 = arith.constant 240 : index
      %swap3A_168 = tpu.vector_load %arg6[%swap3A_167] {strides = array<i32>} : memref<256xi32, #tpu.memory_space<vmem>>, vector<16xi32>,
      tpu.vector_store %arg6[%swap3A_167], %broadcast_in_dim3A_5 {strides = array<i32>} : memref<256xi32, #tpu.memory_space<vmem>>, vector<16xi32>,
      %parallel_loop3A_169 = arith.constant 0 : i32
      %parallel_loop3A_170 = arith.constant 128 : i32
      %parallel_loop3A_171 = arith.constant 1 : i32
      %parallel_loop3A_172 = arith.constant 0 : i32
      "tpu.trace_start"() <{level = 10 : i32, message = "ph_hist2"}> : () -> ()
      %parallel_loop3A_173 = scf.for %parallel_loop3A_365 = %parallel_loop3A_169 to %parallel_loop3A_170 step %parallel_loop3A_171 iter_args(%parallel_loop3A_366 = %parallel_loop3A_172) -> (i32)  : i32 {
        %parallel_loop3A_367 = arith.constant 16 : i32
        %parallel_loop3A_368 = arith.muli %parallel_loop3A_365, %parallel_loop3A_367 : i32
        %parallel_loop3A_369 = arith.index_cast %parallel_loop3A_368 : i32 to index
        %parallel_loop3A_370 = tpu.vector_load %arg5[%parallel_loop3A_369] {strides = array<i32>} : memref<2048xi32, #tpu.memory_space<vmem>>, vector<16xi32>,
        %parallel_loop3A_371 = arith.constant -2147483648 : i32
        %parallel_loop3A_372 = vector.broadcast %parallel_loop3A_371 : i32 to vector<16xi32>
        %parallel_loop3A_373 = arith.xori %parallel_loop3A_370, %parallel_loop3A_372 : vector<16xi32>
        %parallel_loop3A_374 = arith.constant 16 : i32
        %parallel_loop3A_375 = vector.broadcast %parallel_loop3A_374 : i32 to vector<16xi32>
        %parallel_loop3A_376 = arith.shrui %parallel_loop3A_373, %parallel_loop3A_375 : vector<16xi32>
        %parallel_loop3A_377 = arith.constant 255 : i32
        %parallel_loop3A_378 = vector.broadcast %parallel_loop3A_377 : i32 to vector<16xi32>
        %parallel_loop3A_379 = arith.andi %parallel_loop3A_376, %parallel_loop3A_378 : vector<16xi32>
        %parallel_loop3A_380 = arith.constant 24 : i32
        %parallel_loop3A_381 = vector.broadcast %parallel_loop3A_380 : i32 to vector<16xi32>
        %parallel_loop3A_382 = arith.shrui %parallel_loop3A_373, %parallel_loop3A_381 : vector<16xi32>
        %parallel_loop3A_383 = vector.broadcast %scan3A_134#2 : i32 to vector<16xi32>
        %parallel_loop3A_384 = arith.cmpi eq, %parallel_loop3A_382, %parallel_loop3A_383 : vector<16xi32>
        tpu.vector_store_idx %arg6[%parallel_loop3A_379], %broadcast_in_dim3A_3 masked %parallel_loop3A_384 {add = true} : memref<256xi32, #tpu.memory_space<vmem>>[vector<16xi32>], vector<16xi32>, vector<16xi1>
        %parallel_loop3A_385 = arith.index_cast %parallel_loop3A_366 : i32 to index
        %parallel_loop3A_386 = tpu.vector_load %arg7[%parallel_loop3A_385] masked %parallel_loop3A_384 {strides = array<i32>} : memref<2064xi32, #tpu.memory_space<vmem>>, vector<16xi32>, vector<16xi1>
        tpu.vector_store %arg7[%parallel_loop3A_385], %parallel_loop3A_370 masked %parallel_loop3A_384 {strides = array<i32>} : memref<2064xi32, #tpu.memory_space<vmem>>, vector<16xi32>, vector<16xi1>
        %parallel_loop3A_387 = tpu.all_reduce %parallel_loop3A_384 {dim = 0 : i64, kind = #tpu.reduction_kind<sum>} : vector<16xi1> -> vector<16xi32>
        %parallel_loop3A_388 = vector.extract_strided_slice %parallel_loop3A_387 {offsets = [0], sizes = [1], strides = [1]} : vector<16xi32> to vector<1xi32>
        %parallel_loop3A_389 = vector.extract %parallel_loop3A_388[0] : i32 from vector<1xi32>
        %parallel_loop3A_390 = arith.addi %parallel_loop3A_366, %parallel_loop3A_389 : i32
        scf.yield %parallel_loop3A_390 : i32
      } {sc.loop_unroll_factor = 8 : i64, sc.parallel_access}
      "tpu.trace_stop"() : () -> ()
      "tpu.trace_start"() <{level = 10 : i32, message = "ph_pick"}> : () -> ()
      %scan3A_174 = arith.constant 0 : i32
      %scan3A_175 = arith.constant 0 : i32
      %scan3A_176 = arith.constant 0 : i32
      %scan3A_177 = arith.constant 0 : i32
      %scan3A_178 = arith.constant 0 : i32
      %scan3A_179 = arith.constant 0 : i32
      %scan3A_180 = arith.constant 16 : i32
      %scan3A_181 = arith.addi %scan3A_179, %scan3A_180 : i32
      %scan3A_182 = arith.constant 4 : i32
      %scan3A_183:5 = scf.for %scan3A_365 = %scan3A_179 to %scan3A_181 step %scan3A_182 iter_args(%scan3A_366 = %scan3A_174, %scan3A_367 = %scan3A_175, %scan3A_368 = %scan3A_176, %scan3A_369 = %scan3A_177, %scan3A_370 = %scan3A_178) -> (i32, i32, i32, i32, i32)  : i32 {
        %mul3A_371 = arith.constant 16 : i32
        %mul3A_372 = arith.muli %mul3A_371, %scan3A_365 : i32
        %sub3A_373 = arith.constant 240 : i32
        %sub3A_374 = arith.subi %sub3A_373, %mul3A_372 : i32
        %get3A = arith.index_cast %sub3A_374 : i32 to index
        %get3A_375 = tpu.vector_load %arg6[%get3A] {strides = array<i32>} : memref<256xi32, #tpu.memory_space<vmem>>, vector<16xi32>,
        %rev3A = arith.constant 15 : i32
        %rev3A_376 = vector.broadcast %rev3A : i32 to vector<16xi32>
        %rev3A_377 = tpu.iota {dimensions = array<i32: 0>} : vector<16xi32>
        %rev3A_378 = arith.subi %rev3A_376, %rev3A_377 : vector<16xi32>
        %rev3A_379 = tpu.dynamic_gather %get3A_375[%rev3A_378] in [0] : vector<16xi32>, vector<16xi32> -> vector<16xi32>
        %broadcast_in_dim3A_380 = arith.constant true
        %broadcast_in_dim3A_381 = vector.broadcast %broadcast_in_dim3A_380 : i1 to vector<16xi1>
        %masked_cumsum3A = tpu.scan <sum>, %rev3A_379 masked %broadcast_in_dim3A_381 : vector<16xi32>, vector<16xi1> -> vector<16xi32>
        %add3A_382 = vector.broadcast %scan3A_366 : i32 to vector<16xi32>
        %add3A_383 = arith.addi %add3A_382, %masked_cumsum3A : vector<16xi32>
        %ge3A = vector.broadcast %sub3A_136 : i32 to vector<16xi32>
        %ge3A_384 = arith.cmpi sge, %add3A_383, %ge3A : vector<16xi32>
        %all_reduce_population_count3A = tpu.all_reduce %ge3A_384 {dim = 0 : i64, kind = #tpu.reduction_kind<sum>} : vector<16xi1> -> vector<16xi32>
        %slice3A = vector.extract_strided_slice %all_reduce_population_count3A {offsets = [0], sizes = [1], strides = [1]} : vector<16xi32> to vector<1xi32>
        %squeeze3A = vector.extract %slice3A[0] : i32 from vector<1xi32>
        %sub3A_385 = arith.constant 16 : i32
        %sub3A_386 = arith.subi %sub3A_385, %squeeze3A : i32
        %mul3A_387 = arith.constant 16 : i32
        %mul3A_388 = arith.muli %mul3A_387, %scan3A_365 : i32
        %sub3A_389 = arith.constant 255 : i32
        %sub3A_390 = arith.subi %sub3A_389, %mul3A_388 : i32
        %sub3A_391 = arith.subi %sub3A_390, %sub3A_386 : i32
        %select_n3A_392 = arith.select %ge3A_384, %add3A_383, %broadcast_in_dim3A_7 : vector<16xi1>, vector<16xi32>
        %reduce_min3A = arith.constant true
        %reduce_min3A_393 = vector.broadcast %reduce_min3A : i1 to vector<16xi1>
        %reduce_min3A_394 = arith.constant -2147483648 : i32
        %reduce_min3A_395 = vector.broadcast %reduce_min3A_394 : i32 to vector<16xi32>
        %reduce_min3A_396 = arith.xori %select_n3A_392, %reduce_min3A_395 : vector<16xi32>
        %reduce_min3A_397 = tpu.scan <min>, %reduce_min3A_396 masked %reduce_min3A_393 : vector<16xi32>, vector<16xi1> -> vector<16xi32>
        %reduce_min3A_398 = arith.xori %reduce_min3A_397, %reduce_min3A_395 : vector<16xi32>
        %reduce_min3A_399 = vector.extract %reduce_min3A_398[15] : i32 from vector<16xi32>
        %sub3A_400 = arith.subi %add3A_383, %rev3A_379 : vector<16xi32>
        %select_n3A_401 = arith.select %ge3A_384, %sub3A_400, %broadcast_in_dim3A_7 : vector<16xi1>, vector<16xi32>
        %reduce_min3A_402 = arith.constant true
        %reduce_min3A_403 = vector.broadcast %reduce_min3A_402 : i1 to vector<16xi1>
        %reduce_min3A_404 = arith.constant -2147483648 : i32
        %reduce_min3A_405 = vector.broadcast %reduce_min3A_404 : i32 to vector<16xi32>
        %reduce_min3A_406 = arith.xori %select_n3A_401, %reduce_min3A_405 : vector<16xi32>
        %reduce_min3A_407 = tpu.scan <min>, %reduce_min3A_406 masked %reduce_min3A_403 : vector<16xi32>, vector<16xi1> -> vector<16xi32>
        %reduce_min3A_408 = arith.xori %reduce_min3A_407, %reduce_min3A_405 : vector<16xi32>
        %reduce_min3A_409 = vector.extract %reduce_min3A_408[15] : i32 from vector<16xi32>
        %sub3A_410 = arith.subi %reduce_min3A_399, %reduce_min3A_409 : i32
        %gt3A = arith.constant 0 : i32
        %gt3A_411 = arith.cmpi sgt, %squeeze3A, %gt3A : i32
        %eq3A_412 = arith.constant 0 : i32
        %eq3A_413 = arith.cmpi eq, %scan3A_367, %eq3A_412 : i32
        %and3A_414 = arith.andi %gt3A_411, %eq3A_413 : i1
        %select_n3A_415 = arith.select %and3A_414, %sub3A_391, %scan3A_368 : i32
        %select_n3A_416 = arith.select %and3A_414, %reduce_min3A_409, %scan3A_369 : i32
        %select_n3A_417 = arith.select %and3A_414, %sub3A_410, %scan3A_370 : i32
        %gt3A_418 = arith.constant 0 : i32
        %gt3A_419 = arith.cmpi sgt, %squeeze3A, %gt3A_418 : i32
        %jit3A_420 = arith.constant 1 : i32
        %jit3A_421 = arith.constant 0 : i32
        %select_n3A_422 = arith.select %gt3A_419, %jit3A_420, %jit3A_421 : i32
        %or3A_423 = arith.ori %scan3A_367, %select_n3A_422 : i32
        %slice3A_424 = vector.extract_strided_slice %add3A_383 {offsets = [15], sizes = [1], strides = [1]} : vector<16xi32> to vector<1xi32>
        %squeeze3A_425 = vector.extract %slice3A_424[0] : i32 from vector<1xi32>
        %scan3A_426 = arith.constant 1 : i32
        %scan3A_427 = arith.addi %scan3A_365, %scan3A_426 : i32
        %mul3A_428 = arith.constant 16 : i32
        %mul3A_429 = arith.muli %mul3A_428, %scan3A_427 : i32
        %sub3A_430 = arith.constant 240 : i32
        %sub3A_431 = arith.subi %sub3A_430, %mul3A_429 : i32
        %get3A_432 = arith.index_cast %sub3A_431 : i32 to index
        %get3A_433 = tpu.vector_load %arg6[%get3A_432] {strides = array<i32>} : memref<256xi32, #tpu.memory_space<vmem>>, vector<16xi32>,
        %rev3A_434 = arith.constant 15 : i32
        %rev3A_435 = vector.broadcast %rev3A_434 : i32 to vector<16xi32>
        %rev3A_436 = tpu.iota {dimensions = array<i32: 0>} : vector<16xi32>
        %rev3A_437 = arith.subi %rev3A_435, %rev3A_436 : vector<16xi32>
        %rev3A_438 = tpu.dynamic_gather %get3A_433[%rev3A_437] in [0] : vector<16xi32>, vector<16xi32> -> vector<16xi32>
        %broadcast_in_dim3A_439 = arith.constant true
        %broadcast_in_dim3A_440 = vector.broadcast %broadcast_in_dim3A_439 : i1 to vector<16xi1>
        %masked_cumsum3A_441 = tpu.scan <sum>, %rev3A_438 masked %broadcast_in_dim3A_440 : vector<16xi32>, vector<16xi1> -> vector<16xi32>
        %add3A_442 = vector.broadcast %squeeze3A_425 : i32 to vector<16xi32>
        %add3A_443 = arith.addi %add3A_442, %masked_cumsum3A_441 : vector<16xi32>
        %ge3A_444 = vector.broadcast %sub3A_136 : i32 to vector<16xi32>
        %ge3A_445 = arith.cmpi sge, %add3A_443, %ge3A_444 : vector<16xi32>
        %all_reduce_population_count3A_446 = tpu.all_reduce %ge3A_445 {dim = 0 : i64, kind = #tpu.reduction_kind<sum>} : vector<16xi1> -> vector<16xi32>
        %slice3A_447 = vector.extract_strided_slice %all_reduce_population_count3A_446 {offsets = [0], sizes = [1], strides = [1]} : vector<16xi32> to vector<1xi32>
        %squeeze3A_448 = vector.extract %slice3A_447[0] : i32 from vector<1xi32>
        %sub3A_449 = arith.constant 16 : i32
        %sub3A_450 = arith.subi %sub3A_449, %squeeze3A_448 : i32
        %mul3A_451 = arith.constant 16 : i32
        %mul3A_452 = arith.muli %mul3A_451, %scan3A_427 : i32
        %sub3A_453 = arith.constant 255 : i32
        %sub3A_454 = arith.subi %sub3A_453, %mul3A_452 : i32
        %sub3A_455 = arith.subi %sub3A_454, %sub3A_450 : i32
        %select_n3A_456 = arith.select %ge3A_445, %add3A_443, %broadcast_in_dim3A_7 : vector<16xi1>, vector<16xi32>
        %reduce_min3A_457 = arith.constant true
        %reduce_min3A_458 = vector.broadcast %reduce_min3A_457 : i1 to vector<16xi1>
        %reduce_min3A_459 = arith.constant -2147483648 : i32
        %reduce_min3A_460 = vector.broadcast %reduce_min3A_459 : i32 to vector<16xi32>
        %reduce_min3A_461 = arith.xori %select_n3A_456, %reduce_min3A_460 : vector<16xi32>
        %reduce_min3A_462 = tpu.scan <min>, %reduce_min3A_461 masked %reduce_min3A_458 : vector<16xi32>, vector<16xi1> -> vector<16xi32>
        %reduce_min3A_463 = arith.xori %reduce_min3A_462, %reduce_min3A_460 : vector<16xi32>
        %reduce_min3A_464 = vector.extract %reduce_min3A_463[15] : i32 from vector<16xi32>
        %sub3A_465 = arith.subi %add3A_443, %rev3A_438 : vector<16xi32>
        %select_n3A_466 = arith.select %ge3A_445, %sub3A_465, %broadcast_in_dim3A_7 : vector<16xi1>, vector<16xi32>
        %reduce_min3A_467 = arith.constant true
        %reduce_min3A_468 = vector.broadcast %reduce_min3A_467 : i1 to vector<16xi1>
        %reduce_min3A_469 = arith.constant -2147483648 : i32
        %reduce_min3A_470 = vector.broadcast %reduce_min3A_469 : i32 to vector<16xi32>
        %reduce_min3A_471 = arith.xori %select_n3A_466, %reduce_min3A_470 : vector<16xi32>
        %reduce_min3A_472 = tpu.scan <min>, %reduce_min3A_471 masked %reduce_min3A_468 : vector<16xi32>, vector<16xi1> -> vector<16xi32>
        %reduce_min3A_473 = arith.xori %reduce_min3A_472, %reduce_min3A_470 : vector<16xi32>
        %reduce_min3A_474 = vector.extract %reduce_min3A_473[15] : i32 from vector<16xi32>
        %sub3A_475 = arith.subi %reduce_min3A_464, %reduce_min3A_474 : i32
        %gt3A_476 = arith.constant 0 : i32
        %gt3A_477 = arith.cmpi sgt, %squeeze3A_448, %gt3A_476 : i32
        %eq3A_478 = arith.constant 0 : i32
        %eq3A_479 = arith.cmpi eq, %or3A_423, %eq3A_478 : i32
        %and3A_480 = arith.andi %gt3A_477, %eq3A_479 : i1
        %select_n3A_481 = arith.select %and3A_480, %sub3A_455, %select_n3A_415 : i32
        %select_n3A_482 = arith.select %and3A_480, %reduce_min3A_474, %select_n3A_416 : i32
        %select_n3A_483 = arith.select %and3A_480, %sub3A_475, %select_n3A_417 : i32
        %gt3A_484 = arith.constant 0 : i32
        %gt3A_485 = arith.cmpi sgt, %squeeze3A_448, %gt3A_484 : i32
        %jit3A_486 = arith.constant 1 : i32
        %jit3A_487 = arith.constant 0 : i32
        %select_n3A_488 = arith.select %gt3A_485, %jit3A_486, %jit3A_487 : i32
        %or3A_489 = arith.ori %or3A_423, %select_n3A_488 : i32
        %slice3A_490 = vector.extract_strided_slice %add3A_443 {offsets = [15], sizes = [1], strides = [1]} : vector<16xi32> to vector<1xi32>
        %squeeze3A_491 = vector.extract %slice3A_490[0] : i32 from vector<1xi32>
        %scan3A_492 = arith.constant 2 : i32
        %scan3A_493 = arith.addi %scan3A_365, %scan3A_492 : i32
        %mul3A_494 = arith.constant 16 : i32
        %mul3A_495 = arith.muli %mul3A_494, %scan3A_493 : i32
        %sub3A_496 = arith.constant 240 : i32
        %sub3A_497 = arith.subi %sub3A_496, %mul3A_495 : i32
        %get3A_498 = arith.index_cast %sub3A_497 : i32 to index
        %get3A_499 = tpu.vector_load %arg6[%get3A_498] {strides = array<i32>} : memref<256xi32, #tpu.memory_space<vmem>>, vector<16xi32>,
        %rev3A_500 = arith.constant 15 : i32
        %rev3A_501 = vector.broadcast %rev3A_500 : i32 to vector<16xi32>
        %rev3A_502 = tpu.iota {dimensions = array<i32: 0>} : vector<16xi32>
        %rev3A_503 = arith.subi %rev3A_501, %rev3A_502 : vector<16xi32>
        %rev3A_504 = tpu.dynamic_gather %get3A_499[%rev3A_503] in [0] : vector<16xi32>, vector<16xi32> -> vector<16xi32>
        %broadcast_in_dim3A_505 = arith.constant true
        %broadcast_in_dim3A_506 = vector.broadcast %broadcast_in_dim3A_505 : i1 to vector<16xi1>
        %masked_cumsum3A_507 = tpu.scan <sum>, %rev3A_504 masked %broadcast_in_dim3A_506 : vector<16xi32>, vector<16xi1> -> vector<16xi32>
        %add3A_508 = vector.broadcast %squeeze3A_491 : i32 to vector<16xi32>
        %add3A_509 = arith.addi %add3A_508, %masked_cumsum3A_507 : vector<16xi32>
        %ge3A_510 = vector.broadcast %sub3A_136 : i32 to vector<16xi32>
        %ge3A_511 = arith.cmpi sge, %add3A_509, %ge3A_510 : vector<16xi32>
        %all_reduce_population_count3A_512 = tpu.all_reduce %ge3A_511 {dim = 0 : i64, kind = #tpu.reduction_kind<sum>} : vector<16xi1> -> vector<16xi32>
        %slice3A_513 = vector.extract_strided_slice %all_reduce_population_count3A_512 {offsets = [0], sizes = [1], strides = [1]} : vector<16xi32> to vector<1xi32>
        %squeeze3A_514 = vector.extract %slice3A_513[0] : i32 from vector<1xi32>
        %sub3A_515 = arith.constant 16 : i32
        %sub3A_516 = arith.subi %sub3A_515, %squeeze3A_514 : i32
        %mul3A_517 = arith.constant 16 : i32
        %mul3A_518 = arith.muli %mul3A_517, %scan3A_493 : i32
        %sub3A_519 = arith.constant 255 : i32
        %sub3A_520 = arith.subi %sub3A_519, %mul3A_518 : i32
        %sub3A_521 = arith.subi %sub3A_520, %sub3A_516 : i32
        %select_n3A_522 = arith.select %ge3A_511, %add3A_509, %broadcast_in_dim3A_7 : vector<16xi1>, vector<16xi32>
        %reduce_min3A_523 = arith.constant true
        %reduce_min3A_524 = vector.broadcast %reduce_min3A_523 : i1 to vector<16xi1>
        %reduce_min3A_525 = arith.constant -2147483648 : i32
        %reduce_min3A_526 = vector.broadcast %reduce_min3A_525 : i32 to vector<16xi32>
        %reduce_min3A_527 = arith.xori %select_n3A_522, %reduce_min3A_526 : vector<16xi32>
        %reduce_min3A_528 = tpu.scan <min>, %reduce_min3A_527 masked %reduce_min3A_524 : vector<16xi32>, vector<16xi1> -> vector<16xi32>
        %reduce_min3A_529 = arith.xori %reduce_min3A_528, %reduce_min3A_526 : vector<16xi32>
        %reduce_min3A_530 = vector.extract %reduce_min3A_529[15] : i32 from vector<16xi32>
        %sub3A_531 = arith.subi %add3A_509, %rev3A_504 : vector<16xi32>
        %select_n3A_532 = arith.select %ge3A_511, %sub3A_531, %broadcast_in_dim3A_7 : vector<16xi1>, vector<16xi32>
        %reduce_min3A_533 = arith.constant true
        %reduce_min3A_534 = vector.broadcast %reduce_min3A_533 : i1 to vector<16xi1>
        %reduce_min3A_535 = arith.constant -2147483648 : i32
        %reduce_min3A_536 = vector.broadcast %reduce_min3A_535 : i32 to vector<16xi32>
        %reduce_min3A_537 = arith.xori %select_n3A_532, %reduce_min3A_536 : vector<16xi32>
        %reduce_min3A_538 = tpu.scan <min>, %reduce_min3A_537 masked %reduce_min3A_534 : vector<16xi32>, vector<16xi1> -> vector<16xi32>
        %reduce_min3A_539 = arith.xori %reduce_min3A_538, %reduce_min3A_536 : vector<16xi32>
        %reduce_min3A_540 = vector.extract %reduce_min3A_539[15] : i32 from vector<16xi32>
        %sub3A_541 = arith.subi %reduce_min3A_530, %reduce_min3A_540 : i32
        %gt3A_542 = arith.constant 0 : i32
        %gt3A_543 = arith.cmpi sgt, %squeeze3A_514, %gt3A_542 : i32
        %eq3A_544 = arith.constant 0 : i32
        %eq3A_545 = arith.cmpi eq, %or3A_489, %eq3A_544 : i32
        %and3A_546 = arith.andi %gt3A_543, %eq3A_545 : i1
        %select_n3A_547 = arith.select %and3A_546, %sub3A_521, %select_n3A_481 : i32
        %select_n3A_548 = arith.select %and3A_546, %reduce_min3A_540, %select_n3A_482 : i32
        %select_n3A_549 = arith.select %and3A_546, %sub3A_541, %select_n3A_483 : i32
        %gt3A_550 = arith.constant 0 : i32
        %gt3A_551 = arith.cmpi sgt, %squeeze3A_514, %gt3A_550 : i32
        %jit3A_552 = arith.constant 1 : i32
        %jit3A_553 = arith.constant 0 : i32
        %select_n3A_554 = arith.select %gt3A_551, %jit3A_552, %jit3A_553 : i32
        %or3A_555 = arith.ori %or3A_489, %select_n3A_554 : i32
        %slice3A_556 = vector.extract_strided_slice %add3A_509 {offsets = [15], sizes = [1], strides = [1]} : vector<16xi32> to vector<1xi32>
        %squeeze3A_557 = vector.extract %slice3A_556[0] : i32 from vector<1xi32>
        %scan3A_558 = arith.constant 3 : i32
        %scan3A_559 = arith.addi %scan3A_365, %scan3A_558 : i32
        %mul3A_560 = arith.constant 16 : i32
        %mul3A_561 = arith.muli %mul3A_560, %scan3A_559 : i32
        %sub3A_562 = arith.constant 240 : i32
        %sub3A_563 = arith.subi %sub3A_562, %mul3A_561 : i32
        %get3A_564 = arith.index_cast %sub3A_563 : i32 to index
        %get3A_565 = tpu.vector_load %arg6[%get3A_564] {strides = array<i32>} : memref<256xi32, #tpu.memory_space<vmem>>, vector<16xi32>,
        %rev3A_566 = arith.constant 15 : i32
        %rev3A_567 = vector.broadcast %rev3A_566 : i32 to vector<16xi32>
        %rev3A_568 = tpu.iota {dimensions = array<i32: 0>} : vector<16xi32>
        %rev3A_569 = arith.subi %rev3A_567, %rev3A_568 : vector<16xi32>
        %rev3A_570 = tpu.dynamic_gather %get3A_565[%rev3A_569] in [0] : vector<16xi32>, vector<16xi32> -> vector<16xi32>
        %broadcast_in_dim3A_571 = arith.constant true
        %broadcast_in_dim3A_572 = vector.broadcast %broadcast_in_dim3A_571 : i1 to vector<16xi1>
        %masked_cumsum3A_573 = tpu.scan <sum>, %rev3A_570 masked %broadcast_in_dim3A_572 : vector<16xi32>, vector<16xi1> -> vector<16xi32>
        %add3A_574 = vector.broadcast %squeeze3A_557 : i32 to vector<16xi32>
        %add3A_575 = arith.addi %add3A_574, %masked_cumsum3A_573 : vector<16xi32>
        %ge3A_576 = vector.broadcast %sub3A_136 : i32 to vector<16xi32>
        %ge3A_577 = arith.cmpi sge, %add3A_575, %ge3A_576 : vector<16xi32>
        %all_reduce_population_count3A_578 = tpu.all_reduce %ge3A_577 {dim = 0 : i64, kind = #tpu.reduction_kind<sum>} : vector<16xi1> -> vector<16xi32>
        %slice3A_579 = vector.extract_strided_slice %all_reduce_population_count3A_578 {offsets = [0], sizes = [1], strides = [1]} : vector<16xi32> to vector<1xi32>
        %squeeze3A_580 = vector.extract %slice3A_579[0] : i32 from vector<1xi32>
        %sub3A_581 = arith.constant 16 : i32
        %sub3A_582 = arith.subi %sub3A_581, %squeeze3A_580 : i32
        %mul3A_583 = arith.constant 16 : i32
        %mul3A_584 = arith.muli %mul3A_583, %scan3A_559 : i32
        %sub3A_585 = arith.constant 255 : i32
        %sub3A_586 = arith.subi %sub3A_585, %mul3A_584 : i32
        %sub3A_587 = arith.subi %sub3A_586, %sub3A_582 : i32
        %select_n3A_588 = arith.select %ge3A_577, %add3A_575, %broadcast_in_dim3A_7 : vector<16xi1>, vector<16xi32>
        %reduce_min3A_589 = arith.constant true
        %reduce_min3A_590 = vector.broadcast %reduce_min3A_589 : i1 to vector<16xi1>
        %reduce_min3A_591 = arith.constant -2147483648 : i32
        %reduce_min3A_592 = vector.broadcast %reduce_min3A_591 : i32 to vector<16xi32>
        %reduce_min3A_593 = arith.xori %select_n3A_588, %reduce_min3A_592 : vector<16xi32>
        %reduce_min3A_594 = tpu.scan <min>, %reduce_min3A_593 masked %reduce_min3A_590 : vector<16xi32>, vector<16xi1> -> vector<16xi32>
        %reduce_min3A_595 = arith.xori %reduce_min3A_594, %reduce_min3A_592 : vector<16xi32>
        %reduce_min3A_596 = vector.extract %reduce_min3A_595[15] : i32 from vector<16xi32>
        %sub3A_597 = arith.subi %add3A_575, %rev3A_570 : vector<16xi32>
        %select_n3A_598 = arith.select %ge3A_577, %sub3A_597, %broadcast_in_dim3A_7 : vector<16xi1>, vector<16xi32>
        %reduce_min3A_599 = arith.constant true
        %reduce_min3A_600 = vector.broadcast %reduce_min3A_599 : i1 to vector<16xi1>
        %reduce_min3A_601 = arith.constant -2147483648 : i32
        %reduce_min3A_602 = vector.broadcast %reduce_min3A_601 : i32 to vector<16xi32>
        %reduce_min3A_603 = arith.xori %select_n3A_598, %reduce_min3A_602 : vector<16xi32>
        %reduce_min3A_604 = tpu.scan <min>, %reduce_min3A_603 masked %reduce_min3A_600 : vector<16xi32>, vector<16xi1> -> vector<16xi32>
        %reduce_min3A_605 = arith.xori %reduce_min3A_604, %reduce_min3A_602 : vector<16xi32>
        %reduce_min3A_606 = vector.extract %reduce_min3A_605[15] : i32 from vector<16xi32>
        %sub3A_607 = arith.subi %reduce_min3A_596, %reduce_min3A_606 : i32
        %gt3A_608 = arith.constant 0 : i32
        %gt3A_609 = arith.cmpi sgt, %squeeze3A_580, %gt3A_608 : i32
        %eq3A_610 = arith.constant 0 : i32
        %eq3A_611 = arith.cmpi eq, %or3A_555, %eq3A_610 : i32
        %and3A_612 = arith.andi %gt3A_609, %eq3A_611 : i1
        %select_n3A_613 = arith.select %and3A_612, %sub3A_587, %select_n3A_547 : i32
        %select_n3A_614 = arith.select %and3A_612, %reduce_min3A_606, %select_n3A_548 : i32
        %select_n3A_615 = arith.select %and3A_612, %sub3A_607, %select_n3A_549 : i32
        %gt3A_616 = arith.constant 0 : i32
        %gt3A_617 = arith.cmpi sgt, %squeeze3A_580, %gt3A_616 : i32
        %jit3A_618 = arith.constant 1 : i32
        %jit3A_619 = arith.constant 0 : i32
        %select_n3A_620 = arith.select %gt3A_617, %jit3A_618, %jit3A_619 : i32
        %or3A_621 = arith.ori %or3A_555, %select_n3A_620 : i32
        %slice3A_622 = vector.extract_strided_slice %add3A_575 {offsets = [15], sizes = [1], strides = [1]} : vector<16xi32> to vector<1xi32>
        %squeeze3A_623 = vector.extract %slice3A_622[0] : i32 from vector<1xi32>
        scf.yield %squeeze3A_623, %or3A_621, %select_n3A_613, %select_n3A_614, %select_n3A_615 : i32, i32, i32, i32, i32
      }
      %scan3A_184 = arith.constant 16 : i32
      "tpu.trace_stop"() : () -> ()
      %shift_left3A = arith.constant 8 : i32
      %shift_left3A_185 = arith.shli %scan3A_134#2, %shift_left3A : i32
      %or3A = arith.ori %shift_left3A_185, %scan3A_183#2 : i32
      %sub3A_186 = arith.subi %sub3A_136, %scan3A_183#3 : i32
      %swap3A_187 = arith.constant 0 : index
      %swap3A_188 = tpu.vector_load %arg6[%swap3A_187] {strides = array<i32>} : memref<256xi32, #tpu.memory_space<vmem>>, vector<16xi32>,
      tpu.vector_store %arg6[%swap3A_187], %broadcast_in_dim3A_5 {strides = array<i32>} : memref<256xi32, #tpu.memory_space<vmem>>, vector<16xi32>,
      %swap3A_189 = arith.constant 16 : index
      %swap3A_190 = tpu.vector_load %arg6[%swap3A_189] {strides = array<i32>} : memref<256xi32, #tpu.memory_space<vmem>>, vector<16xi32>,
      tpu.vector_store %arg6[%swap3A_189], %broadcast_in_dim3A_5 {strides = array<i32>} : memref<256xi32, #tpu.memory_space<vmem>>, vector<16xi32>,
      %swap3A_191 = arith.constant 32 : index
      %swap3A_192 = tpu.vector_load %arg6[%swap3A_191] {strides = array<i32>} : memref<256xi32, #tpu.memory_space<vmem>>, vector<16xi32>,
      tpu.vector_store %arg6[%swap3A_191], %broadcast_in_dim3A_5 {strides = array<i32>} : memref<256xi32, #tpu.memory_space<vmem>>, vector<16xi32>,
      %swap3A_193 = arith.constant 48 : index
      %swap3A_194 = tpu.vector_load %arg6[%swap3A_193] {strides = array<i32>} : memref<256xi32, #tpu.memory_space<vmem>>, vector<16xi32>,
      tpu.vector_store %arg6[%swap3A_193], %broadcast_in_dim3A_5 {strides = array<i32>} : memref<256xi32, #tpu.memory_space<vmem>>, vector<16xi32>,
      %swap3A_195 = arith.constant 64 : index
      %swap3A_196 = tpu.vector_load %arg6[%swap3A_195] {strides = array<i32>} : memref<256xi32, #tpu.memory_space<vmem>>, vector<16xi32>,
      tpu.vector_store %arg6[%swap3A_195], %broadcast_in_dim3A_5 {strides = array<i32>} : memref<256xi32, #tpu.memory_space<vmem>>, vector<16xi32>,
      %swap3A_197 = arith.constant 80 : index
      %swap3A_198 = tpu.vector_load %arg6[%swap3A_197] {strides = array<i32>} : memref<256xi32, #tpu.memory_space<vmem>>, vector<16xi32>,
      tpu.vector_store %arg6[%swap3A_197], %broadcast_in_dim3A_5 {strides = array<i32>} : memref<256xi32, #tpu.memory_space<vmem>>, vector<16xi32>,
      %swap3A_199 = arith.constant 96 : index
      %swap3A_200 = tpu.vector_load %arg6[%swap3A_199] {strides = array<i32>} : memref<256xi32, #tpu.memory_space<vmem>>, vector<16xi32>,
      tpu.vector_store %arg6[%swap3A_199], %broadcast_in_dim3A_5 {strides = array<i32>} : memref<256xi32, #tpu.memory_space<vmem>>, vector<16xi32>,
      %swap3A_201 = arith.constant 112 : index
      %swap3A_202 = tpu.vector_load %arg6[%swap3A_201] {strides = array<i32>} : memref<256xi32, #tpu.memory_space<vmem>>, vector<16xi32>,
      tpu.vector_store %arg6[%swap3A_201], %broadcast_in_dim3A_5 {strides = array<i32>} : memref<256xi32, #tpu.memory_space<vmem>>, vector<16xi32>,
      %swap3A_203 = arith.constant 128 : index
      %swap3A_204 = tpu.vector_load %arg6[%swap3A_203] {strides = array<i32>} : memref<256xi32, #tpu.memory_space<vmem>>, vector<16xi32>,
      tpu.vector_store %arg6[%swap3A_203], %broadcast_in_dim3A_5 {strides = array<i32>} : memref<256xi32, #tpu.memory_space<vmem>>, vector<16xi32>,
      %swap3A_205 = arith.constant 144 : index
      %swap3A_206 = tpu.vector_load %arg6[%swap3A_205] {strides = array<i32>} : memref<256xi32, #tpu.memory_space<vmem>>, vector<16xi32>,
      tpu.vector_store %arg6[%swap3A_205], %broadcast_in_dim3A_5 {strides = array<i32>} : memref<256xi32, #tpu.memory_space<vmem>>, vector<16xi32>,
      %swap3A_207 = arith.constant 160 : index
      %swap3A_208 = tpu.vector_load %arg6[%swap3A_207] {strides = array<i32>} : memref<256xi32, #tpu.memory_space<vmem>>, vector<16xi32>,
      tpu.vector_store %arg6[%swap3A_207], %broadcast_in_dim3A_5 {strides = array<i32>} : memref<256xi32, #tpu.memory_space<vmem>>, vector<16xi32>,
      %swap3A_209 = arith.constant 176 : index
      %swap3A_210 = tpu.vector_load %arg6[%swap3A_209] {strides = array<i32>} : memref<256xi32, #tpu.memory_space<vmem>>, vector<16xi32>,
      tpu.vector_store %arg6[%swap3A_209], %broadcast_in_dim3A_5 {strides = array<i32>} : memref<256xi32, #tpu.memory_space<vmem>>, vector<16xi32>,
      %swap3A_211 = arith.constant 192 : index
      %swap3A_212 = tpu.vector_load %arg6[%swap3A_211] {strides = array<i32>} : memref<256xi32, #tpu.memory_space<vmem>>, vector<16xi32>,
      tpu.vector_store %arg6[%swap3A_211], %broadcast_in_dim3A_5 {strides = array<i32>} : memref<256xi32, #tpu.memory_space<vmem>>, vector<16xi32>,
      %swap3A_213 = arith.constant 208 : index
      %swap3A_214 = tpu.vector_load %arg6[%swap3A_213] {strides = array<i32>} : memref<256xi32, #tpu.memory_space<vmem>>, vector<16xi32>,
      tpu.vector_store %arg6[%swap3A_213], %broadcast_in_dim3A_5 {strides = array<i32>} : memref<256xi32, #tpu.memory_space<vmem>>, vector<16xi32>,
      %swap3A_215 = arith.constant 224 : index
      %swap3A_216 = tpu.vector_load %arg6[%swap3A_215] {strides = array<i32>} : memref<256xi32, #tpu.memory_space<vmem>>, vector<16xi32>,
      tpu.vector_store %arg6[%swap3A_215], %broadcast_in_dim3A_5 {strides = array<i32>} : memref<256xi32, #tpu.memory_space<vmem>>, vector<16xi32>,
      %swap3A_217 = arith.constant 240 : index
      %swap3A_218 = tpu.vector_load %arg6[%swap3A_217] {strides = array<i32>} : memref<256xi32, #tpu.memory_space<vmem>>, vector<16xi32>,
      tpu.vector_store %arg6[%swap3A_217], %broadcast_in_dim3A_5 {strides = array<i32>} : memref<256xi32, #tpu.memory_space<vmem>>, vector<16xi32>,
      %add3A_219 = arith.constant 16 : i32
      %add3A_220 = arith.addi %parallel_loop3A_173, %add3A_219 : i32
      %sub3A_221 = arith.constant 1 : i32
      %sub3A_222 = arith.subi %add3A_220, %sub3A_221 : i32
      %jit3A_223 = arith.constant 16 : i32
      %div3A_224 = arith.divsi %sub3A_222, %jit3A_223 : i32
      %sign3A_225 = arith.constant 0 : i32
      %sign3A_226 = arith.cmpi sgt, %sub3A_222, %sign3A_225 : i32
      %sign3A_227 = arith.extui %sign3A_226 : i1 to i32
      %sign3A_228 = arith.constant 0 : i32
      %sign3A_229 = arith.cmpi slt, %sub3A_222, %sign3A_228 : i32
      %sign3A_230 = arith.extui %sign3A_229 : i1 to i32
      %sign3A_231 = arith.subi %sign3A_227, %sign3A_230 : i32
      %sign3A_232 = arith.constant 0 : i32
      %sign3A_233 = arith.cmpi sgt, %jit3A_223, %sign3A_232 : i32
      %sign3A_234 = arith.extui %sign3A_233 : i1 to i32
      %sign3A_235 = arith.constant 0 : i32
      %sign3A_236 = arith.cmpi slt, %jit3A_223, %sign3A_235 : i32
      %sign3A_237 = arith.extui %sign3A_236 : i1 to i32
      %sign3A_238 = arith.subi %sign3A_234, %sign3A_237 : i32
      %ne3A_239 = arith.cmpi ne, %sign3A_231, %sign3A_238 : i32
      %rem3A_240 = arith.remsi %sub3A_222, %jit3A_223 : i32
      %ne3A_241 = arith.constant 0 : i32
      %ne3A_242 = arith.cmpi ne, %rem3A_240, %ne3A_241 : i32
      %and3A_243 = arith.andi %ne3A_239, %ne3A_242 : i1
      %sub3A_244 = arith.constant 1 : i32
      %sub3A_245 = arith.subi %div3A_224, %sub3A_244 : i32
      %select_n3A_246 = arith.select %and3A_243, %sub3A_245, %div3A_224 : i32
      %parallel_loop3A_247 = arith.constant 0 : i32
      %parallel_loop3A_248 = arith.constant 1 : i32
      %parallel_loop3A_249 = arith.constant 0 : i32
      "tpu.trace_start"() <{level = 10 : i32, message = "ph_hist1"}> : () -> ()
      %parallel_loop3A_250 = scf.for %parallel_loop3A_365 = %parallel_loop3A_247 to %select_n3A_246 step %parallel_loop3A_248 iter_args(%parallel_loop3A_366 = %parallel_loop3A_249) -> (i32)  : i32 {
        %parallel_loop3A_367 = arith.constant 16 : i32
        %parallel_loop3A_368 = arith.muli %parallel_loop3A_365, %parallel_loop3A_367 : i32
        %parallel_loop3A_369 = arith.index_cast %parallel_loop3A_368 : i32 to index
        %parallel_loop3A_370 = tpu.vector_load %arg7[%parallel_loop3A_369] {strides = array<i32>} : memref<2064xi32, #tpu.memory_space<vmem>>, vector<16xi32>,
        %parallel_loop3A_371 = arith.constant -2147483648 : i32
        %parallel_loop3A_372 = vector.broadcast %parallel_loop3A_371 : i32 to vector<16xi32>
        %parallel_loop3A_373 = arith.xori %parallel_loop3A_370, %parallel_loop3A_372 : vector<16xi32>
        %parallel_loop3A_374 = arith.constant 8 : i32
        %parallel_loop3A_375 = vector.broadcast %parallel_loop3A_374 : i32 to vector<16xi32>
        %parallel_loop3A_376 = arith.shrui %parallel_loop3A_373, %parallel_loop3A_375 : vector<16xi32>
        %parallel_loop3A_377 = arith.constant 255 : i32
        %parallel_loop3A_378 = vector.broadcast %parallel_loop3A_377 : i32 to vector<16xi32>
        %parallel_loop3A_379 = arith.andi %parallel_loop3A_376, %parallel_loop3A_378 : vector<16xi32>
        %parallel_loop3A_380 = vector.broadcast %parallel_loop3A_368 : i32 to vector<16xi32>
        %parallel_loop3A_381 = arith.addi %parallel_loop3A_380, %iota3A : vector<16xi32>
        %parallel_loop3A_382 = vector.broadcast %parallel_loop3A_173 : i32 to vector<16xi32>
        %parallel_loop3A_383 = arith.cmpi slt, %parallel_loop3A_381, %parallel_loop3A_382 : vector<16xi32>
        %parallel_loop3A_384 = arith.constant 16 : i32
        %parallel_loop3A_385 = vector.broadcast %parallel_loop3A_384 : i32 to vector<16xi32>
        %parallel_loop3A_386 = arith.shrui %parallel_loop3A_373, %parallel_loop3A_385 : vector<16xi32>
        %parallel_loop3A_387 = vector.broadcast %or3A : i32 to vector<16xi32>
        %parallel_loop3A_388 = arith.cmpi eq, %parallel_loop3A_386, %parallel_loop3A_387 : vector<16xi32>
        %parallel_loop3A_389 = arith.andi %parallel_loop3A_388, %parallel_loop3A_383 : vector<16xi1>
        tpu.vector_store_idx %arg6[%parallel_loop3A_379], %broadcast_in_dim3A_3 masked %parallel_loop3A_389 {add = true} : memref<256xi32, #tpu.memory_space<vmem>>[vector<16xi32>], vector<16xi32>, vector<16xi1>
        %parallel_loop3A_390 = arith.index_cast %parallel_loop3A_366 : i32 to index
        %parallel_loop3A_391 = tpu.vector_load %arg8[%parallel_loop3A_390] masked %parallel_loop3A_389 {strides = array<i32>} : memref<2064xi32, #tpu.memory_space<vmem>>, vector<16xi32>, vector<16xi1>
        tpu.vector_store %arg8[%parallel_loop3A_390], %parallel_loop3A_370 masked %parallel_loop3A_389 {strides = array<i32>} : memref<2064xi32, #tpu.memory_space<vmem>>, vector<16xi32>, vector<16xi1>
        %parallel_loop3A_392 = tpu.all_reduce %parallel_loop3A_389 {dim = 0 : i64, kind = #tpu.reduction_kind<sum>} : vector<16xi1> -> vector<16xi32>
        %parallel_loop3A_393 = vector.extract_strided_slice %parallel_loop3A_392 {offsets = [0], sizes = [1], strides = [1]} : vector<16xi32> to vector<1xi32>
        %parallel_loop3A_394 = vector.extract %parallel_loop3A_393[0] : i32 from vector<1xi32>
        %parallel_loop3A_395 = arith.addi %parallel_loop3A_366, %parallel_loop3A_394 : i32
        scf.yield %parallel_loop3A_395 : i32
      } {sc.loop_unroll_factor = 4 : i64, sc.parallel_access}
      "tpu.trace_stop"() : () -> ()
      "tpu.trace_start"() <{level = 10 : i32, message = "ph_pick"}> : () -> ()
      %scan3A_251 = arith.constant 0 : i32
      %scan3A_252 = arith.constant 0 : i32
      %scan3A_253 = arith.constant 0 : i32
      %scan3A_254 = arith.constant 0 : i32
      %scan3A_255 = arith.constant 0 : i32
      %scan3A_256 = arith.constant 0 : i32
      %scan3A_257 = arith.constant 16 : i32
      %scan3A_258 = arith.addi %scan3A_256, %scan3A_257 : i32
      %scan3A_259 = arith.constant 4 : i32
      %scan3A_260:5 = scf.for %scan3A_365 = %scan3A_256 to %scan3A_258 step %scan3A_259 iter_args(%scan3A_366 = %scan3A_251, %scan3A_367 = %scan3A_252, %scan3A_368 = %scan3A_253, %scan3A_369 = %scan3A_254, %scan3A_370 = %scan3A_255) -> (i32, i32, i32, i32, i32)  : i32 {
        %mul3A_371 = arith.constant 16 : i32
        %mul3A_372 = arith.muli %mul3A_371, %scan3A_365 : i32
        %sub3A_373 = arith.constant 240 : i32
        %sub3A_374 = arith.subi %sub3A_373, %mul3A_372 : i32
        %get3A = arith.index_cast %sub3A_374 : i32 to index
        %get3A_375 = tpu.vector_load %arg6[%get3A] {strides = array<i32>} : memref<256xi32, #tpu.memory_space<vmem>>, vector<16xi32>,
        %rev3A = arith.constant 15 : i32
        %rev3A_376 = vector.broadcast %rev3A : i32 to vector<16xi32>
        %rev3A_377 = tpu.iota {dimensions = array<i32: 0>} : vector<16xi32>
        %rev3A_378 = arith.subi %rev3A_376, %rev3A_377 : vector<16xi32>
        %rev3A_379 = tpu.dynamic_gather %get3A_375[%rev3A_378] in [0] : vector<16xi32>, vector<16xi32> -> vector<16xi32>
        %broadcast_in_dim3A_380 = arith.constant true
        %broadcast_in_dim3A_381 = vector.broadcast %broadcast_in_dim3A_380 : i1 to vector<16xi1>
        %masked_cumsum3A = tpu.scan <sum>, %rev3A_379 masked %broadcast_in_dim3A_381 : vector<16xi32>, vector<16xi1> -> vector<16xi32>
        %add3A_382 = vector.broadcast %scan3A_366 : i32 to vector<16xi32>
        %add3A_383 = arith.addi %add3A_382, %masked_cumsum3A : vector<16xi32>
        %ge3A = vector.broadcast %sub3A_186 : i32 to vector<16xi32>
        %ge3A_384 = arith.cmpi sge, %add3A_383, %ge3A : vector<16xi32>
        %all_reduce_population_count3A = tpu.all_reduce %ge3A_384 {dim = 0 : i64, kind = #tpu.reduction_kind<sum>} : vector<16xi1> -> vector<16xi32>
        %slice3A = vector.extract_strided_slice %all_reduce_population_count3A {offsets = [0], sizes = [1], strides = [1]} : vector<16xi32> to vector<1xi32>
        %squeeze3A = vector.extract %slice3A[0] : i32 from vector<1xi32>
        %sub3A_385 = arith.constant 16 : i32
        %sub3A_386 = arith.subi %sub3A_385, %squeeze3A : i32
        %mul3A_387 = arith.constant 16 : i32
        %mul3A_388 = arith.muli %mul3A_387, %scan3A_365 : i32
        %sub3A_389 = arith.constant 255 : i32
        %sub3A_390 = arith.subi %sub3A_389, %mul3A_388 : i32
        %sub3A_391 = arith.subi %sub3A_390, %sub3A_386 : i32
        %select_n3A_392 = arith.select %ge3A_384, %add3A_383, %broadcast_in_dim3A_7 : vector<16xi1>, vector<16xi32>
        %reduce_min3A = arith.constant true
        %reduce_min3A_393 = vector.broadcast %reduce_min3A : i1 to vector<16xi1>
        %reduce_min3A_394 = arith.constant -2147483648 : i32
        %reduce_min3A_395 = vector.broadcast %reduce_min3A_394 : i32 to vector<16xi32>
        %reduce_min3A_396 = arith.xori %select_n3A_392, %reduce_min3A_395 : vector<16xi32>
        %reduce_min3A_397 = tpu.scan <min>, %reduce_min3A_396 masked %reduce_min3A_393 : vector<16xi32>, vector<16xi1> -> vector<16xi32>
        %reduce_min3A_398 = arith.xori %reduce_min3A_397, %reduce_min3A_395 : vector<16xi32>
        %reduce_min3A_399 = vector.extract %reduce_min3A_398[15] : i32 from vector<16xi32>
        %sub3A_400 = arith.subi %add3A_383, %rev3A_379 : vector<16xi32>
        %select_n3A_401 = arith.select %ge3A_384, %sub3A_400, %broadcast_in_dim3A_7 : vector<16xi1>, vector<16xi32>
        %reduce_min3A_402 = arith.constant true
        %reduce_min3A_403 = vector.broadcast %reduce_min3A_402 : i1 to vector<16xi1>
        %reduce_min3A_404 = arith.constant -2147483648 : i32
        %reduce_min3A_405 = vector.broadcast %reduce_min3A_404 : i32 to vector<16xi32>
        %reduce_min3A_406 = arith.xori %select_n3A_401, %reduce_min3A_405 : vector<16xi32>
        %reduce_min3A_407 = tpu.scan <min>, %reduce_min3A_406 masked %reduce_min3A_403 : vector<16xi32>, vector<16xi1> -> vector<16xi32>
        %reduce_min3A_408 = arith.xori %reduce_min3A_407, %reduce_min3A_405 : vector<16xi32>
        %reduce_min3A_409 = vector.extract %reduce_min3A_408[15] : i32 from vector<16xi32>
        %sub3A_410 = arith.subi %reduce_min3A_399, %reduce_min3A_409 : i32
        %gt3A = arith.constant 0 : i32
        %gt3A_411 = arith.cmpi sgt, %squeeze3A, %gt3A : i32
        %eq3A_412 = arith.constant 0 : i32
        %eq3A_413 = arith.cmpi eq, %scan3A_367, %eq3A_412 : i32
        %and3A_414 = arith.andi %gt3A_411, %eq3A_413 : i1
        %select_n3A_415 = arith.select %and3A_414, %sub3A_391, %scan3A_368 : i32
        %select_n3A_416 = arith.select %and3A_414, %reduce_min3A_409, %scan3A_369 : i32
        %select_n3A_417 = arith.select %and3A_414, %sub3A_410, %scan3A_370 : i32
        %gt3A_418 = arith.constant 0 : i32
        %gt3A_419 = arith.cmpi sgt, %squeeze3A, %gt3A_418 : i32
        %jit3A_420 = arith.constant 1 : i32
        %jit3A_421 = arith.constant 0 : i32
        %select_n3A_422 = arith.select %gt3A_419, %jit3A_420, %jit3A_421 : i32
        %or3A_423 = arith.ori %scan3A_367, %select_n3A_422 : i32
        %slice3A_424 = vector.extract_strided_slice %add3A_383 {offsets = [15], sizes = [1], strides = [1]} : vector<16xi32> to vector<1xi32>
        %squeeze3A_425 = vector.extract %slice3A_424[0] : i32 from vector<1xi32>
        %scan3A_426 = arith.constant 1 : i32
        %scan3A_427 = arith.addi %scan3A_365, %scan3A_426 : i32
        %mul3A_428 = arith.constant 16 : i32
        %mul3A_429 = arith.muli %mul3A_428, %scan3A_427 : i32
        %sub3A_430 = arith.constant 240 : i32
        %sub3A_431 = arith.subi %sub3A_430, %mul3A_429 : i32
        %get3A_432 = arith.index_cast %sub3A_431 : i32 to index
        %get3A_433 = tpu.vector_load %arg6[%get3A_432] {strides = array<i32>} : memref<256xi32, #tpu.memory_space<vmem>>, vector<16xi32>,
        %rev3A_434 = arith.constant 15 : i32
        %rev3A_435 = vector.broadcast %rev3A_434 : i32 to vector<16xi32>
        %rev3A_436 = tpu.iota {dimensions = array<i32: 0>} : vector<16xi32>
        %rev3A_437 = arith.subi %rev3A_435, %rev3A_436 : vector<16xi32>
        %rev3A_438 = tpu.dynamic_gather %get3A_433[%rev3A_437] in [0] : vector<16xi32>, vector<16xi32> -> vector<16xi32>
        %broadcast_in_dim3A_439 = arith.constant true
        %broadcast_in_dim3A_440 = vector.broadcast %broadcast_in_dim3A_439 : i1 to vector<16xi1>
        %masked_cumsum3A_441 = tpu.scan <sum>, %rev3A_438 masked %broadcast_in_dim3A_440 : vector<16xi32>, vector<16xi1> -> vector<16xi32>
        %add3A_442 = vector.broadcast %squeeze3A_425 : i32 to vector<16xi32>
        %add3A_443 = arith.addi %add3A_442, %masked_cumsum3A_441 : vector<16xi32>
        %ge3A_444 = vector.broadcast %sub3A_186 : i32 to vector<16xi32>
        %ge3A_445 = arith.cmpi sge, %add3A_443, %ge3A_444 : vector<16xi32>
        %all_reduce_population_count3A_446 = tpu.all_reduce %ge3A_445 {dim = 0 : i64, kind = #tpu.reduction_kind<sum>} : vector<16xi1> -> vector<16xi32>
        %slice3A_447 = vector.extract_strided_slice %all_reduce_population_count3A_446 {offsets = [0], sizes = [1], strides = [1]} : vector<16xi32> to vector<1xi32>
        %squeeze3A_448 = vector.extract %slice3A_447[0] : i32 from vector<1xi32>
        %sub3A_449 = arith.constant 16 : i32
        %sub3A_450 = arith.subi %sub3A_449, %squeeze3A_448 : i32
        %mul3A_451 = arith.constant 16 : i32
        %mul3A_452 = arith.muli %mul3A_451, %scan3A_427 : i32
        %sub3A_453 = arith.constant 255 : i32
        %sub3A_454 = arith.subi %sub3A_453, %mul3A_452 : i32
        %sub3A_455 = arith.subi %sub3A_454, %sub3A_450 : i32
        %select_n3A_456 = arith.select %ge3A_445, %add3A_443, %broadcast_in_dim3A_7 : vector<16xi1>, vector<16xi32>
        %reduce_min3A_457 = arith.constant true
        %reduce_min3A_458 = vector.broadcast %reduce_min3A_457 : i1 to vector<16xi1>
        %reduce_min3A_459 = arith.constant -2147483648 : i32
        %reduce_min3A_460 = vector.broadcast %reduce_min3A_459 : i32 to vector<16xi32>
        %reduce_min3A_461 = arith.xori %select_n3A_456, %reduce_min3A_460 : vector<16xi32>
        %reduce_min3A_462 = tpu.scan <min>, %reduce_min3A_461 masked %reduce_min3A_458 : vector<16xi32>, vector<16xi1> -> vector<16xi32>
        %reduce_min3A_463 = arith.xori %reduce_min3A_462, %reduce_min3A_460 : vector<16xi32>
        %reduce_min3A_464 = vector.extract %reduce_min3A_463[15] : i32 from vector<16xi32>
        %sub3A_465 = arith.subi %add3A_443, %rev3A_438 : vector<16xi32>
        %select_n3A_466 = arith.select %ge3A_445, %sub3A_465, %broadcast_in_dim3A_7 : vector<16xi1>, vector<16xi32>
        %reduce_min3A_467 = arith.constant true
        %reduce_min3A_468 = vector.broadcast %reduce_min3A_467 : i1 to vector<16xi1>
        %reduce_min3A_469 = arith.constant -2147483648 : i32
        %reduce_min3A_470 = vector.broadcast %reduce_min3A_469 : i32 to vector<16xi32>
        %reduce_min3A_471 = arith.xori %select_n3A_466, %reduce_min3A_470 : vector<16xi32>
        %reduce_min3A_472 = tpu.scan <min>, %reduce_min3A_471 masked %reduce_min3A_468 : vector<16xi32>, vector<16xi1> -> vector<16xi32>
        %reduce_min3A_473 = arith.xori %reduce_min3A_472, %reduce_min3A_470 : vector<16xi32>
        %reduce_min3A_474 = vector.extract %reduce_min3A_473[15] : i32 from vector<16xi32>
        %sub3A_475 = arith.subi %reduce_min3A_464, %reduce_min3A_474 : i32
        %gt3A_476 = arith.constant 0 : i32
        %gt3A_477 = arith.cmpi sgt, %squeeze3A_448, %gt3A_476 : i32
        %eq3A_478 = arith.constant 0 : i32
        %eq3A_479 = arith.cmpi eq, %or3A_423, %eq3A_478 : i32
        %and3A_480 = arith.andi %gt3A_477, %eq3A_479 : i1
        %select_n3A_481 = arith.select %and3A_480, %sub3A_455, %select_n3A_415 : i32
        %select_n3A_482 = arith.select %and3A_480, %reduce_min3A_474, %select_n3A_416 : i32
        %select_n3A_483 = arith.select %and3A_480, %sub3A_475, %select_n3A_417 : i32
        %gt3A_484 = arith.constant 0 : i32
        %gt3A_485 = arith.cmpi sgt, %squeeze3A_448, %gt3A_484 : i32
        %jit3A_486 = arith.constant 1 : i32
        %jit3A_487 = arith.constant 0 : i32
        %select_n3A_488 = arith.select %gt3A_485, %jit3A_486, %jit3A_487 : i32
        %or3A_489 = arith.ori %or3A_423, %select_n3A_488 : i32
        %slice3A_490 = vector.extract_strided_slice %add3A_443 {offsets = [15], sizes = [1], strides = [1]} : vector<16xi32> to vector<1xi32>
        %squeeze3A_491 = vector.extract %slice3A_490[0] : i32 from vector<1xi32>
        %scan3A_492 = arith.constant 2 : i32
        %scan3A_493 = arith.addi %scan3A_365, %scan3A_492 : i32
        %mul3A_494 = arith.constant 16 : i32
        %mul3A_495 = arith.muli %mul3A_494, %scan3A_493 : i32
        %sub3A_496 = arith.constant 240 : i32
        %sub3A_497 = arith.subi %sub3A_496, %mul3A_495 : i32
        %get3A_498 = arith.index_cast %sub3A_497 : i32 to index
        %get3A_499 = tpu.vector_load %arg6[%get3A_498] {strides = array<i32>} : memref<256xi32, #tpu.memory_space<vmem>>, vector<16xi32>,
        %rev3A_500 = arith.constant 15 : i32
        %rev3A_501 = vector.broadcast %rev3A_500 : i32 to vector<16xi32>
        %rev3A_502 = tpu.iota {dimensions = array<i32: 0>} : vector<16xi32>
        %rev3A_503 = arith.subi %rev3A_501, %rev3A_502 : vector<16xi32>
        %rev3A_504 = tpu.dynamic_gather %get3A_499[%rev3A_503] in [0] : vector<16xi32>, vector<16xi32> -> vector<16xi32>
        %broadcast_in_dim3A_505 = arith.constant true
        %broadcast_in_dim3A_506 = vector.broadcast %broadcast_in_dim3A_505 : i1 to vector<16xi1>
        %masked_cumsum3A_507 = tpu.scan <sum>, %rev3A_504 masked %broadcast_in_dim3A_506 : vector<16xi32>, vector<16xi1> -> vector<16xi32>
        %add3A_508 = vector.broadcast %squeeze3A_491 : i32 to vector<16xi32>
        %add3A_509 = arith.addi %add3A_508, %masked_cumsum3A_507 : vector<16xi32>
        %ge3A_510 = vector.broadcast %sub3A_186 : i32 to vector<16xi32>
        %ge3A_511 = arith.cmpi sge, %add3A_509, %ge3A_510 : vector<16xi32>
        %all_reduce_population_count3A_512 = tpu.all_reduce %ge3A_511 {dim = 0 : i64, kind = #tpu.reduction_kind<sum>} : vector<16xi1> -> vector<16xi32>
        %slice3A_513 = vector.extract_strided_slice %all_reduce_population_count3A_512 {offsets = [0], sizes = [1], strides = [1]} : vector<16xi32> to vector<1xi32>
        %squeeze3A_514 = vector.extract %slice3A_513[0] : i32 from vector<1xi32>
        %sub3A_515 = arith.constant 16 : i32
        %sub3A_516 = arith.subi %sub3A_515, %squeeze3A_514 : i32
        %mul3A_517 = arith.constant 16 : i32
        %mul3A_518 = arith.muli %mul3A_517, %scan3A_493 : i32
        %sub3A_519 = arith.constant 255 : i32
        %sub3A_520 = arith.subi %sub3A_519, %mul3A_518 : i32
        %sub3A_521 = arith.subi %sub3A_520, %sub3A_516 : i32
        %select_n3A_522 = arith.select %ge3A_511, %add3A_509, %broadcast_in_dim3A_7 : vector<16xi1>, vector<16xi32>
        %reduce_min3A_523 = arith.constant true
        %reduce_min3A_524 = vector.broadcast %reduce_min3A_523 : i1 to vector<16xi1>
        %reduce_min3A_525 = arith.constant -2147483648 : i32
        %reduce_min3A_526 = vector.broadcast %reduce_min3A_525 : i32 to vector<16xi32>
        %reduce_min3A_527 = arith.xori %select_n3A_522, %reduce_min3A_526 : vector<16xi32>
        %reduce_min3A_528 = tpu.scan <min>, %reduce_min3A_527 masked %reduce_min3A_524 : vector<16xi32>, vector<16xi1> -> vector<16xi32>
        %reduce_min3A_529 = arith.xori %reduce_min3A_528, %reduce_min3A_526 : vector<16xi32>
        %reduce_min3A_530 = vector.extract %reduce_min3A_529[15] : i32 from vector<16xi32>
        %sub3A_531 = arith.subi %add3A_509, %rev3A_504 : vector<16xi32>
        %select_n3A_532 = arith.select %ge3A_511, %sub3A_531, %broadcast_in_dim3A_7 : vector<16xi1>, vector<16xi32>
        %reduce_min3A_533 = arith.constant true
        %reduce_min3A_534 = vector.broadcast %reduce_min3A_533 : i1 to vector<16xi1>
        %reduce_min3A_535 = arith.constant -2147483648 : i32
        %reduce_min3A_536 = vector.broadcast %reduce_min3A_535 : i32 to vector<16xi32>
        %reduce_min3A_537 = arith.xori %select_n3A_532, %reduce_min3A_536 : vector<16xi32>
        %reduce_min3A_538 = tpu.scan <min>, %reduce_min3A_537 masked %reduce_min3A_534 : vector<16xi32>, vector<16xi1> -> vector<16xi32>
        %reduce_min3A_539 = arith.xori %reduce_min3A_538, %reduce_min3A_536 : vector<16xi32>
        %reduce_min3A_540 = vector.extract %reduce_min3A_539[15] : i32 from vector<16xi32>
        %sub3A_541 = arith.subi %reduce_min3A_530, %reduce_min3A_540 : i32
        %gt3A_542 = arith.constant 0 : i32
        %gt3A_543 = arith.cmpi sgt, %squeeze3A_514, %gt3A_542 : i32
        %eq3A_544 = arith.constant 0 : i32
        %eq3A_545 = arith.cmpi eq, %or3A_489, %eq3A_544 : i32
        %and3A_546 = arith.andi %gt3A_543, %eq3A_545 : i1
        %select_n3A_547 = arith.select %and3A_546, %sub3A_521, %select_n3A_481 : i32
        %select_n3A_548 = arith.select %and3A_546, %reduce_min3A_540, %select_n3A_482 : i32
        %select_n3A_549 = arith.select %and3A_546, %sub3A_541, %select_n3A_483 : i32
        %gt3A_550 = arith.constant 0 : i32
        %gt3A_551 = arith.cmpi sgt, %squeeze3A_514, %gt3A_550 : i32
        %jit3A_552 = arith.constant 1 : i32
        %jit3A_553 = arith.constant 0 : i32
        %select_n3A_554 = arith.select %gt3A_551, %jit3A_552, %jit3A_553 : i32
        %or3A_555 = arith.ori %or3A_489, %select_n3A_554 : i32
        %slice3A_556 = vector.extract_strided_slice %add3A_509 {offsets = [15], sizes = [1], strides = [1]} : vector<16xi32> to vector<1xi32>
        %squeeze3A_557 = vector.extract %slice3A_556[0] : i32 from vector<1xi32>
        %scan3A_558 = arith.constant 3 : i32
        %scan3A_559 = arith.addi %scan3A_365, %scan3A_558 : i32
        %mul3A_560 = arith.constant 16 : i32
        %mul3A_561 = arith.muli %mul3A_560, %scan3A_559 : i32
        %sub3A_562 = arith.constant 240 : i32
        %sub3A_563 = arith.subi %sub3A_562, %mul3A_561 : i32
        %get3A_564 = arith.index_cast %sub3A_563 : i32 to index
        %get3A_565 = tpu.vector_load %arg6[%get3A_564] {strides = array<i32>} : memref<256xi32, #tpu.memory_space<vmem>>, vector<16xi32>,
        %rev3A_566 = arith.constant 15 : i32
        %rev3A_567 = vector.broadcast %rev3A_566 : i32 to vector<16xi32>
        %rev3A_568 = tpu.iota {dimensions = array<i32: 0>} : vector<16xi32>
        %rev3A_569 = arith.subi %rev3A_567, %rev3A_568 : vector<16xi32>
        %rev3A_570 = tpu.dynamic_gather %get3A_565[%rev3A_569] in [0] : vector<16xi32>, vector<16xi32> -> vector<16xi32>
        %broadcast_in_dim3A_571 = arith.constant true
        %broadcast_in_dim3A_572 = vector.broadcast %broadcast_in_dim3A_571 : i1 to vector<16xi1>
        %masked_cumsum3A_573 = tpu.scan <sum>, %rev3A_570 masked %broadcast_in_dim3A_572 : vector<16xi32>, vector<16xi1> -> vector<16xi32>
        %add3A_574 = vector.broadcast %squeeze3A_557 : i32 to vector<16xi32>
        %add3A_575 = arith.addi %add3A_574, %masked_cumsum3A_573 : vector<16xi32>
        %ge3A_576 = vector.broadcast %sub3A_186 : i32 to vector<16xi32>
        %ge3A_577 = arith.cmpi sge, %add3A_575, %ge3A_576 : vector<16xi32>
        %all_reduce_population_count3A_578 = tpu.all_reduce %ge3A_577 {dim = 0 : i64, kind = #tpu.reduction_kind<sum>} : vector<16xi1> -> vector<16xi32>
        %slice3A_579 = vector.extract_strided_slice %all_reduce_population_count3A_578 {offsets = [0], sizes = [1], strides = [1]} : vector<16xi32> to vector<1xi32>
        %squeeze3A_580 = vector.extract %slice3A_579[0] : i32 from vector<1xi32>
        %sub3A_581 = arith.constant 16 : i32
        %sub3A_582 = arith.subi %sub3A_581, %squeeze3A_580 : i32
        %mul3A_583 = arith.constant 16 : i32
        %mul3A_584 = arith.muli %mul3A_583, %scan3A_559 : i32
        %sub3A_585 = arith.constant 255 : i32
        %sub3A_586 = arith.subi %sub3A_585, %mul3A_584 : i32
        %sub3A_587 = arith.subi %sub3A_586, %sub3A_582 : i32
        %select_n3A_588 = arith.select %ge3A_577, %add3A_575, %broadcast_in_dim3A_7 : vector<16xi1>, vector<16xi32>
        %reduce_min3A_589 = arith.constant true
        %reduce_min3A_590 = vector.broadcast %reduce_min3A_589 : i1 to vector<16xi1>
        %reduce_min3A_591 = arith.constant -2147483648 : i32
        %reduce_min3A_592 = vector.broadcast %reduce_min3A_591 : i32 to vector<16xi32>
        %reduce_min3A_593 = arith.xori %select_n3A_588, %reduce_min3A_592 : vector<16xi32>
        %reduce_min3A_594 = tpu.scan <min>, %reduce_min3A_593 masked %reduce_min3A_590 : vector<16xi32>, vector<16xi1> -> vector<16xi32>
        %reduce_min3A_595 = arith.xori %reduce_min3A_594, %reduce_min3A_592 : vector<16xi32>
        %reduce_min3A_596 = vector.extract %reduce_min3A_595[15] : i32 from vector<16xi32>
        %sub3A_597 = arith.subi %add3A_575, %rev3A_570 : vector<16xi32>
        %select_n3A_598 = arith.select %ge3A_577, %sub3A_597, %broadcast_in_dim3A_7 : vector<16xi1>, vector<16xi32>
        %reduce_min3A_599 = arith.constant true
        %reduce_min3A_600 = vector.broadcast %reduce_min3A_599 : i1 to vector<16xi1>
        %reduce_min3A_601 = arith.constant -2147483648 : i32
        %reduce_min3A_602 = vector.broadcast %reduce_min3A_601 : i32 to vector<16xi32>
        %reduce_min3A_603 = arith.xori %select_n3A_598, %reduce_min3A_602 : vector<16xi32>
        %reduce_min3A_604 = tpu.scan <min>, %reduce_min3A_603 masked %reduce_min3A_600 : vector<16xi32>, vector<16xi1> -> vector<16xi32>
        %reduce_min3A_605 = arith.xori %reduce_min3A_604, %reduce_min3A_602 : vector<16xi32>
        %reduce_min3A_606 = vector.extract %reduce_min3A_605[15] : i32 from vector<16xi32>
        %sub3A_607 = arith.subi %reduce_min3A_596, %reduce_min3A_606 : i32
        %gt3A_608 = arith.constant 0 : i32
        %gt3A_609 = arith.cmpi sgt, %squeeze3A_580, %gt3A_608 : i32
        %eq3A_610 = arith.constant 0 : i32
        %eq3A_611 = arith.cmpi eq, %or3A_555, %eq3A_610 : i32
        %and3A_612 = arith.andi %gt3A_609, %eq3A_611 : i1
        %select_n3A_613 = arith.select %and3A_612, %sub3A_587, %select_n3A_547 : i32
        %select_n3A_614 = arith.select %and3A_612, %reduce_min3A_606, %select_n3A_548 : i32
        %select_n3A_615 = arith.select %and3A_612, %sub3A_607, %select_n3A_549 : i32
        %gt3A_616 = arith.constant 0 : i32
        %gt3A_617 = arith.cmpi sgt, %squeeze3A_580, %gt3A_616 : i32
        %jit3A_618 = arith.constant 1 : i32
        %jit3A_619 = arith.constant 0 : i32
        %select_n3A_620 = arith.select %gt3A_617, %jit3A_618, %jit3A_619 : i32
        %or3A_621 = arith.ori %or3A_555, %select_n3A_620 : i32
        %slice3A_622 = vector.extract_strided_slice %add3A_575 {offsets = [15], sizes = [1], strides = [1]} : vector<16xi32> to vector<1xi32>
        %squeeze3A_623 = vector.extract %slice3A_622[0] : i32 from vector<1xi32>
        scf.yield %squeeze3A_623, %or3A_621, %select_n3A_613, %select_n3A_614, %select_n3A_615 : i32, i32, i32, i32, i32
      }
      %scan3A_261 = arith.constant 16 : i32
      "tpu.trace_stop"() : () -> ()
      %shift_left3A_262 = arith.constant 8 : i32
      %shift_left3A_263 = arith.shli %or3A, %shift_left3A_262 : i32
      %or3A_264 = arith.ori %shift_left3A_263, %scan3A_260#2 : i32
      %sub3A_265 = arith.subi %sub3A_186, %scan3A_260#3 : i32
      %swap3A_266 = arith.constant 0 : index
      %swap3A_267 = tpu.vector_load %arg6[%swap3A_266] {strides = array<i32>} : memref<256xi32, #tpu.memory_space<vmem>>, vector<16xi32>,
      tpu.vector_store %arg6[%swap3A_266], %broadcast_in_dim3A_5 {strides = array<i32>} : memref<256xi32, #tpu.memory_space<vmem>>, vector<16xi32>,
      %swap3A_268 = arith.constant 16 : index
      %swap3A_269 = tpu.vector_load %arg6[%swap3A_268] {strides = array<i32>} : memref<256xi32, #tpu.memory_space<vmem>>, vector<16xi32>,
      tpu.vector_store %arg6[%swap3A_268], %broadcast_in_dim3A_5 {strides = array<i32>} : memref<256xi32, #tpu.memory_space<vmem>>, vector<16xi32>,
      %swap3A_270 = arith.constant 32 : index
      %swap3A_271 = tpu.vector_load %arg6[%swap3A_270] {strides = array<i32>} : memref<256xi32, #tpu.memory_space<vmem>>, vector<16xi32>,
      tpu.vector_store %arg6[%swap3A_270], %broadcast_in_dim3A_5 {strides = array<i32>} : memref<256xi32, #tpu.memory_space<vmem>>, vector<16xi32>,
      %swap3A_272 = arith.constant 48 : index
      %swap3A_273 = tpu.vector_load %arg6[%swap3A_272] {strides = array<i32>} : memref<256xi32, #tpu.memory_space<vmem>>, vector<16xi32>,
      tpu.vector_store %arg6[%swap3A_272], %broadcast_in_dim3A_5 {strides = array<i32>} : memref<256xi32, #tpu.memory_space<vmem>>, vector<16xi32>,
      %swap3A_274 = arith.constant 64 : index
      %swap3A_275 = tpu.vector_load %arg6[%swap3A_274] {strides = array<i32>} : memref<256xi32, #tpu.memory_space<vmem>>, vector<16xi32>,
      tpu.vector_store %arg6[%swap3A_274], %broadcast_in_dim3A_5 {strides = array<i32>} : memref<256xi32, #tpu.memory_space<vmem>>, vector<16xi32>,
      %swap3A_276 = arith.constant 80 : index
      %swap3A_277 = tpu.vector_load %arg6[%swap3A_276] {strides = array<i32>} : memref<256xi32, #tpu.memory_space<vmem>>, vector<16xi32>,
      tpu.vector_store %arg6[%swap3A_276], %broadcast_in_dim3A_5 {strides = array<i32>} : memref<256xi32, #tpu.memory_space<vmem>>, vector<16xi32>,
      %swap3A_278 = arith.constant 96 : index
      %swap3A_279 = tpu.vector_load %arg6[%swap3A_278] {strides = array<i32>} : memref<256xi32, #tpu.memory_space<vmem>>, vector<16xi32>,
      tpu.vector_store %arg6[%swap3A_278], %broadcast_in_dim3A_5 {strides = array<i32>} : memref<256xi32, #tpu.memory_space<vmem>>, vector<16xi32>,
      %swap3A_280 = arith.constant 112 : index
      %swap3A_281 = tpu.vector_load %arg6[%swap3A_280] {strides = array<i32>} : memref<256xi32, #tpu.memory_space<vmem>>, vector<16xi32>,
      tpu.vector_store %arg6[%swap3A_280], %broadcast_in_dim3A_5 {strides = array<i32>} : memref<256xi32, #tpu.memory_space<vmem>>, vector<16xi32>,
      %swap3A_282 = arith.constant 128 : index
      %swap3A_283 = tpu.vector_load %arg6[%swap3A_282] {strides = array<i32>} : memref<256xi32, #tpu.memory_space<vmem>>, vector<16xi32>,
      tpu.vector_store %arg6[%swap3A_282], %broadcast_in_dim3A_5 {strides = array<i32>} : memref<256xi32, #tpu.memory_space<vmem>>, vector<16xi32>,
      %swap3A_284 = arith.constant 144 : index
      %swap3A_285 = tpu.vector_load %arg6[%swap3A_284] {strides = array<i32>} : memref<256xi32, #tpu.memory_space<vmem>>, vector<16xi32>,
      tpu.vector_store %arg6[%swap3A_284], %broadcast_in_dim3A_5 {strides = array<i32>} : memref<256xi32, #tpu.memory_space<vmem>>, vector<16xi32>,
      %swap3A_286 = arith.constant 160 : index
      %swap3A_287 = tpu.vector_load %arg6[%swap3A_286] {strides = array<i32>} : memref<256xi32, #tpu.memory_space<vmem>>, vector<16xi32>,
      tpu.vector_store %arg6[%swap3A_286], %broadcast_in_dim3A_5 {strides = array<i32>} : memref<256xi32, #tpu.memory_space<vmem>>, vector<16xi32>,
      %swap3A_288 = arith.constant 176 : index
      %swap3A_289 = tpu.vector_load %arg6[%swap3A_288] {strides = array<i32>} : memref<256xi32, #tpu.memory_space<vmem>>, vector<16xi32>,
      tpu.vector_store %arg6[%swap3A_288], %broadcast_in_dim3A_5 {strides = array<i32>} : memref<256xi32, #tpu.memory_space<vmem>>, vector<16xi32>,
      %swap3A_290 = arith.constant 192 : index
      %swap3A_291 = tpu.vector_load %arg6[%swap3A_290] {strides = array<i32>} : memref<256xi32, #tpu.memory_space<vmem>>, vector<16xi32>,
      tpu.vector_store %arg6[%swap3A_290], %broadcast_in_dim3A_5 {strides = array<i32>} : memref<256xi32, #tpu.memory_space<vmem>>, vector<16xi32>,
      %swap3A_292 = arith.constant 208 : index
      %swap3A_293 = tpu.vector_load %arg6[%swap3A_292] {strides = array<i32>} : memref<256xi32, #tpu.memory_space<vmem>>, vector<16xi32>,
      tpu.vector_store %arg6[%swap3A_292], %broadcast_in_dim3A_5 {strides = array<i32>} : memref<256xi32, #tpu.memory_space<vmem>>, vector<16xi32>,
      %swap3A_294 = arith.constant 224 : index
      %swap3A_295 = tpu.vector_load %arg6[%swap3A_294] {strides = array<i32>} : memref<256xi32, #tpu.memory_space<vmem>>, vector<16xi32>,
      tpu.vector_store %arg6[%swap3A_294], %broadcast_in_dim3A_5 {strides = array<i32>} : memref<256xi32, #tpu.memory_space<vmem>>, vector<16xi32>,
      %swap3A_296 = arith.constant 240 : index
      %swap3A_297 = tpu.vector_load %arg6[%swap3A_296] {strides = array<i32>} : memref<256xi32, #tpu.memory_space<vmem>>, vector<16xi32>,
      tpu.vector_store %arg6[%swap3A_296], %broadcast_in_dim3A_5 {strides = array<i32>} : memref<256xi32, #tpu.memory_space<vmem>>, vector<16xi32>,
      %add3A_298 = arith.constant 16 : i32
      %add3A_299 = arith.addi %parallel_loop3A_250, %add3A_298 : i32
      %sub3A_300 = arith.constant 1 : i32
      %sub3A_301 = arith.subi %add3A_299, %sub3A_300 : i32
      %jit3A_302 = arith.constant 16 : i32
      %div3A_303 = arith.divsi %sub3A_301, %jit3A_302 : i32
      %sign3A_304 = arith.constant 0 : i32
      %sign3A_305 = arith.cmpi sgt, %sub3A_301, %sign3A_304 : i32
      %sign3A_306 = arith.extui %sign3A_305 : i1 to i32
      %sign3A_307 = arith.constant 0 : i32
      %sign3A_308 = arith.cmpi slt, %sub3A_301, %sign3A_307 : i32
      %sign3A_309 = arith.extui %sign3A_308 : i1 to i32
      %sign3A_310 = arith.subi %sign3A_306, %sign3A_309 : i32
      %sign3A_311 = arith.constant 0 : i32
      %sign3A_312 = arith.cmpi sgt, %jit3A_302, %sign3A_311 : i32
      %sign3A_313 = arith.extui %sign3A_312 : i1 to i32
      %sign3A_314 = arith.constant 0 : i32
      %sign3A_315 = arith.cmpi slt, %jit3A_302, %sign3A_314 : i32
      %sign3A_316 = arith.extui %sign3A_315 : i1 to i32
      %sign3A_317 = arith.subi %sign3A_313, %sign3A_316 : i32
      %ne3A_318 = arith.cmpi ne, %sign3A_310, %sign3A_317 : i32
      %rem3A_319 = arith.remsi %sub3A_301, %jit3A_302 : i32
      %ne3A_320 = arith.constant 0 : i32
      %ne3A_321 = arith.cmpi ne, %rem3A_319, %ne3A_320 : i32
      %and3A_322 = arith.andi %ne3A_318, %ne3A_321 : i1
      %sub3A_323 = arith.constant 1 : i32
      %sub3A_324 = arith.subi %div3A_303, %sub3A_323 : i32
      %select_n3A_325 = arith.select %and3A_322, %sub3A_324, %div3A_303 : i32
      %while3A = arith.constant 0 : i32
      %while3A_326 = arith.constant 0 : i32
      "tpu.trace_start"() <{level = 10 : i32, message = "ph_hist0"}> : () -> ()
      %while3A_327 = arith.subi %select_n3A_325, %while3A_326 : i32
      %while3A_328 = arith.addi %while3A_326, %while3A_327 : i32
      %while3A_329 = arith.constant 1 : i32
      %while3A_330 = arith.divsi %while3A_327, %while3A_329 : i32
      %while3A_331 = arith.muli %while3A_330, %while3A_329 : i32
      %while3A_332 = arith.addi %while3A_326, %while3A_331 : i32
      %while3A_333 = arith.constant 1 : i32
      scf.for %while3A_365 = %while3A_326 to %while3A_332 step %while3A_333  : i32 {
        %mul3A_366 = arith.constant 16 : i32
        %mul3A_367 = arith.muli %while3A_365, %mul3A_366 : i32
        %get3A = arith.index_cast %mul3A_367 : i32 to index
        %get3A_368 = tpu.vector_load %arg8[%get3A] {strides = array<i32>} : memref<2064xi32, #tpu.memory_space<vmem>>, vector<16xi32>,
        %xor3A_369 = arith.constant -2147483648 : i32
        %xor3A_370 = vector.broadcast %xor3A_369 : i32 to vector<16xi32>
        %xor3A_371 = arith.xori %get3A_368, %xor3A_370 : vector<16xi32>
        %and3A_372 = arith.constant 255 : i32
        %and3A_373 = vector.broadcast %and3A_372 : i32 to vector<16xi32>
        %and3A_374 = arith.andi %xor3A_371, %and3A_373 : vector<16xi32>
        %add3A_375 = vector.broadcast %mul3A_367 : i32 to vector<16xi32>
        %add3A_376 = arith.addi %add3A_375, %iota3A : vector<16xi32>
        %lt3A_377 = vector.broadcast %parallel_loop3A_250 : i32 to vector<16xi32>
        %lt3A_378 = arith.cmpi slt, %add3A_376, %lt3A_377 : vector<16xi32>
        %shift_right_logical3A = arith.constant 8 : i32
        %shift_right_logical3A_379 = vector.broadcast %shift_right_logical3A : i32 to vector<16xi32>
        %shift_right_logical3A_380 = arith.shrui %xor3A_371, %shift_right_logical3A_379 : vector<16xi32>
        %eq3A_381 = vector.broadcast %or3A_264 : i32 to vector<16xi32>
        %eq3A_382 = arith.cmpi eq, %shift_right_logical3A_380, %eq3A_381 : vector<16xi32>
        %and3A_383 = arith.andi %eq3A_382, %lt3A_378 : vector<16xi1>
        tpu.vector_store_idx %arg6[%and3A_374], %broadcast_in_dim3A_3 masked %and3A_383 {add = true} : memref<256xi32, #tpu.memory_space<vmem>>[vector<16xi32>], vector<16xi32>, vector<16xi1>
      }
      %while3A_334 = arith.constant 1 : i32
      scf.for %while3A_365 = %while3A_332 to %while3A_328 step %while3A_334  : i32 {
        %mul3A_366 = arith.constant 16 : i32
        %mul3A_367 = arith.muli %while3A_365, %mul3A_366 : i32
        %get3A = arith.index_cast %mul3A_367 : i32 to index
        %get3A_368 = tpu.vector_load %arg8[%get3A] {strides = array<i32>} : memref<2064xi32, #tpu.memory_space<vmem>>, vector<16xi32>,
        %xor3A_369 = arith.constant -2147483648 : i32
        %xor3A_370 = vector.broadcast %xor3A_369 : i32 to vector<16xi32>
        %xor3A_371 = arith.xori %get3A_368, %xor3A_370 : vector<16xi32>
        %and3A_372 = arith.constant 255 : i32
        %and3A_373 = vector.broadcast %and3A_372 : i32 to vector<16xi32>
        %and3A_374 = arith.andi %xor3A_371, %and3A_373 : vector<16xi32>
        %add3A_375 = vector.broadcast %mul3A_367 : i32 to vector<16xi32>
        %add3A_376 = arith.addi %add3A_375, %iota3A : vector<16xi32>
        %lt3A_377 = vector.broadcast %parallel_loop3A_250 : i32 to vector<16xi32>
        %lt3A_378 = arith.cmpi slt, %add3A_376, %lt3A_377 : vector<16xi32>
        %shift_right_logical3A = arith.constant 8 : i32
        %shift_right_logical3A_379 = vector.broadcast %shift_right_logical3A : i32 to vector<16xi32>
        %shift_right_logical3A_380 = arith.shrui %xor3A_371, %shift_right_logical3A_379 : vector<16xi32>
        %eq3A_381 = vector.broadcast %or3A_264 : i32 to vector<16xi32>
        %eq3A_382 = arith.cmpi eq, %shift_right_logical3A_380, %eq3A_381 : vector<16xi32>
        %and3A_383 = arith.andi %eq3A_382, %lt3A_378 : vector<16xi1>
        tpu.vector_store_idx %arg6[%and3A_374], %broadcast_in_dim3A_3 masked %and3A_383 {add = true} : memref<256xi32, #tpu.memory_space<vmem>>[vector<16xi32>], vector<16xi32>, vector<16xi1>
      }
      "tpu.trace_stop"() : () -> ()
      "tpu.trace_start"() <{level = 10 : i32, message = "ph_pick"}> : () -> ()
      %scan3A_335 = arith.constant 0 : i32
      %scan3A_336 = arith.constant 0 : i32
      %scan3A_337 = arith.constant 0 : i32
      %scan3A_338 = arith.constant 0 : i32
      %scan3A_339 = arith.constant 0 : i32
      %scan3A_340 = arith.constant 0 : i32
      %scan3A_341 = arith.constant 16 : i32
      %scan3A_342 = arith.addi %scan3A_340, %scan3A_341 : i32
      %scan3A_343 = arith.constant 4 : i32
      %scan3A_344:5 = scf.for %scan3A_365 = %scan3A_340 to %scan3A_342 step %scan3A_343 iter_args(%scan3A_366 = %scan3A_335, %scan3A_367 = %scan3A_336, %scan3A_368 = %scan3A_337, %scan3A_369 = %scan3A_338, %scan3A_370 = %scan3A_339) -> (i32, i32, i32, i32, i32)  : i32 {
        %mul3A_371 = arith.constant 16 : i32
        %mul3A_372 = arith.muli %mul3A_371, %scan3A_365 : i32
        %sub3A_373 = arith.constant 240 : i32
        %sub3A_374 = arith.subi %sub3A_373, %mul3A_372 : i32
        %get3A = arith.index_cast %sub3A_374 : i32 to index
        %get3A_375 = tpu.vector_load %arg6[%get3A] {strides = array<i32>} : memref<256xi32, #tpu.memory_space<vmem>>, vector<16xi32>,
        %rev3A = arith.constant 15 : i32
        %rev3A_376 = vector.broadcast %rev3A : i32 to vector<16xi32>
        %rev3A_377 = tpu.iota {dimensions = array<i32: 0>} : vector<16xi32>
        %rev3A_378 = arith.subi %rev3A_376, %rev3A_377 : vector<16xi32>
        %rev3A_379 = tpu.dynamic_gather %get3A_375[%rev3A_378] in [0] : vector<16xi32>, vector<16xi32> -> vector<16xi32>
        %broadcast_in_dim3A_380 = arith.constant true
        %broadcast_in_dim3A_381 = vector.broadcast %broadcast_in_dim3A_380 : i1 to vector<16xi1>
        %masked_cumsum3A = tpu.scan <sum>, %rev3A_379 masked %broadcast_in_dim3A_381 : vector<16xi32>, vector<16xi1> -> vector<16xi32>
        %add3A_382 = vector.broadcast %scan3A_366 : i32 to vector<16xi32>
        %add3A_383 = arith.addi %add3A_382, %masked_cumsum3A : vector<16xi32>
        %ge3A = vector.broadcast %sub3A_265 : i32 to vector<16xi32>
        %ge3A_384 = arith.cmpi sge, %add3A_383, %ge3A : vector<16xi32>
        %all_reduce_population_count3A = tpu.all_reduce %ge3A_384 {dim = 0 : i64, kind = #tpu.reduction_kind<sum>} : vector<16xi1> -> vector<16xi32>
        %slice3A = vector.extract_strided_slice %all_reduce_population_count3A {offsets = [0], sizes = [1], strides = [1]} : vector<16xi32> to vector<1xi32>
        %squeeze3A = vector.extract %slice3A[0] : i32 from vector<1xi32>
        %sub3A_385 = arith.constant 16 : i32
        %sub3A_386 = arith.subi %sub3A_385, %squeeze3A : i32
        %mul3A_387 = arith.constant 16 : i32
        %mul3A_388 = arith.muli %mul3A_387, %scan3A_365 : i32
        %sub3A_389 = arith.constant 255 : i32
        %sub3A_390 = arith.subi %sub3A_389, %mul3A_388 : i32
        %sub3A_391 = arith.subi %sub3A_390, %sub3A_386 : i32
        %select_n3A_392 = arith.select %ge3A_384, %add3A_383, %broadcast_in_dim3A_7 : vector<16xi1>, vector<16xi32>
        %reduce_min3A = arith.constant true
        %reduce_min3A_393 = vector.broadcast %reduce_min3A : i1 to vector<16xi1>
        %reduce_min3A_394 = arith.constant -2147483648 : i32
        %reduce_min3A_395 = vector.broadcast %reduce_min3A_394 : i32 to vector<16xi32>
        %reduce_min3A_396 = arith.xori %select_n3A_392, %reduce_min3A_395 : vector<16xi32>
        %reduce_min3A_397 = tpu.scan <min>, %reduce_min3A_396 masked %reduce_min3A_393 : vector<16xi32>, vector<16xi1> -> vector<16xi32>
        %reduce_min3A_398 = arith.xori %reduce_min3A_397, %reduce_min3A_395 : vector<16xi32>
        %reduce_min3A_399 = vector.extract %reduce_min3A_398[15] : i32 from vector<16xi32>
        %sub3A_400 = arith.subi %add3A_383, %rev3A_379 : vector<16xi32>
        %select_n3A_401 = arith.select %ge3A_384, %sub3A_400, %broadcast_in_dim3A_7 : vector<16xi1>, vector<16xi32>
        %reduce_min3A_402 = arith.constant true
        %reduce_min3A_403 = vector.broadcast %reduce_min3A_402 : i1 to vector<16xi1>
        %reduce_min3A_404 = arith.constant -2147483648 : i32
        %reduce_min3A_405 = vector.broadcast %reduce_min3A_404 : i32 to vector<16xi32>
        %reduce_min3A_406 = arith.xori %select_n3A_401, %reduce_min3A_405 : vector<16xi32>
        %reduce_min3A_407 = tpu.scan <min>, %reduce_min3A_406 masked %reduce_min3A_403 : vector<16xi32>, vector<16xi1> -> vector<16xi32>
        %reduce_min3A_408 = arith.xori %reduce_min3A_407, %reduce_min3A_405 : vector<16xi32>
        %reduce_min3A_409 = vector.extract %reduce_min3A_408[15] : i32 from vector<16xi32>
        %sub3A_410 = arith.subi %reduce_min3A_399, %reduce_min3A_409 : i32
        %gt3A = arith.constant 0 : i32
        %gt3A_411 = arith.cmpi sgt, %squeeze3A, %gt3A : i32
        %eq3A_412 = arith.constant 0 : i32
        %eq3A_413 = arith.cmpi eq, %scan3A_367, %eq3A_412 : i32
        %and3A_414 = arith.andi %gt3A_411, %eq3A_413 : i1
        %select_n3A_415 = arith.select %and3A_414, %sub3A_391, %scan3A_368 : i32
        %select_n3A_416 = arith.select %and3A_414, %reduce_min3A_409, %scan3A_369 : i32
        %select_n3A_417 = arith.select %and3A_414, %sub3A_410, %scan3A_370 : i32
        %gt3A_418 = arith.constant 0 : i32
        %gt3A_419 = arith.cmpi sgt, %squeeze3A, %gt3A_418 : i32
        %jit3A_420 = arith.constant 1 : i32
        %jit3A_421 = arith.constant 0 : i32
        %select_n3A_422 = arith.select %gt3A_419, %jit3A_420, %jit3A_421 : i32
        %or3A_423 = arith.ori %scan3A_367, %select_n3A_422 : i32
        %slice3A_424 = vector.extract_strided_slice %add3A_383 {offsets = [15], sizes = [1], strides = [1]} : vector<16xi32> to vector<1xi32>
        %squeeze3A_425 = vector.extract %slice3A_424[0] : i32 from vector<1xi32>
        %scan3A_426 = arith.constant 1 : i32
        %scan3A_427 = arith.addi %scan3A_365, %scan3A_426 : i32
        %mul3A_428 = arith.constant 16 : i32
        %mul3A_429 = arith.muli %mul3A_428, %scan3A_427 : i32
        %sub3A_430 = arith.constant 240 : i32
        %sub3A_431 = arith.subi %sub3A_430, %mul3A_429 : i32
        %get3A_432 = arith.index_cast %sub3A_431 : i32 to index
        %get3A_433 = tpu.vector_load %arg6[%get3A_432] {strides = array<i32>} : memref<256xi32, #tpu.memory_space<vmem>>, vector<16xi32>,
        %rev3A_434 = arith.constant 15 : i32
        %rev3A_435 = vector.broadcast %rev3A_434 : i32 to vector<16xi32>
        %rev3A_436 = tpu.iota {dimensions = array<i32: 0>} : vector<16xi32>
        %rev3A_437 = arith.subi %rev3A_435, %rev3A_436 : vector<16xi32>
        %rev3A_438 = tpu.dynamic_gather %get3A_433[%rev3A_437] in [0] : vector<16xi32>, vector<16xi32> -> vector<16xi32>
        %broadcast_in_dim3A_439 = arith.constant true
        %broadcast_in_dim3A_440 = vector.broadcast %broadcast_in_dim3A_439 : i1 to vector<16xi1>
        %masked_cumsum3A_441 = tpu.scan <sum>, %rev3A_438 masked %broadcast_in_dim3A_440 : vector<16xi32>, vector<16xi1> -> vector<16xi32>
        %add3A_442 = vector.broadcast %squeeze3A_425 : i32 to vector<16xi32>
        %add3A_443 = arith.addi %add3A_442, %masked_cumsum3A_441 : vector<16xi32>
        %ge3A_444 = vector.broadcast %sub3A_265 : i32 to vector<16xi32>
        %ge3A_445 = arith.cmpi sge, %add3A_443, %ge3A_444 : vector<16xi32>
        %all_reduce_population_count3A_446 = tpu.all_reduce %ge3A_445 {dim = 0 : i64, kind = #tpu.reduction_kind<sum>} : vector<16xi1> -> vector<16xi32>
        %slice3A_447 = vector.extract_strided_slice %all_reduce_population_count3A_446 {offsets = [0], sizes = [1], strides = [1]} : vector<16xi32> to vector<1xi32>
        %squeeze3A_448 = vector.extract %slice3A_447[0] : i32 from vector<1xi32>
        %sub3A_449 = arith.constant 16 : i32
        %sub3A_450 = arith.subi %sub3A_449, %squeeze3A_448 : i32
        %mul3A_451 = arith.constant 16 : i32
        %mul3A_452 = arith.muli %mul3A_451, %scan3A_427 : i32
        %sub3A_453 = arith.constant 255 : i32
        %sub3A_454 = arith.subi %sub3A_453, %mul3A_452 : i32
        %sub3A_455 = arith.subi %sub3A_454, %sub3A_450 : i32
        %select_n3A_456 = arith.select %ge3A_445, %add3A_443, %broadcast_in_dim3A_7 : vector<16xi1>, vector<16xi32>
        %reduce_min3A_457 = arith.constant true
        %reduce_min3A_458 = vector.broadcast %reduce_min3A_457 : i1 to vector<16xi1>
        %reduce_min3A_459 = arith.constant -2147483648 : i32
        %reduce_min3A_460 = vector.broadcast %reduce_min3A_459 : i32 to vector<16xi32>
        %reduce_min3A_461 = arith.xori %select_n3A_456, %reduce_min3A_460 : vector<16xi32>
        %reduce_min3A_462 = tpu.scan <min>, %reduce_min3A_461 masked %reduce_min3A_458 : vector<16xi32>, vector<16xi1> -> vector<16xi32>
        %reduce_min3A_463 = arith.xori %reduce_min3A_462, %reduce_min3A_460 : vector<16xi32>
        %reduce_min3A_464 = vector.extract %reduce_min3A_463[15] : i32 from vector<16xi32>
        %sub3A_465 = arith.subi %add3A_443, %rev3A_438 : vector<16xi32>
        %select_n3A_466 = arith.select %ge3A_445, %sub3A_465, %broadcast_in_dim3A_7 : vector<16xi1>, vector<16xi32>
        %reduce_min3A_467 = arith.constant true
        %reduce_min3A_468 = vector.broadcast %reduce_min3A_467 : i1 to vector<16xi1>
        %reduce_min3A_469 = arith.constant -2147483648 : i32
        %reduce_min3A_470 = vector.broadcast %reduce_min3A_469 : i32 to vector<16xi32>
        %reduce_min3A_471 = arith.xori %select_n3A_466, %reduce_min3A_470 : vector<16xi32>
        %reduce_min3A_472 = tpu.scan <min>, %reduce_min3A_471 masked %reduce_min3A_468 : vector<16xi32>, vector<16xi1> -> vector<16xi32>
        %reduce_min3A_473 = arith.xori %reduce_min3A_472, %reduce_min3A_470 : vector<16xi32>
        %reduce_min3A_474 = vector.extract %reduce_min3A_473[15] : i32 from vector<16xi32>
        %sub3A_475 = arith.subi %reduce_min3A_464, %reduce_min3A_474 : i32
        %gt3A_476 = arith.constant 0 : i32
        %gt3A_477 = arith.cmpi sgt, %squeeze3A_448, %gt3A_476 : i32
        %eq3A_478 = arith.constant 0 : i32
        %eq3A_479 = arith.cmpi eq, %or3A_423, %eq3A_478 : i32
        %and3A_480 = arith.andi %gt3A_477, %eq3A_479 : i1
        %select_n3A_481 = arith.select %and3A_480, %sub3A_455, %select_n3A_415 : i32
        %select_n3A_482 = arith.select %and3A_480, %reduce_min3A_474, %select_n3A_416 : i32
        %select_n3A_483 = arith.select %and3A_480, %sub3A_475, %select_n3A_417 : i32
        %gt3A_484 = arith.constant 0 : i32
        %gt3A_485 = arith.cmpi sgt, %squeeze3A_448, %gt3A_484 : i32
        %jit3A_486 = arith.constant 1 : i32
        %jit3A_487 = arith.constant 0 : i32
        %select_n3A_488 = arith.select %gt3A_485, %jit3A_486, %jit3A_487 : i32
        %or3A_489 = arith.ori %or3A_423, %select_n3A_488 : i32
        %slice3A_490 = vector.extract_strided_slice %add3A_443 {offsets = [15], sizes = [1], strides = [1]} : vector<16xi32> to vector<1xi32>
        %squeeze3A_491 = vector.extract %slice3A_490[0] : i32 from vector<1xi32>
        %scan3A_492 = arith.constant 2 : i32
        %scan3A_493 = arith.addi %scan3A_365, %scan3A_492 : i32
        %mul3A_494 = arith.constant 16 : i32
        %mul3A_495 = arith.muli %mul3A_494, %scan3A_493 : i32
        %sub3A_496 = arith.constant 240 : i32
        %sub3A_497 = arith.subi %sub3A_496, %mul3A_495 : i32
        %get3A_498 = arith.index_cast %sub3A_497 : i32 to index
        %get3A_499 = tpu.vector_load %arg6[%get3A_498] {strides = array<i32>} : memref<256xi32, #tpu.memory_space<vmem>>, vector<16xi32>,
        %rev3A_500 = arith.constant 15 : i32
        %rev3A_501 = vector.broadcast %rev3A_500 : i32 to vector<16xi32>
        %rev3A_502 = tpu.iota {dimensions = array<i32: 0>} : vector<16xi32>
        %rev3A_503 = arith.subi %rev3A_501, %rev3A_502 : vector<16xi32>
        %rev3A_504 = tpu.dynamic_gather %get3A_499[%rev3A_503] in [0] : vector<16xi32>, vector<16xi32> -> vector<16xi32>
        %broadcast_in_dim3A_505 = arith.constant true
        %broadcast_in_dim3A_506 = vector.broadcast %broadcast_in_dim3A_505 : i1 to vector<16xi1>
        %masked_cumsum3A_507 = tpu.scan <sum>, %rev3A_504 masked %broadcast_in_dim3A_506 : vector<16xi32>, vector<16xi1> -> vector<16xi32>
        %add3A_508 = vector.broadcast %squeeze3A_491 : i32 to vector<16xi32>
        %add3A_509 = arith.addi %add3A_508, %masked_cumsum3A_507 : vector<16xi32>
        %ge3A_510 = vector.broadcast %sub3A_265 : i32 to vector<16xi32>
        %ge3A_511 = arith.cmpi sge, %add3A_509, %ge3A_510 : vector<16xi32>
        %all_reduce_population_count3A_512 = tpu.all_reduce %ge3A_511 {dim = 0 : i64, kind = #tpu.reduction_kind<sum>} : vector<16xi1> -> vector<16xi32>
        %slice3A_513 = vector.extract_strided_slice %all_reduce_population_count3A_512 {offsets = [0], sizes = [1], strides = [1]} : vector<16xi32> to vector<1xi32>
        %squeeze3A_514 = vector.extract %slice3A_513[0] : i32 from vector<1xi32>
        %sub3A_515 = arith.constant 16 : i32
        %sub3A_516 = arith.subi %sub3A_515, %squeeze3A_514 : i32
        %mul3A_517 = arith.constant 16 : i32
        %mul3A_518 = arith.muli %mul3A_517, %scan3A_493 : i32
        %sub3A_519 = arith.constant 255 : i32
        %sub3A_520 = arith.subi %sub3A_519, %mul3A_518 : i32
        %sub3A_521 = arith.subi %sub3A_520, %sub3A_516 : i32
        %select_n3A_522 = arith.select %ge3A_511, %add3A_509, %broadcast_in_dim3A_7 : vector<16xi1>, vector<16xi32>
        %reduce_min3A_523 = arith.constant true
        %reduce_min3A_524 = vector.broadcast %reduce_min3A_523 : i1 to vector<16xi1>
        %reduce_min3A_525 = arith.constant -2147483648 : i32
        %reduce_min3A_526 = vector.broadcast %reduce_min3A_525 : i32 to vector<16xi32>
        %reduce_min3A_527 = arith.xori %select_n3A_522, %reduce_min3A_526 : vector<16xi32>
        %reduce_min3A_528 = tpu.scan <min>, %reduce_min3A_527 masked %reduce_min3A_524 : vector<16xi32>, vector<16xi1> -> vector<16xi32>
        %reduce_min3A_529 = arith.xori %reduce_min3A_528, %reduce_min3A_526 : vector<16xi32>
        %reduce_min3A_530 = vector.extract %reduce_min3A_529[15] : i32 from vector<16xi32>
        %sub3A_531 = arith.subi %add3A_509, %rev3A_504 : vector<16xi32>
        %select_n3A_532 = arith.select %ge3A_511, %sub3A_531, %broadcast_in_dim3A_7 : vector<16xi1>, vector<16xi32>
        %reduce_min3A_533 = arith.constant true
        %reduce_min3A_534 = vector.broadcast %reduce_min3A_533 : i1 to vector<16xi1>
        %reduce_min3A_535 = arith.constant -2147483648 : i32
        %reduce_min3A_536 = vector.broadcast %reduce_min3A_535 : i32 to vector<16xi32>
        %reduce_min3A_537 = arith.xori %select_n3A_532, %reduce_min3A_536 : vector<16xi32>
        %reduce_min3A_538 = tpu.scan <min>, %reduce_min3A_537 masked %reduce_min3A_534 : vector<16xi32>, vector<16xi1> -> vector<16xi32>
        %reduce_min3A_539 = arith.xori %reduce_min3A_538, %reduce_min3A_536 : vector<16xi32>
        %reduce_min3A_540 = vector.extract %reduce_min3A_539[15] : i32 from vector<16xi32>
        %sub3A_541 = arith.subi %reduce_min3A_530, %reduce_min3A_540 : i32
        %gt3A_542 = arith.constant 0 : i32
        %gt3A_543 = arith.cmpi sgt, %squeeze3A_514, %gt3A_542 : i32
        %eq3A_544 = arith.constant 0 : i32
        %eq3A_545 = arith.cmpi eq, %or3A_489, %eq3A_544 : i32
        %and3A_546 = arith.andi %gt3A_543, %eq3A_545 : i1
        %select_n3A_547 = arith.select %and3A_546, %sub3A_521, %select_n3A_481 : i32
        %select_n3A_548 = arith.select %and3A_546, %reduce_min3A_540, %select_n3A_482 : i32
        %select_n3A_549 = arith.select %and3A_546, %sub3A_541, %select_n3A_483 : i32
        %gt3A_550 = arith.constant 0 : i32
        %gt3A_551 = arith.cmpi sgt, %squeeze3A_514, %gt3A_550 : i32
        %jit3A_552 = arith.constant 1 : i32
        %jit3A_553 = arith.constant 0 : i32
        %select_n3A_554 = arith.select %gt3A_551, %jit3A_552, %jit3A_553 : i32
        %or3A_555 = arith.ori %or3A_489, %select_n3A_554 : i32
        %slice3A_556 = vector.extract_strided_slice %add3A_509 {offsets = [15], sizes = [1], strides = [1]} : vector<16xi32> to vector<1xi32>
        %squeeze3A_557 = vector.extract %slice3A_556[0] : i32 from vector<1xi32>
        %scan3A_558 = arith.constant 3 : i32
        %scan3A_559 = arith.addi %scan3A_365, %scan3A_558 : i32
        %mul3A_560 = arith.constant 16 : i32
        %mul3A_561 = arith.muli %mul3A_560, %scan3A_559 : i32
        %sub3A_562 = arith.constant 240 : i32
        %sub3A_563 = arith.subi %sub3A_562, %mul3A_561 : i32
        %get3A_564 = arith.index_cast %sub3A_563 : i32 to index
        %get3A_565 = tpu.vector_load %arg6[%get3A_564] {strides = array<i32>} : memref<256xi32, #tpu.memory_space<vmem>>, vector<16xi32>,
        %rev3A_566 = arith.constant 15 : i32
        %rev3A_567 = vector.broadcast %rev3A_566 : i32 to vector<16xi32>
        %rev3A_568 = tpu.iota {dimensions = array<i32: 0>} : vector<16xi32>
        %rev3A_569 = arith.subi %rev3A_567, %rev3A_568 : vector<16xi32>
        %rev3A_570 = tpu.dynamic_gather %get3A_565[%rev3A_569] in [0] : vector<16xi32>, vector<16xi32> -> vector<16xi32>
        %broadcast_in_dim3A_571 = arith.constant true
        %broadcast_in_dim3A_572 = vector.broadcast %broadcast_in_dim3A_571 : i1 to vector<16xi1>
        %masked_cumsum3A_573 = tpu.scan <sum>, %rev3A_570 masked %broadcast_in_dim3A_572 : vector<16xi32>, vector<16xi1> -> vector<16xi32>
        %add3A_574 = vector.broadcast %squeeze3A_557 : i32 to vector<16xi32>
        %add3A_575 = arith.addi %add3A_574, %masked_cumsum3A_573 : vector<16xi32>
        %ge3A_576 = vector.broadcast %sub3A_265 : i32 to vector<16xi32>
        %ge3A_577 = arith.cmpi sge, %add3A_575, %ge3A_576 : vector<16xi32>
        %all_reduce_population_count3A_578 = tpu.all_reduce %ge3A_577 {dim = 0 : i64, kind = #tpu.reduction_kind<sum>} : vector<16xi1> -> vector<16xi32>
        %slice3A_579 = vector.extract_strided_slice %all_reduce_population_count3A_578 {offsets = [0], sizes = [1], strides = [1]} : vector<16xi32> to vector<1xi32>
        %squeeze3A_580 = vector.extract %slice3A_579[0] : i32 from vector<1xi32>
        %sub3A_581 = arith.constant 16 : i32
        %sub3A_582 = arith.subi %sub3A_581, %squeeze3A_580 : i32
        %mul3A_583 = arith.constant 16 : i32
        %mul3A_584 = arith.muli %mul3A_583, %scan3A_559 : i32
        %sub3A_585 = arith.constant 255 : i32
        %sub3A_586 = arith.subi %sub3A_585, %mul3A_584 : i32
        %sub3A_587 = arith.subi %sub3A_586, %sub3A_582 : i32
        %select_n3A_588 = arith.select %ge3A_577, %add3A_575, %broadcast_in_dim3A_7 : vector<16xi1>, vector<16xi32>
        %reduce_min3A_589 = arith.constant true
        %reduce_min3A_590 = vector.broadcast %reduce_min3A_589 : i1 to vector<16xi1>
        %reduce_min3A_591 = arith.constant -2147483648 : i32
        %reduce_min3A_592 = vector.broadcast %reduce_min3A_591 : i32 to vector<16xi32>
        %reduce_min3A_593 = arith.xori %select_n3A_588, %reduce_min3A_592 : vector<16xi32>
        %reduce_min3A_594 = tpu.scan <min>, %reduce_min3A_593 masked %reduce_min3A_590 : vector<16xi32>, vector<16xi1> -> vector<16xi32>
        %reduce_min3A_595 = arith.xori %reduce_min3A_594, %reduce_min3A_592 : vector<16xi32>
        %reduce_min3A_596 = vector.extract %reduce_min3A_595[15] : i32 from vector<16xi32>
        %sub3A_597 = arith.subi %add3A_575, %rev3A_570 : vector<16xi32>
        %select_n3A_598 = arith.select %ge3A_577, %sub3A_597, %broadcast_in_dim3A_7 : vector<16xi1>, vector<16xi32>
        %reduce_min3A_599 = arith.constant true
        %reduce_min3A_600 = vector.broadcast %reduce_min3A_599 : i1 to vector<16xi1>
        %reduce_min3A_601 = arith.constant -2147483648 : i32
        %reduce_min3A_602 = vector.broadcast %reduce_min3A_601 : i32 to vector<16xi32>
        %reduce_min3A_603 = arith.xori %select_n3A_598, %reduce_min3A_602 : vector<16xi32>
        %reduce_min3A_604 = tpu.scan <min>, %reduce_min3A_603 masked %reduce_min3A_600 : vector<16xi32>, vector<16xi1> -> vector<16xi32>
        %reduce_min3A_605 = arith.xori %reduce_min3A_604, %reduce_min3A_602 : vector<16xi32>
        %reduce_min3A_606 = vector.extract %reduce_min3A_605[15] : i32 from vector<16xi32>
        %sub3A_607 = arith.subi %reduce_min3A_596, %reduce_min3A_606 : i32
        %gt3A_608 = arith.constant 0 : i32
        %gt3A_609 = arith.cmpi sgt, %squeeze3A_580, %gt3A_608 : i32
        %eq3A_610 = arith.constant 0 : i32
        %eq3A_611 = arith.cmpi eq, %or3A_555, %eq3A_610 : i32
        %and3A_612 = arith.andi %gt3A_609, %eq3A_611 : i1
        %select_n3A_613 = arith.select %and3A_612, %sub3A_587, %select_n3A_547 : i32
        %select_n3A_614 = arith.select %and3A_612, %reduce_min3A_606, %select_n3A_548 : i32
        %select_n3A_615 = arith.select %and3A_612, %sub3A_607, %select_n3A_549 : i32
        %gt3A_616 = arith.constant 0 : i32
        %gt3A_617 = arith.cmpi sgt, %squeeze3A_580, %gt3A_616 : i32
        %jit3A_618 = arith.constant 1 : i32
        %jit3A_619 = arith.constant 0 : i32
        %select_n3A_620 = arith.select %gt3A_617, %jit3A_618, %jit3A_619 : i32
        %or3A_621 = arith.ori %or3A_555, %select_n3A_620 : i32
        %slice3A_622 = vector.extract_strided_slice %add3A_575 {offsets = [15], sizes = [1], strides = [1]} : vector<16xi32> to vector<1xi32>
        %squeeze3A_623 = vector.extract %slice3A_622[0] : i32 from vector<1xi32>
        scf.yield %squeeze3A_623, %or3A_621, %select_n3A_613, %select_n3A_614, %select_n3A_615 : i32, i32, i32, i32, i32
      }
      %scan3A_345 = arith.constant 16 : i32
      "tpu.trace_stop"() : () -> ()
      %shift_left3A_346 = arith.constant 8 : i32
      %shift_left3A_347 = arith.shli %or3A_264, %shift_left3A_346 : i32
      %or3A_348 = arith.ori %shift_left3A_347, %scan3A_344#2 : i32
      %sub3A_349 = arith.subi %sub3A_265, %scan3A_344#3 : i32
      %xor3A = arith.constant -2147483648 : i32
      %xor3A_350 = arith.xori %or3A_348, %xor3A : i32
      %broadcast_in_dim3A_351 = vector.broadcast %select_n3A : i32 to vector<16xi32>
      %convert_element_type3A_352 = arith.sitofp %broadcast_in_dim3A_351 : vector<16xi32> to vector<16xf32>
      %broadcast_in_dim3A_353 = arith.constant 1.000000e+00 : f32
      %broadcast_in_dim3A_354 = vector.broadcast %broadcast_in_dim3A_353 : f32 to vector<16xf32>
      %div3A_355 = arith.divf %broadcast_in_dim3A_354, %convert_element_type3A_352 : vector<16xf32>
      %broadcast_in_dim3A_356 = arith.constant 0.000000e+00 : f32
      %broadcast_in_dim3A_357 = vector.broadcast %broadcast_in_dim3A_356 : f32 to vector<16xf32>
      %eq3A = arith.cmpi eq, %sub3A_349, %scan3A_344#4 : i32
      %convert_element_type3A_358 = arith.extui %eq3A : i1 to i32
      %cond3A_359 = arith.constant 0 : i32
      %cond3A_360 = arith.cmpi ne, %convert_element_type3A_358, %cond3A_359 : i32
      scf.if %cond3A_360 {
        %parallel_loop3A_365 = arith.constant 0 : i32
        %parallel_loop3A_366 = arith.constant 128 : i32
        %parallel_loop3A_367 = arith.constant 1 : i32
        "tpu.trace_start"() <{level = 10 : i32, message = "ph_out"}> : () -> ()
        scf.for %parallel_loop3A_368 = %parallel_loop3A_365 to %parallel_loop3A_366 step %parallel_loop3A_367  : i32 {
          %parallel_loop3A_369 = arith.constant 16 : i32
          %parallel_loop3A_370 = arith.muli %parallel_loop3A_368, %parallel_loop3A_369 : i32
          %parallel_loop3A_371 = arith.index_cast %parallel_loop3A_370 : i32 to index
          %parallel_loop3A_372 = tpu.vector_load %arg5[%parallel_loop3A_371] {strides = array<i32>} : memref<2048xi32, #tpu.memory_space<vmem>>, vector<16xi32>,
          %parallel_loop3A_373 = vector.broadcast %xor3A_350 : i32 to vector<16xi32>
          %parallel_loop3A_374 = arith.cmpi sge, %parallel_loop3A_372, %parallel_loop3A_373 : vector<16xi32>
          %parallel_loop3A_375 = arith.select %parallel_loop3A_374, %div3A_355, %broadcast_in_dim3A_357 : vector<16xi1>, vector<16xf32>
          %parallel_loop3A_376 = arith.constant 16 : i32
          %parallel_loop3A_377 = arith.muli %parallel_loop3A_368, %parallel_loop3A_376 : i32
          %parallel_loop3A_378 = arith.index_cast %parallel_loop3A_377 : i32 to index
          %parallel_loop3A_379 = tpu.vector_load %arg11[%parallel_loop3A_378] {strides = array<i32>} : memref<2048xf32, #tpu.memory_space<vmem>>, vector<16xf32>,
          tpu.vector_store %arg11[%parallel_loop3A_378], %parallel_loop3A_375 {strides = array<i32>} : memref<2048xf32, #tpu.memory_space<vmem>>, vector<16xf32>,
        } {sc.loop_unroll_factor = 8 : i64, sc.parallel_access}
        "tpu.trace_stop"() : () -> ()
      } else {
      }
      %ne3A_361 = arith.cmpi ne, %sub3A_349, %scan3A_344#4 : i32
      %convert_element_type3A_362 = arith.extui %ne3A_361 : i1 to i32
      %cond3A_363 = arith.constant 0 : i32
      %cond3A_364 = arith.cmpi ne, %convert_element_type3A_362, %cond3A_363 : i32
      scf.if %cond3A_364 {
        %scan3A_365 = arith.constant 0 : i32
        %scan3A_366 = arith.constant 0 : i32
        %scan3A_367 = arith.constant 128 : i32
        %scan3A_368 = arith.addi %scan3A_366, %scan3A_367 : i32
        %scan3A_369 = arith.constant 4 : i32
        %scan3A_370 = scf.for %scan3A_385 = %scan3A_366 to %scan3A_368 step %scan3A_369 iter_args(%scan3A_386 = %scan3A_365) -> (i32)  : i32 {
          %mul3A_387 = arith.constant 16 : i32
          %mul3A_388 = arith.muli %scan3A_385, %mul3A_387 : i32
          %get3A = arith.index_cast %mul3A_388 : i32 to index
          %get3A_389 = tpu.vector_load %arg5[%get3A] {strides = array<i32>} : memref<2048xi32, #tpu.memory_space<vmem>>, vector<16xi32>,
          %eq3A_390 = vector.broadcast %xor3A_350 : i32 to vector<16xi32>
          %eq3A_391 = arith.cmpi eq, %get3A_389, %eq3A_390 : vector<16xi32>
          %all_reduce_population_count3A = tpu.all_reduce %eq3A_391 {dim = 0 : i64, kind = #tpu.reduction_kind<sum>} : vector<16xi1> -> vector<16xi32>
          %slice3A = vector.extract_strided_slice %all_reduce_population_count3A {offsets = [0], sizes = [1], strides = [1]} : vector<16xi32> to vector<1xi32>
          %squeeze3A = vector.extract %slice3A[0] : i32 from vector<1xi32>
          %swap3A_392 = arith.index_cast %scan3A_385 : i32 to index
          %swap3A_393 = memref.load %arg9[%swap3A_392] : memref<128xi32, #tpu.memory_space<smem>>
          memref.store %squeeze3A, %arg9[%swap3A_392] : memref<128xi32, #tpu.memory_space<smem>>
          %add3A_394 = arith.addi %scan3A_386, %squeeze3A : i32
          %scan3A_395 = arith.constant 1 : i32
          %scan3A_396 = arith.addi %scan3A_385, %scan3A_395 : i32
          %mul3A_397 = arith.constant 16 : i32
          %mul3A_398 = arith.muli %scan3A_396, %mul3A_397 : i32
          %get3A_399 = arith.index_cast %mul3A_398 : i32 to index
          %get3A_400 = tpu.vector_load %arg5[%get3A_399] {strides = array<i32>} : memref<2048xi32, #tpu.memory_space<vmem>>, vector<16xi32>,
          %eq3A_401 = vector.broadcast %xor3A_350 : i32 to vector<16xi32>
          %eq3A_402 = arith.cmpi eq, %get3A_400, %eq3A_401 : vector<16xi32>
          %all_reduce_population_count3A_403 = tpu.all_reduce %eq3A_402 {dim = 0 : i64, kind = #tpu.reduction_kind<sum>} : vector<16xi1> -> vector<16xi32>
          %slice3A_404 = vector.extract_strided_slice %all_reduce_population_count3A_403 {offsets = [0], sizes = [1], strides = [1]} : vector<16xi32> to vector<1xi32>
          %squeeze3A_405 = vector.extract %slice3A_404[0] : i32 from vector<1xi32>
          %swap3A_406 = arith.index_cast %scan3A_396 : i32 to index
          %swap3A_407 = memref.load %arg9[%swap3A_406] : memref<128xi32, #tpu.memory_space<smem>>
          memref.store %squeeze3A_405, %arg9[%swap3A_406] : memref<128xi32, #tpu.memory_space<smem>>
          %add3A_408 = arith.addi %add3A_394, %squeeze3A_405 : i32
          %scan3A_409 = arith.constant 2 : i32
          %scan3A_410 = arith.addi %scan3A_385, %scan3A_409 : i32
          %mul3A_411 = arith.constant 16 : i32
          %mul3A_412 = arith.muli %scan3A_410, %mul3A_411 : i32
          %get3A_413 = arith.index_cast %mul3A_412 : i32 to index
          %get3A_414 = tpu.vector_load %arg5[%get3A_413] {strides = array<i32>} : memref<2048xi32, #tpu.memory_space<vmem>>, vector<16xi32>,
          %eq3A_415 = vector.broadcast %xor3A_350 : i32 to vector<16xi32>
          %eq3A_416 = arith.cmpi eq, %get3A_414, %eq3A_415 : vector<16xi32>
          %all_reduce_population_count3A_417 = tpu.all_reduce %eq3A_416 {dim = 0 : i64, kind = #tpu.reduction_kind<sum>} : vector<16xi1> -> vector<16xi32>
          %slice3A_418 = vector.extract_strided_slice %all_reduce_population_count3A_417 {offsets = [0], sizes = [1], strides = [1]} : vector<16xi32> to vector<1xi32>
          %squeeze3A_419 = vector.extract %slice3A_418[0] : i32 from vector<1xi32>
          %swap3A_420 = arith.index_cast %scan3A_410 : i32 to index
          %swap3A_421 = memref.load %arg9[%swap3A_420] : memref<128xi32, #tpu.memory_space<smem>>
          memref.store %squeeze3A_419, %arg9[%swap3A_420] : memref<128xi32, #tpu.memory_space<smem>>
          %add3A_422 = arith.addi %add3A_408, %squeeze3A_419 : i32
          %scan3A_423 = arith.constant 3 : i32
          %scan3A_424 = arith.addi %scan3A_385, %scan3A_423 : i32
          %mul3A_425 = arith.constant 16 : i32
          %mul3A_426 = arith.muli %scan3A_424, %mul3A_425 : i32
          %get3A_427 = arith.index_cast %mul3A_426 : i32 to index
          %get3A_428 = tpu.vector_load %arg5[%get3A_427] {strides = array<i32>} : memref<2048xi32, #tpu.memory_space<vmem>>, vector<16xi32>,
          %eq3A_429 = vector.broadcast %xor3A_350 : i32 to vector<16xi32>
          %eq3A_430 = arith.cmpi eq, %get3A_428, %eq3A_429 : vector<16xi32>
          %all_reduce_population_count3A_431 = tpu.all_reduce %eq3A_430 {dim = 0 : i64, kind = #tpu.reduction_kind<sum>} : vector<16xi1> -> vector<16xi32>
          %slice3A_432 = vector.extract_strided_slice %all_reduce_population_count3A_431 {offsets = [0], sizes = [1], strides = [1]} : vector<16xi32> to vector<1xi32>
          %squeeze3A_433 = vector.extract %slice3A_432[0] : i32 from vector<1xi32>
          %swap3A_434 = arith.index_cast %scan3A_424 : i32 to index
          %swap3A_435 = memref.load %arg9[%swap3A_434] : memref<128xi32, #tpu.memory_space<smem>>
          memref.store %squeeze3A_433, %arg9[%swap3A_434] : memref<128xi32, #tpu.memory_space<smem>>
          %add3A_436 = arith.addi %add3A_422, %squeeze3A_433 : i32
          scf.yield %add3A_436 : i32
        }
        %scan3A_371 = arith.constant 128 : i32
        %scan3A_372 = arith.constant 0 : i32
        %scan3A_373 = arith.constant 0 : i32
        %scan3A_374 = arith.constant 128 : i32
        %scan3A_375 = arith.addi %scan3A_373, %scan3A_374 : i32
        %scan3A_376 = arith.constant 4 : i32
        %scan3A_377 = scf.for %scan3A_385 = %scan3A_373 to %scan3A_375 step %scan3A_376 iter_args(%scan3A_386 = %scan3A_372) -> (i32)  : i32 {
          %get3A = arith.index_cast %scan3A_385 : i32 to index
          %get3A_387 = memref.load %arg9[%get3A] : memref<128xi32, #tpu.memory_space<smem>>
          %sub3A_388 = arith.subi %scan3A_370, %scan3A_386 : i32
          %sub3A_389 = arith.subi %sub3A_388, %get3A_387 : i32
          %swap3A_390 = arith.index_cast %scan3A_385 : i32 to index
          %swap3A_391 = memref.load %arg10[%swap3A_390] : memref<128xi32, #tpu.memory_space<smem>>
          memref.store %sub3A_389, %arg10[%swap3A_390] : memref<128xi32, #tpu.memory_space<smem>>
          %add3A_392 = arith.addi %scan3A_386, %get3A_387 : i32
          %scan3A_393 = arith.constant 1 : i32
          %scan3A_394 = arith.addi %scan3A_385, %scan3A_393 : i32
          %get3A_395 = arith.index_cast %scan3A_394 : i32 to index
          %get3A_396 = memref.load %arg9[%get3A_395] : memref<128xi32, #tpu.memory_space<smem>>
          %sub3A_397 = arith.subi %scan3A_370, %add3A_392 : i32
          %sub3A_398 = arith.subi %sub3A_397, %get3A_396 : i32
          %swap3A_399 = arith.index_cast %scan3A_394 : i32 to index
          %swap3A_400 = memref.load %arg10[%swap3A_399] : memref<128xi32, #tpu.memory_space<smem>>
          memref.store %sub3A_398, %arg10[%swap3A_399] : memref<128xi32, #tpu.memory_space<smem>>
          %add3A_401 = arith.addi %add3A_392, %get3A_396 : i32
          %scan3A_402 = arith.constant 2 : i32
          %scan3A_403 = arith.addi %scan3A_385, %scan3A_402 : i32
          %get3A_404 = arith.index_cast %scan3A_403 : i32 to index
          %get3A_405 = memref.load %arg9[%get3A_404] : memref<128xi32, #tpu.memory_space<smem>>
          %sub3A_406 = arith.subi %scan3A_370, %add3A_401 : i32
          %sub3A_407 = arith.subi %sub3A_406, %get3A_405 : i32
          %swap3A_408 = arith.index_cast %scan3A_403 : i32 to index
          %swap3A_409 = memref.load %arg10[%swap3A_408] : memref<128xi32, #tpu.memory_space<smem>>
          memref.store %sub3A_407, %arg10[%swap3A_408] : memref<128xi32, #tpu.memory_space<smem>>
          %add3A_410 = arith.addi %add3A_401, %get3A_405 : i32
          %scan3A_411 = arith.constant 3 : i32
          %scan3A_412 = arith.addi %scan3A_385, %scan3A_411 : i32
          %get3A_413 = arith.index_cast %scan3A_412 : i32 to index
          %get3A_414 = memref.load %arg9[%get3A_413] : memref<128xi32, #tpu.memory_space<smem>>
          %sub3A_415 = arith.subi %scan3A_370, %add3A_410 : i32
          %sub3A_416 = arith.subi %sub3A_415, %get3A_414 : i32
          %swap3A_417 = arith.index_cast %scan3A_412 : i32 to index
          %swap3A_418 = memref.load %arg10[%swap3A_417] : memref<128xi32, #tpu.memory_space<smem>>
          memref.store %sub3A_416, %arg10[%swap3A_417] : memref<128xi32, #tpu.memory_space<smem>>
          %add3A_419 = arith.addi %add3A_410, %get3A_414 : i32
          scf.yield %add3A_419 : i32
        }
        %scan3A_378 = arith.constant 128 : i32
        %scan3A_379 = arith.constant 0 : i32
        %scan3A_380 = arith.constant 0 : i32
        %scan3A_381 = arith.constant 128 : i32
        %scan3A_382 = arith.addi %scan3A_380, %scan3A_381 : i32
        %scan3A_383 = arith.constant 4 : i32
        scf.for %scan3A_385 = %scan3A_380 to %scan3A_382 step %scan3A_383  : i32 {
          %mul3A_386 = arith.constant 16 : i32
          %mul3A_387 = arith.muli %scan3A_385, %mul3A_386 : i32
          %get3A = arith.index_cast %mul3A_387 : i32 to index
          %get3A_388 = tpu.vector_load %arg5[%get3A] {strides = array<i32>} : memref<2048xi32, #tpu.memory_space<vmem>>, vector<16xi32>,
          %eq3A_389 = vector.broadcast %xor3A_350 : i32 to vector<16xi32>
          %eq3A_390 = arith.cmpi eq, %get3A_388, %eq3A_389 : vector<16xi32>
          %select_n3A_391 = arith.select %eq3A_390, %broadcast_in_dim3A_3, %broadcast_in_dim3A_5 : vector<16xi1>, vector<16xi32>
          %rev3A = arith.constant 15 : i32
          %rev3A_392 = vector.broadcast %rev3A : i32 to vector<16xi32>
          %rev3A_393 = tpu.iota {dimensions = array<i32: 0>} : vector<16xi32>
          %rev3A_394 = arith.subi %rev3A_392, %rev3A_393 : vector<16xi32>
          %rev3A_395 = tpu.dynamic_gather %select_n3A_391[%rev3A_394] in [0] : vector<16xi32>, vector<16xi32> -> vector<16xi32>
          %broadcast_in_dim3A_396 = arith.constant true
          %broadcast_in_dim3A_397 = vector.broadcast %broadcast_in_dim3A_396 : i1 to vector<16xi1>
          %masked_cumsum3A = tpu.scan <sum>, %rev3A_395 masked %broadcast_in_dim3A_397 : vector<16xi32>, vector<16xi1> -> vector<16xi32>
          %rev3A_398 = arith.constant 15 : i32
          %rev3A_399 = vector.broadcast %rev3A_398 : i32 to vector<16xi32>
          %rev3A_400 = tpu.iota {dimensions = array<i32: 0>} : vector<16xi32>
          %rev3A_401 = arith.subi %rev3A_399, %rev3A_400 : vector<16xi32>
          %rev3A_402 = tpu.dynamic_gather %masked_cumsum3A[%rev3A_401] in [0] : vector<16xi32>, vector<16xi32> -> vector<16xi32>
          %sub3A_403 = arith.subi %rev3A_402, %select_n3A_391 : vector<16xi32>
          %get3A_404 = arith.index_cast %scan3A_385 : i32 to index
          %get3A_405 = memref.load %arg10[%get3A_404] : memref<128xi32, #tpu.memory_space<smem>>
          %add3A_406 = vector.broadcast %get3A_405 : i32 to vector<16xi32>
          %add3A_407 = arith.addi %sub3A_403, %add3A_406 : vector<16xi32>
          %gt3A = vector.broadcast %xor3A_350 : i32 to vector<16xi32>
          %gt3A_408 = arith.cmpi sgt, %get3A_388, %gt3A : vector<16xi32>
          %lt3A_409 = vector.broadcast %sub3A_349 : i32 to vector<16xi32>
          %lt3A_410 = arith.cmpi slt, %add3A_407, %lt3A_409 : vector<16xi32>
          %and3A_411 = arith.andi %eq3A_390, %lt3A_410 : vector<16xi1>
          %or3A_412 = arith.ori %gt3A_408, %and3A_411 : vector<16xi1>
          %select_n3A_413 = arith.select %or3A_412, %div3A_355, %broadcast_in_dim3A_357 : vector<16xi1>, vector<16xf32>
          %mul3A_414 = arith.constant 16 : i32
          %mul3A_415 = arith.muli %scan3A_385, %mul3A_414 : i32
          %swap3A_416 = arith.index_cast %mul3A_415 : i32 to index
          %swap3A_417 = tpu.vector_load %arg11[%swap3A_416] {strides = array<i32>} : memref<2048xf32, #tpu.memory_space<vmem>>, vector<16xf32>,
          tpu.vector_store %arg11[%swap3A_416], %select_n3A_413 {strides = array<i32>} : memref<2048xf32, #tpu.memory_space<vmem>>, vector<16xf32>,
          %scan3A_418 = arith.constant 1 : i32
          %scan3A_419 = arith.addi %scan3A_385, %scan3A_418 : i32
          %mul3A_420 = arith.constant 16 : i32
          %mul3A_421 = arith.muli %scan3A_419, %mul3A_420 : i32
          %get3A_422 = arith.index_cast %mul3A_421 : i32 to index
          %get3A_423 = tpu.vector_load %arg5[%get3A_422] {strides = array<i32>} : memref<2048xi32, #tpu.memory_space<vmem>>, vector<16xi32>,
          %eq3A_424 = vector.broadcast %xor3A_350 : i32 to vector<16xi32>
          %eq3A_425 = arith.cmpi eq, %get3A_423, %eq3A_424 : vector<16xi32>
          %select_n3A_426 = arith.select %eq3A_425, %broadcast_in_dim3A_3, %broadcast_in_dim3A_5 : vector<16xi1>, vector<16xi32>
          %rev3A_427 = arith.constant 15 : i32
          %rev3A_428 = vector.broadcast %rev3A_427 : i32 to vector<16xi32>
          %rev3A_429 = tpu.iota {dimensions = array<i32: 0>} : vector<16xi32>
          %rev3A_430 = arith.subi %rev3A_428, %rev3A_429 : vector<16xi32>
          %rev3A_431 = tpu.dynamic_gather %select_n3A_426[%rev3A_430] in [0] : vector<16xi32>, vector<16xi32> -> vector<16xi32>
          %broadcast_in_dim3A_432 = arith.constant true
          %broadcast_in_dim3A_433 = vector.broadcast %broadcast_in_dim3A_432 : i1 to vector<16xi1>
          %masked_cumsum3A_434 = tpu.scan <sum>, %rev3A_431 masked %broadcast_in_dim3A_433 : vector<16xi32>, vector<16xi1> -> vector<16xi32>
          %rev3A_435 = arith.constant 15 : i32
          %rev3A_436 = vector.broadcast %rev3A_435 : i32 to vector<16xi32>
          %rev3A_437 = tpu.iota {dimensions = array<i32: 0>} : vector<16xi32>
          %rev3A_438 = arith.subi %rev3A_436, %rev3A_437 : vector<16xi32>
          %rev3A_439 = tpu.dynamic_gather %masked_cumsum3A_434[%rev3A_438] in [0] : vector<16xi32>, vector<16xi32> -> vector<16xi32>
          %sub3A_440 = arith.subi %rev3A_439, %select_n3A_426 : vector<16xi32>
          %get3A_441 = arith.index_cast %scan3A_419 : i32 to index
          %get3A_442 = memref.load %arg10[%get3A_441] : memref<128xi32, #tpu.memory_space<smem>>
          %add3A_443 = vector.broadcast %get3A_442 : i32 to vector<16xi32>
          %add3A_444 = arith.addi %sub3A_440, %add3A_443 : vector<16xi32>
          %gt3A_445 = vector.broadcast %xor3A_350 : i32 to vector<16xi32>
          %gt3A_446 = arith.cmpi sgt, %get3A_423, %gt3A_445 : vector<16xi32>
          %lt3A_447 = vector.broadcast %sub3A_349 : i32 to vector<16xi32>
          %lt3A_448 = arith.cmpi slt, %add3A_444, %lt3A_447 : vector<16xi32>
          %and3A_449 = arith.andi %eq3A_425, %lt3A_448 : vector<16xi1>
          %or3A_450 = arith.ori %gt3A_446, %and3A_449 : vector<16xi1>
          %select_n3A_451 = arith.select %or3A_450, %div3A_355, %broadcast_in_dim3A_357 : vector<16xi1>, vector<16xf32>
          %mul3A_452 = arith.constant 16 : i32
          %mul3A_453 = arith.muli %scan3A_419, %mul3A_452 : i32
          %swap3A_454 = arith.index_cast %mul3A_453 : i32 to index
          %swap3A_455 = tpu.vector_load %arg11[%swap3A_454] {strides = array<i32>} : memref<2048xf32, #tpu.memory_space<vmem>>, vector<16xf32>,
          tpu.vector_store %arg11[%swap3A_454], %select_n3A_451 {strides = array<i32>} : memref<2048xf32, #tpu.memory_space<vmem>>, vector<16xf32>,
          %scan3A_456 = arith.constant 2 : i32
          %scan3A_457 = arith.addi %scan3A_385, %scan3A_456 : i32
          %mul3A_458 = arith.constant 16 : i32
          %mul3A_459 = arith.muli %scan3A_457, %mul3A_458 : i32
          %get3A_460 = arith.index_cast %mul3A_459 : i32 to index
          %get3A_461 = tpu.vector_load %arg5[%get3A_460] {strides = array<i32>} : memref<2048xi32, #tpu.memory_space<vmem>>, vector<16xi32>,
          %eq3A_462 = vector.broadcast %xor3A_350 : i32 to vector<16xi32>
          %eq3A_463 = arith.cmpi eq, %get3A_461, %eq3A_462 : vector<16xi32>
          %select_n3A_464 = arith.select %eq3A_463, %broadcast_in_dim3A_3, %broadcast_in_dim3A_5 : vector<16xi1>, vector<16xi32>
          %rev3A_465 = arith.constant 15 : i32
          %rev3A_466 = vector.broadcast %rev3A_465 : i32 to vector<16xi32>
          %rev3A_467 = tpu.iota {dimensions = array<i32: 0>} : vector<16xi32>
          %rev3A_468 = arith.subi %rev3A_466, %rev3A_467 : vector<16xi32>
          %rev3A_469 = tpu.dynamic_gather %select_n3A_464[%rev3A_468] in [0] : vector<16xi32>, vector<16xi32> -> vector<16xi32>
          %broadcast_in_dim3A_470 = arith.constant true
          %broadcast_in_dim3A_471 = vector.broadcast %broadcast_in_dim3A_470 : i1 to vector<16xi1>
          %masked_cumsum3A_472 = tpu.scan <sum>, %rev3A_469 masked %broadcast_in_dim3A_471 : vector<16xi32>, vector<16xi1> -> vector<16xi32>
          %rev3A_473 = arith.constant 15 : i32
          %rev3A_474 = vector.broadcast %rev3A_473 : i32 to vector<16xi32>
          %rev3A_475 = tpu.iota {dimensions = array<i32: 0>} : vector<16xi32>
          %rev3A_476 = arith.subi %rev3A_474, %rev3A_475 : vector<16xi32>
          %rev3A_477 = tpu.dynamic_gather %masked_cumsum3A_472[%rev3A_476] in [0] : vector<16xi32>, vector<16xi32> -> vector<16xi32>
          %sub3A_478 = arith.subi %rev3A_477, %select_n3A_464 : vector<16xi32>
          %get3A_479 = arith.index_cast %scan3A_457 : i32 to index
          %get3A_480 = memref.load %arg10[%get3A_479] : memref<128xi32, #tpu.memory_space<smem>>
          %add3A_481 = vector.broadcast %get3A_480 : i32 to vector<16xi32>
          %add3A_482 = arith.addi %sub3A_478, %add3A_481 : vector<16xi32>
          %gt3A_483 = vector.broadcast %xor3A_350 : i32 to vector<16xi32>
          %gt3A_484 = arith.cmpi sgt, %get3A_461, %gt3A_483 : vector<16xi32>
          %lt3A_485 = vector.broadcast %sub3A_349 : i32 to vector<16xi32>
          %lt3A_486 = arith.cmpi slt, %add3A_482, %lt3A_485 : vector<16xi32>
          %and3A_487 = arith.andi %eq3A_463, %lt3A_486 : vector<16xi1>
          %or3A_488 = arith.ori %gt3A_484, %and3A_487 : vector<16xi1>
          %select_n3A_489 = arith.select %or3A_488, %div3A_355, %broadcast_in_dim3A_357 : vector<16xi1>, vector<16xf32>
          %mul3A_490 = arith.constant 16 : i32
          %mul3A_491 = arith.muli %scan3A_457, %mul3A_490 : i32
          %swap3A_492 = arith.index_cast %mul3A_491 : i32 to index
          %swap3A_493 = tpu.vector_load %arg11[%swap3A_492] {strides = array<i32>} : memref<2048xf32, #tpu.memory_space<vmem>>, vector<16xf32>,
          tpu.vector_store %arg11[%swap3A_492], %select_n3A_489 {strides = array<i32>} : memref<2048xf32, #tpu.memory_space<vmem>>, vector<16xf32>,
          %scan3A_494 = arith.constant 3 : i32
          %scan3A_495 = arith.addi %scan3A_385, %scan3A_494 : i32
          %mul3A_496 = arith.constant 16 : i32
          %mul3A_497 = arith.muli %scan3A_495, %mul3A_496 : i32
          %get3A_498 = arith.index_cast %mul3A_497 : i32 to index
          %get3A_499 = tpu.vector_load %arg5[%get3A_498] {strides = array<i32>} : memref<2048xi32, #tpu.memory_space<vmem>>, vector<16xi32>,
          %eq3A_500 = vector.broadcast %xor3A_350 : i32 to vector<16xi32>
          %eq3A_501 = arith.cmpi eq, %get3A_499, %eq3A_500 : vector<16xi32>
          %select_n3A_502 = arith.select %eq3A_501, %broadcast_in_dim3A_3, %broadcast_in_dim3A_5 : vector<16xi1>, vector<16xi32>
          %rev3A_503 = arith.constant 15 : i32
          %rev3A_504 = vector.broadcast %rev3A_503 : i32 to vector<16xi32>
          %rev3A_505 = tpu.iota {dimensions = array<i32: 0>} : vector<16xi32>
          %rev3A_506 = arith.subi %rev3A_504, %rev3A_505 : vector<16xi32>
          %rev3A_507 = tpu.dynamic_gather %select_n3A_502[%rev3A_506] in [0] : vector<16xi32>, vector<16xi32> -> vector<16xi32>
          %broadcast_in_dim3A_508 = arith.constant true
          %broadcast_in_dim3A_509 = vector.broadcast %broadcast_in_dim3A_508 : i1 to vector<16xi1>
          %masked_cumsum3A_510 = tpu.scan <sum>, %rev3A_507 masked %broadcast_in_dim3A_509 : vector<16xi32>, vector<16xi1> -> vector<16xi32>
          %rev3A_511 = arith.constant 15 : i32
          %rev3A_512 = vector.broadcast %rev3A_511 : i32 to vector<16xi32>
          %rev3A_513 = tpu.iota {dimensions = array<i32: 0>} : vector<16xi32>
          %rev3A_514 = arith.subi %rev3A_512, %rev3A_513 : vector<16xi32>
          %rev3A_515 = tpu.dynamic_gather %masked_cumsum3A_510[%rev3A_514] in [0] : vector<16xi32>, vector<16xi32> -> vector<16xi32>
          %sub3A_516 = arith.subi %rev3A_515, %select_n3A_502 : vector<16xi32>
          %get3A_517 = arith.index_cast %scan3A_495 : i32 to index
          %get3A_518 = memref.load %arg10[%get3A_517] : memref<128xi32, #tpu.memory_space<smem>>
          %add3A_519 = vector.broadcast %get3A_518 : i32 to vector<16xi32>
          %add3A_520 = arith.addi %sub3A_516, %add3A_519 : vector<16xi32>
          %gt3A_521 = vector.broadcast %xor3A_350 : i32 to vector<16xi32>
          %gt3A_522 = arith.cmpi sgt, %get3A_499, %gt3A_521 : vector<16xi32>
          %lt3A_523 = vector.broadcast %sub3A_349 : i32 to vector<16xi32>
          %lt3A_524 = arith.cmpi slt, %add3A_520, %lt3A_523 : vector<16xi32>
          %and3A_525 = arith.andi %eq3A_501, %lt3A_524 : vector<16xi1>
          %or3A_526 = arith.ori %gt3A_522, %and3A_525 : vector<16xi1>
          %select_n3A_527 = arith.select %or3A_526, %div3A_355, %broadcast_in_dim3A_357 : vector<16xi1>, vector<16xf32>
          %mul3A_528 = arith.constant 16 : i32
          %mul3A_529 = arith.muli %scan3A_495, %mul3A_528 : i32
          %swap3A_530 = arith.index_cast %mul3A_529 : i32 to index
          %swap3A_531 = tpu.vector_load %arg11[%swap3A_530] {strides = array<i32>} : memref<2048xf32, #tpu.memory_space<vmem>>, vector<16xf32>,
          tpu.vector_store %arg11[%swap3A_530], %select_n3A_527 {strides = array<i32>} : memref<2048xf32, #tpu.memory_space<vmem>>, vector<16xf32>,
        }
        %scan3A_384 = arith.constant 128 : i32
      } else {
      }
      "tpu.trace_start"() <{level = 10 : i32, message = "ph_wb"}> : () -> ()
      "tpu.region"() ({
        %run_scoped3A = tpu.sem_alloc : memref<!tpu.dma_semaphore, #tpu.memory_space<semaphore_mem>>
        %dma_start3A_365 = arith.constant 0 : i32
        %dma_start3A_366 = tpu.memref_slice %arg3[%add3A, %dma_start3A_365] : memref<2x2048xf32, #tpu.memory_space<hbm>> -> memref<1x2048xf32, #tpu.memory_space<hbm>>
        %dma_start3A_367 = tpu.memref_squeeze %dma_start3A_366 : memref<1x2048xf32, #tpu.memory_space<hbm>> -> memref<2048xf32, #tpu.memory_space<hbm>>
        %dma_start3A_368 = arith.constant 0 : i32
        %dma_start3A_369 = tpu.memref_slice %arg3[%add3A, %dma_start3A_368] : memref<2x2048xf32, #tpu.memory_space<hbm>> -> memref<1x2048xf32, #tpu.memory_space<hbm>>
        %dma_start3A_370 = tpu.memref_squeeze %dma_start3A_369 : memref<1x2048xf32, #tpu.memory_space<hbm>> -> memref<2048xf32, #tpu.memory_space<hbm>>
        tpu.enqueue_dma source(%arg11 : memref<2048xf32, #tpu.memory_space<vmem>>) target(%dma_start3A_370 : memref<2048xf32, #tpu.memory_space<hbm>>) target_semaphore(%run_scoped3A : memref<!tpu.dma_semaphore, #tpu.memory_space<semaphore_mem>>)
        %dma_wait3A_371 = arith.constant 0 : i32
        %dma_wait3A_372 = tpu.memref_slice %arg3[%add3A, %dma_wait3A_371] : memref<2x2048xf32, #tpu.memory_space<hbm>> -> memref<1x2048xf32, #tpu.memory_space<hbm>>
        %dma_wait3A_373 = tpu.memref_squeeze %dma_wait3A_372 : memref<1x2048xf32, #tpu.memory_space<hbm>> -> memref<2048xf32, #tpu.memory_space<hbm>>
        %dma_wait3A_374 = arith.constant 0 : i32
        %dma_wait3A_375 = tpu.memref_slice %arg3[%add3A, %dma_wait3A_374] : memref<2x2048xf32, #tpu.memory_space<hbm>> -> memref<1x2048xf32, #tpu.memory_space<hbm>>
        %dma_wait3A_376 = tpu.memref_squeeze %dma_wait3A_375 : memref<1x2048xf32, #tpu.memory_space<hbm>> -> memref<2048xf32, #tpu.memory_space<hbm>>
        tpu.wait_dma2 semaphore(%run_scoped3A : memref<!tpu.dma_semaphore, #tpu.memory_space<semaphore_mem>>) src(%arg11 : memref<2048xf32, #tpu.memory_space<vmem>>) dst(%dma_wait3A_376 : memref<2048xf32, #tpu.memory_space<hbm>>)
        tpu.yield
      }) : () -> ()
      "tpu.trace_stop"() : () -> ()
    } else {
    }
    return
  }
}

</mosaic_0001>

<sc_bundles>
// kernel: kernel.3.cloned.1.call-start
scs
__scs_entry_jumppad:
0x0: {  	(pc) =	sbr.rel $0x88, $3  }
0x1: {  	(tag) =	ssettag $0x0;
	lr =	simm.s32 $0x1  }
0x2: {  	[smem:$0x3FA0] =	sst lr;
	_ =	strace $0xD0000000  }
0x3: {  	_ = 	snop  }
0x4: {  	_ = 	snop  }
0x5: {  	_ = 	snop  }
0x6: {  	_ = 	snop  }
0x7: {  	_ = 	snop  }
__scs_overlays_trampoline_lowered:
0x8: {  	[smem:$0x3FAF] =	sst s0  }
0x9: {  	[smem:$0x3FB0] =	sst s1  }
0xa: {  	[smem:$0x3FB1] =	sst s2  }
0xb: {  	[smem:$0x3FB2] =	sst s3  }
0xc: {  	[smem:$0x3FB3] =	sst s4  }
0xd: {  	[smem:$0x3FB4] =	sst s5  }
0xe: {  	[smem:$0x3FB5] =	sst s6  }
0xf: {  	[smem:$0x3FB6] =	sst s7  }
0x10: {  	[smem:$0x3FB7] =	sst s8  }
0x11: {  	[smem:$0x3FB8] =	sst s9;
	s0 =	simm.s32 @!p0 $0x0  }
0x12: {  	s1 =	sld [smem:$0x3F9E];
	s0 =	simm.s32 @p0 $0x1  }
0x13: {  	[smem:$0x3FB9] =	sst s0;
	s0 =	simm.s32 @!p1 $0x0  }
0x14: {  	s2 =	sld [smem:$0x3F9D];
	s0 =	simm.s32 @p1 $0x1  }
0x15: {  	[smem:$0x3FBA] =	sst s0;
	s0 =	simm.s32 @!p2 $0x0  }
0x16: {  	s3 =	sld [smem:$0x3FDB];
	s0 =	simm.s32 @p2 $0x1  }
0x17: {  	s4 =	simm.s32 $0x1BF5;
	[smem:$0x3FBC] =	sst s0  }
0x18: {  	s0 =	sld [smem:$0x3F9F];
	_ =	swait.ge [sflag:s4], $0x0  }
0x19: {  	s7 =	sld [smem:$0x3FA0]  }
0x1a: {  	s8 =	sadd.s32 $0xFFFFE003, lr  }
0x1b: {  	s9 =	sadd.s32 $0xFFFFFEF7, lr;
	s5 =	simm.s32 $0xFFFFFFFF;
	p2 =	slt.u32 s8, $0xFFFFF086  }
0x1c: {  	p1 =	slt.u32 s9, $0xF7A;
	s5 =	simm.s32 @!p2 $0x0  }
0x1d: {  	s5 =	simm.s32 @p1 $0x1;
	p0 =	seq.s32 s7, s2  }
0x1e: {  	s7 =	smul.u32 @!p0 $0xF7A, s2;
	p2 =	seq.s32 @!p0 s5, $0x0  }
0x1f: {  	s9 =	smul.u32 $0xF7A, s1;
	s8 =	simm.s32 @!p0 $0x1BF5;
	p2 =	por !p2, p0  }
0x20: {  	[sflag:s8] =	ssyncset.s32 @!p0 $0xFFFFF086;
	s6 =	sadd.s32 @!p0 s3, s7;
	s7 =	simm.s32 @!p0 $0x108  }
0x21: {  	s3 =	sadd.s32 s3, s9;
	s6 =	sadd.s32 @!p0 $0x88, s6;
	s7 =	simm.s32 @p2 $0x1082  }
0x22: {  	[simem:s7], [sflag:s8] =	dma.local @!p0 [hbm:s6], $0xF7A  }
0x23: {  	s9 =	sor.u32 $0xD0000000, s2;
	s6 =	simm.s32 $0x108;
	_ =	swait.ge @!p0 [sflag:s8], $0x0  }
0x24: {  	s3 =	sadd.s32 $0x88, s3;
	s6 =	simm.s32 @!p1 $0x1082;
	[sflag:s4] =	ssyncset.s32 $0xFFFFF086  }
0x25: {  	[simem:s6], [sflag:s4] =	dma.local [hbm:s3], $0xF7A  }
0x26: {  	[smem:$0x3FA0] =	sst s1;
	(tag) =	ssettag s2;
	_ =	strace s9  }
0x27: {  	s1 =	sld [smem:$0x3FB0]  }
0x28: {  	s2 =	sld [smem:$0x3FB1]  }
0x29: {  	s4 =	sld [smem:$0x3FB3]  }
0x2a: {  	p0 =	seq.s32 s5, $0x0;
	s5 =	sld [smem:$0x3FB4]  }
0x2b: {  	s6 =	sld [smem:$0x3FB5]  }
0x2c: {  	s7 =	sld [smem:$0x3FB6]  }
0x2d: {  	s3 =	simm.s32 $0x108;
	s8 =	sld [smem:$0x3FB7]  }
0x2e: {  	s3 =	simm.s32 @!p0 $0x1082;
	s9 =	sld [smem:$0x3FB8]  }
0x2f: {  	lr =	sadd.s32 s0, s3;
	s0 =	sld [smem:$0x3FAF]  }
0x30: {  	s3 =	sld [smem:$0x3FB2]  }
0x31: {  	[smem:$0x3FBB] =	sst s10  }
0x32: {  	s10 =	sld [smem:$0x3FB9];
	_ =	sdelay $0x3  }
0x33: {  	p0 =	seq.s32 s10, $0x1;
	s10 =	sld [smem:$0x3FBB];
	_ =	sdelay $0x3  }
0x34: {  	[smem:$0x3FBB] =	sst s10  }
0x35: {  	s10 =	sld [smem:$0x3FBA];
	_ =	sdelay $0x3  }
0x36: {  	p1 =	seq.s32 s10, $0x1;
	s10 =	sld [smem:$0x3FBB];
	_ =	sdelay $0x3  }
0x37: {  	[smem:$0x3FBB] =	sst s10  }
0x38: {  	s10 =	sld [smem:$0x3FBC]  }
0x39: {  	_ = 	snop;
	(pc) =	sbr.ind lr, $3  }
0x3a: {  	_ = 	snop  }
0x3b: {  	_ = 	snop  }
0x3c: {  	p2 =	seq.s32 s10, $0x1;
	s10 =	sld [smem:$0x3FBB]  }
0x3d: {  	_ =	shalt  }
0x3e: {  	_ =	shalt  }
0x3f: {  	_ =	shalt  }
0x40: {  	_ =	shalt  }
0x41: {  	_ =	shalt  }
0x42: {  	_ =	shalt  }
0x43: {  	_ =	shalt  }
0x44: {  	_ =	shalt  }
0x45: {  	_ =	shalt  }
0x46: {  	_ =	shalt  }
0x47: {  	_ =	shalt  }
0x48: {  	_ =	shalt  }
0x49: {  	_ =	shalt  }
0x4a: {  	_ =	shalt  }
0x4b: {  	_ =	shalt  }
0x4c: {  	_ =	shalt  }
0x4d: {  	_ =	shalt  }
0x4e: {  	_ =	shalt  }
0x4f: {  	_ =	shalt  }
0x50: {  	_ =	shalt  }
0x51: {  	_ =	shalt  }
0x52: {  	_ =	shalt  }
0x53: {  	_ =	shalt  }
0x54: {  	_ =	shalt  }
0x55: {  	_ =	shalt  }
0x56: {  	_ =	shalt  }
0x57: {  	_ =	shalt  }
0x58: {  	_ =	shalt  }
0x59: {  	_ =	shalt  }
0x5a: {  	_ =	shalt  }
0x5b: {  	_ =	shalt  }
0x5c: {  	_ =	shalt  }
0x5d: {  	_ =	shalt  }
0x5e: {  	_ =	shalt  }
0x5f: {  	_ =	shalt  }
0x60: {  	_ =	shalt  }
0x61: {  	_ =	shalt  }
0x62: {  	_ =	shalt  }
0x63: {  	_ =	shalt  }
0x64: {  	_ =	shalt  }
0x65: {  	_ =	shalt  }
0x66: {  	_ =	shalt  }
0x67: {  	_ =	shalt  }
0x68: {  	_ =	shalt  }
0x69: {  	_ =	shalt  }
0x6a: {  	_ =	shalt  }
0x6b: {  	_ =	shalt  }
0x6c: {  	_ =	shalt  }
0x6d: {  	_ =	shalt  }
0x6e: {  	_ =	shalt  }
0x6f: {  	_ =	shalt  }
0x70: {  	_ =	shalt  }
0x71: {  	_ =	shalt  }
0x72: {  	_ =	shalt  }
0x73: {  	_ =	shalt  }
0x74: {  	_ =	shalt  }
0x75: {  	_ =	shalt  }
0x76: {  	_ =	shalt  }
0x77: {  	_ =	shalt  }
0x78: {  	_ =	shalt  }
0x79: {  	_ =	shalt  }
0x7a: {  	_ =	shalt  }
0x7b: {  	_ =	shalt  }
0x7c: {  	_ =	shalt  }
0x7d: {  	_ =	shalt  }
0x7e: {  	_ =	shalt  }
0x7f: {  	_ =	shalt  }
0x80: {  	_ =	shalt  }
0x81: {  	_ =	shalt  }
0x82: {  	_ =	shalt  }
0x83: {  	_ =	shalt  }
0x84: {  	_ =	shalt  }
0x85: {  	_ =	shalt  }
0x86: {  	_ =	shalt  }
0x87: {  	_ =	shalt  }
.Lfunc_end0:
.L_simem_size_0:
called_computation_lowered:
.L_overlay_start_0:
0x88: {  	s2 =	sld [smem:$0x3FD9]  }
0x89: {  	s3 =	sld [smem:$0x3FFE];
	_ =	sdelay $0x1  }
0x8a: {  	s1 =	srdreg.scid  }
0x8b: {  	s0 =	sand.u32 $0x1, s1  }
0x8c: {  	s18 =	sshll.u32 s0, $0xA;
	s2 =	sadd.s32 s3, s2  }
0x8d: {  	s2 =	sadd.s32 s2, s18  }
0x8e: {  	[smem:$0x3FC7] =	sst s2  }
0x8f: {  	_ = 	snop  }
0x90: {  	s2 =	sld [smem:$0x3FC9]  }
0x91: {  	s19 =	sld [smem:$0x3FD0];
	(tm) =	ssettm $0x1  }
0x92: {  	s4 =	sld [smem:$0x3FFB];
	_ =	sdelay $0x3  }
0x93: {  	_ =	strace s4  }
0x94: {  	s4 =	sld [smem:$0x3FFC];
	_ =	sdelay $0x3  }
0x95: {  	_ =	strace s4  }
0x96: {  	s4 =	sld [smem:$0x3FFD];
	_ =	sdelay $0x3  }
0x97: {  	_ =	strace s4  }
0x98: {  	_ =	strace $0x8FFFFFFF  }
0x99: {  	s20 =	sld [smem:$0x3FDB];
	_ =	sdelay $0x1  }
0x9a: {  	s5 =	simm.s32 $_scs_section_size  }
0x9b: {  	s6 =	simm.s32 $_size__tile_overlayer_lowered;
	s7 =	simm.s32 $_tile_overlayer_lowered  }
0x9c: {  	s23 =	simm.s32 $0x1BFF;
	s22 =	sshll.u32 s7, $0x1;
	s4 =	sadd.s32 s5, s20  }
0x9d: {  	s8 =	simm.s32 $0x0;
	s21 =	sshll.u32 s6, $0x1;
	s6 =	sadd.s32 s22, s4  }
0x9e: {  	[timem:s8], [sflag:s23] =	dma.local [hbm:s6], s21  }
0x9f: {  	_ =	swait.ge [sflag:s23], s21  }
0xa0: {  	s5 =	ssub.s32 $0x0, s21;
	[sflag:s23] =	ssyncset.done $0x0  }
0xa1: {  	[sflag:s23] =	ssyncadd.s32 s5;
	_ =	sdelay $0x1  }
0xa2: {  	s24 =	simm.s32 $0x1B8B  }
0xa3: {  	_ =	swait.ge [sflag:s24], $0x1  }
0xa4: {  	[sflag:s24] =	ssyncset.done $0x0  }
0xa5: {  	s25 =	simm.s32 $0x1B8E;
	[sflag:s24] =	ssyncadd.s32 $0xFFFFFFFF  }
0xa6: {  	s26 =	simm.s32 $execute0_lowered;
	[smem:$0x3FD2] =	sst s25  }
0xa7: {  	s5 =	sshll.u32 s26, $0x1;
	_ =	strace $0x80000046;
	[dreg:$0x1] =	wrdreg $0xFFFFFFFF  }
0xa8: {  	s28 =	simm.s32 $_size_execute0_lowered;
	s4 =	sadd.s32 s4, s5;
	[dreg:$0x0] =	wrdreg $0x0  }
0xa9: {  	s5 =	sshll.u32 s28, $0x1;
	[dreg:$0x2] =	wrdreg s4  }
0xaa: {  	[dreg:$0x3] =	wrdreg s5  }
0xab: {  	[dreg:$0x4] =	wrdreg $0xC0  }
0xac: {  	_ =	task [dreg:s8], $0x5FFFF  }
0xad: {  	[dreg:$0x1] =	wrdreg $0xFFFFFFFF  }
0xae: {  	[dreg:$0x0] =	wrdreg $0x60  }
0xaf: {  	[dreg:$0x2] =	wrdreg s2  }
0xb0: {  	[dreg:$0x3] =	wrdreg s19  }
0xb1: {  	[dreg:$0x4] =	wrdreg $0x9  }
0xb2: {  	_ =	task.clear_ibuf [dreg:s8], $0x5FFFF;
	_ =	strace $0x90000046  }
0xb3: {  	s29 =	simm.s32 $0x9;
	_ =	strace $0x80000055  }
0xb4: {  	_ =	swait.ge [sflag:s29], $0x1  }
0xb5: {  	[sflag:s29] =	ssyncadd.s32 $0xFFFFFFFF  }
0xb6: {  	_ =	strace $0x90000055  }
0xb7: {  	_ =	sfence  }
0xb8: {  	s30 =	sld [smem:$0x0];
	_ =	sdelay $0x2  }
0xb9: {  	s31 =	sshll.u32 s1, $0xD;
	s1 =	sshrl.u32 s1, $0x2  }
0xba: {  	s3 =	sand.u32 $0x4000, s31;
	s1 =	sadd.s32 s1, s30  }
0xbb: {  	s0 =	sor.u32 s3, s0;
	s1 =	sshll.u32 s1, $0x11  }
0xbc: {  	s0 =	sor.u32 s1, s0  }
0xbd: {  	s0 =	sadd.s32 $0x8F2B, s0  }
0xbe: {  	[sflag:s0] =	ssyncadd.remote.s32 $0x1  }
0xbf: {  	_ =	sfence.sel $0xFFFF  }
0xc0: {  	[dreg:$0x0] =	wrdreg $0xFFFFFFFF;
	(pc) =	sbr.abs _section_cstart, $3  }
0xc1: {  	[dreg:$0x1] =	wrdreg $0xFFFFFFFF  }
0xc2: {  	_ =	task.clear_ibuf [dreg:s8], $0x2FFFF;
	_ =	strace $0x9FFFFFFF  }
0xc3: {  	(tm) =	ssettm $0x7FFFFFFF  }
tec
execute0_lowered:
.L_overlay_start_1:
0x0: {  	(tag) =	ssettag $0x1  }
0x1: {  	s2 =	stileid.u32  }
0x2: {  	p0 =	sne.s32 s2, $0x0  }
.Ltmp0:
0x3: {  	_ = 	snop;
	(pc) =	sbr.rel @!p0 .LBB2_1-.Ltmp0, $4  }
0x4: {  	s1 =	rddreg [dreg:$0x0]  }
0x5: {  	s0 =	rddreg [dreg:$0x1];
	s3 =	simm.s32 $0x0;
	s2 =	simm.s32 @!p0 $0x0  }
0x6: {  	[smem:$0x7FF] =	sst s3;
	s2 =	simm.s32 @p0 $0x1  }
0x7: {  	_ =	strace $0x80000047;
	[smem:$0x7FD] =	sst s2  }
.LBB2_45:
0x8: {  	_ =	sfence.sel $0x180000  }
0x9: {  	[bflag:$0x0] =	sbarrier.arrive $0xFFFF  }
0xa: {  	_ =	strace $0x90000047  }
0xb: {  	[bflag:$0x2] =	sbarrier.arrive $0xFFFF  }
0xc: {  	s1 =	sld [smem:$0x7FD];
	_ =	sdelay $0x2  }
0xd: {  	s0 =	rddreg [dreg:$0x2];
	p0 =	seq.s32 s1, $0x1  }
0xe: {  	s0 =	sadd.s32 @!p0 $0x100000, s0  }
0xf: {  	[sflag:s0] =	ssyncadd.tile.s32 @!p0 $0x1;
	_ =	shalt  }
.LBB2_1:
0x10: {  	s2 =	srdreg.scid  }
0x11: {  	s3 =	sand.u32 $0x1, s2  }
0x12: {  	s2 =	smul.u32 $0x3000000, s3;
	s4 =	ssub.s32 $0x2, s3  }
0x13: {  	s19 =	sshll.u32 s3, $0x4;
	s5 =	sshrl.u32 s4, $0x1  }
0x14: {  	s0 =	sadd.s32 s0, s19;
	s2 =	sshrl.u32 s2, $0x3;
	s20 =	ssub.s32 s4, s5  }
0x15: {  	[dreg:$0x3] =	wrdreg s0;
	s2 =	sadd.s32 s1, s2;
	s0 =	smax.u32 s20, $0x1  }
0x16: {  	[dreg:$0x4] =	wrdreg s0;
	s21 =	sadd.s32 $0x80, s2  }
0x17: {  	s6 =	simm.s32 $0x80;
	s22 =	sadd.s32 $0x100, s2;
	[dreg:$0x5] =	wrdreg s21  }
0x18: {  	s7 =	simm.s32 $0x400000;
	s23 =	sadd.s32 $0x180, s2;
	[dreg:$0x6] =	wrdreg s22  }
0x19: {  	s15 =	simm.s32 $0x1;
	s24 =	sadd.s32 $0x200, s2;
	[dreg:$0x7] =	wrdreg s23  }
0x1a: {  	s17 =	simm.s32 $0x2;
	s25 =	sadd.s32 $0x280, s2;
	[dreg:$0x8] =	wrdreg s24  }
.Ltmp1:
0x1b: {  	s26 =	sadd.s32 $0x300, s2;
	[dreg:$0x9] =	wrdreg s25;
	(pc) =	sbr.rel .LBB2_2-.Ltmp1, $4  }
0x1c: {  	v0 =	vlaneseq.u32;
	s28 =	simm.s32 $0x0;
	s29 =	sadd.s32 $0x380, s2;
	[dreg:$0xa] =	wrdreg s26  }
0x1d: {  	v4 =	vmul.u32 $0xFFFFFFFF, v0;
	s19 =	simm.s32 $0x8800;
	s30 =	sadd.s32 $0x400, s2;
	[dreg:$0xb] =	wrdreg s29  }
0x1e: {  	v1 =	vimm.s32 $0x0;
	s3 =	sadd.s32 $0x400000, s2;
	s31 =	sadd.s32 $0x480, s2;
	[dreg:$0xc] =	wrdreg s30  }
0x1f: {  	v2 =	vimm.s32 $0x80;
	v3 =	vimm.s32 $0x1;
	v4 =	vadd.s32 $0xF, v4;
	[dreg:$0xd] =	wrdreg s31;
	s26 =	sadd.s32 $0x500, s2;
	s25 =	simm.s32 $0x3  }
.LBB2_44:
0x20: {  	_ =	strace $0x80000054  }
0x21: {  	s1 =	simm.s32 $0x100;
	s4 =	simm.s32 $0x9A00;
	s0 =	rddreg [dreg:$0x3]  }
0x22: {  	[hbm4b:s0+s6] =	stream.strided.scatter [tilespmem:s4], [sflag:$0x3], $0x800, s1, s6, $0x200038;
	[tilespmem:$0xAA00] =	vst v63  }
0x23: {  	_ =	swait.ge [sflag:s25], $0x800  }
0x24: {  	s28 =	sadd.s32 $0x1, s28;
	s31 =	rddreg [dreg:$0x4]  }
0x25: {  	p0 =	sne.s32 s28, s31  }
.Ltmp2:
0x26: {  	_ = 	snop;
	(pc) =	sbr.rel @!p0 .LBB2_45-.Ltmp2, $4  }
0x27: {  	_ = 	snop  }
0x28: {  	[sflag:s25] =	ssyncset.done $0x0  }
0x29: {  	[sflag:s25] =	ssyncadd.s32 $0xFFFFF800  }
0x2a: {  	_ =	strace $0x90000054  }
.LBB2_2:
0x2b: {  	_ =	strace $0x80000048;
	s0 =	simm.s32 $0x0  }
0x2c: {  	[tilespmem:s0], [sflag:$0x1] =	stream.strided.gather [hbm4b:s2+s6], $0x400, s7, s6, $0x200038;
	[tilespmem:$0xAA00] =	vst v63  }
0x2d: {  	s1 =	simm.s32 $0x400;
	s29 =	rddreg [dreg:$0x5]  }
0x2e: {  	[tilespmem:s1], [sflag:$0x1] =	stream.strided.gather [hbm4b:s29+s6], $0x400, s7, s6, $0x200038;
	[tilespmem:$0xAA00] =	vst v63  }
0x2f: {  	s31 =	simm.s32 $0x800;
	s30 =	rddreg [dreg:$0x6]  }
0x30: {  	[tilespmem:s31], [sflag:$0x1] =	stream.strided.gather [hbm4b:s30+s6], $0x400, s7, s6, $0x200038;
	[tilespmem:$0xAA00] =	vst v63  }
0x31: {  	s5 =	simm.s32 $0xC00;
	s4 =	rddreg [dreg:$0x7]  }
0x32: {  	[tilespmem:s5], [sflag:$0x1] =	stream.strided.gather [hbm4b:s4+s6], $0x400, s7, s6, $0x200038;
	[tilespmem:$0xAA00] =	vst v63  }
0x33: {  	s9 =	simm.s32 $0x1000;
	s8 =	rddreg [dreg:$0x8]  }
0x34: {  	[tilespmem:s9], [sflag:$0x1] =	stream.strided.gather [hbm4b:s8+s6], $0x400, s7, s6, $0x200038;
	[tilespmem:$0xAA00] =	vst v63  }
0x35: {  	s11 =	simm.s32 $0x1400;
	s10 =	rddreg [dreg:$0x9]  }
0x36: {  	[tilespmem:s11], [sflag:$0x1] =	stream.strided.gather [hbm4b:s10+s6], $0x400, s7, s6, $0x200038;
	[tilespmem:$0xAA00] =	vst v63  }
0x37: {  	s13 =	simm.s32 $0x1800;
	s12 =	rddreg [dreg:$0xa]  }
0x38: {  	[tilespmem:s13], [sflag:$0x1] =	stream.strided.gather [hbm4b:s12+s6], $0x400, s7, s6, $0x200038;
	[tilespmem:$0xAA00] =	vst v63  }
0x39: {  	s16 =	simm.s32 $0x1C00;
	s14 =	rddreg [dreg:$0xb]  }
0x3a: {  	[tilespmem:s16], [sflag:$0x1] =	stream.strided.gather [hbm4b:s14+s6], $0x400, s7, s6, $0x200038;
	[tilespmem:$0xAA00] =	vst v63  }
0x3b: {  	s20 =	simm.s32 $0x2000;
	s18 =	rddreg [dreg:$0xc]  }
0x3c: {  	[tilespmem:s20], [sflag:$0x1] =	stream.strided.gather [hbm4b:s18+s6], $0x400, s7, s6, $0x200038;
	[tilespmem:$0xAA00] =	vst v63  }
0x3d: {  	s22 =	simm.s32 $0x2400;
	s21 =	rddreg [dreg:$0xd]  }
0x3e: {  	[tilespmem:s22], [sflag:$0x1] =	stream.strided.gather [hbm4b:s21+s6], $0x400, s7, s6, $0x200038;
	[tilespmem:$0xAA00] =	vst v63  }
0x3f: {  	s23 =	simm.s32 $0x2800  }
0x40: {  	[tilespmem:s23], [sflag:$0x1] =	stream.strided.gather [hbm4b:s26+s6], $0x400, s7, s6, $0x200038;
	[tilespmem:$0xAA00] =	vst v63  }
0x41: {  	s24 =	sadd.s32 $0x580, s2;
	s29 =	simm.s32 $0x2C00  }
0x42: {  	[tilespmem:s29], [sflag:$0x1] =	stream.strided.gather [hbm4b:s24+s6], $0x400, s7, s6, $0x200038;
	[tilespmem:$0xAA00] =	vst v63  }
0x43: {  	s30 =	sadd.s32 $0x600, s2;
	s31 =	simm.s32 $0x3000  }
0x44: {  	[tilespmem:s31], [sflag:$0x1] =	stream.strided.gather [hbm4b:s30+s6], $0x400, s7, s6, $0x200038;
	[tilespmem:$0xAA00] =	vst v63  }
0x45: {  	s4 =	sadd.s32 $0x680, s2;
	s5 =	simm.s32 $0x3400  }
0x46: {  	[tilespmem:s5], [sflag:$0x1] =	stream.strided.gather [hbm4b:s4+s6], $0x400, s7, s6, $0x200038;
	[tilespmem:$0xAA00] =	vst v63  }
0x47: {  	s8 =	sadd.s32 $0x700, s2;
	s9 =	simm.s32 $0x3800  }
0x48: {  	[tilespmem:s9], [sflag:$0x1] =	stream.strided.gather [hbm4b:s8+s6], $0x400, s7, s6, $0x200038;
	[tilespmem:$0xAA00] =	vst v63  }
0x49: {  	s10 =	sadd.s32 $0x780, s2;
	s11 =	simm.s32 $0x3C00  }
0x4a: {  	[tilespmem:s11], [sflag:$0x1] =	stream.strided.gather [hbm4b:s10+s6], $0x400, s7, s6, $0x200038;
	[tilespmem:$0xAA00] =	vst v63  }
0x4b: {  	s12 =	simm.s32 $0x4000  }
0x4c: {  	[tilespmem:s12], [sflag:$0x2] =	stream.strided.gather [hbm4b:s3+s6], $0x200, s7, s6, $0x200038;
	[tilespmem:$0xAA00] =	vst v63  }
0x4d: {  	s13 =	sadd.s32 $0x80, s3;
	s14 =	simm.s32 $0x4400  }
0x4e: {  	[tilespmem:s14], [sflag:$0x2] =	stream.strided.gather [hbm4b:s13+s6], $0x200, s7, s6, $0x200038;
	[tilespmem:$0xAA00] =	vst v63  }
0x4f: {  	s16 =	sadd.s32 $0x100, s3;
	s18 =	simm.s32 $0x4800  }
0x50: {  	[tilespmem:s18], [sflag:$0x2] =	stream.strided.gather [hbm4b:s16+s6], $0x200, s7, s6, $0x200038;
	[tilespmem:$0xAA00] =	vst v63  }
0x51: {  	s20 =	sadd.s32 $0x180, s3;
	s21 =	simm.s32 $0x4C00  }
0x52: {  	[tilespmem:s21], [sflag:$0x2] =	stream.strided.gather [hbm4b:s20+s6], $0x200, s7, s6, $0x200038;
	[tilespmem:$0xAA00] =	vst v63  }
0x53: {  	s22 =	sadd.s32 $0x200, s3;
	s23 =	simm.s32 $0x5000  }
0x54: {  	[tilespmem:s23], [sflag:$0x2] =	stream.strided.gather [hbm4b:s22+s6], $0x200, s7, s6, $0x200038;
	[tilespmem:$0xAA00] =	vst v63  }
0x55: {  	s24 =	sadd.s32 $0x280, s3;
	s29 =	simm.s32 $0x5400  }
0x56: {  	[tilespmem:s29], [sflag:$0x2] =	stream.strided.gather [hbm4b:s24+s6], $0x200, s7, s6, $0x200038;
	[tilespmem:$0xAA00] =	vst v63  }
0x57: {  	s30 =	sadd.s32 $0x300, s3;
	s31 =	simm.s32 $0x5800  }
0x58: {  	[tilespmem:s31], [sflag:$0x2] =	stream.strided.gather [hbm4b:s30+s6], $0x200, s7, s6, $0x200038;
	[tilespmem:$0xAA00] =	vst v63  }
0x59: {  	s4 =	sadd.s32 $0x380, s3;
	s5 =	simm.s32 $0x5C00  }
0x5a: {  	[tilespmem:s5], [sflag:$0x2] =	stream.strided.gather [hbm4b:s4+s6], $0x200, s7, s6, $0x200038;
	[tilespmem:$0xAA00] =	vst v63  }
0x5b: {  	s8 =	sadd.s32 $0x400, s3;
	s9 =	simm.s32 $0x6000  }
0x5c: {  	[tilespmem:s9], [sflag:$0x2] =	stream.strided.gather [hbm4b:s8+s6], $0x200, s7, s6, $0x200038;
	[tilespmem:$0xAA00] =	vst v63  }
0x5d: {  	s10 =	sadd.s32 $0x480, s3;
	s11 =	simm.s32 $0x6400  }
0x5e: {  	[tilespmem:s11], [sflag:$0x2] =	stream.strided.gather [hbm4b:s10+s6], $0x200, s7, s6, $0x200038;
	[tilespmem:$0xAA00] =	vst v63  }
0x5f: {  	s12 =	sadd.s32 $0x500, s3;
	s13 =	simm.s32 $0x6800  }
0x60: {  	[tilespmem:s13], [sflag:$0x2] =	stream.strided.gather [hbm4b:s12+s6], $0x200, s7, s6, $0x200038;
	[tilespmem:$0xAA00] =	vst v63  }
0x61: {  	s14 =	sadd.s32 $0x580, s3;
	s16 =	simm.s32 $0x6C00  }
0x62: {  	[tilespmem:s16], [sflag:$0x2] =	stream.strided.gather [hbm4b:s14+s6], $0x200, s7, s6, $0x200038;
	[tilespmem:$0xAA00] =	vst v63  }
0x63: {  	s18 =	sadd.s32 $0x600, s3;
	s20 =	simm.s32 $0x7000  }
0x64: {  	[tilespmem:s20], [sflag:$0x2] =	stream.strided.gather [hbm4b:s18+s6], $0x200, s7, s6, $0x200038;
	[tilespmem:$0xAA00] =	vst v63  }
0x65: {  	s21 =	sadd.s32 $0x680, s3;
	s22 =	simm.s32 $0x7400  }
0x66: {  	[tilespmem:s22], [sflag:$0x2] =	stream.strided.gather [hbm4b:s21+s6], $0x200, s7, s6, $0x200038;
	[tilespmem:$0xAA00] =	vst v63  }
0x67: {  	s23 =	sadd.s32 $0x700, s3;
	s24 =	simm.s32 $0x7800  }
0x68: {  	[tilespmem:s24], [sflag:$0x2] =	stream.strided.gather [hbm4b:s23+s6], $0x200, s7, s6, $0x200038;
	[tilespmem:$0xAA00] =	vst v63  }
0x69: {  	s29 =	sadd.s32 $0x780, s3;
	s30 =	simm.s32 $0x7C00  }
0x6a: {  	[tilespmem:s30], [sflag:$0x2] =	stream.strided.gather [hbm4b:s29+s6], $0x200, s7, s6, $0x200038;
	[tilespmem:$0xAA00] =	vst v63  }
0x6b: {  	[tilespmem:$0x8800] =	vst v1  }
0x6c: {  	[tilespmem:$0x8810] =	vst v1  }
0x6d: {  	[tilespmem:$0x8820] =	vst v1  }
0x6e: {  	[tilespmem:$0x8830] =	vst v1  }
0x6f: {  	[tilespmem:$0x8840] =	vst v1  }
0x70: {  	[tilespmem:$0x8850] =	vst v1  }
0x71: {  	[tilespmem:$0x8860] =	vst v1  }
0x72: {  	[tilespmem:$0x8870] =	vst v1  }
0x73: {  	[tilespmem:$0x8880] =	vst v1  }
0x74: {  	[tilespmem:$0x8890] =	vst v1  }
0x75: {  	[tilespmem:$0x88A0] =	vst v1  }
0x76: {  	[tilespmem:$0x88B0] =	vst v1  }
0x77: {  	[tilespmem:$0x88C0] =	vst v1  }
0x78: {  	[tilespmem:$0x88D0] =	vst v1  }
0x79: {  	[tilespmem:$0x88E0] =	vst v1  }
0x7a: {  	[tilespmem:$0x88F0] =	vst v1  }
0x7b: {  	_ =	swait.ge [sflag:s15], $0x4000  }
0x7c: {  	[sflag:s15] =	ssyncset.done $0x0  }
0x7d: {  	[sflag:s15] =	ssyncadd.s32 $0xFFFFC000  }
0x7e: {  	_ =	strace $0x90000048  }
0x7f: {  	s31 =	simm.s32 $0x200;
	_ =	strace $0x80000049  }
0x80: {  	v5 =	vld [tilespmem:s31+$0xFFFFFE00]  }
0x81: {  	v7 =	vld [tilespmem:s31+$0xFFFFFE10]  }
0x82: {  	v8 =	vld [tilespmem:s31+$0xFFFFFE20]  }
0x83: {  	v9 =	vld [tilespmem:s31+$0xFFFFFE30]  }
0x84: {  	v10 =	vld [tilespmem:s31+$0xFFFFFE40]  }
0x85: {  	v11 =	vld [tilespmem:s31+$0xFFFFFE50]  }
0x86: {  	v12 =	vld [tilespmem:s31+$0xFFFFFE60]  }
0x87: {  	v6 =	vld [tilespmem:s31+$0xFFFFFE70]  }
0x88: {  	v13 =	vld [tilespmem:s31+$0xFFFFFE80]  }
0x89: {  	v14 =	vld [tilespmem:s31+$0xFFFFFF00]  }
0x8a: {  	v15 =	vld [tilespmem:s31+$0xFFFFFF80]  }
0x8b: {  	v16 =	vld [tilespmem:s31+$0x0]  }
0x8c: {  	v17 =	vld [tilespmem:s31+$0x80]  }
0x8d: {  	v18 =	vld [tilespmem:s31+$0x100]  }
0x8e: {  	v19 =	vld [tilespmem:s31+$0x180]  }
0x8f: {  	v20 =	vld [tilespmem:s31+$0xFFFFFE90]  }
0x90: {  	v21 =	vld [tilespmem:s31+$0xFFFFFF10]  }
0x91: {  	v22 =	vld [tilespmem:s31+$0xFFFFFF90]  }
0x92: {  	v23 =	vld [tilespmem:s31+$0x10]  }
0x93: {  	v24 =	vld [tilespmem:s31+$0x90]  }
0x94: {  	v25 =	vld [tilespmem:s31+$0x110]  }
0x95: {  	v26 =	vld [tilespmem:s31+$0x190]  }
0x96: {  	v27 =	vld [tilespmem:s31+$0xFFFFFEA0]  }
0x97: {  	v28 =	vld [tilespmem:s31+$0xFFFFFF20]  }
0x98: {  	v29 =	vld [tilespmem:s31+$0xFFFFFFA0]  }
0x99: {  	v30 =	vld [tilespmem:s31+$0x20]  }
0x9a: {  	v31 =	vld [tilespmem:s31+$0xA0]  }
0x9b: {  	v32 =	vld [tilespmem:s31+$0x120]  }
0x9c: {  	v33 =	vld [tilespmem:s31+$0x1A0]  }
0x9d: {  	v34 =	vld [tilespmem:s31+$0xFFFFFEB0]  }
0x9e: {  	v35 =	vld [tilespmem:s31+$0xFFFFFF30]  }
0x9f: {  	v36 =	vld [tilespmem:s31+$0xFFFFFFB0]  }
0xa0: {  	v37 =	vld [tilespmem:s31+$0x30]  }
0xa1: {  	v38 =	vld [tilespmem:s31+$0xB0]  }
0xa2: {  	v39 =	vld [tilespmem:s31+$0x130]  }
0xa3: {  	v40 =	vld [tilespmem:s31+$0x1B0]  }
0xa4: {  	v41 =	vld [tilespmem:s31+$0xFFFFFEC0]  }
0xa5: {  	v57 =	vld [tilespmem:s31+$0xFFFFFF50]  }
0xa6: {  	v59 =	vld [tilespmem:s31+$0xFFFFFFD0];
	v13 =	vadd.f32 v13, v5  }
0xa7: {  	v61 =	vld [tilespmem:s31+$0x50];
	v14 =	vadd.f32 v15, v14;
	v16 =	vadd.f32 v17, v16  }
0xa8: {  	v63 =	vld [tilespmem:s31+$0xD0];
	v51 =	vadd.f32 v19, v18;
	v52 =	vadd.f32 v22, v21  }
0xa9: {  	v43 =	vld [tilespmem:s31+$0x150];
	vm0 =	vgt.f32 v5, $-1.000000000e+10;
	v5 =	vadd.f32 v24, v23;
	v53 =	vadd.f32 v26, v25  }
0xaa: {  	v47 =	vld [tilespmem:s31+$0x1D0];
	v54 =	vadd.f32 v29, v28;
	v56 =	vadd.f32 v31, v30  }
0xab: {  	v49 =	vld [tilespmem:s31+$0xFFFFFF60];
	vm9 =	vgt.f32 v7, $-1.000000000e+10;
	v58 =	vadd.f32 v33, v32;
	v42 =	vadd.f32 v36, v35  }
0xac: {  	v15 =	vld [tilespmem:s31+$0xFFFFFF40];
	vm10 =	vgt.f32 v8, $-1.000000000e+10;
	v45 =	vadd.f32 v34, v9;
	v46 =	vadd.f32 v40, v39  }
0xad: {  	v18 =	vld [tilespmem:s31+$0xFFFFFFC0];
	vm12 =	vgt.f32 v10, $-1.000000000e+10;
	v10 =	vadd.f32 v41, v10;
	v17 =	vadd.f32 v63, v61  }
0xae: {  	v19 =	vld [tilespmem:s31+$0x40];
	vm11 =	vgt.f32 v9, $-1.000000000e+10;
	v13 =	vadd.f32 v14, v13;
	v14 =	vadd.f32 v20, v7  }
0xaf: {  	v21 =	vld [tilespmem:s31+$0x140];
	vm13 =	vgt.f32 v11, $-1.000000000e+10;
	v16 =	vadd.f32 v51, v16;
	v7 =	vadd.f32 v27, v8  }
0xb0: {  	v22 =	vld [tilespmem:s31+$0xFFFFFED0];
	v55 =	vsel vm0, $0x1, v1;
	v5 =	vadd.f32 v53, v5;
	v62 =	vadd.f32 v58, v56  }
0xb1: {  	v60 =	vsel vm9, $0x1, v1;
	v20 =	vld [tilespmem:s31+$0xC0];
	v8 =	vadd.f32 v38, v37;
	v48 =	vadd.f32 v42, v45  }
0xb2: {  	v44 =	vsel vm10, $0x1, v1;
	v56 =	vadd.f32 v59, v57;
	v13 =	vadd.f32 v16, v13;
	v16 =	vld [tilespmem:s31+$0x1C0]  }
0xb3: {  	v9 =	vld [tilespmem:s31+$0xFFFFFEE0];
	v50 =	vsel vm11, $0x1, v1;
	v58 =	vadd.f32 v47, v43;
	v14 =	vadd.f32 v52, v14  }
0xb4: {  	v24 =	vadd.s32 v55, v1;
	v51 =	vld [tilespmem:s31+$0xFFFFFFE0];
	v7 =	vadd.f32 v54, v7;
	v8 =	vadd.f32 v46, v8  }
0xb5: {  	v53 =	vld [tilespmem:s31+$0x60];
	v24 =	vadd.s32 v60, v24;
	v15 =	vadd.f32 v18, v15;
	v5 =	vadd.f32 v5, v14  }
0xb6: {  	v55 =	vld [tilespmem:s31+$0xE0];
	v54 =	vsel vm12, $0x1, v1;
	v14 =	vadd.f32 v62, v7;
	v52 =	vadd.f32 v8, v48  }
0xb7: {  	v57 =	vld [tilespmem:s31+$0x160];
	v7 =	vadd.s32 v44, v24;
	v8 =	vadd.f32 v20, v19;
	v16 =	vadd.f32 v16, v21  }
0xb8: {  	v59 =	vld [tilespmem:s31+$0x1E0];
	v11 =	vadd.f32 v22, v11;
	v7 =	vadd.s32 v50, v7;
	v10 =	vadd.f32 v15, v10  }
0xb9: {  	s0 =	simm.s32 $0xA240;
	v60 =	vld [tilespmem:s31+$0xFFFFFEF0];
	v15 =	vsel vm13, $0x1, v1;
	v7 =	vadd.s32 v54, v7;
	v8 =	vadd.f32 v16, v8  }
0xba: {  	[tilespmem:s0+$0xFFFFFFC0] =	vst v13;
	v13 =	vadd.f32 v58, v17;
	v11 =	vadd.f32 v56, v11;
	v15 =	vadd.s32 v15, v7;
	v7 =	vld [tilespmem:s31+$0xFFFFFF70]  }
0xbb: {  	vm14 =	vgt.f32 v12, $-1.000000000e+10;
	[tilespmem:s0+$0xFFFFFFD0] =	vst v5;
	v5 =	vadd.f32 v8, v10;
	v10 =	vadd.f32 v9, v12;
	v9 =	vld [tilespmem:s31+$0xFFFFFFF0]  }
0xbc: {  	vm15 =	vgt.f32 v6, $-1.000000000e+10;
	v61 =	vadd.f32 v55, v53;
	[tilespmem:s0+$0xFFFFFFE0] =	vst v14;
	v13 =	vadd.f32 v13, v11;
	v11 =	vld [tilespmem:s31+$0xF0]  }
0xbd: {  	v62 =	vadd.f32 v59, v57;
	v14 =	vadd.f32 v51, v49;
	[tilespmem:s0+$0xFFFFFFF0] =	vst v52;
	v12 =	vsel vm14, $0x1, v1;
	v8 =	vld [tilespmem:s31+$0x70]  }
0xbe: {  	v63 =	vsel vm15, $0x1, v1;
	[tilespmem:s0+$0x10] =	vst v13;
	v13 =	vadd.f32 v60, v6;
	v6 =	vld [tilespmem:s31+$0x1F0];
	v15 =	vadd.s32 v12, v15  }
0xbf: {  	s9 =	simm.s32 $0x0;
	s11 =	simm.s32 $0x600;
	v12 =	vld [tilespmem:s31+$0x170];
	[tilespmem:s0+$0x0] =	vst v5;
	v10 =	vadd.f32 v14, v10;
	v5 =	vadd.s32 v63, v15;
	v14 =	vadd.f32 v62, v61  }
.LBB2_3:
0xc0: {  	v15 =	vld [tilespmem:s11+$0xFFFFFE00];
	s9 =	sadd.s32 $0x8, s9;
	v7 =	vadd.f32 v9, v7  }
0xc1: {  	v16 =	vld [tilespmem:s11+$0xFFFFFE10];
	p1 =	slt.u32 s9, $0x78;
	v9 =	vadd.f32 v14, v10  }
0xc2: {  	v10 =	vld [tilespmem:s11+$0xFFFFFE20];
	v13 =	vadd.f32 v7, v13;
	v11 =	vadd.f32 v11, v8  }
0xc3: {  	v14 =	vld [tilespmem:s11+$0xFFFFFE30];
	[tilespmem:s0+$0x20] =	vst v9  }
0xc4: {  	v9 =	vld [tilespmem:s11+$0xFFFFFE40];
	v6 =	vadd.f32 v6, v12  }
0xc5: {  	vm0 =	vgt.f32 v15, $-1.000000000e+10;
	v8 =	vld [tilespmem:s11+$0xFFFFFE50]  }
0xc6: {  	v12 =	vsel vm0, $0x1, v1;
	vm0 =	vgt.f32 v16, $-1.000000000e+10;
	v7 =	vld [tilespmem:s11+$0xFFFFFE60];
	v11 =	vadd.f32 v6, v11  }
0xc7: {  	v5 =	vadd.s32 v12, v5;
	v12 =	vsel vm0, $0x1, v1;
	vm0 =	vgt.f32 v10, $-1.000000000e+10;
	v6 =	vld [tilespmem:s11+$0xFFFFFE70]  }
0xc8: {  	v17 =	vld [tilespmem:s11+$0xFFFFFE80];
	v5 =	vadd.s32 v12, v5;
	v12 =	vsel vm0, $0x1, v1;
	vm0 =	vgt.f32 v14, $-1.000000000e+10  }
0xc9: {  	v18 =	vld [tilespmem:s11+$0xFFFFFF00];
	v5 =	vadd.s32 v12, v5;
	v12 =	vsel vm0, $0x1, v1;
	vm0 =	vgt.f32 v9, $-1.000000000e+10  }
0xca: {  	v19 =	vld [tilespmem:s11+$0xFFFFFF80];
	v5 =	vadd.s32 v12, v5;
	v12 =	vsel vm0, $0x1, v1;
	vm0 =	vgt.f32 v8, $-1.000000000e+10  }
0xcb: {  	v20 =	vld [tilespmem:s11+$0x0];
	v5 =	vadd.s32 v12, v5;
	v12 =	vsel vm0, $0x1, v1;
	vm0 =	vgt.f32 v7, $-1.000000000e+10  }
0xcc: {  	v21 =	vld [tilespmem:s11+$0x80];
	v5 =	vadd.s32 v12, v5;
	v12 =	vsel vm0, $0x1, v1;
	vm0 =	vgt.f32 v6, $-1.000000000e+10  }
0xcd: {  	v22 =	vld [tilespmem:s11+$0x100];
	v15 =	vadd.f32 v17, v15;
	v5 =	vadd.s32 v12, v5;
	v12 =	vsel vm0, $0x1, v1  }
0xce: {  	v11 =	vadd.f32 v11, v13;
	v17 =	vld [tilespmem:s11+$0x180];
	v5 =	vadd.s32 v12, v5  }
0xcf: {  	v12 =	vadd.f32 v19, v18;
	v13 =	vld [tilespmem:s11+$0xFFFFFE90]  }
0xd0: {  	v18 =	vld [tilespmem:s11+$0xFFFFFF10];
	[tilespmem:s0+$0x30] =	vst v11  }
0xd1: {  	v11 =	vadd.f32 v12, v15;
	v12 =	vadd.f32 v21, v20;
	v15 =	vld [tilespmem:s11+$0xFFFFFF90]  }
0xd2: {  	v19 =	vld [tilespmem:s11+$0x10]  }
0xd3: {  	v17 =	vadd.f32 v17, v22;
	v20 =	vld [tilespmem:s11+$0x90]  }
0xd4: {  	v21 =	vld [tilespmem:s11+$0x110];
	v13 =	vadd.f32 v13, v16  }
0xd5: {  	v12 =	vadd.f32 v17, v12;
	v16 =	vld [tilespmem:s11+$0x190]  }
0xd6: {  	v15 =	vadd.f32 v15, v18;
	v17 =	vld [tilespmem:s11+$0xFFFFFEA0]  }
0xd7: {  	v11 =	vadd.f32 v12, v11;
	v12 =	vld [tilespmem:s11+$0xFFFFFF20]  }
0xd8: {  	s0 =	sadd.s32 $0x80, s0;
	v13 =	vadd.f32 v15, v13;
	v15 =	vadd.f32 v20, v19;
	v18 =	vld [tilespmem:s11+$0xFFFFFFA0]  }
0xd9: {  	[tilespmem:s0+$0xFFFFFFC0] =	vst v11;
	v11 =	vld [tilespmem:s11+$0x20]  }
0xda: {  	v16 =	vadd.f32 v16, v21;
	v19 =	vld [tilespmem:s11+$0xA0]  }
0xdb: {  	v20 =	vld [tilespmem:s11+$0x120];
	v10 =	vadd.f32 v17, v10  }
0xdc: {  	v15 =	vadd.f32 v16, v15;
	v16 =	vld [tilespmem:s11+$0x1A0]  }
0xdd: {  	v12 =	vadd.f32 v18, v12;
	v17 =	vld [tilespmem:s11+$0xFFFFFEB0]  }
0xde: {  	v13 =	vadd.f32 v15, v13;
	v15 =	vld [tilespmem:s11+$0xFFFFFF30]  }
0xdf: {  	v10 =	vadd.f32 v12, v10;
	v11 =	vadd.f32 v19, v11;
	v12 =	vld [tilespmem:s11+$0xFFFFFFB0]  }
0xe0: {  	[tilespmem:s0+$0xFFFFFFD0] =	vst v13;
	v13 =	vld [tilespmem:s11+$0x30]  }
0xe1: {  	v16 =	vadd.f32 v16, v20;
	v18 =	vld [tilespmem:s11+$0xB0]  }
0xe2: {  	v19 =	vld [tilespmem:s11+$0x130];
	v14 =	vadd.f32 v17, v14  }
0xe3: {  	v11 =	vadd.f32 v16, v11;
	v16 =	vld [tilespmem:s11+$0x1B0]  }
0xe4: {  	v12 =	vadd.f32 v12, v15;
	v15 =	vld [tilespmem:s11+$0xFFFFFEC0]  }
0xe5: {  	v10 =	vadd.f32 v11, v10;
	v11 =	vld [tilespmem:s11+$0xFFFFFF40]  }
0xe6: {  	v12 =	vadd.f32 v12, v14;
	v13 =	vadd.f32 v18, v13;
	v14 =	vld [tilespmem:s11+$0xFFFFFFC0]  }
0xe7: {  	[tilespmem:s0+$0xFFFFFFE0] =	vst v10;
	v10 =	vld [tilespmem:s11+$0x40]  }
0xe8: {  	v16 =	vadd.f32 v16, v19;
	v17 =	vld [tilespmem:s11+$0xC0]  }
0xe9: {  	v18 =	vld [tilespmem:s11+$0x140];
	v9 =	vadd.f32 v15, v9  }
0xea: {  	v13 =	vadd.f32 v16, v13;
	v15 =	vld [tilespmem:s11+$0x1C0]  }
0xeb: {  	v11 =	vadd.f32 v14, v11;
	v14 =	vld [tilespmem:s11+$0xFFFFFED0]  }
0xec: {  	v12 =	vadd.f32 v13, v12;
	v13 =	vld [tilespmem:s11+$0xFFFFFF50]  }
0xed: {  	v9 =	vadd.f32 v11, v9;
	v10 =	vadd.f32 v17, v10;
	v11 =	vld [tilespmem:s11+$0xFFFFFFD0]  }
0xee: {  	[tilespmem:s0+$0xFFFFFFF0] =	vst v12;
	v12 =	vld [tilespmem:s11+$0x50]  }
0xef: {  	v15 =	vadd.f32 v15, v18;
	v16 =	vld [tilespmem:s11+$0xD0]  }
0xf0: {  	v17 =	vld [tilespmem:s11+$0x150];
	v8 =	vadd.f32 v14, v8  }
0xf1: {  	v10 =	vadd.f32 v15, v10;
	v14 =	vld [tilespmem:s11+$0x1D0]  }
0xf2: {  	v11 =	vadd.f32 v11, v13;
	v13 =	vld [tilespmem:s11+$0xFFFFFEE0]  }
0xf3: {  	v9 =	vadd.f32 v10, v9;
	v10 =	vld [tilespmem:s11+$0xFFFFFF60]  }
0xf4: {  	v8 =	vadd.f32 v11, v8;
	v11 =	vadd.f32 v16, v12;
	v12 =	vld [tilespmem:s11+$0xFFFFFFE0]  }
0xf5: {  	[tilespmem:s0+$0x0] =	vst v9;
	v9 =	vld [tilespmem:s11+$0x60]  }
0xf6: {  	v14 =	vadd.f32 v14, v17;
	v15 =	vld [tilespmem:s11+$0xE0]  }
0xf7: {  	v16 =	vld [tilespmem:s11+$0x160];
	v13 =	vadd.f32 v13, v7  }
0xf8: {  	v7 =	vadd.f32 v14, v11;
	v11 =	vld [tilespmem:s11+$0x1E0]  }
0xf9: {  	v10 =	vadd.f32 v12, v10;
	v14 =	vld [tilespmem:s11+$0xFFFFFEF0]  }
0xfa: {  	v8 =	vadd.f32 v7, v8;
	v7 =	vld [tilespmem:s11+$0xFFFFFF70]  }
.Ltmp3:
0xfb: {  	v10 =	vadd.f32 v10, v13;
	v15 =	vadd.f32 v15, v9;
	v9 =	vld [tilespmem:s11+$0xFFFFFFF0];
	(pc) =	sbr.rel @p1 .LBB2_3-.Ltmp3, $4  }
0xfc: {  	[tilespmem:s0+$0x10] =	vst v8;
	v8 =	vld [tilespmem:s11+$0x70]  }
0xfd: {  	v16 =	vadd.f32 v11, v16;
	v11 =	vld [tilespmem:s11+$0xF0]  }
0xfe: {  	v12 =	vld [tilespmem:s11+$0x170];
	v13 =	vadd.f32 v14, v6  }
0xff: {  	v14 =	vadd.f32 v16, v15;
	v6 =	vld [tilespmem:s11+$0x1F0];
	s11 =	sadd.s32 $0x400, s11  }
0x100: {  	_ =	sdelay $0x2  }
0x101: {  	v7 =	vadd.f32 v9, v7  }
0x102: {  	v8 =	vadd.f32 v11, v8;
	v6 =	vadd.f32 v6, v12;
	_ =	sdelay $0x1  }
0x103: {  	v7 =	vadd.f32 v7, v13;
	v6 =	vadd.f32 v6, v8  }
0x104: {  	v8 =	vadd.f32 v14, v10  }
0x105: {  	v6 =	vadd.f32 v6, v7  }
0x106: {  	[tilespmem:s0+$0x20] =	vst v8  }
0x107: {  	[tilespmem:s0+$0x30] =	vst v6  }
0x108: {  	_ =	strace $0x90000049  }
0x109: {  	_ =	strace $0x8000004A  }
0x10a: {  	_ =	swait.ge [sflag:s17], $0x2000  }
0x10b: {  	[sflag:s17] =	ssyncset.done $0x0  }
0x10c: {  	[sflag:s17] =	ssyncadd.s32 $0xFFFFE000  }
0x10d: {  	_ =	strace $0x9000004A  }
0x10e: {  	s1 =	simm.s32 $0x4000;
	_ =	strace $0x8000004B  }
0x10f: {  	v6 =	vld [tilespmem:s1+$0x70]  }
0x110: {  	v7 =	vld [tilespmem:s1+$0xF0]  }
0x111: {  	v8 =	vld [tilespmem:s1+$0x170]  }
0x112: {  	v9 =	vld [tilespmem:s1+$0x1F0]  }
0x113: {  	v10 =	vld [tilespmem:s1+$0x80]  }
0x114: {  	v11 =	vld [tilespmem:s1+$0x100]  }
0x115: {  	s0 =	simm.s32 $0xA240;
	v12 =	vld [tilespmem:s1+$0x180]  }
0x116: {  	v13 =	vld [tilespmem:s0+$0x30]  }
0x117: {  	v14 =	vld [tilespmem:s1+$0x10]  }
0x118: {  	v15 =	vld [tilespmem:s1+$0x90]  }
0x119: {  	v16 =	vld [tilespmem:s1+$0x110]  }
0x11a: {  	v17 =	vld [tilespmem:s1+$0x190]  }
0x11b: {  	v18 =	vld [tilespmem:s1+$0x20]  }
0x11c: {  	v19 =	vld [tilespmem:s1+$0xA0]  }
0x11d: {  	v20 =	vld [tilespmem:s1+$0x120]  }
0x11e: {  	v21 =	vld [tilespmem:s1+$0x1A0]  }
0x11f: {  	v22 =	vld [tilespmem:s1+$0x30]  }
0x120: {  	v23 =	vld [tilespmem:s1+$0xB0]  }
0x121: {  	v24 =	vld [tilespmem:s1+$0x130]  }
0x122: {  	v25 =	vld [tilespmem:s1+$0x1B0]  }
0x123: {  	v26 =	vld [tilespmem:s1+$0x40]  }
0x124: {  	v27 =	vld [tilespmem:s1+$0xC0]  }
0x125: {  	v28 =	vld [tilespmem:s1+$0x140]  }
0x126: {  	v29 =	vld [tilespmem:s1+$0x1C0]  }
0x127: {  	v30 =	vld [tilespmem:s1+$0x50]  }
0x128: {  	v31 =	vld [tilespmem:s1+$0xD0]  }
0x129: {  	v6 =	vadd.f32 v7, v6;
	v7 =	vadd.f32 v9, v8;
	v8 =	vld [tilespmem:s1+$0x150]  }
0x12a: {  	v9 =	vld [tilespmem:s1+$0x1D0]  }
0x12b: {  	v14 =	vadd.f32 v15, v14;
	v15 =	vadd.f32 v17, v16;
	v16 =	vld [tilespmem:s1+$0xE0]  }
0x12c: {  	v17 =	vadd.f32 v19, v18;
	v19 =	vld [tilespmem:s1+$0x160]  }
0x12d: {  	v11 =	vadd.f32 v12, v11;
	v12 =	vld [tilespmem:s1+$0x1E0];
	v6 =	vadd.f32 v7, v6  }
0x12e: {  	v18 =	vadd.f32 v21, v20;
	v56 =	vadd.f32 v27, v26;
	v7 =	vld [tilespmem:s1+$0x60]  }
0x12f: {  	v6 =	vadd.f32 v6, v13;
	v13 =	vadd.f32 v15, v14;
	v15 =	vld [tilespmem:s1+$0x0]  }
0x130: {  	v58 =	vld [tilespmem:s0+$0xFFFFFFD0];
	v57 =	vadd.f32 v29, v28;
	v59 =	vadd.f32 v31, v30  }
0x131: {  	v14 =	vadd.f32 v18, v17;
	v8 =	vadd.f32 v9, v8;
	v9 =	vld [tilespmem:s0+$0xFFFFFFE0];
	vm0 =	vlt.s32 v6, $0x0  }
0x132: {  	v61 =	vld [tilespmem:s0+$0xFFFFFFF0];
	v17 =	vadd.f32 v23, v22;
	v18 =	vadd.f32 v25, v24;
	v60 =	vsel vm0, $0x7FFFFFFF, v1  }
0x133: {  	v12 =	vadd.f32 v12, v19;
	v7 =	vadd.f32 v16, v7;
	v16 =	vld [tilespmem:s0+$0x10];
	v25 =	vxor.u32 v6, v60  }
0x134: {  	v20 =	vld [tilespmem:s0+$0xFFFFFFC0];
	v62 =	vadd.f32 v8, v59;
	v6 =	vshrl.u32 v25, $0x18;
	v8 =	vadd.f32 v10, v15  }
0x135: {  	v15 =	vld [tilespmem:s0+$0x0];
	v63 =	vadd.f32 v12, v7;
	v10 =	vand.u32 $0x7F, v6;
	v6 =	vadd.f32 v13, v58  }
0x136: {  	v13 =	vld [tilespmem:s0+$0x20];
	v7 =	vadd.f32 v14, v9;
	v8 =	vadd.f32 v11, v8;
	v11 =	vsel vm0, $0x0, v2  }
0x137: {  	v17 =	vadd.f32 v18, v17;
	v18 =	vadd.f32 v57, v56;
	v19 =	vor.u32 v11, v10  }
0x138: {  	vm2 =	vlt.s32 v6, $0x0;
	vm0 =	vlt.s32 v7, $0x0;
	v11 =	vadd.f32 v62, v16  }
0x139: {  	v10 =	vadd.f32 v8, v20;
	v8 =	vadd.f32 v17, v61;
	v12 =	vsel vm2, $0x7FFFFFFF, v1  }
0x13a: {  	v9 =	vadd.f32 v18, v15;
	v15 =	vsel vm0, $0x7FFFFFFF, v1;
	vm5 =	vlt.s32 v11, $0x0  }
0x13b: {  	s9 =	simm.s32 $0x8040;
	vm6 =	vlt.s32 v10, $0x0;
	vm1 =	vlt.s32 v8, $0x0;
	v13 =	vadd.f32 v63, v13  }
0x13c: {  	[tilespmem:s9+$0x30] =	vst v25;
	v17 =	vsel vm5, $0x7FFFFFFF, v1;
	v14 =	vsel vm6, $0x7FFFFFFF, v1;
	vm4 =	vlt.s32 v9, $0x0  }
0x13d: {  	s11 =	simm.s32 $0x4400;
	s1 =	simm.s32 $0x0;
	v16 =	vsel vm1, $0x7FFFFFFF, v1;
	[tilespmem:v19+s19+$0x0] =	vst.idx.add.s32.msk $0xffff, v3;
	v18 =	vsel vm4, $0x7FFFFFFF, v1;
	vm3 =	vlt.s32 v13, $0x0  }
.LBB2_5:
0x13e: {  	v19 =	vld [tilespmem:s11+$0x70];
	v10 =	vxor.u32 v10, v14;
	v6 =	vxor.u32 v6, v12;
	v12 =	vsel vm3, $0x7FFFFFFF, v1  }
0x13f: {  	v7 =	vxor.u32 v7, v15;
	v8 =	vxor.u32 v8, v16;
	v9 =	vxor.u32 v9, v18;
	v14 =	vld [tilespmem:s11+$0xF0];
	[tilespmem:s9+$0xFFFFFFC0] =	vst v10  }
0x140: {  	v11 =	vxor.u32 v11, v17;
	v10 =	vshrl.u32 v10, $0x18;
	v12 =	vxor.u32 v13, v12;
	v15 =	vld [tilespmem:s11+$0x170];
	[tilespmem:s9+$0xFFFFFFD0] =	vst v6  }
0x141: {  	s1 =	sadd.s32 $0x8, s1;
	v16 =	vshrl.u32 v6, $0x18;
	v17 =	vshrl.u32 v8, $0x18;
	v13 =	vld [tilespmem:s11+$0x1F0];
	[tilespmem:s9+$0xFFFFFFE0] =	vst v7;
	v7 =	vshrl.u32 v7, $0x18  }
0x142: {  	p1 =	slt.u32 s1, $0x78;
	v18 =	vshrl.u32 v11, $0x18;
	v20 =	vshrl.u32 v12, $0x18;
	v6 =	vld [tilespmem:s11+$0x80];
	[tilespmem:s9+$0xFFFFFFF0] =	vst v8;
	v8 =	vshrl.u32 v9, $0x18  }
0x143: {  	v10 =	vand.u32 $0x7F, v10;
	v16 =	vand.u32 $0x7F, v16;
	v7 =	vand.u32 $0x7F, v7;
	v21 =	vld [tilespmem:s11+$0x100];
	[tilespmem:s9+$0x0] =	vst v9  }
0x144: {  	s0 =	sadd.s32 $0x80, s0;
	v17 =	vand.u32 $0x7F, v17;
	v8 =	vand.u32 $0x7F, v8;
	v9 =	vld [tilespmem:s11+$0x180];
	[tilespmem:s9+$0x10] =	vst v11;
	v11 =	vand.u32 $0x7F, v18  }
0x145: {  	v22 =	vsel vm6, $0x0, v2;
	v23 =	vsel vm2, $0x0, v2;
	v18 =	vld [tilespmem:s0+$0x30];
	[tilespmem:s9+$0x20] =	vst v12;
	v12 =	vand.u32 $0x7F, v20  }
0x146: {  	v14 =	vadd.f32 v14, v19;
	v20 =	vld [tilespmem:s11+$0x10];
	v13 =	vadd.f32 v13, v15;
	v15 =	vsel vm0, $0x0, v2  }
0x147: {  	v24 =	vsel vm1, $0x0, v2;
	v25 =	vsel vm4, $0x0, v2;
	v26 =	vsel vm5, $0x0, v2;
	v19 =	vld [tilespmem:s11+$0x90]  }
0x148: {  	v10 =	vor.u32 v22, v10;
	v27 =	vld [tilespmem:s11+$0x110];
	v13 =	vadd.f32 v13, v14;
	v14 =	vsel vm3, $0x0, v2  }
0x149: {  	v16 =	vor.u32 v23, v16;
	v15 =	vor.u32 v15, v7;
	v9 =	vadd.f32 v9, v21;
	v21 =	vld [tilespmem:s11+$0x190]  }
0x14a: {  	v17 =	vor.u32 v24, v17;
	v7 =	vld [tilespmem:s11+$0x20];
	v13 =	vadd.f32 v13, v18;
	v18 =	vor.u32 v25, v8  }
0x14b: {  	v22 =	vor.u32 v26, v11;
	v23 =	vor.u32 v14, v12;
	v8 =	vld [tilespmem:s11+$0xA0]  }
0x14c: {  	v11 =	vadd.f32 v19, v20;
	v12 =	vld [tilespmem:s11+$0x120];
	vm0 =	vlt.s32 v13, $0x0  }
0x14d: {  	v14 =	vld [tilespmem:s11+$0x1A0];
	v19 =	vsel vm0, $0x7FFFFFFF, v1  }
0x14e: {  	v20 =	vadd.f32 v21, v27;
	v21 =	vld [tilespmem:s11+$0x30];
	v13 =	vxor.u32 v13, v19  }
0x14f: {  	v19 =	vld [tilespmem:s11+$0xB0];
	v24 =	vshrl.u32 v13, $0x18  }
0x150: {  	v25 =	vsel vm0, $0x0, v2;
	v7 =	vadd.f32 v8, v7;
	v8 =	vld [tilespmem:s11+$0x130];
	v24 =	vand.u32 $0x7F, v24  }
0x151: {  	v11 =	vadd.f32 v20, v11;
	v20 =	vld [tilespmem:s11+$0x1B0];
	v24 =	vor.u32 v25, v24  }
0x152: {  	v12 =	vadd.f32 v14, v12;
	v14 =	vld [tilespmem:s11+$0x40]  }
0x153: {  	v25 =	vld [tilespmem:s11+$0xC0]  }
0x154: {  	s9 =	sadd.s32 $0x80, s9;
	v7 =	vadd.f32 v12, v7;
	v12 =	vadd.f32 v19, v21;
	v19 =	vld [tilespmem:s11+$0x140]  }
0x155: {  	v21 =	vld [tilespmem:s11+$0x1C0];
	[tilespmem:s9+$0x30] =	vst v13  }
0x156: {  	v8 =	vadd.f32 v20, v8;
	[tilespmem:v24+s19+$0x0] =	vst.idx.add.s32.msk $0xffff, v3  }
0x157: {  	v13 =	vld [tilespmem:s11+$0x50]  }
0x158: {  	v8 =	vadd.f32 v8, v12;
	v12 =	vadd.f32 v25, v14;
	v14 =	vld [tilespmem:s11+$0xD0]  }
0x159: {  	v20 =	vld [tilespmem:s11+$0x150]  }
0x15a: {  	v19 =	vadd.f32 v21, v19;
	v21 =	vld [tilespmem:s11+$0x1D0]  }
0x15b: {  	v24 =	vld [tilespmem:s11+$0x60]  }
0x15c: {  	v19 =	vadd.f32 v19, v12;
	v12 =	vld [tilespmem:s11+$0xE0]  }
0x15d: {  	v13 =	vadd.f32 v14, v13;
	v14 =	vld [tilespmem:s11+$0x160]  }
0x15e: {  	v25 =	vld [tilespmem:s11+$0x1E0]  }
0x15f: {  	v26 =	vld [tilespmem:s11+$0x0];
	v20 =	vadd.f32 v21, v20  }
0x160: {  	v21 =	vld [tilespmem:s0+$0xFFFFFFC0]  }
0x161: {  	v27 =	vld [tilespmem:s0+$0xFFFFFFD0];
	v13 =	vadd.f32 v20, v13;
	v12 =	vadd.f32 v12, v24  }
0x162: {  	v20 =	vld [tilespmem:s0+$0xFFFFFFE0]  }
0x163: {  	v24 =	vld [tilespmem:s0+$0xFFFFFFF0];
	v14 =	vadd.f32 v25, v14  }
0x164: {  	v6 =	vadd.f32 v6, v26;
	v25 =	vld [tilespmem:s0+$0x0]  }
0x165: {  	v26 =	vld [tilespmem:s0+$0x10];
	v28 =	vadd.f32 v14, v12  }
0x166: {  	v9 =	vadd.f32 v9, v6;
	v6 =	vadd.f32 v11, v27;
	v27 =	vld [tilespmem:s0+$0x20]  }
0x167: {  	v7 =	vadd.f32 v7, v20;
	[tilespmem:v10+s19+$0x0] =	vst.idx.add.s32.msk $0xffff, v3  }
0x168: {  	v10 =	vadd.f32 v9, v21;
	vm2 =	vlt.s32 v6, $0x0;
	v8 =	vadd.f32 v8, v24;
	[tilespmem:v16+s19+$0x0] =	vst.idx.add.s32.msk $0xffff, v3  }
.Ltmp4:
0x169: {  	v12 =	vsel vm2, $0x7FFFFFFF, v1;
	vm0 =	vlt.s32 v7, $0x0;
	v9 =	vadd.f32 v19, v25;
	[tilespmem:v18+s19+$0x0] =	vst.idx.add.s32.msk $0xffff, v3;
	(pc) =	sbr.rel @p1 .LBB2_5-.Ltmp4, $4  }
0x16a: {  	vm6 =	vlt.s32 v10, $0x0;
	vm1 =	vlt.s32 v8, $0x0;
	v11 =	vadd.f32 v13, v26;
	[tilespmem:v22+s19+$0x0] =	vst.idx.add.s32.msk $0xffff, v3  }
0x16b: {  	v14 =	vsel vm6, $0x7FFFFFFF, v1;
	vm4 =	vlt.s32 v9, $0x0;
	v13 =	vadd.f32 v28, v27;
	[tilespmem:v15+s19+$0x0] =	vst.idx.add.s32.msk $0xffff, v3  }
0x16c: {  	v15 =	vsel vm0, $0x7FFFFFFF, v1;
	v16 =	vsel vm1, $0x7FFFFFFF, v1;
	vm5 =	vlt.s32 v11, $0x0;
	[tilespmem:v17+s19+$0x0] =	vst.idx.add.s32.msk $0xffff, v3  }
0x16d: {  	s11 =	sadd.s32 $0x400, s11;
	v18 =	vsel vm4, $0x7FFFFFFF, v1;
	v17 =	vsel vm5, $0x7FFFFFFF, v1;
	vm3 =	vlt.s32 v13, $0x0;
	[tilespmem:v23+s19+$0x0] =	vst.idx.add.s32.msk $0xffff, v3  }
0x16e: {  	v10 =	vxor.u32 v10, v14;
	v6 =	vxor.u32 v6, v12  }
0x16f: {  	v52 =	vsel vm3, $0x7FFFFFFF, v1;
	v7 =	vxor.u32 v7, v15;
	v8 =	vxor.u32 v8, v16  }
0x170: {  	v9 =	vxor.u32 v9, v18;
	v11 =	vxor.u32 v11, v17;
	v55 =	vsel vm6, $0x0, v2  }
0x171: {  	v56 =	vsel vm2, $0x0, v2;
	v57 =	vsel vm4, $0x0, v2;
	v58 =	vsel vm5, $0x0, v2  }
0x172: {  	v59 =	vsel vm1, $0x0, v2;
	v14 =	vshrl.u32 v10, $0x18;
	v53 =	vshrl.u32 v6, $0x18;
	[tilespmem:s9+$0xFFFFFFC0] =	vst v10  }
0x173: {  	v15 =	vshrl.u32 v7, $0x18;
	v10 =	vshrl.u32 v8, $0x18;
	[tilespmem:s9+$0xFFFFFFD0] =	vst v6;
	v14 =	vand.u32 $0x7F, v14  }
0x174: {  	v54 =	vshrl.u32 v9, $0x18;
	[tilespmem:s9+$0xFFFFFFE0] =	vst v7;
	v7 =	vand.u32 $0x7F, v53;
	v14 =	vor.u32 v55, v14  }
0x175: {  	v17 =	vshrl.u32 v11, $0x18;
	[tilespmem:s9+$0xFFFFFFF0] =	vst v8;
	v8 =	vand.u32 $0x7F, v54;
	v7 =	vor.u32 v56, v7  }
0x176: {  	v12 =	vxor.u32 v13, v52;
	[tilespmem:s9+$0x0] =	vst v9;
	v9 =	vand.u32 $0x7F, v17;
	v8 =	vor.u32 v57, v8  }
0x177: {  	[tilespmem:s9+$0x10] =	vst v11;
	v11 =	vsel vm0, $0x0, v2;
	v15 =	vand.u32 $0x7F, v15;
	v9 =	vor.u32 v58, v9  }
0x178: {  	v6 =	vshrl.u32 v12, $0x18;
	v10 =	vand.u32 $0x7F, v10;
	[tilespmem:s9+$0x20] =	vst v12;
	v11 =	vor.u32 v11, v15  }
0x179: {  	v60 =	vsel vm3, $0x0, v2;
	v6 =	vand.u32 $0x7F, v6;
	v10 =	vor.u32 v59, v10;
	[tilespmem:v14+s19+$0x0] =	vst.idx.add.s32.msk $0xffff, v3  }
0x17a: {  	v6 =	vor.u32 v60, v6;
	[tilespmem:v7+s19+$0x0] =	vst.idx.add.s32.msk $0xffff, v3  }
0x17b: {  	[tilespmem:v8+s19+$0x0] =	vst.idx.add.s32.msk $0xffff, v3  }
0x17c: {  	[tilespmem:v9+s19+$0x0] =	vst.idx.add.s32.msk $0xffff, v3  }
0x17d: {  	[tilespmem:v11+s19+$0x0] =	vst.idx.add.s32.msk $0xffff, v3  }
0x17e: {  	[tilespmem:v10+s19+$0x0] =	vst.idx.add.s32.msk $0xffff, v3  }
0x17f: {  	[tilespmem:v6+s19+$0x0] =	vst.idx.add.s32.msk $0xffff, v3  }
0x180: {  	_ =	strace $0x9000004B  }
0x181: {  	(xrf0) =	vadd.scan.msk.s32 $0xffff, v5;
	_ =	sdelay $0x5  }
0x182: {  	v5, _, _ =	vpop (xrf0)  }
0x183: {  	(v2sf) =	vpush v5, $0xF;
	_ =	sdelay $0xe  }
0x184: {  	s0 =	spop (v2sf)  }
0x185: {  	s1 =	simm.s32 $0x88F0;
	_ =	strace $0x8000004C  }
0x186: {  	s4 =	sadd.s32 $0x9, s0;
	v5 =	vld [tilespmem:s1+$0x0]  }
0x187: {  	s5 =	smulhi.u32 $0x66666667, s4;
	s8 =	sshra.s32 s4, $0x1F  }
0x188: {  	s8 =	smul.u32 $0x66666667, s8;
	_ =	sdelay $0x1  }
0x189: {  	v6 =	vld [tilespmem:s1+$0xFFFFFFF0];
	s5 =	sadd.s32 s8, s5  }
0x18a: {  	s8 =	sshrl.u32 s5, $0x1F;
	s5 =	sshra.s32 s5, $0x2;
	v7 =	vperm.xlane v5, v4  }
0x18b: {  	s5 =	sadd.s32 s8, s5  }
0x18c: {  	v5 =	vld [tilespmem:s1+$0xFFFFFFE0];
	s8 =	smul.u32 $0xFFFFFFF6, s5;
	(xrf0) =	vadd.scan.msk.s32 $0xffff, v7  }
0x18d: {  	s0 =	ssub.s32 $0xFFFFFFF7, s0  }
0x18e: {  	p0 =	slt.s32 s4, $0x1;
	v6 =	vperm.xlane v6, v4;
	p1 =	sne.s32 s8, s0  }
0x18f: {  	v8 =	vld [tilespmem:s1+$0xFFFFFFD0];
	p0 =	por !p0, !p1  }
0x190: {  	(xrf0) =	vadd.scan.msk.s32 $0xffff, v6;
	s0 =	simm.s32 $0x1;
	p0 =	por !p0, !p0  }
0x191: {  	v9 =	vperm.xlane v5, v4;
	s0 =	simm.s32 @!p0 $0x0  }
0x192: {  	s30 =	simm.s32 $0x0;
	s31 =	ssub.s32 s5, s0;
	v5, _, _ =	vpop (xrf0)  }
0x193: {  	(xrf0) =	vadd.scan.msk.s32 $0xffff, v9;
	v10 =	vadd.s32 s30, v5;
	v5 =	vmov s31  }
0x194: {  	v8 =	vperm.xlane v8, v4;
	vm9 =	vge.s32 v10, v5  }
0x195: {  	v11 =	vbroadcast v10, $0xF;
	v7 =	vsub.s32 v10, v7;
	v10 =	vmpcnt.ones.xlane vm9  }
0x196: {  	v61, _, _ =	vpop (xrf0)  }
0x197: {  	(xrf0) =	vadd.scan.msk.s32 $0xffff, v8;
	v11 =	vadd.s32 v11, v61  }
0x198: {  	v7 =	vxor.u32 $0x80000000, v7;
	v12 =	vbroadcast v11, $0xF  }
0x199: {  	v7 =	vnsel vm9, $0xFFFFFFFF, v7;
	v6 =	vsub.s32 v11, v6;
	(v2sf) =	vpush v10, $0x0;
	v10, _, _ =	vpop (xrf0)  }
0x19a: {  	(xrf0) =	vmin.scan.msk.u32 $0xffff, v7;
	vm10 =	vge.s32 v11, v5;
	v6 =	vxor.u32 $0x80000000, v6;
	v7 =	vadd.s32 v12, v10  }
0x19b: {  	v6 =	vnsel vm10, $0xFFFFFFFF, v6;
	v10 =	vmpcnt.ones.xlane vm10;
	vm11 =	vge.s32 v7, v5  }
0x19c: {  	(xrf0) =	vmin.scan.msk.u32 $0xffff, v6;
	v11 =	vbroadcast v7, $0xF;
	v6 =	vmpcnt.ones.xlane vm11  }
0x19d: {  	v7 =	vsub.s32 v7, v9;
	v9, _, _ =	vpop (xrf0);
	(v2sf) =	vpush v10, $0x0  }
0x19e: {  	(v2sf) =	vpush v6, $0x0;
	v6 =	vxor.u32 $0x80000000, v7;
	v7 =	vadd.s32 v11, v9  }
0x19f: {  	(v2sf) =	vpush v7, $0xF  }
0x1a0: {  	s11 =	simm.s32 $0x88B0;
	v9, _, _ =	vpop (xrf0);
	v6 =	vnsel vm11, $0xFFFFFFFF, v6;
	v8 =	vsub.s32 v7, v8  }
0x1a1: {  	vm12 =	vge.s32 v7, v5;
	v7 =	vxor.u32 $0x80000000, v8;
	(v2sf) =	vpush v9, $0xF;
	v9 =	vld [tilespmem:s11+$0x0]  }
0x1a2: {  	(xrf0) =	vmin.scan.msk.u32 $0xffff, v6;
	v7 =	vnsel vm12, $0xFFFFFFFF, v7  }
0x1a3: {  	(xrf0) =	vmin.scan.msk.u32 $0xffff, v7  }
0x1a4: {  	v8 =	vmpcnt.ones.xlane vm12;
	v6, _, _ =	vpop (xrf0)  }
0x1a5: {  	(v2sf) =	vpush v6, $0xF;
	v6 =	vld [tilespmem:s11+$0xFFFFFFF0]  }
0x1a6: {  	v7 =	vperm.xlane v9, v4;
	_ =	sdelay $0x1  }
0x1a7: {  	(v2sf) =	vpush v8, $0x0;
	v8, _, _ =	vpop (xrf0);
	(xrf0) =	vadd.scan.msk.s32 $0xffff, v7  }
0x1a8: {  	v9 =	vld [tilespmem:s11+$0xFFFFFFE0];
	(v2sf) =	vpush v8, $0xF;
	v8, _, _ =	vpop (xrf0)  }
0x1a9: {  	s9 =	spop (v2sf);
	(v2sf) =	vpush v8, $0xF;
	v8 =	vperm.xlane v6, v4  }
0x1aa: {  	s13 =	simm.s32 $0x4;
	p3 =	por $0x1, $0x1;
	s29 =	simm.s32 $0x0  }
0x1ab: {  	s0 =	simm.s32 $0x7F;
	s5 =	simm.s32 $0x1;
	v6 =	vld [tilespmem:s11+$0xFFFFFFD0];
	s12 =	spop (v2sf);
	(xrf0) =	vadd.scan.msk.s32 $0xffff, v8  }
0x1ac: {  	s10 =	sadd.s32 $0xBF, s9;
	p1 =	sgt.s32 s9, $0x0;
	s14 =	spop (v2sf)  }
0x1ad: {  	s4 =	sadd.s32 $0x30, s10;
	s5 =	simm.s32 @!p1 $0x0;
	v9 =	vperm.xlane v9, v4;
	v10, _, _ =	vpop (xrf0);
	s18 =	spop (v2sf)  }
0x1ae: {  	p2 =	por !p3, !p1;
	s10 =	simm.s32 $0x1;
	s5 =	sor.u32 s5, s30;
	v10 =	vadd.s32 s18, v10  }
0x1af: {  	p5 =	por !p2, !p2;
	p4 =	seq.s32 s5, $0x0;
	p0 =	sgt.s32 s12, $0x0;
	(xrf0) =	vadd.scan.msk.s32 $0xffff, v9  }
0x1b0: {  	s29 =	smov.u32 @p5 s4;
	s1 =	sadd.s32 $0xBF, s12;
	s10 =	simm.s32 @!p0 $0x0;
	v6 =	vperm.xlane v6, v4;
	v11 =	vbroadcast v10, $0xF  }
0x1b1: {  	s1 =	sadd.s32 $0x20, s1;
	p0 =	por !p0, !p4;
	s16 =	sadd.s32 $0xBF, s14;
	vm13 =	vge.s32 v10, v5;
	v7 =	vsub.s32 v10, v7;
	v10, _, _ =	vpop (xrf0)  }
0x1b2: {  	p3 =	sgt.s32 s14, $0x0;
	s5 =	sor.u32 s10, s5;
	s10 =	simm.s32 $0x1;
	(xrf0) =	vadd.scan.msk.s32 $0xffff, v6;
	v10 =	vadd.s32 v11, v10  }
0x1b3: {  	p2 =	por !p0, !p0;
	s14 =	sadd.s32 $0x10, s16;
	s12 =	spop (v2sf);
	v62 =	vmpcnt.ones.xlane vm13;
	v7 =	vxor.u32 $0x80000000, v7  }
0x1b4: {  	s16 =	simm.s32 $0x1;
	p6 =	seq.s32 s5, $0x0;
	s29 =	smov.u32 @p2 s1;
	v7 =	vnsel vm13, $0xFFFFFFFF, v7;
	v11 =	vbroadcast v10, $0xF  }
0x1b5: {  	s16 =	simm.s32 @!p3 $0x0;
	p6 =	por !p3, !p6;
	s23 =	sxor.u32 $0x80000000, s12;
	(v2sf) =	vpush v62, $0x0;
	v8 =	vsub.s32 v10, v8;
	vm14 =	vge.s32 v10, v5;
	v10, _, _ =	vpop (xrf0);
	(xrf0) =	vmin.scan.msk.u32 $0xffff, v7  }
0x1b6: {  	s12 =	sor.u32 s16, s5;
	p1 =	por !p6, !p6;
	s20 =	spop (v2sf);
	v8 =	vxor.u32 $0x80000000, v8  }
0x1b7: {  	s30 =	smov.u32 @p5 s23;
	p4 =	seq.s32 s12, $0x0;
	s21 =	spop (v2sf);
	v63 =	vmpcnt.ones.xlane vm14;
	v8 =	vnsel vm14, $0xFFFFFFFF, v8;
	v10 =	vadd.s32 v11, v10  }
0x1b8: {  	s29 =	smov.u32 @p1 s14;
	s9 =	sxor.u32 $0x80000000, s20;
	s22 =	spop (v2sf);
	vm15 =	vge.s32 v10, v5;
	v9 =	vsub.s32 v10, v9;
	v10 =	vbroadcast v10, $0xF;
	v11, _, _ =	vpop (xrf0);
	(xrf0) =	vmin.scan.msk.u32 $0xffff, v8  }
0x1b9: {  	s8 =	sadd.s32 $0xBF, s21;
	p3 =	sgt.s32 s21, $0x0;
	(v2sf) =	vpush v63, $0x0;
	s24 =	spop (v2sf);
	v7 =	vmpcnt.ones.xlane vm15;
	v9 =	vxor.u32 $0x80000000, v9  }
0x1ba: {  	s10 =	simm.s32 @!p3 $0x0;
	s21 =	sxor.u32 $0x80000000, s22;
	s23 =	sxor.u32 $0x80000000, s24;
	v8 =	vnsel vm15, $0xFFFFFFFF, v9;
	v9 =	vadd.s32 v10, v11  }
.LBB2_7:
0x1bb: {  	v6 =	vsub.s32 v9, v6;
	v10, _, _ =	vpop (xrf0);
	(v2sf) =	vpush v7, $0x0;
	s30 =	smov.u32 @p2 s9;
	p0 =	por !p3, !p4;
	s5 =	sor.u32 s10, s12  }
0x1bc: {  	s13 =	sadd.s32 $0x4, s13;
	vm0 =	vge.s32 v9, v5;
	v6 =	vxor.u32 $0x80000000, v6;
	(v2sf) =	vpush v9, $0xF;
	s30 =	smov.u32 @p1 s21;
	p0 =	por !p0, !p0  }
0x1bd: {  	s11 =	sadd.s32 $0xFFFFFFC0, s11;
	v7 =	vmpcnt.ones.xlane vm0;
	v6 =	vnsel vm0, $0xFFFFFFFF, v6;
	(v2sf) =	vpush v10, $0xF;
	(xrf0) =	vmin.scan.msk.u32 $0xffff, v8;
	s29 =	smov.u32 @p0 s8;
	s30 =	smov.u32 @p0 s23  }
0x1be: {  	s1 =	smov.u32 s0;
	p0 =	slt.u32 s13, $0xC;
	v8 =	vld [tilespmem:s11+$0x0];
	v9, _, _ =	vpop (xrf0);
	(xrf0) =	vmin.scan.msk.u32 $0xffff, v6  }
0x1bf: {  	(v2sf) =	vpush v9, $0xF  }
0x1c0: {  	(v2sf) =	vpush v7, $0x0  }
0x1c1: {  	v6 =	vld [tilespmem:s11+$0xFFFFFFF0];
	_ =	sdelay $0x1  }
0x1c2: {  	v7 =	vperm.xlane v8, v4;
	v8, _, _ =	vpop (xrf0)  }
0x1c3: {  	v9 =	vld [tilespmem:s11+$0xFFFFFFE0];
	s8 =	spop (v2sf);
	(v2sf) =	vpush v8, $0xF;
	v8, _, _ =	vpop (xrf0)  }
0x1c4: {  	(xrf0) =	vadd.scan.msk.s32 $0xffff, v7;
	s4 =	sadd.s32 s0, s8;
	(v2sf) =	vpush v8, $0xF  }
0x1c5: {  	s9 =	simm.s32 $0x1;
	s12 =	simm.s32 $0x1;
	v8 =	vperm.xlane v6, v4  }
0x1c6: {  	s16 =	simm.s32 $0x1;
	p1 =	seq.s32 s5, $0x0;
	s0 =	sadd.s32 $0xFFFFFFC0, s0;
	v6 =	vld [tilespmem:s11+$0xFFFFFFD0]  }
0x1c7: {  	p2 =	sgt.s32 s8, $0x0;
	s4 =	sadd.s32 $0x30, s4;
	(xrf0) =	vadd.scan.msk.s32 $0xffff, v8;
	s8 =	spop (v2sf)  }
0x1c8: {  	p4 =	por !p1, !p2;
	s9 =	simm.s32 @!p2 $0x0;
	v9 =	vperm.xlane v9, v4;
	p1 =	sgt.s32 s8, $0x0  }
0x1c9: {  	s9 =	sor.u32 s9, s5;
	s8 =	sadd.s32 s1, s8;
	s5 =	spop (v2sf)  }
0x1ca: {  	v10, _, _ =	vpop (xrf0);
	(xrf0) =	vadd.scan.msk.s32 $0xffff, v9;
	s10 =	sadd.s32 s1, s5;
	p3 =	sgt.s32 s5, $0x0;
	s5 =	spop (v2sf)  }
0x1cb: {  	s12 =	simm.s32 @!p1 $0x0;
	v10 =	vadd.s32 s5, v10;
	v6 =	vperm.xlane v6, v4;
	s5 =	sadd.s32 $0x10, s10;
	s10 =	spop (v2sf)  }
0x1cc: {  	p2 =	seq.s32 s9, $0x0;
	s14 =	sadd.s32 $0x20, s8;
	s16 =	simm.s32 @!p3 $0x0;
	vm0 =	vge.s32 v10, v5;
	v7 =	vsub.s32 v10, v7;
	v10 =	vbroadcast v10, $0xF  }
0x1cd: {  	p5 =	por !p4, !p4;
	s12 =	sor.u32 s12, s9;
	v11 =	vmpcnt.ones.xlane vm0;
	v7 =	vxor.u32 $0x80000000, v7;
	v12, _, _ =	vpop (xrf0);
	(xrf0) =	vadd.scan.msk.s32 $0xffff, v6;
	s8 =	spop (v2sf)  }
0x1ce: {  	p4 =	seq.s32 s12, $0x0;
	s21 =	spop (v2sf)  }
0x1cf: {  	p6 =	por !p3, !p4;
	v7 =	vnsel vm0, $0xFFFFFFFF, v7;
	v10 =	vadd.s32 v10, v12;
	s9 =	sxor.u32 $0x80000000, s8;
	s8 =	sadd.s32 s1, s21  }
0x1d0: {  	v13 =	vsub.s32 v10, v8;
	v12 =	vbroadcast v10, $0xF;
	(v2sf) =	vpush v11, $0x0;
	(xrf0) =	vmin.scan.msk.u32 $0xffff, v7;
	p3 =	sgt.s32 s21, $0x0;
	s1 =	sxor.u32 $0x80000000, s10;
	s10 =	simm.s32 $0x1  }
.Ltmp5:
0x1d1: {  	s12 =	sor.u32 s16, s12;
	vm0 =	vge.s32 v10, v5;
	v7 =	vxor.u32 $0x80000000, v13;
	v8, _, _ =	vpop (xrf0);
	s10 =	simm.s32 @!p3 $0x0;
	(pc) =	sbr.rel @p0 .LBB2_7-.Ltmp5, $4  }
0x1d2: {  	s29 =	smov.u32 @p5 s4;
	p1 =	por !p1, !p2;
	p4 =	seq.s32 s12, $0x0;
	v10 =	vmpcnt.ones.xlane vm0;
	v7 =	vnsel vm0, $0xFFFFFFFF, v7;
	v8 =	vadd.s32 v12, v8  }
0x1d3: {  	p2 =	por !p1, !p1;
	p1 =	por !p6, !p6;
	vm0 =	vge.s32 v8, v5;
	v12 =	vsub.s32 v8, v9;
	v11 =	vbroadcast v8, $0xF;
	(xrf0) =	vmin.scan.msk.u32 $0xffff, v7;
	s4 =	spop (v2sf)  }
0x1d4: {  	s29 =	smov.u32 @p2 s14;
	v7 =	vmpcnt.ones.xlane vm0;
	v8 =	vxor.u32 $0x80000000, v12;
	(v2sf) =	vpush v10, $0x0;
	v9, _, _ =	vpop (xrf0);
	s21 =	sxor.u32 $0x80000000, s4;
	s4 =	spop (v2sf)  }
0x1d5: {  	s29 =	smov.u32 @p1 s5;
	s30 =	smov.u32 @p5 s1;
	v8 =	vnsel vm0, $0xFFFFFFFF, v8;
	v9 =	vadd.s32 v11, v9;
	s23 =	sxor.u32 $0x80000000, s4  }
0x1d6: {  	v6 =	vsub.s32 v9, v6  }
0x1d7: {  	vm0 =	vge.s32 v9, v5;
	v6 =	vxor.u32 $0x80000000, v6  }
0x1d8: {  	(xrf0) =	vmin.scan.msk.u32 $0xffff, v8;
	v6 =	vnsel vm0, $0xFFFFFFFF, v6  }
0x1d9: {  	(xrf0) =	vmin.scan.msk.u32 $0xffff, v6  }
0x1da: {  	(v2sf) =	vpush v7, $0x0  }
0x1db: {  	(v2sf) =	vpush v9, $0xF;
	v6, _, _ =	vpop (xrf0)  }
0x1dc: {  	v8 =	vmpcnt.ones.xlane vm0;
	v7, _, _ =	vpop (xrf0);
	(v2sf) =	vpush v6, $0xF  }
0x1dd: {  	(v2sf) =	vpush v7, $0xF  }
0x1de: {  	v6, _, _ =	vpop (xrf0);
	(v2sf) =	vpush v8, $0x0  }
0x1df: {  	(v2sf) =	vpush v6, $0xF;
	v6, _, _ =	vpop (xrf0)  }
0x1e0: {  	(v2sf) =	vpush v6, $0xF;
	_ =	sdelay $0x6  }
0x1e1: {  	s13 =	spop (v2sf)  }
0x1e2: {  	s14 =	spop (v2sf)  }
0x1e3: {  	s16 =	spop (v2sf)  }
0x1e4: {  	s1 =	spop (v2sf)  }
0x1e5: {  	s4 =	spop (v2sf)  }
0x1e6: {  	s5 =	spop (v2sf)  }
0x1e7: {  	s18 =	spop (v2sf)  }
0x1e8: {  	s11 =	spop (v2sf)  }
0x1e9: {  	s1 =	spop (v2sf)  }
0x1ea: {  	_ =	strace $0x9000004C;
	[tilespmem:$0x8800] =	vst v1  }
0x1eb: {  	[tilespmem:$0x8810] =	vst v1  }
0x1ec: {  	[tilespmem:$0x8820] =	vst v1  }
0x1ed: {  	[tilespmem:$0x8830] =	vst v1  }
0x1ee: {  	[tilespmem:$0x8840] =	vst v1  }
0x1ef: {  	[tilespmem:$0x8850] =	vst v1  }
0x1f0: {  	[tilespmem:$0x8860] =	vst v1  }
0x1f1: {  	[tilespmem:$0x8870] =	vst v1  }
0x1f2: {  	[tilespmem:$0x8880] =	vst v1  }
0x1f3: {  	[tilespmem:$0x8890] =	vst v1  }
0x1f4: {  	p0 =	por !p3, !p4;
	[tilespmem:$0x88A0] =	vst v1  }
0x1f5: {  	s10 =	sor.u32 s10, s12;
	s12 =	simm.s32 $0x1;
	p6 =	sgt.s32 s13, $0x0;
	[tilespmem:$0x88B0] =	vst v1  }
0x1f6: {  	p0 =	por !p0, !p0;
	s12 =	simm.s32 @!p6 $0x0;
	[tilespmem:$0x88C0] =	vst v1  }
0x1f7: {  	p5 =	seq.s32 s10, $0x0;
	s10 =	sor.u32 s12, s10;
	s12 =	simm.s32 @!p0 $0x0;
	[tilespmem:$0x88D0] =	vst v1  }
0x1f8: {  	s20 =	simm.s32 $0x1;
	s12 =	simm.s32 @p0 $0x1;
	p3 =	sgt.s32 s14, $0x0;
	[tilespmem:$0x88E0] =	vst v1  }
0x1f9: {  	s20 =	simm.s32 @!p3 $0x0;
	[smem:$0x7FC] =	sst s12;
	[tilespmem:$0x88F0] =	vst v1  }
0x1fa: {  	s24 =	sor.u32 s20, s10;
	s20 =	simm.s32 $0x8040;
	_ =	strace $0x8000004D  }
0x1fb: {  	v16 =	vld [tilespmem:s20+$0xFFFFFFC0]  }
0x1fc: {  	v6 =	vld [tilespmem:s20+$0x30]  }
0x1fd: {  	s29 =	smov.u32 @p0 s8;
	s13 =	sadd.s32 s0, s13;
	p0 =	por !p5, !p6;
	v23 =	vld [tilespmem:s20+$0x0]  }
0x1fe: {  	p0 =	por !p0, !p0;
	p5 =	sgt.s32 s16, $0x0;
	s12 =	simm.s32 $0x1;
	v7 =	vld [tilespmem:s20+$0x20]  }
0x1ff: {  	s22 =	sadd.s32 s0, s14;
	p4 =	seq.s32 s24, $0x0;
	s12 =	simm.s32 @!p5 $0x0;
	v20 =	vld [tilespmem:s20+$0xFFFFFFD0]  }
0x200: {  	p5 =	por !p5, !p4;
	p4 =	seq.s32 s10, $0x0;
	s10 =	sadd.s32 $0x30, s13;
	v22 =	vld [tilespmem:s20+$0x10]  }
0x201: {  	s8 =	sor.u32 s12, s24;
	p3 =	por !p3, !p4;
	p4 =	sgt.s32 s18, $0x0;
	v27 =	vld [tilespmem:s20+$0xFFFFFFF0]  }
0x202: {  	s29 =	smov.u32 @p0 s10;
	s24 =	sadd.s32 s0, s16;
	p6 =	seq.s32 s8, $0x0  }
0x203: {  	s10 =	sadd.s32 $0x20, s22;
	p4 =	por !p4, !p6;
	p6 =	por !p3, !p3;
	v8 =	vshrl.u32 v16, $0x18  }
0x204: {  	p5 =	por !p5, !p5;
	s29 =	smov.u32 @p6 s10;
	s10 =	sadd.s32 $0x10, s24;
	v10 =	vshrl.u32 v16, $0x10;
	v11 =	vshrl.u32 v6, $0x10;
	v12 =	vshrl.u32 v6, $0x18  }
0x205: {  	s0 =	sadd.s32 s0, s18;
	p3 =	por !p4, !p4;
	s29 =	smov.u32 @p5 s10;
	v13 =	vshrl.u32 v23, $0x10;
	v14 =	vshrl.u32 v23, $0x18;
	v17 =	vshrl.u32 v20, $0x18  }
0x206: {  	s29 =	smov.u32 @p3 s0;
	v18 =	vshrl.u32 v22, $0x18;
	v19 =	vshrl.u32 v27, $0x18;
	v21 =	vshrl.u32 v7, $0x10  }
0x207: {  	v9 =	vmov s29;
	v24 =	vand.u32 $0xFF, v11;
	v11 =	vshrl.u32 v20, $0x10  }
0x208: {  	v25 =	vld [tilespmem:s20+$0xFFFFFFE0];
	v28 =	vand.u32 $0xFF, v10;
	v29 =	vand.u32 $0xFF, v13;
	v13 =	vshrl.u32 v22, $0x10  }
0x209: {  	v8 =	vxor.u32 v9, v8;
	v15 =	vxor.u32 v9, v12;
	v12 =	vxor.u32 v9, v14  }
0x20a: {  	v14 =	vshrl.u32 v7, $0x18;
	v17 =	vxor.u32 v9, v17;
	v19 =	vxor.u32 v9, v19  }
0x20b: {  	v26 =	vand.u32 $0xFF, v11;
	v11 =	vand.u32 $0xFF, v21;
	v18 =	vxor.u32 v9, v18  }
0x20c: {  	vm0 =	veq.s32 v8, $0x80;
	v14 =	vxor.u32 v9, v14;
	vm1 =	veq.s32 v12, $0x80  }
0x20d: {  	vm7 =	veq.s32 v17, $0x80;
	v17 =	vshrl.u32 v25, $0x18;
	vm5 =	veq.s32 v19, $0x80  }
0x20e: {  	vm2 =	veq.s32 v15, $0x80;
	v8 =	vmpcnt.ones.xlane vm0;
	vm3 =	veq.s32 v14, $0x80  }
0x20f: {  	v15 =	vshrl.u32 v27, $0x10;
	v17 =	vxor.u32 v9, v17;
	v12 =	vmpcnt.ones.xlane vm3  }
0x210: {  	s13 =	simm.s32 $0x80C0;
	vm6 =	veq.s32 v17, $0x80;
	(v2sf) =	vpush v8, $0x0;
	v8 =	vmpcnt.ones.xlane vm7  }
0x211: {  	v10 =	vld [tilespmem:s13+$0x10];
	v31 =	vand.u32 $0xFF, v15;
	v17 =	vmpcnt.ones.xlane vm6;
	(v2sf) =	vpush v12, $0x0  }
0x212: {  	v30 =	vand.u32 $0xFF, v13;
	v13 =	vld [tilespmem:s13+$0x0];
	v21 =	vmpcnt.ones.xlane vm5;
	(v2sf) =	vpush v8, $0x0  }
0x213: {  	vm0 =	vmmov vm0;
	v19 =	vmpcnt.ones.xlane vm1;
	v15 =	vld [tilespmem:s13+$0xFFFFFFF0];
	(v2sf) =	vpush v17, $0x0  }
0x214: {  	vm8 =	veq.s32 v18, $0x80;
	v14 =	vshrl.u32 v25, $0x10;
	v12 =	vld [tilespmem:s13+$0xFFFFFFC0];
	(v2sf) =	vpush v21, $0x0  }
0x215: {  	v8 =	vld [tilespmem:s13+$0x20];
	v17 =	vand.u32 $0xFF, v14;
	v14 =	vmpcnt.ones.xlane vm8;
	(v2sf) =	vpush v19, $0x0  }
0x216: {  	[tilespmem:v31+s19+$0x0] =	vst.idx.add.s32.msk vm5, v3;
	v19 =	vmpcnt.ones.xlane vm2  }
0x217: {  	[tilespmem:v11+s19+$0x0] =	vst.idx.add.s32.msk vm3, v3;
	(v2sf) =	vpush v14, $0x0  }
0x218: {  	vm9 =	vmmov vm1;
	v11 =	vld [tilespmem:s13+$0x30];
	(v2sf) =	vpush v19, $0x0  }
0x219: {  	vm10 =	vmmov vm7;
	vm4 =	vmmov vm3;
	[tilespmem:v28+s19+$0x0] =	vst.idx.add.s32.msk vm0, v3;
	v28 =	vshrl.u32 v13, $0x18  }
0x21a: {  	s14 =	simm.s32 $0x0;
	v34 =	vshrl.u32 v10, $0x18;
	[tilespmem:v29+s19+$0x0] =	vst.idx.add.s32.msk vm1, v3;
	v28 =	vxor.u32 v9, v28;
	v18 =	vshrl.u32 v12, $0x18  }
0x21b: {  	vm2 =	vmmov vm2;
	[tilespmem:s14+$0x8900] =	vst.msk vm0, v16;
	v14 =	vld [tilespmem:s13+$0xFFFFFFD0];
	vm1 =	veq.s32 v28, $0x80;
	v21 =	vxor.u32 v9, v18  }
0x21c: {  	v18 =	vshrl.u32 v12, $0x10;
	v19 =	vshrl.u32 v13, $0x10;
	v33 =	vshrl.u32 v8, $0x18;
	[tilespmem:v17+s19+$0x0] =	vst.idx.add.s32.msk vm6, v3  }
0x21d: {  	s30 =	smov.u32 @p2 s9;
	v16 =	vld [tilespmem:s13+$0xFFFFFFE0];
	v63 =	vshrl.u32 v8, $0x10;
	vm11 =	veq.s32 v21, $0x80;
	v33 =	vxor.u32 v9, v33;
	s16 =	sld [smem:$0x7FC]  }
0x21e: {  	s30 =	smov.u32 @p1 s21;
	s9 =	sxor.u32 $0x80000000, s11;
	v32 =	vmpcnt.ones.xlane vm11;
	v17 =	vshrl.u32 v11, $0x10;
	v21 =	vshrl.u32 v11, $0x18  }
0x21f: {  	s1 =	sxor.u32 $0x80000000, s1;
	s8 =	sxor.u32 $0x80000000, s4;
	vm0 =	vmmov vm11;
	vm3 =	veq.s32 v33, $0x80;
	[tilespmem:v30+s19+$0x0] =	vst.idx.add.s32.msk vm8, v3;
	v30 =	vshrl.u32 v15, $0x18;
	s18 =	spop (v2sf)  }
0x220: {  	s0 =	sxor.u32 $0x80000000, s5;
	[tilespmem:v26+s19+$0x0] =	vst.idx.add.s32.msk vm10, v3;
	v21 =	vxor.u32 v9, v21;
	v17 =	vand.u32 $0xFF, v17;
	v28 =	vmpcnt.ones.xlane vm3;
	p1 =	seq.s32 s16, $0x1;
	s4 =	spop (v2sf)  }
0x221: {  	v30 =	vxor.u32 v9, v30;
	v31 =	vshrl.u32 v14, $0x10;
	v29 =	vshrl.u32 v14, $0x18;
	[tilespmem:v24+s19+$0x0] =	vst.idx.add.s32.msk vm2, v3;
	s30 =	smov.u32 @p1 s23;
	s5 =	sadd.s32 $0x0, s18;
	s20 =	spop (v2sf)  }
0x222: {  	v24 =	vxor.u32 v9, v29;
	v29 =	vshrl.u32 v16, $0x18;
	s30 =	smov.u32 @p0 s8;
	(v2sf) =	vpush v32, $0x0;
	[tilespmem:s5+$0x8900] =	vst.msk vm10, v20;
	s5 =	sadd.s32 s5, s20;
	s21 =	spop (v2sf)  }
0x223: {  	vm7 =	veq.s32 v24, $0x80;
	v24 =	vshrl.u32 v16, $0x10;
	v29 =	vxor.u32 v9, v29;
	s30 =	smov.u32 @p6 s0;
	[tilespmem:s5+$0x8900] =	vst.msk vm6, v25;
	s22 =	sadd.s32 s5, s21;
	s23 =	spop (v2sf)  }
0x224: {  	v26 =	vmpcnt.ones.xlane vm7;
	s30 =	smov.u32 @p5 s9;
	(v2sf) =	vpush v28, $0x0;
	v28 =	vxor.u32 v9, v34;
	[tilespmem:s22+$0x8900] =	vst.msk vm5, v27;
	s0 =	sadd.s32 s22, s23;
	s24 =	spop (v2sf)  }
0x225: {  	v20 =	vand.u32 $0xFF, v31;
	s30 =	smov.u32 @p3 s1;
	v25 =	vand.u32 $0xFF, v63;
	vm5 =	veq.s32 v29, $0x80;
	[tilespmem:s0+$0x8900] =	vst.msk vm9, v23;
	s5 =	sadd.s32 s0, s24  }
0x226: {  	s1 =	simm.s32 $0x8140;
	vm6 =	veq.s32 v30, $0x80;
	v27 =	vmpcnt.ones.xlane vm1;
	s0 =	simm.s32 $0x8;
	v23 =	vmpcnt.ones.xlane vm5;
	s8 =	spop (v2sf);
	[tilespmem:s5+$0x8900] =	vst.msk vm8, v22  }
.LBB2_9:
0x227: {  	v22 =	vld [tilespmem:s1+$0xFFFFFFC0];
	s0 =	sadd.s32 $0x8, s0;
	v29 =	vand.u32 $0xFF, v18;
	v18 =	vmpcnt.ones.xlane vm6;
	(v2sf) =	vpush v26, $0x0;
	s5 =	sadd.s32 s5, s8;
	s8 =	spop (v2sf)  }
0x228: {  	vm8 =	veq.s32 v28, $0x80;
	vm9 =	veq.s32 v21, $0x80;
	p0 =	slt.u32 s0, $0x78;
	(v2sf) =	vpush v23, $0x0;
	[tilespmem:s5+$0x8900] =	vst.msk vm4, v7;
	s4 =	sadd.s32 s5, s4;
	v7 =	vmovc v8;
	v8 =	vld [tilespmem:s1+$0x20]  }
0x229: {  	v21 =	vand.u32 $0xFF, v24;
	v23 =	vand.u32 $0xFF, v19;
	v30 =	vld [tilespmem:s1+$0x10];
	(v2sf) =	vpush v18, $0x0;
	[tilespmem:s4+$0x8900] =	vst.msk vm2, v6;
	s5 =	sadd.s32 s4, s8;
	v6 =	vmovc v11  }
0x22a: {  	v19 =	vmpcnt.ones.xlane vm8;
	v18 =	vshrl.u32 v10, $0x10;
	[tilespmem:v25+s19+$0x0] =	vst.idx.add.s32.msk vm3, v3;
	(v2sf) =	vpush v27, $0x0  }
0x22b: {  	v24 =	vshrl.u32 v15, $0x10;
	v26 =	vmpcnt.ones.xlane vm9;
	v25 =	vand.u32 $0xFF, v18;
	v11 =	vld [tilespmem:s1+$0x30]  }
0x22c: {  	v18 =	vshrl.u32 v22, $0x10;
	v27 =	vshrl.u32 v22, $0x18;
	v28 =	vld [tilespmem:s1+$0x0];
	(v2sf) =	vpush v19, $0x0  }
0x22d: {  	v24 =	vand.u32 $0xFF, v24;
	v19 =	vxor.u32 v9, v27;
	v27 =	vld [tilespmem:s1+$0xFFFFFFD0];
	(v2sf) =	vpush v26, $0x0  }
0x22e: {  	vm2 =	vmmov vm9;
	vm9 =	vmmov vm1;
	vm11 =	veq.s32 v19, $0x80;
	[tilespmem:v21+s19+$0x0] =	vst.idx.add.s32.msk vm5, v3  }
0x22f: {  	vm10 =	vmmov vm7;
	vm4 =	vmmov vm3;
	v26 =	vmpcnt.ones.xlane vm11;
	[tilespmem:v29+s19+$0x0] =	vst.idx.add.s32.msk vm0, v3  }
0x230: {  	v29 =	vld [tilespmem:s1+$0xFFFFFFF0];
	v31 =	vshrl.u32 v11, $0x10;
	v21 =	vshrl.u32 v11, $0x18;
	[tilespmem:s5+$0x8900] =	vst.msk vm0, v12;
	v12 =	vmovc v22;
	vm0 =	vmmov vm11  }
0x231: {  	v22 =	vld [tilespmem:s1+$0xFFFFFFE0];
	v19 =	vshrl.u32 v28, $0x10;
	v32 =	vshrl.u32 v28, $0x18;
	v21 =	vxor.u32 v9, v21;
	s8 =	spop (v2sf)  }
0x232: {  	v31 =	vand.u32 $0xFF, v31;
	v32 =	vxor.u32 v9, v32;
	[tilespmem:v24+s19+$0x0] =	vst.idx.add.s32.msk vm6, v3  }
0x233: {  	v33 =	vshrl.u32 v27, $0x10;
	v24 =	vshrl.u32 v8, $0x18;
	[tilespmem:v23+s19+$0x0] =	vst.idx.add.s32.msk vm1, v3  }
0x234: {  	v34 =	vshrl.u32 v30, $0x18;
	v23 =	vshrl.u32 v27, $0x18;
	v24 =	vxor.u32 v9, v24;
	[tilespmem:v17+s19+$0x0] =	vst.idx.add.s32.msk vm2, v3;
	s4 =	spop (v2sf);
	v17 =	vmovc v31  }
0x235: {  	vm1 =	veq.s32 v32, $0x80;
	v23 =	vxor.u32 v9, v23;
	vm3 =	veq.s32 v24, $0x80;
	[tilespmem:v25+s19+$0x0] =	vst.idx.add.s32.msk vm8, v3  }
0x236: {  	s5 =	sadd.s32 s5, s8;
	vm7 =	veq.s32 v23, $0x80;
	v23 =	vmpcnt.ones.xlane vm3;
	v24 =	vshrl.u32 v22, $0x10;
	[tilespmem:v20+s19+$0x0] =	vst.idx.add.s32.msk vm10, v3;
	s8 =	spop (v2sf)  }
.Ltmp6:
0x237: {  	v25 =	vshrl.u32 v22, $0x18;
	v20 =	vshrl.u32 v29, $0x18;
	(v2sf) =	vpush v26, $0x0;
	[tilespmem:s5+$0x8900] =	vst.msk vm10, v14;
	s5 =	sadd.s32 s5, s8;
	s8 =	spop (v2sf);
	v14 =	vmovc v27;
	(pc) =	sbr.rel @p0 .LBB2_9-.Ltmp6, $4  }
0x238: {  	v26 =	vmpcnt.ones.xlane vm7;
	v31 =	vxor.u32 v9, v20;
	v27 =	vshrl.u32 v8, $0x10;
	[tilespmem:s5+$0x8900] =	vst.msk vm5, v16;
	s5 =	sadd.s32 s5, s8;
	s8 =	spop (v2sf);
	v16 =	vmovc v22  }
0x239: {  	v20 =	vand.u32 $0xFF, v33;
	v22 =	vxor.u32 v9, v25;
	v25 =	vand.u32 $0xFF, v27;
	[tilespmem:s5+$0x8900] =	vst.msk vm6, v15;
	s5 =	sadd.s32 s5, s8;
	s8 =	spop (v2sf);
	v15 =	vmovc v29  }
0x23a: {  	v27 =	vmpcnt.ones.xlane vm1;
	vm5 =	veq.s32 v22, $0x80;
	(v2sf) =	vpush v23, $0x0;
	[tilespmem:s5+$0x8900] =	vst.msk vm9, v13;
	s5 =	sadd.s32 s5, s8;
	v13 =	vmovc v28  }
0x23b: {  	s1 =	sadd.s32 $0x80, s1;
	vm6 =	veq.s32 v31, $0x80;
	v23 =	vmpcnt.ones.xlane vm5;
	v28 =	vxor.u32 v9, v34;
	[tilespmem:s5+$0x8900] =	vst.msk vm8, v10;
	s8 =	spop (v2sf);
	v10 =	vmovc v30  }
0x23c: {  	v9 =	vmpcnt.ones.xlane vm6;
	(v2sf) =	vpush v26, $0x0  }
0x23d: {  	vm8 =	veq.s32 v28, $0x80;
	(v2sf) =	vpush v23, $0x0  }
0x23e: {  	(v2sf) =	vpush v9, $0x0;
	v9 =	vmpcnt.ones.xlane vm8  }
0x23f: {  	(v2sf) =	vpush v27, $0x0  }
0x240: {  	v22 =	vand.u32 $0xFF, v24;
	vm9 =	veq.s32 v21, $0x80;
	(v2sf) =	vpush v9, $0x0  }
0x241: {  	v18 =	vand.u32 $0xFF, v18;
	[tilespmem:v25+s19+$0x0] =	vst.idx.add.s32.msk vm3, v3;
	v9 =	vmpcnt.ones.xlane vm9  }
0x242: {  	s0 =	sadd.s32 s5, s8;
	[tilespmem:v20+s19+$0x0] =	vst.idx.add.s32.msk vm7, v3  }
0x243: {  	[tilespmem:s0+$0x8900] =	vst.msk vm4, v7;
	s0 =	sadd.s32 s0, s4;
	v7 =	vshrl.u32 v15, $0x10;
	(v2sf) =	vpush v9, $0x0  }
0x244: {  	[tilespmem:s0+$0x8900] =	vst.msk vm2, v6;
	v6 =	vand.u32 $0xFF, v7  }
0x245: {  	s1 =	spop (v2sf);
	v7 =	vand.u32 $0xFF, v19;
	[tilespmem:v22+s19+$0x0] =	vst.idx.add.s32.msk vm5, v3;
	v9 =	vshrl.u32 v10, $0x10  }
0x246: {  	s0 =	sadd.s32 s0, s1;
	[tilespmem:v18+s19+$0x0] =	vst.idx.add.s32.msk vm0, v3;
	v9 =	vand.u32 $0xFF, v9  }
0x247: {  	[tilespmem:s0+$0x8900] =	vst.msk vm0, v12  }
0x248: {  	[tilespmem:v17+s19+$0x0] =	vst.idx.add.s32.msk vm9, v3  }
0x249: {  	[tilespmem:v6+s19+$0x0] =	vst.idx.add.s32.msk vm6, v3;
	s14 =	spop (v2sf)  }
0x24a: {  	[tilespmem:v7+s19+$0x0] =	vst.idx.add.s32.msk vm1, v3;
	s16 =	spop (v2sf)  }
0x24b: {  	vm15 =	vmmov vm7;
	s0 =	sadd.s32 s0, s14;
	[tilespmem:v9+s19+$0x0] =	vst.idx.add.s32.msk vm8, v3;
	s18 =	spop (v2sf)  }
0x24c: {  	[tilespmem:s0+$0x8900] =	vst.msk vm15, v14;
	s0 =	sadd.s32 s0, s18;
	s20 =	spop (v2sf)  }
0x24d: {  	[tilespmem:s0+$0x8900] =	vst.msk vm5, v16;
	s0 =	sadd.s32 s0, s20;
	s21 =	spop (v2sf)  }
0x24e: {  	vm5 =	vmmov vm1;
	[tilespmem:s0+$0x8900] =	vst.msk vm6, v15;
	s0 =	sadd.s32 s0, s21;
	s22 =	spop (v2sf)  }
0x24f: {  	[tilespmem:s0+$0x8900] =	vst.msk vm5, v13;
	s0 =	sadd.s32 s0, s22;
	s23 =	spop (v2sf)  }
0x250: {  	vm7 =	vmmov vm3;
	[tilespmem:s0+$0x8900] =	vst.msk vm8, v10;
	s0 =	sadd.s32 s0, s23  }
0x251: {  	vm14 =	vmmov vm9;
	[tilespmem:s0+$0x8900] =	vst.msk vm7, v8;
	s1 =	sadd.s32 s0, s16  }
0x252: {  	s24 =	spop (v2sf);
	[tilespmem:s1+$0x8900] =	vst.msk vm14, v11  }
0x253: {  	_ =	strace $0x9000004D  }
0x254: {  	s5 =	simm.s32 $0x88F0;
	_ =	strace $0x8000004E  }
0x255: {  	v6 =	vld [tilespmem:s5+$0x0];
	_ =	sdelay $0x3  }
0x256: {  	v7 =	vld [tilespmem:s5+$0xFFFFFFF0]  }
0x257: {  	v8 =	vperm.xlane v6, v4;
	_ =	sdelay $0x1  }
0x258: {  	v6 =	vld [tilespmem:s5+$0xFFFFFFE0];
	(xrf0) =	vadd.scan.msk.s32 $0xffff, v8;
	_ =	sdelay $0x1  }
0x259: {  	v7 =	vperm.xlane v7, v4  }
0x25a: {  	v9 =	vld [tilespmem:s5+$0xFFFFFFD0]  }
0x25b: {  	(xrf0) =	vadd.scan.msk.s32 $0xffff, v7  }
0x25c: {  	v10 =	vperm.xlane v6, v4  }
0x25d: {  	s30 =	ssub.s32 s31, s30;
	s0 =	simm.s32 $0x0;
	v6, _, _ =	vpop (xrf0)  }
0x25e: {  	(xrf0) =	vadd.scan.msk.s32 $0xffff, v10;
	v11 =	vadd.s32 s0, v6;
	v6 =	vmov s30  }
0x25f: {  	v9 =	vperm.xlane v9, v4;
	vm9 =	vge.s32 v11, v6  }
0x260: {  	v57 =	vbroadcast v11, $0xF;
	v8 =	vsub.s32 v11, v8;
	v11 =	vmpcnt.ones.xlane vm9  }
0x261: {  	v58, _, _ =	vpop (xrf0)  }
0x262: {  	(xrf0) =	vadd.scan.msk.s32 $0xffff, v9;
	v12 =	vadd.s32 v57, v58  }
0x263: {  	v8 =	vxor.u32 $0x80000000, v8;
	v13 =	vbroadcast v12, $0xF  }
0x264: {  	v8 =	vnsel vm9, $0xFFFFFFFF, v8;
	v7 =	vsub.s32 v12, v7;
	(v2sf) =	vpush v11, $0x0;
	v11, _, _ =	vpop (xrf0)  }
0x265: {  	(xrf0) =	vmin.scan.msk.u32 $0xffff, v8;
	vm10 =	vge.s32 v12, v6;
	v7 =	vxor.u32 $0x80000000, v7;
	v8 =	vadd.s32 v13, v11  }
0x266: {  	v7 =	vnsel vm10, $0xFFFFFFFF, v7;
	v11 =	vmpcnt.ones.xlane vm10;
	vm11 =	vge.s32 v8, v6  }
0x267: {  	(xrf0) =	vmin.scan.msk.u32 $0xffff, v7;
	v59 =	vbroadcast v8, $0xF;
	v7 =	vmpcnt.ones.xlane vm11  }
0x268: {  	v8 =	vsub.s32 v8, v10;
	v10, _, _ =	vpop (xrf0);
	(v2sf) =	vpush v11, $0x0  }
0x269: {  	(v2sf) =	vpush v7, $0x0;
	v7 =	vxor.u32 $0x80000000, v8;
	v8 =	vadd.s32 v59, v10  }
0x26a: {  	(v2sf) =	vpush v8, $0xF  }
0x26b: {  	s21 =	simm.s32 $0x88B0;
	v10, _, _ =	vpop (xrf0);
	v7 =	vnsel vm11, $0xFFFFFFFF, v7;
	v9 =	vsub.s32 v8, v9  }
0x26c: {  	vm12 =	vge.s32 v8, v6;
	v8 =	vxor.u32 $0x80000000, v9;
	(v2sf) =	vpush v10, $0xF;
	v10 =	vld [tilespmem:s21+$0x0]  }
0x26d: {  	(xrf0) =	vmin.scan.msk.u32 $0xffff, v7;
	v8 =	vnsel vm12, $0xFFFFFFFF, v8  }
0x26e: {  	(xrf0) =	vmin.scan.msk.u32 $0xffff, v8  }
0x26f: {  	v9 =	vmpcnt.ones.xlane vm12;
	v7, _, _ =	vpop (xrf0)  }
0x270: {  	(v2sf) =	vpush v7, $0xF;
	v7 =	vld [tilespmem:s21+$0xFFFFFFF0]  }
0x271: {  	v8 =	vperm.xlane v10, v4;
	_ =	sdelay $0x1  }
0x272: {  	(v2sf) =	vpush v9, $0x0;
	v9, _, _ =	vpop (xrf0);
	(xrf0) =	vadd.scan.msk.s32 $0xffff, v8  }
0x273: {  	v10 =	vld [tilespmem:s21+$0xFFFFFFE0];
	(v2sf) =	vpush v9, $0xF;
	v9, _, _ =	vpop (xrf0)  }
0x274: {  	s31 =	simm.s32 $0x4;
	s8 =	spop (v2sf);
	(v2sf) =	vpush v9, $0xF;
	v9 =	vperm.xlane v7, v4  }
0x275: {  	p0 =	por $0x1, $0x1;
	s11 =	simm.s32 $0x7F;
	s4 =	simm.s32 $0x1  }
0x276: {  	s9 =	sadd.s32 s1, s24;
	p2 =	sgt.s32 s8, $0x0;
	v7 =	vld [tilespmem:s21+$0xFFFFFFD0];
	s12 =	spop (v2sf);
	(xrf0) =	vadd.scan.msk.s32 $0xffff, v9  }
0x277: {  	s5 =	simm.s32 $0x1;
	s4 =	simm.s32 @!p2 $0x0;
	s13 =	spop (v2sf)  }
0x278: {  	s10 =	sadd.s32 $0xBF, s8;
	s4 =	sor.u32 s4, s0;
	v10 =	vperm.xlane v10, v4;
	v11, _, _ =	vpop (xrf0);
	s16 =	spop (v2sf)  }
0x279: {  	s10 =	sadd.s32 $0x30, s10;
	p1 =	por !p0, !p2;
	p4 =	seq.s32 s4, $0x0;
	v11 =	vadd.s32 s16, v11  }
0x27a: {  	p0 =	sgt.s32 s12, $0x0;
	s1 =	sadd.s32 $0xBF, s12;
	s12 =	simm.s32 $0x1;
	(xrf0) =	vadd.scan.msk.s32 $0xffff, v10  }
0x27b: {  	p5 =	por !p1, !p1;
	s12 =	simm.s32 @!p0 $0x0;
	p0 =	por !p0, !p4;
	v7 =	vperm.xlane v7, v4;
	v60 =	vbroadcast v11, $0xF  }
0x27c: {  	s14 =	sadd.s32 $0xBF, s13;
	p3 =	sgt.s32 s13, $0x0;
	s13 =	simm.s32 $0x1;
	vm13 =	vge.s32 v11, v6;
	v8 =	vsub.s32 v11, v8;
	v11, _, _ =	vpop (xrf0)  }
0x27d: {  	s12 =	sor.u32 s12, s4;
	p4 =	por !p0, !p0;
	s14 =	sadd.s32 $0x10, s14;
	v61 =	vmpcnt.ones.xlane vm13;
	(xrf0) =	vadd.scan.msk.s32 $0xffff, v7;
	v11 =	vadd.s32 v60, v11  }
0x27e: {  	s18 =	spop (v2sf);
	s16 =	sadd.s32 $0x20, s1;
	s13 =	simm.s32 @!p3 $0x0;
	v8 =	vxor.u32 $0x80000000, v8  }
0x27f: {  	p6 =	seq.s32 s12, $0x0;
	s8 =	sor.u32 s13, s12;
	s13 =	simm.s32 $0x0;
	v8 =	vnsel vm13, $0xFFFFFFFF, v8;
	(v2sf) =	vpush v61, $0x0  }
0x280: {  	p3 =	por !p3, !p6;
	s18 =	sxor.u32 $0x80000000, s18;
	s13 =	smov.u32 @p5 s10;
	v12 =	vbroadcast v11, $0xF;
	v9 =	vsub.s32 v11, v9;
	vm14 =	vge.s32 v11, v6;
	v11, _, _ =	vpop (xrf0);
	(xrf0) =	vmin.scan.msk.u32 $0xffff, v8  }
0x281: {  	p2 =	seq.s32 s8, $0x0;
	p3 =	por !p3, !p3;
	s20 =	spop (v2sf);
	v9 =	vxor.u32 $0x80000000, v9  }
0x282: {  	s0 =	smov.u32 @p5 s18;
	s13 =	smov.u32 @p4 s16;
	s22 =	spop (v2sf);
	v62 =	vmpcnt.ones.xlane vm14;
	v9 =	vnsel vm14, $0xFFFFFFFF, v9;
	v11 =	vadd.s32 v12, v11  }
0x283: {  	s4 =	sxor.u32 $0x80000000, s20;
	s13 =	smov.u32 @p3 s14;
	s23 =	spop (v2sf);
	vm15 =	vge.s32 v11, v6;
	v10 =	vsub.s32 v11, v10;
	v11 =	vbroadcast v11, $0xF;
	v63, _, _ =	vpop (xrf0);
	(xrf0) =	vmin.scan.msk.u32 $0xffff, v9  }
0x284: {  	s1 =	sadd.s32 $0xBF, s22;
	p1 =	sgt.s32 s22, $0x0;
	(v2sf) =	vpush v62, $0x0;
	s24 =	spop (v2sf);
	v8 =	vmpcnt.ones.xlane vm15;
	v10 =	vxor.u32 $0x80000000, v10  }
0x285: {  	s5 =	simm.s32 @!p1 $0x0;
	s10 =	sxor.u32 $0x80000000, s23;
	s12 =	sxor.u32 $0x80000000, s24;
	v9 =	vnsel vm15, $0xFFFFFFFF, v10;
	v10 =	vadd.s32 v11, v63  }
.LBB2_11:
0x286: {  	v7 =	vsub.s32 v10, v7;
	v11, _, _ =	vpop (xrf0);
	(v2sf) =	vpush v8, $0x0;
	s0 =	smov.u32 @p4 s4;
	p0 =	por !p1, !p2;
	s4 =	sor.u32 s5, s8  }
0x287: {  	s31 =	sadd.s32 $0x4, s31;
	vm0 =	vge.s32 v10, v6;
	v7 =	vxor.u32 $0x80000000, v7;
	(v2sf) =	vpush v10, $0xF;
	s0 =	smov.u32 @p3 s10;
	p0 =	por !p0, !p0  }
0x288: {  	s21 =	sadd.s32 $0xFFFFFFC0, s21;
	v8 =	vmpcnt.ones.xlane vm0;
	v7 =	vnsel vm0, $0xFFFFFFFF, v7;
	(v2sf) =	vpush v11, $0xF;
	(xrf0) =	vmin.scan.msk.u32 $0xffff, v9;
	s13 =	smov.u32 @p0 s1;
	s0 =	smov.u32 @p0 s12  }
0x289: {  	p0 =	slt.u32 s31, $0xC;
	s1 =	smov.u32 s11;
	v9 =	vld [tilespmem:s21+$0x0];
	v10, _, _ =	vpop (xrf0);
	(xrf0) =	vmin.scan.msk.u32 $0xffff, v7  }
0x28a: {  	(v2sf) =	vpush v10, $0xF  }
0x28b: {  	(v2sf) =	vpush v8, $0x0  }
0x28c: {  	v7 =	vld [tilespmem:s21+$0xFFFFFFF0];
	_ =	sdelay $0x1  }
0x28d: {  	v8 =	vperm.xlane v9, v4;
	v9, _, _ =	vpop (xrf0)  }
0x28e: {  	v10 =	vld [tilespmem:s21+$0xFFFFFFE0];
	s5 =	spop (v2sf);
	(v2sf) =	vpush v9, $0xF;
	v9, _, _ =	vpop (xrf0)  }
0x28f: {  	(xrf0) =	vadd.scan.msk.s32 $0xffff, v8;
	s8 =	sadd.s32 s11, s5;
	(v2sf) =	vpush v9, $0xF  }
0x290: {  	p1 =	seq.s32 s4, $0x0;
	v9 =	vperm.xlane v7, v4  }
0x291: {  	s11 =	sadd.s32 $0xFFFFFFC0, s11;
	p2 =	sgt.s32 s5, $0x0;
	s10 =	sadd.s32 $0x30, s8;
	v7 =	vld [tilespmem:s21+$0xFFFFFFD0]  }
0x292: {  	p4 =	por !p1, !p2;
	s8 =	simm.s32 $0x1;
	(xrf0) =	vadd.scan.msk.s32 $0xffff, v9;
	s5 =	spop (v2sf)  }
0x293: {  	s8 =	simm.s32 @!p2 $0x0;
	p5 =	por !p4, !p4;
	v10 =	vperm.xlane v10, v4;
	p2 =	sgt.s32 s5, $0x0  }
0x294: {  	s4 =	sor.u32 s8, s4;
	s5 =	sadd.s32 s1, s5;
	s8 =	spop (v2sf)  }
0x295: {  	v11, _, _ =	vpop (xrf0);
	s12 =	sadd.s32 s1, s8;
	p1 =	sgt.s32 s8, $0x0;
	s8 =	spop (v2sf)  }
0x296: {  	s16 =	sadd.s32 $0x20, s5;
	s5 =	simm.s32 $0x1;
	(xrf0) =	vadd.scan.msk.s32 $0xffff, v10;
	v11 =	vadd.s32 s8, v11;
	s8 =	simm.s32 $0x1  }
0x297: {  	v7 =	vperm.xlane v7, v4;
	s12 =	sadd.s32 $0x10, s12;
	s14 =	spop (v2sf);
	s8 =	simm.s32 @!p2 $0x0  }
0x298: {  	p3 =	seq.s32 s4, $0x0;
	s5 =	simm.s32 @!p1 $0x0;
	vm0 =	vge.s32 v11, v6;
	v8 =	vsub.s32 v11, v8;
	v11 =	vbroadcast v11, $0xF;
	s8 =	sor.u32 s8, s4  }
0x299: {  	v12 =	vmpcnt.ones.xlane vm0;
	v8 =	vxor.u32 $0x80000000, v8;
	v13, _, _ =	vpop (xrf0);
	(xrf0) =	vadd.scan.msk.s32 $0xffff, v7;
	s4 =	spop (v2sf);
	p4 =	seq.s32 s8, $0x0;
	s8 =	sor.u32 s5, s8  }
0x29a: {  	v8 =	vnsel vm0, $0xFFFFFFFF, v8;
	s5 =	simm.s32 $0x1;
	v11 =	vadd.s32 v11, v13;
	s4 =	sxor.u32 $0x80000000, s4;
	s18 =	spop (v2sf)  }
0x29b: {  	p6 =	por !p1, !p4;
	v14 =	vsub.s32 v11, v9;
	v13 =	vbroadcast v11, $0xF;
	(v2sf) =	vpush v12, $0x0;
	(xrf0) =	vmin.scan.msk.u32 $0xffff, v8;
	s1 =	sadd.s32 s1, s18;
	p1 =	sgt.s32 s18, $0x0  }
.Ltmp7:
0x29c: {  	s14 =	sxor.u32 $0x80000000, s14;
	vm0 =	vge.s32 v11, v6;
	v8 =	vxor.u32 $0x80000000, v14;
	v9, _, _ =	vpop (xrf0);
	s5 =	simm.s32 @!p1 $0x0;
	(pc) =	sbr.rel @p0 .LBB2_11-.Ltmp7, $4  }
0x29d: {  	s13 =	smov.u32 @p5 s10;
	p3 =	por !p2, !p3;
	p2 =	seq.s32 s8, $0x0;
	v11 =	vmpcnt.ones.xlane vm0;
	v8 =	vnsel vm0, $0xFFFFFFFF, v8;
	v9 =	vadd.s32 v13, v9  }
0x29e: {  	p4 =	por !p3, !p3;
	p3 =	por !p6, !p6;
	vm0 =	vge.s32 v9, v6;
	v13 =	vsub.s32 v9, v10;
	v12 =	vbroadcast v9, $0xF;
	(xrf0) =	vmin.scan.msk.u32 $0xffff, v8;
	s10 =	spop (v2sf)  }
0x29f: {  	s13 =	smov.u32 @p4 s16;
	v8 =	vmpcnt.ones.xlane vm0;
	v9 =	vxor.u32 $0x80000000, v13;
	(v2sf) =	vpush v11, $0x0;
	v10, _, _ =	vpop (xrf0);
	s10 =	sxor.u32 $0x80000000, s10;
	s16 =	spop (v2sf)  }
0x2a0: {  	s0 =	smov.u32 @p5 s14;
	s13 =	smov.u32 @p3 s12;
	v9 =	vnsel vm0, $0xFFFFFFFF, v9;
	v10 =	vadd.s32 v12, v10;
	s12 =	sxor.u32 $0x80000000, s16  }
0x2a1: {  	v7 =	vsub.s32 v10, v7  }
0x2a2: {  	vm0 =	vge.s32 v10, v6;
	v6 =	vxor.u32 $0x80000000, v7  }
0x2a3: {  	(xrf0) =	vmin.scan.msk.u32 $0xffff, v9;
	v6 =	vnsel vm0, $0xFFFFFFFF, v6  }
0x2a4: {  	(xrf0) =	vmin.scan.msk.u32 $0xffff, v6  }
0x2a5: {  	(v2sf) =	vpush v8, $0x0  }
0x2a6: {  	(v2sf) =	vpush v10, $0xF;
	v6, _, _ =	vpop (xrf0)  }
0x2a7: {  	v8 =	vmpcnt.ones.xlane vm0;
	v7, _, _ =	vpop (xrf0);
	(v2sf) =	vpush v6, $0xF  }
0x2a8: {  	(v2sf) =	vpush v7, $0xF  }
0x2a9: {  	v6, _, _ =	vpop (xrf0);
	(v2sf) =	vpush v8, $0x0  }
0x2aa: {  	(v2sf) =	vpush v6, $0xF;
	v6, _, _ =	vpop (xrf0)  }
0x2ab: {  	(v2sf) =	vpush v6, $0xF;
	_ =	sdelay $0x2  }
0x2ac: {  	p0 =	por !p1, !p2  }
0x2ad: {  	s0 =	smov.u32 @p4 s4;
	s5 =	sor.u32 s5, s8;
	p0 =	por !p0, !p0  }
0x2ae: {  	s0 =	smov.u32 @p3 s10;
	p5 =	seq.s32 s5, $0x0;
	s13 =	smov.u32 @p0 s1  }
0x2af: {  	s0 =	smov.u32 @p0 s12;
	s12 =	simm.s32 $0x1;
	s18 =	spop (v2sf)  }
0x2b0: {  	s22 =	sadd.s32 s11, s18;
	p2 =	sgt.s32 s18, $0x0;
	s18 =	simm.s32 $0x1  }
0x2b1: {  	s10 =	sadd.s32 $0x30, s22;
	s12 =	simm.s32 @!p2 $0x0;
	s20 =	spop (v2sf)  }
0x2b2: {  	p6 =	por !p5, !p2;
	s5 =	sor.u32 s12, s5;
	s21 =	spop (v2sf)  }
0x2b3: {  	p2 =	por !p6, !p6;
	p3 =	seq.s32 s5, $0x0;
	s23 =	spop (v2sf)  }
0x2b4: {  	s13 =	smov.u32 @p2 s10;
	s10 =	simm.s32 $0x1;
	s4 =	spop (v2sf)  }
0x2b5: {  	p0 =	sgt.s32 s20, $0x0;
	s1 =	sadd.s32 s11, s20;
	s14 =	spop (v2sf)  }
0x2b6: {  	s18 =	simm.s32 @!p0 $0x0;
	p0 =	por !p0, !p3;
	s16 =	spop (v2sf)  }
0x2b7: {  	p4 =	sgt.s32 s21, $0x0;
	s8 =	sadd.s32 s11, s21;
	s24 =	spop (v2sf)  }
0x2b8: {  	s5 =	sor.u32 s18, s5;
	s18 =	simm.s32 $0x1;
	s20 =	spop (v2sf)  }
0x2b9: {  	s18 =	simm.s32 @!p4 $0x0;
	p5 =	seq.s32 s5, $0x0;
	_ =	strace $0x9000004E;
	[tilespmem:$0x8800] =	vst v1  }
0x2ba: {  	s21 =	sadd.s32 s11, s16;
	p1 =	sgt.s32 s16, $0x0;
	s16 =	sadd.s32 $0xF, s9;
	[tilespmem:$0x8810] =	vst v1  }
0x2bb: {  	s5 =	sor.u32 s18, s5;
	p5 =	por !p4, !p5;
	s22 =	sand.u32 $0xF, s16;
	[tilespmem:$0x8820] =	vst v1  }
0x2bc: {  	p4 =	slt.s32 s16, $0x1;
	s23 =	sshra.s32 s16, $0x1F;
	[tilespmem:$0x8830] =	vst v1;
	p6 =	sne.s32 s22, $0x0  }
0x2bd: {  	[tilespmem:$0x8840] =	vst v1;
	p6 =	por !p4, !p6;
	p4 =	seq.s32 s5, $0x0;
	s5 =	sshrl.u32 s23, $0x1C  }
0x2be: {  	s1 =	sadd.s32 $0x20, s1;
	[tilespmem:$0x8850] =	vst v1;
	p6 =	por !p6, !p6;
	s5 =	sadd.s32 s5, s16  }
0x2bf: {  	p3 =	por !p0, !p0;
	[tilespmem:$0x8860] =	vst v1;
	s10 =	simm.s32 @!p6 $0x0;
	s5 =	sshra.s32 s5, $0x4  }
0x2c0: {  	s8 =	sadd.s32 $0x10, s8;
	s13 =	smov.u32 @p3 s1;
	[tilespmem:$0x8870] =	vst v1;
	s11 =	ssub.s32 s5, s10  }
0x2c1: {  	p0 =	por !p5, !p5;
	s4 =	sxor.u32 $0x80000000, s4;
	[tilespmem:$0x8880] =	vst v1;
	s5 =	sshrl.u32 s11, $0x1E  }
0x2c2: {  	s14 =	sxor.u32 $0x80000000, s14;
	s0 =	smov.u32 @p2 s4;
	[tilespmem:$0x8890] =	vst v1;
	s5 =	sadd.s32 s5, s11  }
0x2c3: {  	s0 =	smov.u32 @p3 s14;
	s1 =	sxor.u32 $0x80000000, s24;
	[tilespmem:$0x88A0] =	vst v1;
	s31 =	sand.u32 $0xFFFFFFFC, s5  }
0x2c4: {  	s13 =	smov.u32 @p0 s8;
	[tilespmem:$0x88B0] =	vst v1;
	s0 =	smov.u32 @p0 s1;
	p0 =	slt.s32 s31, $0x1  }
.Ltmp8:
0x2c5: {  	[tilespmem:$0x88C0] =	vst v1;
	p1 =	por !p1, !p4;
	(pc) =	sbr.rel @p0 .LBB2_13-.Ltmp8, $4  }
0x2c6: {  	[tilespmem:$0x88D0] =	vst v1;
	p1 =	por !p1, !p1  }
0x2c7: {  	s24 =	sshll.u32 s29, $0x8;
	[tilespmem:$0x88E0] =	vst v1;
	s13 =	smov.u32 @p1 s21  }
0x2c8: {  	s4 =	sxor.u32 $0x80000000, s20;
	[tilespmem:$0x88F0] =	vst v1;
	s29 =	sor.u32 s24, s13  }
0x2c9: {  	v6 =	vmov s9;
	s9 =	simm.s32 $0x0;
	_ =	strace $0x8000004F;
	s0 =	smov.u32 @p1 s4;
	v7 =	vmov s29  }
0x2ca: {  	s1 =	simm.s32 $0x8920  }
0x2cb: {  	v15 =	vld [tilespmem:s1+$0xFFFFFFE0];
	_ =	sdelay $0x2  }
0x2cc: {  	v11 =	vor.u32 s9, v0;
	s24 =	simm.s32 $0x20;
	v10 =	vld [tilespmem:s1+$0xFFFFFFF0]  }
0x2cd: {  	vm0 =	vlt.s32 v11, v6;
	v11 =	vor.u32 s24, v0  }
0x2ce: {  	vm2 =	vlt.s32 v11, v6;
	v11 =	vshrl.u32 v15, $0x10  }
0x2cf: {  	s5 =	simm.s32 $0x10;
	v11 =	vxor.u32 v7, v11  }
0x2d0: {  	v13 =	vor.u32 s5, v0;
	vm1 =	veq.s32 v11, $0x8000  }
0x2d1: {  	vm4 =	vlt.s32 v13, v6;
	v13 =	vshrl.u32 v10, $0x10;
	vm1 =	vmand vm0, vm1  }
0x2d2: {  	v11 =	vxor.u32 v7, v13;
	v13 =	vmpcnt.ones.xlane vm1;
	_ =	sdelay $0x1  }
0x2d3: {  	(v2sf) =	vpush v13, $0x0;
	_ =	sdelay $0x3  }
0x2d4: {  	v9 =	vld [tilespmem:s1+$0x0]  }
0x2d5: {  	v8 =	vld [tilespmem:s1+$0x10];
	_ =	sdelay $0x1  }
0x2d6: {  	s4 =	simm.s32 $0x30  }
0x2d7: {  	p0 =	sgt.s32 s31, $0x4;
	v12 =	vor.u32 s4, v0  }
.Ltmp9:
0x2d8: {  	vm3 =	vlt.s32 v12, v6;
	v14 =	vshrl.u32 v9, $0x10;
	(pc) =	sbr.rel @!p0 .LBB2_22-.Ltmp9, $4  }
0x2d9: {  	v12 =	vshrl.u32 v8, $0x10;
	vm0 =	veq.s32 v11, $0x8000;
	v11 =	vxor.u32 v7, v14  }
0x2da: {  	v12 =	vxor.u32 v7, v12;
	vm0 =	vmand vm4, vm0;
	vm4 =	veq.s32 v11, $0x8000  }
0x2db: {  	vm5 =	vmand vm2, vm4;
	vm2 =	veq.s32 v12, $0x8000  }
0x2dc: {  	p1 =	por $0x0, $0x0;
	s4 =	simm.s32 $0x8960;
	v17 =	vmpcnt.ones.xlane vm0;
	v16 =	vmpcnt.ones.xlane vm5;
	vm6 =	vmand vm3, vm2  }
0x2dd: {  	v12 =	vshrl.u32 v15, $0x8  }
0x2de: {  	v11 =	vld [tilespmem:s4+$0x10];
	v18 =	vmpcnt.ones.xlane vm6;
	vm2 =	vmmov vm6;
	v19 =	vshrl.u32 v9, $0x8  }
0x2df: {  	v13 =	vld [tilespmem:s4+$0x0];
	v20 =	vshrl.u32 v8, $0x8;
	vm4 =	vmmov vm0;
	(v2sf) =	vpush v17, $0x0  }
0x2e0: {  	v14 =	vld [tilespmem:s4+$0xFFFFFFE0];
	s1 =	simm.s32 $0x40;
	vm3 =	vmmov vm5;
	v17 =	vshrl.u32 v10, $0x8;
	(v2sf) =	vpush v16, $0x0  }
0x2e1: {  	s24 =	simm.s32 $0x60;
	s5 =	simm.s32 $0x70;
	s8 =	simm.s32 $0x50;
	v57 =	vor.u32 s1, v0;
	v16 =	vand.u32 $0xFF, v12;
	v12 =	vld [tilespmem:s4+$0xFFFFFFF0];
	(v2sf) =	vpush v18, $0x0  }
0x2e2: {  	v58 =	vor.u32 s24, v0;
	v21 =	vor.u32 s5, v0;
	v22 =	vor.u32 s8, v0  }
0x2e3: {  	v17 =	vand.u32 $0xFF, v17;
	vm5 =	vlt.s32 v57, v6;
	vm6 =	vlt.s32 v58, v6  }
0x2e4: {  	vm7 =	vlt.s32 v21, v6;
	vm8 =	vlt.s32 v22, v6;
	v18 =	vand.u32 $0xFF, v19  }
0x2e5: {  	v19 =	vand.u32 $0xFF, v20;
	v59 =	vshrl.u32 v14, $0x10;
	v60 =	vshrl.u32 v11, $0x10  }
0x2e6: {  	p0 =	sgt.s32 s31, $0x8;
	v62 =	vshrl.u32 v13, $0x10;
	[tilespmem:v16+s19+$0x0] =	vst.idx.add.s32.msk vm1, v3;
	v16 =	vxor.u32 v7, v59;
	v61 =	vshrl.u32 v12, $0x10  }
.Ltmp10:
0x2e7: {  	[tilespmem:s9+$0x9180] =	vst.msk vm1, v15;
	vm1 =	veq.s32 v16, $0x8000;
	v15 =	vxor.u32 v7, v61;
	v16 =	vxor.u32 v7, v60;
	(pc) =	sbr.rel @!p0 .LBB2_24-.Ltmp10, $4  }
0x2e8: {  	[tilespmem:v17+s19+$0x0] =	vst.idx.add.s32.msk vm0, v3;
	vm1 =	vmand vm5, vm1;
	vm0 =	veq.s32 v15, $0x8000;
	v15 =	vxor.u32 v7, v62  }
0x2e9: {  	v63 =	vmpcnt.ones.xlane vm1;
	vm0 =	vmand vm8, vm0;
	vm5 =	veq.s32 v15, $0x8000  }
0x2ea: {  	p1 =	por $0x1, $0x1;
	[tilespmem:v18+s19+$0x0] =	vst.idx.add.s32.msk vm3, v3;
	v17 =	vmpcnt.ones.xlane vm0;
	vm5 =	vmand vm6, vm5;
	vm6 =	veq.s32 v16, $0x8000  }
0x2eb: {  	s5 =	simm.s32 $0x89A0;
	s8 =	simm.s32 $0x0;
	s4 =	simm.s32 $0x8;
	[tilespmem:v19+s19+$0x0] =	vst.idx.add.s32.msk vm2, v3;
	v16 =	vmpcnt.ones.xlane vm5;
	vm6 =	vmand vm7, vm6;
	(v2sf) =	vpush v63, $0x0  }
.LBB2_25:
0x2ec: {  	v18 =	vshrl.u32 v14, $0x8;
	v19 =	vmpcnt.ones.xlane vm6  }
0x2ed: {  	v15 =	vld [tilespmem:s5+$0x10];
	(v2sf) =	vpush v17, $0x0;
	s10 =	spop (v2sf);
	vm7 =	vmmov vm2;
	vm2 =	vmmov vm6  }
0x2ee: {  	v20 =	vshrl.u32 v12, $0x8;
	v21 =	vshrl.u32 v13, $0x8;
	s1 =	sadd.s32 $0x40, s1;
	v17 =	vld [tilespmem:s5+$0x0];
	(v2sf) =	vpush v16, $0x0;
	s8 =	sadd.s32 s8, s10;
	s10 =	spop (v2sf)  }
0x2ef: {  	s4 =	sadd.s32 $0x4, s4;
	v22 =	vshrl.u32 v11, $0x8;
	v18 =	vand.u32 $0xFF, v18;
	v16 =	vld [tilespmem:s5+$0xFFFFFFE0];
	(v2sf) =	vpush v19, $0x0;
	[tilespmem:s8+$0x9180] =	vst.msk vm4, v10;
	s8 =	sadd.s32 s8, s10;
	s10 =	spop (v2sf);
	v10 =	vmovc v12  }
0x2f0: {  	p0 =	slt.s32 s4, s31;
	v19 =	vand.u32 $0xFF, v20;
	v20 =	vand.u32 $0xFF, v21;
	v21 =	vand.u32 $0xFF, v22;
	v12 =	vld [tilespmem:s5+$0xFFFFFFF0];
	[tilespmem:s8+$0x9180] =	vst.msk vm3, v9;
	s8 =	sadd.s32 s8, s10;
	s10 =	spop (v2sf);
	v9 =	vmovc v13  }
0x2f1: {  	v24 =	vor.u32 s1, v0;
	s12 =	sadd.s32 $0x20, s1;
	s13 =	sadd.s32 $0x30, s1;
	vm4 =	vmmov vm0;
	vm3 =	vmmov vm5;
	[tilespmem:s8+$0x9180] =	vst.msk vm7, v8;
	s8 =	sadd.s32 s8, s10;
	v8 =	vmovc v11  }
0x2f2: {  	v23 =	vor.u32 s12, v0;
	v22 =	vor.u32 s13, v0;
	vm5 =	vlt.s32 v24, v6;
	s10 =	sadd.s32 $0x10, s1;
	v11 =	vmovc v15  }
0x2f3: {  	vm6 =	vlt.s32 v22, v6;
	vm7 =	vlt.s32 v23, v6;
	v15 =	vor.u32 s10, v0;
	v13 =	vmovc v17  }
0x2f4: {  	vm8 =	vlt.s32 v15, v6;
	v15 =	vshrl.u32 v11, $0x10;
	v17 =	vshrl.u32 v16, $0x10;
	[tilespmem:v18+s19+$0x0] =	vst.idx.add.s32.msk vm1, v3  }
0x2f5: {  	v22 =	vshrl.u32 v13, $0x10;
	v17 =	vxor.u32 v7, v17;
	v18 =	vshrl.u32 v12, $0x10;
	[tilespmem:s8+$0x9180] =	vst.msk vm1, v14;
	v14 =	vmovc v16  }
.Ltmp11:
0x2f6: {  	v15 =	vxor.u32 v7, v15;
	vm1 =	veq.s32 v17, $0x8000;
	v16 =	vxor.u32 v7, v18;
	[tilespmem:v19+s19+$0x0] =	vst.idx.add.s32.msk vm0, v3;
	(pc) =	sbr.rel @p0 .LBB2_25-.Ltmp11, $4  }
0x2f7: {  	vm1 =	vmand vm5, vm1;
	vm0 =	veq.s32 v16, $0x8000;
	v16 =	vxor.u32 v7, v22;
	[tilespmem:v20+s19+$0x0] =	vst.idx.add.s32.msk vm3, v3  }
0x2f8: {  	v18 =	vmpcnt.ones.xlane vm1;
	vm0 =	vmand vm8, vm0;
	vm5 =	veq.s32 v16, $0x8000;
	[tilespmem:v21+s19+$0x0] =	vst.idx.add.s32.msk vm2, v3  }
0x2f9: {  	v17 =	vmpcnt.ones.xlane vm0;
	vm5 =	vmand vm7, vm5;
	vm7 =	veq.s32 v15, $0x8000  }
0x2fa: {  	s5 =	sadd.s32 $0x40, s5;
	v16 =	vmpcnt.ones.xlane vm5;
	vm6 =	vmand vm6, vm7;
	(v2sf) =	vpush v18, $0x0  }
0x2fb: {  	v15 =	vmov v14  }
.LBB2_27:
0x2fc: {  	v14 =	vmpcnt.ones.xlane vm6;
	(v2sf) =	vpush v17, $0x0  }
0x2fd: {  	(v2sf) =	vpush v16, $0x0  }
0x2fe: {  	(v2sf) =	vpush v14, $0x0;
	_ =	sdelay $0x2  }
0x2ff: {  	v59 =	vshrl.u32 v12, $0x8  }
0x300: {  	s1 =	spop @p1 (v2sf);
	v60 =	vshrl.u32 v13, $0x8;
	vm12 =	vmmov vm5;
	v61 =	vand.u32 $0xFF, v59  }
0x301: {  	v62 =	vshrl.u32 v11, $0x8;
	s1 =	sadd.s32 @p1 s8, s1;
	s4 =	spop @p1 (v2sf);
	v17 =	vand.u32 $0xFF, v60  }
0x302: {  	v58 =	vshrl.u32 v15, $0x8;
	v63 =	vand.u32 $0xFF, v62;
	[tilespmem:s1+$0x9180] =	vst.msk @p1 vm4, v10;
	s1 =	sadd.s32 @p1 s1, s4;
	s4 =	spop @p1 (v2sf)  }
0x303: {  	vm2 =	vmmov @p1 vm2;
	v14 =	vand.u32 $0xFF, v58;
	[tilespmem:s1+$0x9180] =	vst.msk @p1 vm3, v9;
	s1 =	sadd.s32 @p1 s1, s4  }
0x304: {  	[tilespmem:s1+$0x9180] =	vst.msk @p1 vm2, v8  }
0x305: {  	[tilespmem:v61+s19+$0x0] =	vst.idx.add.s32.msk vm0, v3  }
0x306: {  	s4 =	spop @p1 (v2sf);
	[tilespmem:v17+s19+$0x0] =	vst.idx.add.s32.msk vm12, v3  }
0x307: {  	s1 =	sadd.s32 @p1 s1, s4;
	[tilespmem:v63+s19+$0x0] =	vst.idx.add.s32.msk vm6, v3  }
0x308: {  	s9 =	smov.u32 @p1 s1;
	[tilespmem:v14+s19+$0x0] =	vst.idx.add.s32.msk vm1, v3;
	s21 =	spop (v2sf)  }
0x309: {  	vm14 =	vmmov vm0;
	[tilespmem:s9+$0x9180] =	vst.msk vm1, v15;
	s1 =	sadd.s32 s9, s21;
	s22 =	spop (v2sf)  }
0x30a: {  	vm13 =	vmmov vm6;
	[tilespmem:s1+$0x9180] =	vst.msk vm14, v12;
	s1 =	sadd.s32 s1, s22;
	s23 =	spop (v2sf)  }
0x30b: {  	vm15 =	vmmov vm13;
	[tilespmem:s1+$0x9180] =	vst.msk vm12, v13;
	s1 =	sadd.s32 s1, s23;
	s24 =	spop (v2sf)  }
0x30c: {  	[tilespmem:s1+$0x9180] =	vst.msk vm15, v11;
	s9 =	sadd.s32 s1, s24  }
.LBB2_13:
0x30d: {  	s1 =	ssub.s32 s11, s31  }
0x30e: {  	p0 =	slt.s32 s1, $0x1  }
.Ltmp12:
0x30f: {  	_ = 	snop;
	(pc) =	sbr.rel @p0 .LBB2_16-.Ltmp12, $1  }
0x310: {  	_ =	sdelay $0x3  }
0x311: {  	s1 =	sshll.u32 s31, $0x6  }
0x312: {  	s1 =	sshra.s32 s1, $0x2  }
0x313: {  	s4 =	sshll.u32 s31, $0x4;
	s1 =	sadd.s32 $0x8900, s1  }
.LBB2_15:
0x314: {  	v8 =	vld [tilespmem:s1+$0x0];
	_ =	sdelay $0x4  }
0x315: {  	v9 =	vshrl.u32 v8, $0x10  }
0x316: {  	v10 =	vor.u32 s4, v0;
	v9 =	vxor.u32 v7, v9  }
0x317: {  	vm0 =	vlt.s32 v10, v6;
	vm1 =	veq.s32 v9, $0x8000  }
0x318: {  	vm0 =	vmand vm0, vm1  }
0x319: {  	v62 =	vmpcnt.ones.xlane vm0;
	_ =	sdelay $0x1  }
0x31a: {  	(v2sf) =	vpush v62, $0x0;
	_ =	sdelay $0x8  }
0x31b: {  	v63 =	vshrl.u32 v8, $0x8  }
0x31c: {  	s31 =	sadd.s32 $0x1, s31;
	v9 =	vand.u32 $0xFF, v63  }
0x31d: {  	p0 =	slt.s32 s31, s11  }
.Ltmp13:
0x31e: {  	_ = 	snop;
	(pc) =	sbr.rel @p0 .LBB2_15-.Ltmp13, $3  }
0x31f: {  	_ =	sdelay $0x1  }
0x320: {  	[tilespmem:v9+s19+$0x0] =	vst.idx.add.s32.msk vm0, v3;
	s5 =	spop (v2sf)  }
0x321: {  	s1 =	sadd.s32 $0x10, s1;
	s4 =	sadd.s32 $0x10, s4;
	[tilespmem:s9+$0x9180] =	vst.msk vm0, v8;
	s9 =	sadd.s32 s9, s5  }
.LBB2_16:
0x322: {  	_ =	strace $0x9000004F  }
0x323: {  	s1 =	simm.s32 $0x88F0;
	_ =	strace $0x80000050  }
0x324: {  	v6 =	vld [tilespmem:s1+$0x0];
	_ =	sdelay $0x3  }
0x325: {  	v7 =	vld [tilespmem:s1+$0xFFFFFFF0]  }
0x326: {  	v8 =	vperm.xlane v6, v4;
	_ =	sdelay $0x1  }
0x327: {  	v6 =	vld [tilespmem:s1+$0xFFFFFFE0];
	(xrf0) =	vadd.scan.msk.s32 $0xffff, v8;
	_ =	sdelay $0x1  }
0x328: {  	v7 =	vperm.xlane v7, v4;
	_ =	sdelay $0x1  }
0x329: {  	(xrf0) =	vadd.scan.msk.s32 $0xffff, v7  }
0x32a: {  	v10 =	vperm.xlane v6, v4  }
0x32b: {  	s31 =	simm.s32 $0x0;
	s30 =	ssub.s32 s30, s0;
	v9 =	vld [tilespmem:s1+$0xFFFFFFD0];
	v6, _, _ =	vpop (xrf0)  }
0x32c: {  	(xrf0) =	vadd.scan.msk.s32 $0xffff, v10;
	v11 =	vadd.s32 s31, v6;
	v6 =	vmov s30  }
0x32d: {  	vm0 =	vge.s32 v11, v6  }
0x32e: {  	v12 =	vbroadcast v11, $0xF;
	v8 =	vsub.s32 v11, v8;
	v11 =	vmpcnt.ones.xlane vm0  }
0x32f: {  	v13, _, _ =	vpop (xrf0)  }
0x330: {  	v9 =	vperm.xlane v9, v4;
	v12 =	vadd.s32 v12, v13  }
0x331: {  	v8 =	vxor.u32 $0x80000000, v8;
	v13 =	vbroadcast v12, $0xF;
	(v2sf) =	vpush v11, $0x0  }
0x332: {  	(xrf0) =	vadd.scan.msk.s32 $0xffff, v9;
	v8 =	vnsel vm0, $0xFFFFFFFF, v8;
	v7 =	vsub.s32 v12, v7;
	v11, _, _ =	vpop (xrf0)  }
0x333: {  	(xrf0) =	vmin.scan.msk.u32 $0xffff, v8;
	vm10 =	vge.s32 v12, v6;
	v7 =	vxor.u32 $0x80000000, v7;
	v8 =	vadd.s32 v13, v11  }
0x334: {  	v7 =	vnsel vm10, $0xFFFFFFFF, v7;
	v11 =	vmpcnt.ones.xlane vm10;
	vm11 =	vge.s32 v8, v6  }
0x335: {  	(xrf0) =	vmin.scan.msk.u32 $0xffff, v7;
	v7 =	vmpcnt.ones.xlane vm11  }
0x336: {  	v59 =	vbroadcast v8, $0xF;
	v8 =	vsub.s32 v8, v10;
	(v2sf) =	vpush v11, $0x0  }
0x337: {  	(v2sf) =	vpush v7, $0x0;
	v7 =	vxor.u32 $0x80000000, v8  }
0x338: {  	v10, _, _ =	vpop (xrf0);
	v7 =	vnsel vm11, $0xFFFFFFFF, v7  }
0x339: {  	v8 =	vadd.s32 v59, v10;
	v10, _, _ =	vpop (xrf0);
	(xrf0) =	vmin.scan.msk.u32 $0xffff, v7  }
0x33a: {  	v9 =	vsub.s32 v8, v9;
	vm12 =	vge.s32 v8, v6  }
0x33b: {  	s13 =	simm.s32 $0x88B0;
	(v2sf) =	vpush v8, $0xF;
	v8 =	vxor.u32 $0x80000000, v9;
	v9 =	vmpcnt.ones.xlane vm12  }
0x33c: {  	(v2sf) =	vpush v10, $0xF;
	v10 =	vld [tilespmem:s13+$0x0];
	v8 =	vnsel vm12, $0xFFFFFFFF, v8  }
0x33d: {  	v7, _, _ =	vpop (xrf0);
	(xrf0) =	vmin.scan.msk.u32 $0xffff, v8  }
0x33e: {  	(v2sf) =	vpush v7, $0xF  }
0x33f: {  	v7 =	vld [tilespmem:s13+$0xFFFFFFF0];
	(v2sf) =	vpush v9, $0x0;
	v9, _, _ =	vpop (xrf0)  }
0x340: {  	s12 =	spop (v2sf);
	(v2sf) =	vpush v9, $0xF  }
0x341: {  	v8 =	vperm.xlane v10, v4  }
0x342: {  	v10 =	vld [tilespmem:s13+$0xFFFFFFE0]  }
0x343: {  	(xrf0) =	vadd.scan.msk.s32 $0xffff, v8;
	v9, _, _ =	vpop (xrf0)  }
0x344: {  	s21 =	simm.s32 $0x4;
	p0 =	por $0x1, $0x1;
	s11 =	simm.s32 $0x7F;
	(v2sf) =	vpush v9, $0xF;
	v9 =	vperm.xlane v7, v4  }
0x345: {  	s1 =	simm.s32 $0x1;
	s14 =	sadd.s32 $0xBF, s12;
	p2 =	sgt.s32 s12, $0x0;
	v7 =	vld [tilespmem:s13+$0xFFFFFFD0]  }
0x346: {  	s8 =	simm.s32 $0x1;
	s10 =	sadd.s32 $0x30, s14;
	s1 =	simm.s32 @!p2 $0x0;
	(xrf0) =	vadd.scan.msk.s32 $0xffff, v9  }
0x347: {  	p1 =	por !p0, !p2;
	s1 =	sor.u32 s1, s31;
	v10 =	vperm.xlane v10, v4;
	s16 =	spop (v2sf)  }
0x348: {  	p5 =	por !p1, !p1;
	p4 =	seq.s32 s1, $0x0;
	p0 =	sgt.s32 s16, $0x0  }
0x349: {  	s0 =	sadd.s32 $0xBF, s16;
	s4 =	spop (v2sf);
	v11, _, _ =	vpop (xrf0);
	(xrf0) =	vadd.scan.msk.s32 $0xffff, v10;
	s8 =	simm.s32 @!p0 $0x0  }
0x34a: {  	s14 =	sadd.s32 $0x20, s0;
	s0 =	simm.s32 $0x1;
	s18 =	spop (v2sf);
	v7 =	vperm.xlane v7, v4  }
0x34b: {  	p0 =	por !p0, !p4;
	s5 =	sadd.s32 $0xBF, s4;
	p3 =	sgt.s32 s4, $0x0;
	v11 =	vadd.s32 s18, v11  }
0x34c: {  	s8 =	sor.u32 s8, s1;
	p4 =	por !p0, !p0;
	s20 =	spop (v2sf);
	v60 =	vbroadcast v11, $0xF;
	vm13 =	vge.s32 v11, v6;
	v8 =	vsub.s32 v11, v8;
	v61, _, _ =	vpop (xrf0);
	(xrf0) =	vadd.scan.msk.s32 $0xffff, v7  }
0x34d: {  	s12 =	sadd.s32 $0x10, s5;
	s0 =	simm.s32 @!p3 $0x0;
	v11 =	vmpcnt.ones.xlane vm13;
	v8 =	vxor.u32 $0x80000000, v8;
	s22 =	spop (v2sf)  }
0x34e: {  	p6 =	seq.s32 s8, $0x0;
	s5 =	simm.s32 $0x1;
	v12 =	vadd.s32 v60, v61;
	v8 =	vnsel vm13, $0xFFFFFFFF, v8;
	s16 =	spop (v2sf)  }
0x34f: {  	s8 =	sor.u32 s0, s8;
	s0 =	simm.s32 $0x0;
	v9 =	vsub.s32 v12, v9;
	v13 =	vbroadcast v12, $0xF;
	v62, _, _ =	vpop (xrf0);
	(xrf0) =	vmin.scan.msk.u32 $0xffff, v8;
	s23 =	spop (v2sf);
	(v2sf) =	vpush v11, $0x0  }
0x350: {  	p3 =	por !p3, !p6;
	s0 =	smov.u32 @p5 s10;
	p2 =	seq.s32 s8, $0x0;
	vm14 =	vge.s32 v12, v6;
	v9 =	vxor.u32 $0x80000000, v9  }
0x351: {  	p3 =	por !p3, !p3;
	s0 =	smov.u32 @p4 s14;
	s4 =	sxor.u32 $0x80000000, s22;
	v63 =	vmpcnt.ones.xlane vm14;
	v12 =	vadd.s32 v13, v62;
	v9 =	vnsel vm14, $0xFFFFFFFF, v9  }
0x352: {  	s0 =	smov.u32 @p3 s12;
	s1 =	sadd.s32 $0xBF, s16;
	p1 =	sgt.s32 s16, $0x0;
	vm15 =	vge.s32 v12, v6;
	v10 =	vsub.s32 v12, v10;
	v12 =	vbroadcast v12, $0xF;
	v11, _, _ =	vpop (xrf0);
	(xrf0) =	vmin.scan.msk.u32 $0xffff, v9  }
0x353: {  	s16 =	sxor.u32 $0x80000000, s20;
	s5 =	simm.s32 @!p1 $0x0;
	v8 =	vmpcnt.ones.xlane vm15;
	v10 =	vxor.u32 $0x80000000, v10;
	(v2sf) =	vpush v63, $0x0;
	s24 =	spop (v2sf)  }
0x354: {  	s31 =	smov.u32 @p5 s16;
	s10 =	sxor.u32 $0x80000000, s23;
	v9 =	vnsel vm15, $0xFFFFFFFF, v10;
	v10 =	vadd.s32 v12, v11;
	s12 =	sxor.u32 $0x80000000, s24  }
.LBB2_17:
0x355: {  	v7 =	vsub.s32 v10, v7;
	v11, _, _ =	vpop (xrf0);
	(v2sf) =	vpush v8, $0x0;
	s31 =	smov.u32 @p4 s4;
	p0 =	por !p1, !p2;
	s4 =	sor.u32 s5, s8  }
0x356: {  	s21 =	sadd.s32 $0x4, s21;
	vm0 =	vge.s32 v10, v6;
	v7 =	vxor.u32 $0x80000000, v7;
	(v2sf) =	vpush v10, $0xF;
	s31 =	smov.u32 @p3 s10;
	p0 =	por !p0, !p0  }
0x357: {  	s13 =	sadd.s32 $0xFFFFFFC0, s13;
	v8 =	vmpcnt.ones.xlane vm0;
	v7 =	vnsel vm0, $0xFFFFFFFF, v7;
	(v2sf) =	vpush v11, $0xF;
	(xrf0) =	vmin.scan.msk.u32 $0xffff, v9;
	s0 =	smov.u32 @p0 s1;
	s31 =	smov.u32 @p0 s12  }
0x358: {  	p0 =	slt.u32 s21, $0xC;
	s1 =	smov.u32 s11;
	v9 =	vld [tilespmem:s13+$0x0];
	v10, _, _ =	vpop (xrf0);
	(xrf0) =	vmin.scan.msk.u32 $0xffff, v7  }
0x359: {  	(v2sf) =	vpush v10, $0xF  }
0x35a: {  	(v2sf) =	vpush v8, $0x0  }
0x35b: {  	v7 =	vld [tilespmem:s13+$0xFFFFFFF0];
	_ =	sdelay $0x1  }
0x35c: {  	v8 =	vperm.xlane v9, v4;
	v9, _, _ =	vpop (xrf0)  }
0x35d: {  	v10 =	vld [tilespmem:s13+$0xFFFFFFE0];
	s5 =	spop (v2sf);
	(v2sf) =	vpush v9, $0xF;
	v9, _, _ =	vpop (xrf0)  }
0x35e: {  	(xrf0) =	vadd.scan.msk.s32 $0xffff, v8;
	s8 =	sadd.s32 s11, s5;
	(v2sf) =	vpush v9, $0xF  }
0x35f: {  	p1 =	seq.s32 s4, $0x0;
	v9 =	vperm.xlane v7, v4  }
0x360: {  	s11 =	sadd.s32 $0xFFFFFFC0, s11;
	p2 =	sgt.s32 s5, $0x0;
	s10 =	sadd.s32 $0x30, s8;
	v7 =	vld [tilespmem:s13+$0xFFFFFFD0]  }
0x361: {  	p4 =	por !p1, !p2;
	s8 =	simm.s32 $0x1;
	(xrf0) =	vadd.scan.msk.s32 $0xffff, v9;
	s5 =	spop (v2sf)  }
0x362: {  	s8 =	simm.s32 @!p2 $0x0;
	p5 =	por !p4, !p4;
	v10 =	vperm.xlane v10, v4;
	p2 =	sgt.s32 s5, $0x0  }
0x363: {  	s4 =	sor.u32 s8, s4;
	s5 =	sadd.s32 s1, s5;
	s8 =	spop (v2sf)  }
0x364: {  	v11, _, _ =	vpop (xrf0);
	s12 =	sadd.s32 s1, s8;
	p1 =	sgt.s32 s8, $0x0;
	s8 =	spop (v2sf)  }
0x365: {  	s16 =	sadd.s32 $0x20, s5;
	s5 =	simm.s32 $0x1;
	(xrf0) =	vadd.scan.msk.s32 $0xffff, v10;
	v11 =	vadd.s32 s8, v11;
	s8 =	simm.s32 $0x1  }
0x366: {  	v7 =	vperm.xlane v7, v4;
	s12 =	sadd.s32 $0x10, s12;
	s14 =	spop (v2sf);
	s8 =	simm.s32 @!p2 $0x0  }
0x367: {  	p3 =	seq.s32 s4, $0x0;
	s5 =	simm.s32 @!p1 $0x0;
	vm0 =	vge.s32 v11, v6;
	v8 =	vsub.s32 v11, v8;
	v11 =	vbroadcast v11, $0xF;
	s8 =	sor.u32 s8, s4  }
0x368: {  	v12 =	vmpcnt.ones.xlane vm0;
	v8 =	vxor.u32 $0x80000000, v8;
	v13, _, _ =	vpop (xrf0);
	(xrf0) =	vadd.scan.msk.s32 $0xffff, v7;
	s4 =	spop (v2sf);
	p4 =	seq.s32 s8, $0x0;
	s8 =	sor.u32 s5, s8  }
0x369: {  	v8 =	vnsel vm0, $0xFFFFFFFF, v8;
	s5 =	simm.s32 $0x1;
	v11 =	vadd.s32 v11, v13;
	s4 =	sxor.u32 $0x80000000, s4;
	s18 =	spop (v2sf)  }
0x36a: {  	p6 =	por !p1, !p4;
	v14 =	vsub.s32 v11, v9;
	v13 =	vbroadcast v11, $0xF;
	(v2sf) =	vpush v12, $0x0;
	(xrf0) =	vmin.scan.msk.u32 $0xffff, v8;
	s1 =	sadd.s32 s1, s18;
	p1 =	sgt.s32 s18, $0x0  }
.Ltmp14:
0x36b: {  	s14 =	sxor.u32 $0x80000000, s14;
	vm0 =	vge.s32 v11, v6;
	v8 =	vxor.u32 $0x80000000, v14;
	v9, _, _ =	vpop (xrf0);
	s5 =	simm.s32 @!p1 $0x0;
	(pc) =	sbr.rel @p0 .LBB2_17-.Ltmp14, $4  }
0x36c: {  	s0 =	smov.u32 @p5 s10;
	p3 =	por !p2, !p3;
	p2 =	seq.s32 s8, $0x0;
	v11 =	vmpcnt.ones.xlane vm0;
	v8 =	vnsel vm0, $0xFFFFFFFF, v8;
	v9 =	vadd.s32 v13, v9  }
0x36d: {  	p4 =	por !p3, !p3;
	p3 =	por !p6, !p6;
	vm0 =	vge.s32 v9, v6;
	v13 =	vsub.s32 v9, v10;
	v12 =	vbroadcast v9, $0xF;
	(xrf0) =	vmin.scan.msk.u32 $0xffff, v8;
	s10 =	spop (v2sf)  }
0x36e: {  	s0 =	smov.u32 @p4 s16;
	v8 =	vmpcnt.ones.xlane vm0;
	v9 =	vxor.u32 $0x80000000, v13;
	(v2sf) =	vpush v11, $0x0;
	v10, _, _ =	vpop (xrf0);
	s10 =	sxor.u32 $0x80000000, s10;
	s16 =	spop (v2sf)  }
0x36f: {  	s31 =	smov.u32 @p5 s14;
	s0 =	smov.u32 @p3 s12;
	v9 =	vnsel vm0, $0xFFFFFFFF, v9;
	v10 =	vadd.s32 v12, v10;
	s12 =	sxor.u32 $0x80000000, s16  }
0x370: {  	v7 =	vsub.s32 v10, v7  }
0x371: {  	vm0 =	vge.s32 v10, v6;
	v6 =	vxor.u32 $0x80000000, v7  }
0x372: {  	(xrf0) =	vmin.scan.msk.u32 $0xffff, v9;
	v6 =	vnsel vm0, $0xFFFFFFFF, v6  }
0x373: {  	(xrf0) =	vmin.scan.msk.u32 $0xffff, v6  }
0x374: {  	(v2sf) =	vpush v8, $0x0  }
0x375: {  	(v2sf) =	vpush v10, $0xF;
	v6, _, _ =	vpop (xrf0)  }
0x376: {  	v63 =	vmpcnt.ones.xlane vm0;
	v7, _, _ =	vpop (xrf0);
	(v2sf) =	vpush v6, $0xF  }
0x377: {  	(v2sf) =	vpush v7, $0xF  }
0x378: {  	v6, _, _ =	vpop (xrf0);
	(v2sf) =	vpush v63, $0x0  }
0x379: {  	(v2sf) =	vpush v6, $0xF;
	v6, _, _ =	vpop (xrf0)  }
0x37a: {  	(v2sf) =	vpush v6, $0xF;
	_ =	sdelay $0x4  }
0x37b: {  	s31 =	smov.u32 @p4 s4;
	p0 =	por !p1, !p2  }
0x37c: {  	s18 =	simm.s32 $0x1;
	s31 =	smov.u32 @p3 s10;
	p0 =	por !p0, !p0  }
0x37d: {  	s0 =	smov.u32 @p0 s1;
	s1 =	sor.u32 s5, s8;
	s13 =	spop (v2sf)  }
0x37e: {  	s31 =	smov.u32 @p0 s12;
	s12 =	sadd.s32 s11, s13;
	s21 =	spop (v2sf)  }
0x37f: {  	p3 =	sgt.s32 s13, $0x0;
	s13 =	simm.s32 $0x1;
	s22 =	spop (v2sf)  }
0x380: {  	p2 =	seq.s32 s1, $0x0;
	s13 =	simm.s32 @!p3 $0x0;
	s23 =	spop (v2sf)  }
0x381: {  	p2 =	por !p2, !p3;
	s1 =	sor.u32 s13, s1;
	s24 =	spop (v2sf)  }
0x382: {  	s8 =	sadd.s32 $0x30, s12;
	p4 =	seq.s32 s1, $0x0;
	s20 =	spop (v2sf)  }
0x383: {  	p1 =	sgt.s32 s21, $0x0;
	s4 =	sadd.s32 s11, s21;
	s14 =	spop (v2sf)  }
0x384: {  	s18 =	simm.s32 @!p1 $0x0;
	s4 =	sadd.s32 $0x20, s4;
	s16 =	spop (v2sf)  }
0x385: {  	p1 =	por !p1, !p4;
	p5 =	sgt.s32 s22, $0x0;
	s21 =	spop (v2sf)  }
0x386: {  	s10 =	sadd.s32 s11, s22;
	s1 =	sor.u32 s18, s1;
	_ =	strace $0x90000050;
	[tilespmem:$0x8800] =	vst v1  }
0x387: {  	s18 =	simm.s32 $0x1;
	p4 =	por !p1, !p1;
	s22 =	sadd.s32 $0xF, s9;
	[tilespmem:$0x8810] =	vst v1  }
0x388: {  	s18 =	simm.s32 @!p5 $0x0;
	p6 =	seq.s32 s1, $0x0;
	s10 =	sadd.s32 $0x10, s10;
	[tilespmem:$0x8820] =	vst v1  }
0x389: {  	s1 =	sor.u32 s18, s1;
	p6 =	por !p5, !p6;
	p5 =	por !p2, !p2;
	[tilespmem:$0x8830] =	vst v1  }
0x38a: {  	s23 =	sand.u32 $0xF, s22;
	s0 =	smov.u32 @p5 s8;
	p2 =	seq.s32 s1, $0x0;
	[tilespmem:$0x8840] =	vst v1  }
0x38b: {  	p1 =	por !p6, !p6;
	p6 =	sne.s32 s23, $0x0;
	s5 =	sxor.u32 $0x80000000, s24;
	[tilespmem:$0x8850] =	vst v1  }
0x38c: {  	s24 =	sshra.s32 s22, $0x1F;
	s31 =	smov.u32 @p5 s5;
	p5 =	slt.s32 s22, $0x1;
	[tilespmem:$0x8860] =	vst v1  }
0x38d: {  	s0 =	smov.u32 @p4 s4;
	s8 =	sshrl.u32 s24, $0x1C;
	p3 =	por !p5, !p6;
	[tilespmem:$0x8870] =	vst v1  }
0x38e: {  	s4 =	sadd.s32 s8, s22;
	s8 =	simm.s32 $0x1;
	p3 =	por !p3, !p3;
	[tilespmem:$0x8880] =	vst v1  }
0x38f: {  	s12 =	sxor.u32 $0x80000000, s20;
	s4 =	sshra.s32 s4, $0x4;
	[tilespmem:$0x8890] =	vst v1;
	s8 =	simm.s32 @!p3 $0x0  }
0x390: {  	s31 =	smov.u32 @p4 s12;
	s1 =	sxor.u32 $0x80000000, s16;
	[tilespmem:$0x88A0] =	vst v1;
	s4 =	ssub.s32 s4, s8  }
0x391: {  	s0 =	smov.u32 @p1 s10;
	[tilespmem:$0x88B0] =	vst v1;
	s31 =	smov.u32 @p1 s1;
	p1 =	slt.s32 s4, $0x1  }
.Ltmp15:
0x392: {  	p0 =	sgt.s32 s14, $0x0;
	[tilespmem:$0x88C0] =	vst v1;
	(pc) =	sbr.rel @p1 .LBB2_32-.Ltmp15, $4  }
0x393: {  	p0 =	por !p0, !p2;
	[tilespmem:$0x88D0] =	vst v1  }
0x394: {  	s11 =	sadd.s32 s11, s14;
	p0 =	por !p0, !p0;
	[tilespmem:$0x88E0] =	vst v1  }
0x395: {  	s29 =	sshll.u32 s29, $0x8;
	s5 =	sxor.u32 $0x80000000, s21;
	[tilespmem:$0x88F0] =	vst v1;
	s0 =	smov.u32 @p0 s11  }
0x396: {  	s31 =	smov.u32 @p0 s5;
	_ =	strace $0x80000051;
	s0 =	sor.u32 s29, s0  }
0x397: {  	p1 =	sne.s32 s4, $0x1  }
.Ltmp16:
0x398: {  	_ = 	snop;
	(pc) =	sbr.rel @!p1 .LBB2_20-.Ltmp16, $3  }
0x399: {  	_ =	sdelay $0x1  }
0x39a: {  	s5 =	simm.s32 $0x9180  }
0x39b: {  	v6 =	vmov s9;
	v7 =	vmov s0;
	s1 =	simm.s32 $0x0;
	s4 =	sadd.s32 $0xFFFFFFFF, s4;
	p0 =	por $0x0, $0x0;
	v8 =	vld [tilespmem:s5+$0x0]  }
0x39c: {  	_ =	sdelay $0x3  }
0x39d: {  	v9 =	vshrl.u32 v8, $0x8  }
0x39e: {  	v10 =	vor.u32 s1, v0;
	v9 =	vxor.u32 v7, v9  }
0x39f: {  	vm0 =	vlt.s32 v10, v6;
	vm1 =	veq.s32 v9, $0x800000  }
0x3a0: {  	vm0 =	vmand vm0, vm1  }
0x3a1: {  	v8 =	vand.u32 $0xFF, v8  }
0x3a2: {  	p1 =	sne.s32 s4, $0x1  }
.Ltmp17:
0x3a3: {  	_ = 	snop;
	(pc) =	sbr.rel @!p1 .LBB2_29-.Ltmp17, $3  }
0x3a4: {  	_ =	sdelay $0x1  }
0x3a5: {  	s5 =	simm.s32 $0x9190;
	[tilespmem:v8+s19+$0x0] =	vst.idx.add.s32.msk vm0, v3  }
0x3a6: {  	s8 =	sadd.s32 $0xFFFFFFFF, s4;
	p0 =	por $0x1, $0x1;
	s4 =	simm.s32 $0x0;
	v8 =	vld [tilespmem:s5+$0x0]  }
.LBB2_30:
0x3a7: {  	p1 =	sne.s32 s8, $0x1;
	_ =	sdelay $0x3  }
0x3a8: {  	s4 =	sadd.s32 $0x10, s4;
	v9 =	vshrl.u32 v8, $0x8  }
0x3a9: {  	v10 =	vor.u32 s4, v0;
	v9 =	vxor.u32 v7, v9  }
0x3aa: {  	vm0 =	vlt.s32 v10, v6;
	vm1 =	veq.s32 v9, $0x800000  }
0x3ab: {  	vm0 =	vmand vm0, vm1  }
0x3ac: {  	v8 =	vand.u32 $0xFF, v8;
	_ =	sdelay $0x1  }
.Ltmp18:
0x3ad: {  	(pc) =	sbr.rel @p1 .LBB2_30-.Ltmp18, $3  }
0x3ae: {  	_ =	sdelay $0x1  }
0x3af: {  	s5 =	sadd.s32 $0x10, s5;
	[tilespmem:v8+s19+$0x0] =	vst.idx.add.s32.msk vm0, v3  }
0x3b0: {  	s8 =	sadd.s32 $0xFFFFFFFF, s8;
	v8 =	vld [tilespmem:s5+$0x0]  }
.LBB2_31:
0x3b1: {  	_ =	sdelay $0x2  }
0x3b2: {  	s4 =	sadd.s32 @p0 $0x10, s4  }
0x3b3: {  	s1 =	smov.u32 @p0 s4;
	v9 =	vshrl.u32 v8, $0x8  }
0x3b4: {  	v10 =	vor.u32 s1, v0;
	v7 =	vxor.u32 v7, v9  }
0x3b5: {  	vm0 =	vlt.s32 v10, v6;
	vm1 =	veq.s32 v7, $0x800000  }
0x3b6: {  	vm0 =	vmand vm0, vm1  }
0x3b7: {  	v6 =	vand.u32 $0xFF, v8;
	_ =	sdelay $0x4  }
0x3b8: {  	[tilespmem:v6+s19+$0x0] =	vst.idx.add.s32.msk vm0, v3  }
.LBB2_32:
0x3b9: {  	_ =	strace $0x90000051  }
0x3ba: {  	s1 =	simm.s32 $0x88F0;
	_ =	strace $0x80000052  }
0x3bb: {  	v6 =	vld [tilespmem:s1+$0x0];
	_ =	sdelay $0x2  }
0x3bc: {  	v7 =	vld [tilespmem:s1+$0xFFFFFFF0];
	_ =	sdelay $0x1  }
0x3bd: {  	v8 =	vperm.xlane v6, v4  }
0x3be: {  	v6 =	vld [tilespmem:s1+$0xFFFFFFE0]  }
0x3bf: {  	(xrf0) =	vadd.scan.msk.s32 $0xffff, v8  }
0x3c0: {  	v7 =	vperm.xlane v7, v4  }
0x3c1: {  	v9 =	vld [tilespmem:s1+$0xFFFFFFD0]  }
0x3c2: {  	(xrf0) =	vadd.scan.msk.s32 $0xffff, v7  }
0x3c3: {  	v10 =	vperm.xlane v6, v4;
	_ =	sdelay $0x1  }
0x3c4: {  	s29 =	simm.s32 $0x0;
	s30 =	ssub.s32 s30, s31;
	(xrf0) =	vadd.scan.msk.s32 $0xffff, v10;
	v6, _, _ =	vpop (xrf0)  }
0x3c5: {  	v9 =	vperm.xlane v9, v4;
	v11 =	vadd.s32 s29, v6;
	v6 =	vmov s30  }
0x3c6: {  	v12 =	vbroadcast v11, $0xF;
	vm0 =	vge.s32 v11, v6;
	v14 =	vxor.u32 $0x80000000, v11  }
0x3c7: {  	(xrf0) =	vadd.scan.msk.s32 $0xffff, v9;
	v13, _, _ =	vpop (xrf0);
	v14 =	vnsel vm0, $0xFFFFFFFF, v14  }
0x3c8: {  	v15 =	vmpcnt.ones.xlane vm0;
	v12 =	vadd.s32 v12, v13  }
0x3c9: {  	vm1 =	vge.s32 v12, v6;
	v13 =	vbroadcast v12, $0xF;
	v16 =	vxor.u32 $0x80000000, v12  }
0x3ca: {  	(xrf0) =	vmin.scan.msk.u32 $0xffff, v14;
	v7 =	vsub.s32 v12, v7;
	v14, _, _ =	vpop (xrf0);
	v12 =	vnsel vm1, $0xFFFFFFFF, v16  }
0x3cb: {  	v8 =	vsub.s32 v11, v8;
	(v2sf) =	vpush v15, $0x0;
	v13 =	vadd.s32 v13, v14  }
0x3cc: {  	v15 =	vmpcnt.ones.xlane vm1;
	v7 =	vxor.u32 $0x80000000, v7;
	(xrf0) =	vmin.scan.msk.u32 $0xffff, v12;
	v11 =	vbroadcast v13, $0xF  }
0x3cd: {  	v8 =	vxor.u32 $0x80000000, v8;
	v7 =	vnsel vm1, $0xFFFFFFFF, v7;
	v12, _, _ =	vpop (xrf0)  }
0x3ce: {  	(v2sf) =	vpush v15, $0x0;
	(xrf0) =	vmin.scan.msk.u32 $0xffff, v7;
	v7 =	vnsel vm0, $0xFFFFFFFF, v8;
	v8 =	vadd.s32 v11, v12  }
0x3cf: {  	vm0 =	vge.s32 v13, v6;
	(xrf0) =	vmin.scan.msk.u32 $0xffff, v7;
	(v2sf) =	vpush v8, $0xF  }
0x3d0: {  	s14 =	simm.s32 $0x88B0;
	v10 =	vsub.s32 v13, v10;
	v7 =	vxor.u32 $0x80000000, v13;
	v13 =	vmpcnt.ones.xlane vm0  }
0x3d1: {  	v12 =	vld [tilespmem:s14+$0x0];
	v7 =	vnsel vm0, $0xFFFFFFFF, v7;
	v14 =	vxor.u32 $0x80000000, v8;
	vm1 =	vge.s32 v8, v6;
	v11, _, _ =	vpop (xrf0)  }
0x3d2: {  	v8 =	vsub.s32 v8, v9;
	v9 =	vnsel vm1, $0xFFFFFFFF, v14;
	(v2sf) =	vpush v11, $0xF;
	v11, _, _ =	vpop (xrf0)  }
0x3d3: {  	v8 =	vxor.u32 $0x80000000, v8;
	(xrf0) =	vmin.scan.msk.u32 $0xffff, v9;
	(v2sf) =	vpush v11, $0xF  }
0x3d4: {  	v9 =	vxor.u32 $0x80000000, v10;
	v8 =	vnsel vm1, $0xFFFFFFFF, v8;
	v11, _, _ =	vpop (xrf0);
	(xrf0) =	vmin.scan.msk.u32 $0xffff, v7;
	(v2sf) =	vpush v13, $0x0;
	v13 =	vld [tilespmem:s14+$0xFFFFFFF0]  }
0x3d5: {  	v9 =	vnsel vm0, $0xFFFFFFFF, v9;
	v7, _, _ =	vpop (xrf0);
	(xrf0) =	vmin.scan.msk.u32 $0xffff, v8;
	(v2sf) =	vpush v11, $0xF  }
0x3d6: {  	v10 =	vmpcnt.ones.xlane vm1;
	v11 =	vperm.xlane v12, v4;
	(xrf0) =	vmin.scan.msk.u32 $0xffff, v9;
	(v2sf) =	vpush v7, $0xF;
	v7 =	vld [tilespmem:s14+$0xFFFFFFE0];
	_ =	sdelay $0x1  }
0x3d7: {  	(xrf0) =	vadd.scan.msk.s32 $0xffff, v11;
	(v2sf) =	vpush v10, $0x0  }
0x3d8: {  	p0 =	por $0x1, $0x1;
	v9, _, _ =	vpop (xrf0);
	v8 =	vperm.xlane v13, v4  }
0x3d9: {  	s5 =	simm.s32 $0x1;
	s13 =	simm.s32 $0xBF;
	s21 =	simm.s32 $0x4;
	v10, _, _ =	vpop (xrf0);
	(v2sf) =	vpush v9, $0xF  }
0x3da: {  	s8 =	simm.s32 $0x1;
	s31 =	simm.s32 $0x7F;
	v12 =	vld [tilespmem:s14+$0xFFFFFFD0];
	s4 =	spop (v2sf);
	v9, _, _ =	vpop (xrf0);
	(v2sf) =	vpush v10, $0xF;
	(xrf0) =	vadd.scan.msk.s32 $0xffff, v8;
	v13 =	vperm.xlane v7, v4  }
0x3db: {  	s23 =	simm.s32 $0x8870;
	p1 =	sgt.s32 s4, $0x0;
	s16 =	sadd.s32 $0xBF, s4;
	v7, _, _ =	vpop (xrf0);
	(v2sf) =	vpush v9, $0xF  }
0x3dc: {  	p0 =	por !p0, !p1;
	s5 =	simm.s32 @!p1 $0x0;
	s18 =	spop (v2sf);
	(v2sf) =	vpush v7, $0xF;
	(xrf0) =	vadd.scan.msk.s32 $0xffff, v13  }
0x3dd: {  	s1 =	sadd.s32 $0x30, s16;
	p2 =	sgt.s32 s18, $0x0;
	v9, _, _ =	vpop (xrf0);
	s9 =	spop (v2sf)  }
0x3de: {  	p1 =	por !p0, !p0;
	s5 =	sor.u32 s5, s29;
	s8 =	simm.s32 @!p2 $0x0;
	v9 =	vadd.s32 s9, v9  }
0x3df: {  	v7 =	vperm.xlane v12, v4;
	s4 =	sadd.s32 $0xBF, s18;
	p5 =	seq.s32 s5, $0x0;
	s20 =	sor.u32 s8, s5;
	vm0 =	vge.s32 v9, v6;
	v14 =	vbroadcast v9, $0xF  }
0x3e0: {  	s9 =	simm.s32 $0x0;
	p4 =	seq.s32 s20, $0x0;
	s10 =	spop (v2sf);
	v12, _, _ =	vpop (xrf0);
	v10 =	vxor.u32 $0x80000000, v9;
	v9 =	vsub.s32 v9, v11;
	v15 =	vmpcnt.ones.xlane vm0  }
0x3e1: {  	s9 =	smov.u32 @p1 s1;
	s1 =	sadd.s32 $0x20, s4;
	s11 =	spop (v2sf);
	v62 =	vnsel vm0, $0xFFFFFFFF, v10;
	v10 =	vxor.u32 $0x80000000, v9;
	v9 =	vadd.s32 v14, v12  }
0x3e2: {  	s4 =	sxor.u32 $0x80000000, s10;
	s16 =	spop (v2sf);
	s22 =	sxor.u32 $0x80000000, s11;
	v12, _, _ =	vpop (xrf0);
	(xrf0) =	vadd.scan.msk.s32 $0xffff, v7;
	vm1 =	vge.s32 v9, v6;
	v11 =	vbroadcast v9, $0xF;
	(v2sf) =	vpush v15, $0x0  }
0x3e3: {  	s11 =	simm.s32 $0x1;
	s24 =	spop (v2sf);
	v8 =	vsub.s32 v9, v8;
	v9 =	vxor.u32 $0x80000000, v9;
	p0 =	sgt.s32 s16, $0x0;
	(xrf0) =	vmin.scan.msk.u32 $0xffff, v62;
	v14 =	vmpcnt.ones.xlane vm1  }
0x3e4: {  	s5 =	sxor.u32 $0x80000000, s24;
	v15 =	vnsel vm1, $0xFFFFFFFF, v9;
	v8 =	vxor.u32 $0x80000000, v8;
	s11 =	simm.s32 @!p0 $0x0;
	s12 =	spop (v2sf);
	v11 =	vadd.s32 v11, v12  }
0x3e5: {  	s8 =	ssub.s32 s22, s5;
	s10 =	sor.u32 s11, s20;
	s14 =	sxor.u32 $0x80000000, s12;
	v9 =	vxor.u32 $0x80000000, v11;
	v63 =	vsub.s32 v11, v13;
	v12 =	vbroadcast v11, $0xF  }
0x3e6: {  	(xrf0) =	vmin.scan.msk.u32 $0xffff, v15;
	s12 =	spop (v2sf);
	s11 =	simm.s32 $0x0;
	v13 =	vnsel vm1, $0xFFFFFFFF, v8;
	(v2sf) =	vpush v14, $0x0;
	p3 =	seq.s32 s10, $0x0;
	v8 =	vxor.u32 $0x80000000, v63  }
.LBB2_33:
0x3e7: {  	p2 =	por !p2, !p5;
	s16 =	sadd.s32 s13, s16  }
0x3e8: {  	v10 =	vnsel vm0, $0xFFFFFFFF, v10;
	v14, _, _ =	vpop (xrf0);
	s18 =	spop (v2sf);
	s29 =	smov.u32 @p1 s14;
	p5 =	sgt.s32 s12, $0x0  }
0x3e9: {  	p0 =	por !p0, !p4;
	s4 =	ssub.s32 s4, s14;
	v12 =	vadd.s32 v12, v14;
	v14, _, _ =	vpop (xrf0);
	(xrf0) =	vmin.scan.msk.u32 $0xffff, v13;
	s20 =	spop (v2sf)  }
0x3ea: {  	s16 =	sadd.s32 $0x10, s16;
	s18 =	sxor.u32 $0x80000000, s18;
	v13 =	vld [tilespmem:s23+$0x0];
	v15 =	vxor.u32 $0x80000000, v12;
	v7 =	vsub.s32 v12, v7;
	(xrf0) =	vmin.scan.msk.u32 $0xffff, v10;
	(v2sf) =	vpush v12, $0xF;
	s22 =	spop (v2sf)  }
0x3eb: {  	vm0 =	vge.s32 v11, v6;
	p2 =	por !p2, !p2;
	vm1 =	vge.s32 v12, v6;
	s20 =	sxor.u32 $0x80000000, s20;
	v7 =	vxor.u32 $0x80000000, v7;
	s24 =	spop (v2sf)  }
0x3ec: {  	s14 =	simm.s32 $0x1;
	v10 =	vnsel vm1, $0xFFFFFFFF, v15;
	s22 =	sxor.u32 $0x80000000, s22;
	v7 =	vnsel vm1, $0xFFFFFFFF, v7;
	(v2sf) =	vpush v14, $0xF;
	v11, _, _ =	vpop (xrf0);
	s24 =	sxor.u32 $0x80000000, s24  }
0x3ed: {  	v9 =	vnsel vm0, $0xFFFFFFFF, v9;
	p4 =	por !p0, !p0;
	p0 =	por !p5, !p3;
	v15 =	vmpcnt.ones.xlane vm1;
	v14 =	vmpcnt.ones.xlane vm0;
	v12 =	vld [tilespmem:s23+$0xFFFFFFF0];
	(xrf0) =	vmin.scan.msk.u32 $0xffff, v10;
	s20 =	ssub.s32 s20, s24  }
0x3ee: {  	v8 =	vnsel vm0, $0xFFFFFFFF, v8;
	s14 =	simm.s32 @!p5 $0x0;
	s11 =	smov.u32 @p1 s4;
	p0 =	por !p0, !p0;
	(v2sf) =	vpush v11, $0xF;
	(xrf0) =	vmin.scan.msk.u32 $0xffff, v9  }
0x3ef: {  	s4 =	sadd.s32 s13, s12;
	s9 =	smov.u32 @p2 s1;
	s1 =	ssub.s32 s18, s22;
	v9 =	vperm.xlane v13, v4;
	v10, _, _ =	vpop (xrf0);
	(v2sf) =	vpush v14, $0x0;
	(xrf0) =	vmin.scan.msk.u32 $0xffff, v7  }
0x3f0: {  	s29 =	smov.u32 @p2 s5;
	s11 =	smov.u32 @p2 s8;
	s9 =	smov.u32 @p4 s16;
	v7, _, _ =	vpop (xrf0);
	(v2sf) =	vpush v10, $0xF;
	(xrf0) =	vmin.scan.msk.u32 $0xffff, v8  }
0x3f1: {  	s5 =	sor.u32 s14, s10;
	s10 =	simm.s32 $0x1;
	s29 =	smov.u32 @p4 s24;
	v8 =	vld [tilespmem:s23+$0xFFFFFFE0];
	(xrf0) =	vadd.scan.msk.s32 $0xffff, v9;
	(v2sf) =	vpush v7, $0xF  }
0x3f2: {  	p1 =	seq.s32 s5, $0x0;
	s29 =	smov.u32 @p0 s22;
	v11 =	vperm.xlane v12, v4;
	s8 =	spop (v2sf)  }
0x3f3: {  	s9 =	smov.u32 @p0 s4;
	s11 =	smov.u32 @p4 s20;
	p2 =	sgt.s32 s8, $0x0;
	(v2sf) =	vpush v15, $0x0;
	v7, _, _ =	vpop (xrf0)  }
0x3f4: {  	s11 =	smov.u32 @p0 s1;
	(xrf0) =	vadd.scan.msk.s32 $0xffff, v11;
	p1 =	por !p1, !p2;
	s10 =	simm.s32 @!p2 $0x0;
	v10, _, _ =	vpop (xrf0);
	(v2sf) =	vpush v7, $0xF  }
0x3f5: {  	s21 =	sadd.s32 $0x4, s21;
	s1 =	sadd.s32 s31, s8;
	v7 =	vld [tilespmem:s23+$0xFFFFFFD0];
	p1 =	por !p1, !p1;
	(v2sf) =	vpush v10, $0xF;
	v10, _, _ =	vpop (xrf0)  }
0x3f6: {  	p6 =	slt.u32 s21, $0xC;
	s13 =	smov.u32 s31;
	v8 =	vperm.xlane v8, v4;
	s4 =	spop (v2sf);
	v12, _, _ =	vpop (xrf0);
	(v2sf) =	vpush v10, $0xF  }
0x3f7: {  	s12 =	simm.s32 $0x1;
	v10, _, _ =	vpop (xrf0);
	s8 =	sadd.s32 s31, s4;
	p2 =	sgt.s32 s4, $0x0;
	(v2sf) =	vpush v12, $0xF  }
0x3f8: {  	(xrf0) =	vadd.scan.msk.s32 $0xffff, v8;
	s12 =	simm.s32 @!p2 $0x0  }
0x3f9: {  	s4 =	spop (v2sf)  }
0x3fa: {  	s1 =	sadd.s32 $0x30, s1;
	s23 =	sadd.s32 $0xFFFFFFC0, s23;
	v10 =	vadd.s32 s4, v10;
	v12, _, _ =	vpop (xrf0)  }
0x3fb: {  	s5 =	sor.u32 s10, s5;
	s31 =	sadd.s32 $0xFFFFFFC0, s31;
	v7 =	vperm.xlane v7, v4;
	vm0 =	vge.s32 v10, v6;
	v16 =	vbroadcast v10, $0xF;
	s4 =	spop (v2sf)  }
0x3fc: {  	s9 =	smov.u32 @p1 s1;
	p5 =	seq.s32 s5, $0x0;
	s1 =	sadd.s32 $0x20, s8;
	v15 =	vxor.u32 $0x80000000, v10;
	v9 =	vsub.s32 v10, v9;
	v14 =	vmpcnt.ones.xlane vm0  }
0x3fd: {  	s10 =	sor.u32 s12, s5;
	v15 =	vnsel vm0, $0xFFFFFFFF, v15;
	v10 =	vxor.u32 $0x80000000, v9;
	s4 =	sxor.u32 $0x80000000, s4;
	v9 =	vadd.s32 v16, v12;
	(xrf0) =	vadd.scan.msk.s32 $0xffff, v7;
	s8 =	spop (v2sf)  }
.Ltmp19:
0x3fe: {  	s12 =	simm.s32 $0x1;
	vm1 =	vge.s32 v9, v6;
	v12 =	vbroadcast v9, $0xF;
	(v2sf) =	vpush v14, $0x0;
	(xrf0) =	vmin.scan.msk.u32 $0xffff, v15;
	v13, _, _ =	vpop (xrf0);
	s16 =	spop (v2sf);
	(pc) =	sbr.rel @p6 .LBB2_33-.Ltmp19, $4  }
0x3ff: {  	v15 =	vxor.u32 $0x80000000, v9;
	v9 =	vsub.s32 v9, v11;
	s8 =	sxor.u32 $0x80000000, s8;
	v14 =	vmpcnt.ones.xlane vm1;
	p0 =	sgt.s32 s16, $0x0;
	s5 =	spop (v2sf)  }
0x400: {  	v15 =	vnsel vm1, $0xFFFFFFFF, v15;
	v16 =	vxor.u32 $0x80000000, v9;
	v11 =	vadd.s32 v12, v13;
	s5 =	sxor.u32 $0x80000000, s5;
	s12 =	simm.s32 @!p0 $0x0;
	s14 =	spop (v2sf)  }
0x401: {  	p4 =	seq.s32 s10, $0x0;
	v9 =	vxor.u32 $0x80000000, v11;
	v8 =	vsub.s32 v11, v8;
	v12 =	vbroadcast v11, $0xF;
	(xrf0) =	vmin.scan.msk.u32 $0xffff, v15;
	s8 =	ssub.s32 s8, s5;
	s10 =	sor.u32 s12, s10  }
0x402: {  	v13 =	vnsel vm1, $0xFFFFFFFF, v16;
	s14 =	sxor.u32 $0x80000000, s14;
	v8 =	vxor.u32 $0x80000000, v8;
	(v2sf) =	vpush v14, $0x0;
	p3 =	seq.s32 s10, $0x0;
	s12 =	spop (v2sf)  }
0x403: {  	v14, _, _ =	vpop (xrf0)  }
0x404: {  	v12 =	vadd.s32 v12, v14  }
0x405: {  	v10 =	vnsel vm0, $0xFFFFFFFF, v10;
	(xrf0) =	vmin.scan.msk.u32 $0xffff, v13;
	p5 =	por !p2, !p5;
	s16 =	sadd.s32 s13, s16;
	s18 =	spop (v2sf);
	v7 =	vsub.s32 v12, v7  }
0x406: {  	s29 =	smov.u32 @p1 s14;
	p2 =	sgt.s32 s12, $0x0;
	p0 =	por !p0, !p4;
	(xrf0) =	vmin.scan.msk.u32 $0xffff, v10;
	v61 =	vxor.u32 $0x80000000, v12;
	vm15 =	vge.s32 v12, v6;
	v7 =	vxor.u32 $0x80000000, v7  }
0x407: {  	vm1 =	vge.s32 v11, v6;
	s4 =	ssub.s32 s4, s14;
	s14 =	simm.s32 $0x1;
	s0 =	sshll.u32 s0, $0x8;
	v6 =	vnsel vm15, $0xFFFFFFFF, v61  }
0x408: {  	v62, _, _ =	vpop (xrf0);
	s20 =	spop (v2sf);
	s16 =	sadd.s32 $0x10, s16;
	s18 =	sxor.u32 $0x80000000, s18;
	(v2sf) =	vpush v12, $0xF;
	(xrf0) =	vmin.scan.msk.u32 $0xffff, v6;
	v6 =	vnsel vm15, $0xFFFFFFFF, v7  }
0x409: {  	v9 =	vnsel vm1, $0xFFFFFFFF, v9;
	v63 =	vmpcnt.ones.xlane vm1;
	p5 =	por !p5, !p5;
	p4 =	por !p0, !p0;
	s21 =	spop (v2sf);
	(v2sf) =	vpush v62, $0xF;
	v7, _, _ =	vpop (xrf0)  }
0x40a: {  	p3 =	por !p2, !p3;
	s14 =	simm.s32 @!p2 $0x0;
	s22 =	spop (v2sf);
	(xrf0) =	vmin.scan.msk.u32 $0xffff, v9;
	(v2sf) =	vpush v7, $0xF  }
0x40b: {  	s11 =	smov.u32 @p1 s4;
	s4 =	sadd.s32 s13, s12;
	s13 =	simm.s32 $0x1;
	(xrf0) =	vmin.scan.msk.u32 $0xffff, v6;
	v6, _, _ =	vpop (xrf0);
	(v2sf) =	vpush v63, $0x0  }
0x40c: {  	v8 =	vnsel vm1, $0xFFFFFFFF, v8;
	s20 =	sxor.u32 $0x80000000, s20;
	p0 =	por !p3, !p3;
	s9 =	smov.u32 @p5 s1;
	v7, _, _ =	vpop (xrf0);
	(v2sf) =	vpush v6, $0xF  }
0x40d: {  	s29 =	smov.u32 @p5 s5;
	s11 =	smov.u32 @p5 s8;
	s14 =	sor.u32 s14, s10;
	(xrf0) =	vmin.scan.msk.u32 $0xffff, v8;
	v8 =	vmpcnt.ones.xlane vm15;
	(v2sf) =	vpush v7, $0xF  }
0x40e: {  	s10 =	simm.s32 $0x1;
	s21 =	sxor.u32 $0x80000000, s21;
	s9 =	smov.u32 @p4 s16  }
0x40f: {  	p5 =	seq.s32 s14, $0x0;
	s22 =	sxor.u32 $0x80000000, s22;
	s1 =	ssub.s32 s18, s21;
	v6, _, _ =	vpop (xrf0);
	(v2sf) =	vpush v8, $0x0  }
0x410: {  	s9 =	smov.u32 @p0 s4;
	s4 =	simm.s32 $0x1;
	s20 =	ssub.s32 s20, s22;
	(v2sf) =	vpush v6, $0xF  }
0x411: {  	s29 =	smov.u32 @p4 s22;
	s11 =	smov.u32 @p4 s20;
	s16 =	spop (v2sf);
	v7, _, _ =	vpop (xrf0)  }
0x412: {  	s29 =	smov.u32 @p0 s21;
	s11 =	smov.u32 @p0 s1;
	p2 =	sgt.s32 s16, $0x0;
	(v2sf) =	vpush v7, $0xF;
	v6, _, _ =	vpop (xrf0)  }
0x413: {  	s20 =	sadd.s32 s31, s16;
	p1 =	por !p5, !p2;
	s4 =	simm.s32 @!p2 $0x0;
	v7, _, _ =	vpop (xrf0);
	(v2sf) =	vpush v6, $0xF  }
0x414: {  	s1 =	sadd.s32 $0x30, s20;
	p0 =	por !p1, !p1;
	s18 =	spop (v2sf);
	(v2sf) =	vpush v7, $0xF  }
0x415: {  	s4 =	sor.u32 s4, s14;
	s9 =	smov.u32 @p0 s1;
	p1 =	sgt.s32 s18, $0x0  }
0x416: {  	p6 =	seq.s32 s4, $0x0;
	s21 =	sadd.s32 s31, s18;
	s10 =	simm.s32 @!p1 $0x0  }
0x417: {  	s1 =	sadd.s32 $0x20, s21;
	p1 =	por !p1, !p6;
	s22 =	spop (v2sf)  }
0x418: {  	s4 =	sor.u32 s10, s4;
	p1 =	por !p1, !p1;
	s12 =	spop (v2sf)  }
0x419: {  	p4 =	seq.s32 s4, $0x0;
	s9 =	smov.u32 @p1 s1;
	s23 =	spop (v2sf)  }
0x41a: {  	s5 =	sxor.u32 $0x80000000, s12;
	s24 =	spop (v2sf);
	s8 =	sxor.u32 $0x80000000, s23  }
0x41b: {  	p2 =	sgt.s32 s24, $0x0;
	s18 =	spop (v2sf);
	s10 =	sadd.s32 s31, s24  }
0x41c: {  	s12 =	sxor.u32 $0x80000000, s18;
	s13 =	simm.s32 @!p2 $0x0;
	s20 =	spop (v2sf)  }
0x41d: {  	s10 =	sadd.s32 $0x10, s10;
	p2 =	por !p2, !p4;
	s8 =	ssub.s32 s8, s12  }
0x41e: {  	s16 =	spop (v2sf);
	s4 =	sor.u32 s13, s4;
	s13 =	sxor.u32 $0x80000000, s20  }
0x41f: {  	p2 =	por !p2, !p2;
	s21 =	spop (v2sf);
	p3 =	seq.s32 s4, $0x0  }
0x420: {  	s29 =	smov.u32 @p0 s13;
	p6 =	sgt.s32 s16, $0x0;
	s5 =	ssub.s32 s5, s13  }
0x421: {  	v5 =	vcvt.s32.f32 v5;
	s9 =	smov.u32 @p2 s10;
	s22 =	spop (v2sf);
	s14 =	sxor.u32 $0x80000000, s21  }
0x422: {  	p3 =	por !p6, !p3;
	s11 =	smov.u32 @p0 s5;
	s23 =	spop (v2sf)  }
0x423: {  	v5 =	vbroadcast v5, $0x0;
	s29 =	smov.u32 @p1 s12;
	s5 =	sadd.s32 s31, s16;
	s24 =	spop (v2sf)  }
0x424: {  	s4 =	sxor.u32 $0x80000000, s22;
	p0 =	por !p3, !p3;
	_ =	strace $0x90000052  }
0x425: {  	s11 =	smov.u32 @p1 s8;
	s18 =	sxor.u32 $0x80000000, s23;
	s20 =	sxor.u32 $0x80000000, s24;
	(erf) = vrcp.f32 v5  }
0x426: {  	s9 =	smov.u32 @p0 s5;
	s4 =	ssub.s32 s4, s20;
	s29 =	smov.u32 @p2 s20  }
0x427: {  	s1 =	ssub.s32 s14, s18;
	s29 =	smov.u32 @p0 s18;
	s11 =	smov.u32 @p2 s4  }
0x428: {  	s31 =	sor.u32 s0, s9;
	s11 =	smov.u32 @p0 s1;
	s0 =	ssub.s32 s30, s29  }
0x429: {  	p0 =	seq.s32 s0, s11  }
.Ltmp20:
0x42a: {  	_ = 	snop;
	(pc) =	sbr.rel @!p0 .LBB2_35-.Ltmp20, $3  }
0x42b: {  	_ =	sdelay $0x1  }
0x42c: {  	s1 =	sxor.u32 $0x80000000, s31  }
0x42d: {  	v6 =	vmov s1;
	v5 =	vpop (erf)  }
0x42e: {  	_ =	strace $0x80000053;
	s4 =	simm.s32 $0x8040  }
0x42f: {  	v9 =	vld [tilespmem:s4+$0x30]  }
0x430: {  	v11 =	vld [tilespmem:s4+$0xFFFFFFD0]  }
0x431: {  	v13 =	vld [tilespmem:s4+$0xFFFFFFE0]  }
0x432: {  	v10 =	vld [tilespmem:s4+$0xFFFFFFF0]  }
0x433: {  	v8 =	vld [tilespmem:s4+$0x0]  }
0x434: {  	v7 =	vld [tilespmem:s4+$0x10];
	vm0 =	vlt.s32 v9, v6  }
0x435: {  	s0 =	simm.s32 $0x9A40;
	vm1 =	vlt.s32 v11, v6;
	v9 =	vld [tilespmem:s4+$0x20];
	v14 =	vsel vm0, $0x0, v5  }
0x436: {  	s1 =	simm.s32 $0x0;
	v11 =	vld [tilespmem:s4+$0xFFFFFFC0];
	s4 =	simm.s32 $0x80C0;
	v12 =	vsel vm1, $0x0, v5;
	vm0 =	vlt.s32 v13, v6;
	[tilespmem:s0+$0x30] =	vst v14  }
.LBB2_42:
0x437: {  	v13 =	vld [tilespmem:s4+$0x30];
	s1 =	sadd.s32 $0x8, s1;
	[tilespmem:s0+$0xFFFFFFD0] =	vst v12;
	v12 =	vsel vm0, $0x0, v5;
	vm0 =	vlt.s32 v10, v6  }
0x438: {  	v14 =	vld [tilespmem:s4+$0xFFFFFFD0];
	p0 =	slt.u32 s1, $0x78;
	[tilespmem:s0+$0xFFFFFFE0] =	vst v12;
	v10 =	vsel vm0, $0x0, v5;
	vm0 =	vlt.s32 v8, v6  }
0x439: {  	v15 =	vld [tilespmem:s4+$0xFFFFFFE0];
	[tilespmem:s0+$0xFFFFFFF0] =	vst v10;
	v8 =	vsel vm0, $0x0, v5;
	vm0 =	vlt.s32 v7, v6  }
.Ltmp21:
0x43a: {  	v10 =	vld [tilespmem:s4+$0xFFFFFFF0];
	[tilespmem:s0+$0x0] =	vst v8;
	v7 =	vsel vm0, $0x0, v5;
	vm0 =	vlt.s32 v9, v6;
	(pc) =	sbr.rel @p0 .LBB2_42-.Ltmp21, $4  }
0x43b: {  	v8 =	vld [tilespmem:s4+$0x0];
	vm1 =	vlt.s32 v11, v6;
	[tilespmem:s0+$0x10] =	vst v7;
	v9 =	vsel vm0, $0x0, v5  }
0x43c: {  	v7 =	vld [tilespmem:s4+$0x10];
	vm0 =	vlt.s32 v13, v6;
	v11 =	vsel vm1, $0x0, v5;
	[tilespmem:s0+$0x20] =	vst v9  }
0x43d: {  	vm1 =	vlt.s32 v14, v6;
	v9 =	vld [tilespmem:s4+$0x20];
	v13 =	vsel vm0, $0x0, v5;
	[tilespmem:s0+$0xFFFFFFC0] =	vst v11;
	s0 =	sadd.s32 $0x80, s0  }
0x43e: {  	v11 =	vld [tilespmem:s4+$0xFFFFFFC0];
	v12 =	vsel vm1, $0x0, v5;
	vm0 =	vlt.s32 v15, v6;
	[tilespmem:s0+$0x30] =	vst v13;
	s4 =	sadd.s32 $0x80, s4  }
0x43f: {  	[tilespmem:s0+$0xFFFFFFD0] =	vst v12;
	v63 =	vsel vm0, $0x0, v5;
	vm12 =	vlt.s32 v10, v6  }
0x440: {  	[tilespmem:s0+$0xFFFFFFE0] =	vst v63;
	v10 =	vsel vm12, $0x0, v5;
	vm13 =	vlt.s32 v8, v6  }
0x441: {  	[tilespmem:s0+$0xFFFFFFF0] =	vst v10;
	v8 =	vsel vm13, $0x0, v5;
	vm14 =	vlt.s32 v7, v6  }
.Ltmp22:
0x442: {  	[tilespmem:s0+$0x0] =	vst v8;
	v7 =	vsel vm14, $0x0, v5;
	vm15 =	vlt.s32 v9, v6;
	(pc) =	sbr.rel .LBB2_44-.Ltmp22, $4  }
0x443: {  	vm1 =	vlt.s32 v11, v6;
	[tilespmem:s0+$0x10] =	vst v7;
	v6 =	vsel vm15, $0x0, v5  }
0x444: {  	v5 =	vsel vm1, $0x0, v5;
	[tilespmem:s0+$0x20] =	vst v6  }
0x445: {  	[tilespmem:s0+$0xFFFFFFC0] =	vst v5  }
0x446: {  	_ =	strace $0x90000053  }
.LBB2_35:
0x447: {  	s4 =	simm.s32 $0x8020  }
0x448: {  	v7 =	vld [tilespmem:s4+$0xFFFFFFE0];
	_ =	sdelay $0x1  }
0x449: {  	v8 =	vld [tilespmem:s4+$0xFFFFFFF0];
	_ =	sdelay $0x2  }
0x44a: {  	vm0 =	veq.s32 v7, v6  }
0x44b: {  	v9 =	vld [tilespmem:s4+$0x0];
	v7 =	vmpcnt.ones.xlane vm0  }
0x44c: {  	v10 =	vld [tilespmem:s4+$0x10];
	vm0 =	veq.s32 v8, v6  }
0x44d: {  	s23 =	simm.s32 $0x8060;
	v11 =	vmpcnt.ones.xlane vm0;
	(v2sf) =	vpush v7, $0x0  }
0x44e: {  	v8 =	vld [tilespmem:s23+$0xFFFFFFE0]  }
0x44f: {  	v7 =	vld [tilespmem:s23+$0xFFFFFFF0];
	(v2sf) =	vpush v11, $0x0  }
0x450: {  	vm0 =	veq.s32 v9, v6;
	v9 =	vld [tilespmem:s23+$0x0]  }
0x451: {  	s24 =	simm.s32 $0x80A0;
	v12 =	vmpcnt.ones.xlane vm0;
	vm0 =	veq.s32 v10, v6;
	v10 =	vld [tilespmem:s23+$0x10]  }
0x452: {  	v61 =	vld [tilespmem:s24+$0xFFFFFFE0];
	v11 =	vmpcnt.ones.xlane vm0  }
0x453: {  	(v2sf) =	vpush v12, $0x0;
	vm0 =	veq.s32 v8, v6;
	v8 =	vld [tilespmem:s24+$0xFFFFFFF0]  }
0x454: {  	(v2sf) =	vpush v11, $0x0;
	v11 =	vmpcnt.ones.xlane vm0;
	vm0 =	veq.s32 v7, v6;
	v7 =	vld [tilespmem:s24+$0x0]  }
0x455: {  	v13 =	vmpcnt.ones.xlane vm0;
	vm0 =	veq.s32 v9, v6;
	v9 =	vld [tilespmem:s24+$0x10]  }
0x456: {  	(v2sf) =	vpush v11, $0x0;
	v11 =	vmpcnt.ones.xlane vm0;
	vm0 =	veq.s32 v10, v6  }
0x457: {  	s29 =	simm.s32 $0x80E0;
	v10 =	vmpcnt.ones.xlane vm0;
	(v2sf) =	vpush v13, $0x0;
	vm0 =	veq.s32 v61, v6  }
0x458: {  	(v2sf) =	vpush v11, $0x0;
	v11 =	vmpcnt.ones.xlane vm0;
	vm0 =	veq.s32 v8, v6;
	v8 =	vld [tilespmem:s29+$0xFFFFFFE0]  }
0x459: {  	(v2sf) =	vpush v10, $0x0;
	v10 =	vmpcnt.ones.xlane vm0;
	vm0 =	veq.s32 v7, v6  }
0x45a: {  	v62 =	vld [tilespmem:s29+$0xFFFFFFF0];
	v7 =	vmpcnt.ones.xlane vm0;
	vm0 =	veq.s32 v9, v6;
	(v2sf) =	vpush v11, $0x0  }
0x45b: {  	v63 =	vld [tilespmem:s29+$0x10];
	v11 =	vmpcnt.ones.xlane vm0;
	(v2sf) =	vpush v10, $0x0  }
0x45c: {  	s5 =	simm.s32 $0x8120;
	v9 =	vld [tilespmem:s29+$0x0];
	(v2sf) =	vpush v7, $0x0;
	s30 =	spop (v2sf)  }
0x45d: {  	v7 =	vld [tilespmem:s5+$0xFFFFFFE0];
	(v2sf) =	vpush v11, $0x0;
	vm0 =	veq.s32 v8, v6;
	[smem:$0x0] =	sst s30  }
0x45e: {  	v14 =	vmpcnt.ones.xlane vm0;
	s10 =	spop (v2sf)  }
0x45f: {  	v8 =	vld [tilespmem:s5+$0xFFFFFFF0];
	[smem:$0x1] =	sst s10  }
0x460: {  	(v2sf) =	vpush v14, $0x0;
	_ =	sdelay $0x4  }
0x461: {  	s1 =	simm.s32 $0x2  }
0x462: {  	s9 =	simm.s32 $0x0;
	s8 =	simm.s32 $0x10;
	vm0 =	veq.s32 v62, v6;
	s11 =	sadd.s32 $0x0, s30  }
0x463: {  	s4 =	simm.s32 $0x6;
	v10 =	vmpcnt.ones.xlane vm0;
	vm0 =	veq.s32 v9, v6;
	s10 =	sadd.s32 s10, s11;
	s31 =	spop (v2sf)  }
0x464: {  	v11 =	vmpcnt.ones.xlane vm0;
	vm0 =	veq.s32 v63, v6;
	v9 =	vld [tilespmem:s5+$0x0];
	[smem:s1] =	sst s31;
	s10 =	sadd.s32 s31, s10;
	s11 =	spop (v2sf)  }
.LBB2_36:
0x465: {  	s8 =	sadd.s32 $0x4, s8;
	[smem:s1+$0x1] =	sst s11  }
0x466: {  	v12 =	vld [tilespmem:s5+$0x10];
	v13 =	vmpcnt.ones.xlane vm0;
	(v2sf) =	vpush v10, $0x0;
	s10 =	sadd.s32 s11, s10;
	s1 =	smov.u32 s4;
	p0 =	slt.u32 s8, $0x7C  }
.Ltmp23:
0x467: {  	(v2sf) =	vpush v11, $0x0;
	(pc) =	sbr.rel @p0 .LBB2_36-.Ltmp23, $4  }
0x468: {  	s5 =	sadd.s32 $0x40, s5;
	s4 =	sadd.s32 $0x4, s4;
	vm0 =	veq.s32 v7, v6;
	(v2sf) =	vpush v13, $0x0;
	s11 =	spop (v2sf)  }
0x469: {  	v7 =	vld [tilespmem:s5+$0xFFFFFFE0];
	v13 =	vmpcnt.ones.xlane vm0;
	vm0 =	veq.s32 v8, v6;
	[smem:s1+$0xFFFFFFFE] =	sst s11;
	s10 =	sadd.s32 s10, s11;
	s11 =	spop (v2sf)  }
0x46a: {  	v8 =	vld [tilespmem:s5+$0xFFFFFFF0];
	v10 =	vmpcnt.ones.xlane vm0;
	vm0 =	veq.s32 v9, v6;
	[smem:s1+$0xFFFFFFFF] =	sst s11;
	s10 =	sadd.s32 s11, s10;
	s11 =	spop (v2sf)  }
0x46b: {  	v9 =	vld [tilespmem:s5+$0x0];
	v11 =	vmpcnt.ones.xlane vm0;
	vm0 =	veq.s32 v12, v6;
	(v2sf) =	vpush v13, $0x0;
	[smem:s1] =	sst s11;
	s10 =	sadd.s32 s11, s10;
	s11 =	spop (v2sf)  }
0x46c: {  	v12 =	vld [tilespmem:s5+$0x10];
	_ =	sdelay $0x1  }
0x46d: {  	v13 =	vmpcnt.ones.xlane vm0;
	(v2sf) =	vpush v10, $0x0;
	vm12 =	veq.s32 v7, v6  }
0x46e: {  	(v2sf) =	vpush v11, $0x0;
	v7 =	vmpcnt.ones.xlane vm12;
	vm13 =	veq.s32 v8, v6  }
0x46f: {  	(v2sf) =	vpush v13, $0x0;
	v8 =	vmpcnt.ones.xlane vm13;
	vm14 =	veq.s32 v9, v6  }
0x470: {  	v9 =	vmpcnt.ones.xlane vm14;
	vm15 =	veq.s32 v12, v6;
	(v2sf) =	vpush v7, $0x0  }
0x471: {  	s23 =	spop (v2sf);
	v7 =	vmpcnt.ones.xlane vm15;
	(v2sf) =	vpush v8, $0x0  }
0x472: {  	s24 =	spop (v2sf);
	(v2sf) =	vpush v9, $0x0  }
0x473: {  	[smem:s1+$0x1] =	sst s11;
	s29 =	spop (v2sf);
	(v2sf) =	vpush v7, $0x0  }
0x474: {  	[smem:s4+$0xFFFFFFFE] =	sst s23  }
0x475: {  	s8 =	sadd.s32 s11, s10;
	s31 =	sadd.s32 $0x4, s4;
	[smem:s4+$0xFFFFFFFF] =	sst s24  }
0x476: {  	s5 =	sadd.s32 s8, s23;
	s30 =	spop (v2sf);
	[smem:s4] =	sst s29  }
0x477: {  	s14 =	sadd.s32 $0x4, s31;
	[smem:s4+$0x1] =	sst s30;
	s10 =	spop (v2sf)  }
0x478: {  	s1 =	sadd.s32 s24, s5;
	[smem:s31+$0xFFFFFFFE] =	sst s10;
	s11 =	spop (v2sf)  }
0x479: {  	s16 =	sadd.s32 $0x4, s14;
	[smem:s31+$0xFFFFFFFF] =	sst s11;
	s12 =	spop (v2sf)  }
0x47a: {  	s1 =	sadd.s32 s29, s1;
	[smem:s31] =	sst s12;
	s13 =	spop (v2sf)  }
0x47b: {  	s1 =	sadd.s32 s30, s1;
	[smem:s31+$0x1] =	sst s13;
	s18 =	spop (v2sf)  }
0x47c: {  	s1 =	sadd.s32 s1, s10;
	[smem:s14+$0xFFFFFFFE] =	sst s18;
	s20 =	spop (v2sf)  }
0x47d: {  	s1 =	sadd.s32 s11, s1;
	[smem:s14+$0xFFFFFFFF] =	sst s20;
	s21 =	spop (v2sf)  }
0x47e: {  	s1 =	sadd.s32 s12, s1;
	[smem:s14] =	sst s21;
	s22 =	spop (v2sf)  }
0x47f: {  	s1 =	sadd.s32 s13, s1;
	[smem:s14+$0x1] =	sst s22;
	s23 =	spop (v2sf)  }
0x480: {  	s1 =	sadd.s32 s1, s18;
	[smem:s16+$0xFFFFFFFE] =	sst s23;
	s24 =	spop (v2sf)  }
0x481: {  	s1 =	sadd.s32 s20, s1;
	[smem:s16+$0xFFFFFFFF] =	sst s24;
	s29 =	spop (v2sf)  }
0x482: {  	s1 =	sadd.s32 s21, s1;
	[smem:s16] =	sst s29;
	s30 =	spop (v2sf)  }
0x483: {  	s1 =	sadd.s32 s22, s1;
	[smem:s16+$0x1] =	sst s30  }
0x484: {  	s1 =	sadd.s32 s1, s23;
	s31 =	sld [smem:$0x0]  }
0x485: {  	s1 =	sadd.s32 s24, s1  }
0x486: {  	s5 =	sadd.s32 s29, s1  }
0x487: {  	s4 =	sadd.s32 s30, s5;
	s5 =	sadd.s32 $0x0, s31  }
0x488: {  	s8 =	ssub.s32 s4, s5  }
0x489: {  	[smem:$0x80] =	sst s8  }
0x48a: {  	s8 =	sld [smem:$0x1];
	_ =	sdelay $0x2  }
0x48b: {  	s5 =	sadd.s32 s5, s8  }
0x48c: {  	s8 =	ssub.s32 s4, s5  }
0x48d: {  	[smem:$0x81] =	sst s8  }
0x48e: {  	s8 =	sld [smem:$0x2];
	_ =	sdelay $0x2  }
0x48f: {  	s5 =	sadd.s32 s5, s8  }
0x490: {  	s1 =	simm.s32 $0x82;
	s8 =	ssub.s32 s4, s5  }
0x491: {  	[smem:s1] =	sst s8  }
0x492: {  	s8 =	sld [smem:$0x3];
	_ =	sdelay $0x2  }
0x493: {  	s8 =	sadd.s32 s5, s8  }
0x494: {  	s5 =	simm.s32 $0x6;
	s10 =	ssub.s32 s4, s8  }
.LBB2_38:
0x495: {  	s9 =	sadd.s32 $0x4, s9;
	[smem:s1+$0x1] =	sst s10;
	s1 =	sadd.s32 $0x4, s1  }
0x496: {  	s10 =	sld [smem:s5+$0xFFFFFFFE];
	p0 =	slt.u32 s9, $0x7C;
	_ =	sdelay $0x2  }
0x497: {  	s8 =	sadd.s32 s8, s10  }
0x498: {  	s10 =	ssub.s32 s4, s8  }
0x499: {  	[smem:s1+$0xFFFFFFFE] =	sst s10  }
0x49a: {  	s10 =	sld [smem:s5+$0xFFFFFFFF];
	_ =	sdelay $0x2  }
0x49b: {  	s8 =	sadd.s32 s8, s10  }
0x49c: {  	s10 =	ssub.s32 s4, s8  }
0x49d: {  	[smem:s1+$0xFFFFFFFF] =	sst s10  }
0x49e: {  	s10 =	sld [smem:s5+$0x0];
	_ =	sdelay $0x2  }
0x49f: {  	s8 =	sadd.s32 s8, s10  }
0x4a0: {  	s10 =	ssub.s32 s4, s8  }
0x4a1: {  	[smem:s1] =	sst s10  }
.Ltmp24:
0x4a2: {  	s10 =	sld [smem:s5+$0x1];
	(pc) =	sbr.rel @p0 .LBB2_38-.Ltmp24, $3  }
0x4a3: {  	_ =	sdelay $0x1  }
0x4a4: {  	s8 =	sadd.s32 s8, s10  }
0x4a5: {  	s5 =	sadd.s32 $0x4, s5;
	s10 =	ssub.s32 s4, s8  }
0x4a6: {  	s29 =	simm.s32 $0x8020  }
0x4a7: {  	v8 =	vld [tilespmem:s29+$0xFFFFFFE0];
	_ =	sdelay $0x4  }
0x4a8: {  	vm0 =	veq.s32 v8, v6  }
0x4a9: {  	v9 =	vsel vm0, $0x1, v1  }
0x4aa: {  	v9 =	vperm.xlane v9, v4;
	_ =	sdelay $0x1  }
0x4ab: {  	(xrf0) =	vadd.scan.msk.s32 $0xffff, v9;
	_ =	sdelay $0x5  }
0x4ac: {  	[smem:s1+$0x1] =	sst s10;
	v9, _, _ =	vpop (xrf0)  }
0x4ad: {  	v9 =	vperm.xlane v9, v4;
	s4 =	sld [smem:$0x80]  }
0x4ae: {  	v10 =	vsel vm0, $0xFFFFFFFF, v1  }
0x4af: {  	v9 =	vadd.s32 v10, v9  }
0x4b0: {  	v7 =	vmov s0;
	v9 =	vadd.s32 s4, v9  }
0x4b1: {  	vm1 =	vlt.s32 v9, v7  }
0x4b2: {  	vm2 =	vgt.s32 v8, v6;
	vm0 =	vmand vm0, vm1  }
0x4b3: {  	vm0 =	vmor vm2, vm0  }
0x4b4: {  	s9 =	simm.s32 $0x9A20;
	v8 =	vnsel vm0, $0x0, v5  }
0x4b5: {  	[tilespmem:s9+$0xFFFFFFE0] =	vst v8  }
0x4b6: {  	v8 =	vld [tilespmem:s29+$0xFFFFFFF0];
	_ =	sdelay $0x4  }
0x4b7: {  	vm7 =	veq.s32 v8, v6  }
0x4b8: {  	v58 =	vsel vm7, $0x1, v1  }
0x4b9: {  	v9 =	vperm.xlane v58, v4;
	_ =	sdelay $0x1  }
0x4ba: {  	(xrf0) =	vadd.scan.msk.s32 $0xffff, v9;
	_ =	sdelay $0x5  }
0x4bb: {  	v9, _, _ =	vpop (xrf0)  }
0x4bc: {  	v9 =	vperm.xlane v9, v4;
	s30 =	sld [smem:$0x81]  }
0x4bd: {  	v59 =	vsel vm7, $0xFFFFFFFF, v1  }
0x4be: {  	v9 =	vadd.s32 v59, v9  }
0x4bf: {  	v9 =	vadd.s32 s30, v9  }
0x4c0: {  	vm8 =	vlt.s32 v9, v7  }
0x4c1: {  	vm9 =	vgt.s32 v8, v6;
	vm0 =	vmand vm7, vm8  }
0x4c2: {  	vm0 =	vmor vm9, vm0  }
0x4c3: {  	v8 =	vnsel vm0, $0x0, v5  }
0x4c4: {  	[tilespmem:s9+$0xFFFFFFF0] =	vst v8  }
0x4c5: {  	v8 =	vld [tilespmem:s29+$0x0];
	_ =	sdelay $0x4  }
0x4c6: {  	vm10 =	veq.s32 v8, v6  }
0x4c7: {  	v60 =	vsel vm10, $0x1, v1  }
0x4c8: {  	v9 =	vperm.xlane v60, v4;
	_ =	sdelay $0x1  }
0x4c9: {  	(xrf0) =	vadd.scan.msk.s32 $0xffff, v9;
	_ =	sdelay $0x5  }
0x4ca: {  	v9, _, _ =	vpop (xrf0)  }
0x4cb: {  	v9 =	vperm.xlane v9, v4;
	s31 =	sld [smem:$0x82]  }
0x4cc: {  	v61 =	vsel vm10, $0xFFFFFFFF, v1  }
0x4cd: {  	v9 =	vadd.s32 v61, v9  }
0x4ce: {  	v9 =	vadd.s32 s31, v9  }
0x4cf: {  	vm11 =	vlt.s32 v9, v7  }
0x4d0: {  	vm12 =	vgt.s32 v8, v6;
	vm0 =	vmand vm10, vm11  }
0x4d1: {  	vm0 =	vmor vm12, vm0  }
0x4d2: {  	v8 =	vnsel vm0, $0x0, v5  }
0x4d3: {  	[tilespmem:s9+$0x0] =	vst v8  }
0x4d4: {  	v8 =	vld [tilespmem:s29+$0x10];
	_ =	sdelay $0x4  }
0x4d5: {  	vm13 =	veq.s32 v8, v6  }
0x4d6: {  	v62 =	vsel vm13, $0x1, v1  }
0x4d7: {  	v9 =	vperm.xlane v62, v4;
	_ =	sdelay $0x1  }
0x4d8: {  	(xrf0) =	vadd.scan.msk.s32 $0xffff, v9;
	_ =	sdelay $0x5  }
0x4d9: {  	v9, _, _ =	vpop (xrf0)  }
0x4da: {  	v9 =	vperm.xlane v9, v4;
	s1 =	sld [smem:$0x83]  }
0x4db: {  	v63 =	vsel vm13, $0xFFFFFFFF, v1  }
0x4dc: {  	v9 =	vadd.s32 v63, v9  }
0x4dd: {  	v9 =	vadd.s32 s1, v9  }
0x4de: {  	vm14 =	vlt.s32 v9, v7  }
0x4df: {  	vm15 =	vgt.s32 v8, v6;
	vm0 =	vmand vm13, vm14  }
0x4e0: {  	vm0 =	vmor vm15, vm0  }
0x4e1: {  	v8 =	vnsel vm0, $0x0, v5  }
0x4e2: {  	s0 =	simm.s32 $0x82;
	s4 =	simm.s32 $0x8060;
	s1 =	simm.s32 $0x0;
	[tilespmem:s9+$0x10] =	vst v8  }
.LBB2_40:
0x4e3: {  	v8 =	vld [tilespmem:s4+$0xFFFFFFE0];
	s1 =	sadd.s32 $0x4, s1  }
0x4e4: {  	p1 =	slt.u32 s1, $0x7C;
	_ =	sdelay $0x3  }
0x4e5: {  	vm0 =	veq.s32 v8, v6  }
0x4e6: {  	v9 =	vsel vm0, $0x1, v1  }
0x4e7: {  	v9 =	vperm.xlane v9, v4;
	_ =	sdelay $0x1  }
0x4e8: {  	(xrf0) =	vadd.scan.msk.s32 $0xffff, v9;
	_ =	sdelay $0x5  }
0x4e9: {  	s0 =	sadd.s32 $0x4, s0;
	v9, _, _ =	vpop (xrf0)  }
0x4ea: {  	v9 =	vperm.xlane v9, v4;
	s5 =	sld [smem:s0+$0xFFFFFFFE]  }
0x4eb: {  	v10 =	vsel vm0, $0xFFFFFFFF, v1  }
0x4ec: {  	v9 =	vadd.s32 v10, v9  }
0x4ed: {  	v9 =	vadd.s32 s5, v9  }
0x4ee: {  	vm1 =	vlt.s32 v9, v7  }
0x4ef: {  	vm2 =	vgt.s32 v8, v6;
	vm0 =	vmand vm0, vm1  }
0x4f0: {  	vm0 =	vmor vm2, vm0  }
0x4f1: {  	s9 =	sadd.s32 $0x40, s9;
	v8 =	vnsel vm0, $0x0, v5  }
0x4f2: {  	[tilespmem:s9+$0xFFFFFFE0] =	vst v8  }
0x4f3: {  	v8 =	vld [tilespmem:s4+$0xFFFFFFF0];
	_ =	sdelay $0x4  }
0x4f4: {  	vm0 =	veq.s32 v8, v6  }
0x4f5: {  	v9 =	vsel vm0, $0x1, v1  }
0x4f6: {  	v9 =	vperm.xlane v9, v4;
	_ =	sdelay $0x1  }
0x4f7: {  	(xrf0) =	vadd.scan.msk.s32 $0xffff, v9;
	_ =	sdelay $0x5  }
0x4f8: {  	v9, _, _ =	vpop (xrf0)  }
0x4f9: {  	v9 =	vperm.xlane v9, v4;
	s5 =	sld [smem:s0+$0xFFFFFFFF]  }
0x4fa: {  	v10 =	vsel vm0, $0xFFFFFFFF, v1  }
0x4fb: {  	v9 =	vadd.s32 v10, v9  }
0x4fc: {  	v9 =	vadd.s32 s5, v9  }
0x4fd: {  	vm1 =	vlt.s32 v9, v7  }
0x4fe: {  	vm2 =	vgt.s32 v8, v6;
	vm0 =	vmand vm0, vm1  }
0x4ff: {  	vm0 =	vmor vm2, vm0  }
0x500: {  	v8 =	vnsel vm0, $0x0, v5  }
0x501: {  	[tilespmem:s9+$0xFFFFFFF0] =	vst v8  }
0x502: {  	v8 =	vld [tilespmem:s4+$0x0];
	_ =	sdelay $0x4  }
0x503: {  	vm0 =	veq.s32 v8, v6  }
0x504: {  	v9 =	vsel vm0, $0x1, v1  }
0x505: {  	v9 =	vperm.xlane v9, v4;
	_ =	sdelay $0x1  }
0x506: {  	(xrf0) =	vadd.scan.msk.s32 $0xffff, v9;
	_ =	sdelay $0x5  }
0x507: {  	v9, _, _ =	vpop (xrf0)  }
0x508: {  	v9 =	vperm.xlane v9, v4;
	s5 =	sld [smem:s0+$0x0]  }
0x509: {  	v10 =	vsel vm0, $0xFFFFFFFF, v1  }
0x50a: {  	v9 =	vadd.s32 v10, v9  }
0x50b: {  	v9 =	vadd.s32 s5, v9  }
0x50c: {  	vm1 =	vlt.s32 v9, v7  }
0x50d: {  	vm2 =	vgt.s32 v8, v6;
	vm0 =	vmand vm0, vm1  }
0x50e: {  	vm0 =	vmor vm2, vm0  }
0x50f: {  	v8 =	vnsel vm0, $0x0, v5  }
0x510: {  	[tilespmem:s9+$0x0] =	vst v8  }
0x511: {  	v8 =	vld [tilespmem:s4+$0x10];
	_ =	sdelay $0x4  }
0x512: {  	vm0 =	veq.s32 v8, v6  }
0x513: {  	v9 =	vsel vm0, $0x1, v1  }
0x514: {  	v9 =	vperm.xlane v9, v4;
	_ =	sdelay $0x1  }
0x515: {  	(xrf0) =	vadd.scan.msk.s32 $0xffff, v9;
	_ =	sdelay $0x5  }
0x516: {  	v9, _, _ =	vpop (xrf0)  }
0x517: {  	v9 =	vperm.xlane v9, v4;
	s5 =	sld [smem:s0+$0x1]  }
0x518: {  	v10 =	vsel vm0, $0xFFFFFFFF, v1  }
0x519: {  	v9 =	vadd.s32 v10, v9  }
0x51a: {  	v9 =	vadd.s32 s5, v9  }
.Ltmp25:
0x51b: {  	vm1 =	vlt.s32 v9, v7;
	(pc) =	sbr.rel @p1 .LBB2_40-.Ltmp25, $4  }
0x51c: {  	vm2 =	vgt.s32 v8, v6;
	vm0 =	vmand vm0, vm1  }
0x51d: {  	vm0 =	vmor vm2, vm0  }
0x51e: {  	v8 =	vnsel vm0, $0x0, v5  }
0x51f: {  	s4 =	sadd.s32 $0x40, s4;
	[tilespmem:s9+$0x10] =	vst v8  }
.Ltmp26:
0x520: {  	_ = 	snop;
	(pc) =	sbr.rel .LBB2_44-.Ltmp26, $1  }
0x521: {  	_ =	sdelay $0x3  }
.LBB2_22:
.Ltmp27:
0x522: {  	(pc) =	sbr.rel .LBB2_27-.Ltmp27, $2  }
0x523: {  	_ =	sdelay $0x2  }
0x524: {  	v12 =	vmov v10;
	v13 =	vmov v9;
	v11 =	vmov v8;
	s8 =	simm.s32 $0x0  }
.LBB2_20:
.Ltmp28:
0x525: {  	(pc) =	sbr.rel .LBB2_31-.Ltmp28, $2  }
0x526: {  	_ =	sdelay $0x2  }
0x527: {  	s4 =	simm.s32 $0x0  }
.LBB2_24:
.Ltmp29:
0x528: {  	(pc) =	sbr.rel .LBB2_27-.Ltmp29, $2  }
0x529: {  	_ =	sdelay $0x2  }
0x52a: {  	v15 =	vmov v14;
	s8 =	simm.s32 $0x0  }
.LBB2_29:
.Ltmp30:
0x52b: {  	(pc) =	sbr.rel .LBB2_31-.Ltmp30, $2  }
0x52c: {  	_ =	sdelay $0x2  }
0x52d: {  	s4 =	simm.s32 $0x0  }
.Lfunc_end2:
_tile_overlayer_lowered:
.L_overlay_start_2:
0x52e: {  	(tag) =	ssettag $0x2  }
0x52f: {  	s0 =	rddreg [dreg:$0x0];
	s2 =	stileid.u32  }
0x530: {  	s1 =	rddreg [dreg:$0x1];
	p0 =	sne.s32 s2, $0x0  }
0x531: {  	s3 =	rddreg [dreg:$0x2];
	[bflag:$0x3] =	sbarrier.arrive $0xFFFF;
	s2 =	simm.s32 @!p0 $0x1C03  }
0x532: {  	[timem:s3], [sflag:s2] =	dma.local @!p0 [hbm:s0], s1  }
0x533: {  	s0 =	simm.s32 @!p0 $0x3  }
0x534: {  	_ =	swait.ge @!p0 [sflag:s0], s1  }
0x535: {  	s1 =	ssub.s32 @!p0 $0x0, s1;
	[sflag:s0] =	ssyncset.done @!p0 $0x0  }
0x536: {  	[sflag:s0] =	ssyncadd.s32 @!p0 s1  }
0x537: {  	[bflag:$0x3] =	sbarrier.arrive $0xFFFF  }
0x538: {  	_ =	shalt  }

</sc_bundles>
